<compile_context>
chip_gen: v7x
topology: tpu7x:2x2x1
jax: 0.10.2.dev20260603
libtpu: 0.0.44.dev20260713+nightly
codegen_flags: <defaults>
</compile_context>

<pallas_src>
import functools

import jax
import jax.numpy as jnp
from jax import lax
from jax.experimental import pallas as pl
from jax.experimental.pallas import tpu as pltpu
from jax.experimental.pallas import tpu_sc as plsc

B = 4096
DEG = 32
D = 256
GATHER_WINDOW = 128


def _sc_gather(table, idx2d):
    n_rows = idx2d.shape[1]
    assert n_rows % GATHER_WINDOW == 0

    @functools.partial(
        pl.kernel,
        out_type=jax.ShapeDtypeStruct((n_rows, table.shape[1]), table.dtype),
        mesh=plsc.VectorSubcoreMesh(core_axis_name="c", subcore_axis_name="s"),
    )
    def k(table_hbm, idx_hbm, out_hbm):
        def body(i_vmem, o_vmem):
            pltpu.sync_copy(table_hbm.at[i_vmem.at[0]], o_vmem)

        pltpu.emit_pipeline(
            body,
            grid=(n_rows // GATHER_WINDOW,),
            in_specs=[pl.BlockSpec((1, GATHER_WINDOW), index_map=lambda i: (0, i))],
            out_specs=[
                pl.BlockSpec((GATHER_WINDOW, table.shape[1]), index_map=lambda i: (i, 0))
            ],
            core_axis_name=("c", "s"),
            dimension_semantics=(pltpu.PARALLEL,),
        )(idx_hbm, out_hbm)

    return k(table, idx2d)


def _mlp_body(nref, uref, w1_ref, w2_ref, b1_ref, b2_ref, w3_ref, oref):
    bb = uref.shape[1]
    n3 = nref[...]
    n = n3.reshape(DEG * bb, D)
    nb = n.astype(jnp.float8_e4m3fn)
    u = uref[...].reshape(bb, D).astype(jnp.bfloat16)
    w1 = w1_ref[...]
    w1n = w1[:, :D]
    w1u = w1[:, D:]
    cdims = (((1,), (1,)), ((), ()))
    n1 = lax.dot_general(
        nb, w1n.astype(jnp.float8_e4m3fn), cdims,
        preferred_element_type=jnp.float32,
    )
    u1 = lax.dot_general(u, w1u, cdims, preferred_element_type=jnp.float32)
    u1 = u1 + b1_ref[...]
    h1 = jnp.maximum(n1.reshape(DEG, bb, D) + u1[None], 0.0)
    h2 = lax.dot_general(
        h1.reshape(DEG * bb, D).astype(jnp.bfloat16), w2_ref[...], cdims,
        preferred_element_type=jnp.float32,
    )
    h2 = jnp.maximum(h2 + b2_ref[...], 0.0)
    s = jnp.sum(h2.reshape(DEG, bb, D) * w3_ref[...][None], axis=2)
    e = jnp.exp(s)
    att = e / jnp.sum(e, axis=0, keepdims=True)
    att3 = att.reshape(DEG, bb, 1)
    oref[...] = jnp.sum(n3 * att3, axis=0)


def _tc_mlp(g3, W1, W2, b1, b2, W3, block_b):
    bc = g3.shape[1]
    nblocks = bc // block_b
    full = lambda shape: pl.BlockSpec(shape, lambda i: tuple(0 for _ in shape))
    return pl.pallas_call(
        _mlp_body,
        grid=(nblocks,),
        in_specs=[
            pl.BlockSpec((DEG, block_b, D), lambda i: (0, i, 0)),
            pl.BlockSpec((1, block_b, D), lambda i: (DEG, i, 0)),
            full((D, 2 * D)),
            full((D, D)),
            full((1, D)),
            full((1, D)),
            full((1, D)),
        ],
        out_specs=pl.BlockSpec((block_b, D), lambda i: (i, 0)),
        out_shape=jax.ShapeDtypeStruct((bc, D), jnp.float32),
    )(g3, g3, W1, W2, b1, b2, W3)


def kernel(nodes, neighbours, table, W1, b1, W2, b2, W3, b3):
    del b3
    n_chunks = 4
    bc = B // n_chunks
    block_b = 256
    w1 = W1.astype(jnp.bfloat16)
    w2 = W2.astype(jnp.bfloat16)
    b1r = b1.reshape(1, D)
    b2r = b2.reshape(1, D)
    nidx = neighbours.astype(jnp.int32).T
    uidx = nodes.astype(jnp.int32).reshape(1, B)
    idx_all = jnp.concatenate([nidx, uidx], axis=0)
    outs = []
    for c in range(n_chunks):
        idx_c = idx_all[:, c * bc:(c + 1) * bc].reshape(1, -1)
        g = _sc_gather(table, idx_c)
        outs.append(
            _tc_mlp(g.reshape(DEG + 1, bc, D), w1, w2, b1r, b2r, W3, block_b)
        )
    return jnp.concatenate(outs, axis=0)

# --- scband reference (transcript-rebuilt; emitter-appended) ---
"""Pipeline reference for scband-user-user-aggregator-73461120631291 (READ-ONLY COPY).

The authoritative reference and input builder live on the scoring server;
editing this copy changes nothing except your own understanding.
"""

import jax, jax.numpy as jnp
import numpy as np

NUM_USERS = 50000
EMBED_DIM = 256
B = 4096
DEG = 32


def setup_inputs(seed: int = 0) -> dict:
    key = jax.random.key(seed)
    ks = jax.random.split(key, 9)
    nodes = jax.random.randint(ks[0], (B,), 0, NUM_USERS, dtype=jnp.int64) if jax.config.jax_enable_x64 else jax.random.randint(ks[0], (B,), 0, NUM_USERS, dtype=jnp.int32)
    neighbours = jax.random.randint(ks[1], (B, DEG), 0, NUM_USERS, dtype=jnp.int32)
    table = jax.random.normal(ks[2], (NUM_USERS, EMBED_DIM), dtype=jnp.float32) * 0.02
    W1 = jax.random.normal(ks[3], (EMBED_DIM, 2 * EMBED_DIM), dtype=jnp.float32) * (1.0 / np.sqrt(2 * EMBED_DIM))
    b1 = jnp.zeros((EMBED_DIM,), dtype=jnp.float32)
    W2 = jax.random.normal(ks[4], (EMBED_DIM, EMBED_DIM), dtype=jnp.float32) * (1.0 / np.sqrt(EMBED_DIM))
    b2 = jnp.zeros((EMBED_DIM,), dtype=jnp.float32)
    W3 = jax.random.normal(ks[5], (1, EMBED_DIM), dtype=jnp.float32) * (1.0 / np.sqrt(EMBED_DIM))
    b3 = jnp.zeros((1,), dtype=jnp.float32)
    return {"nodes": nodes, "neighbours": neighbours, "table": table,
            "W1": W1, "b1": b1, "W2": W2, "b2": b2, "W3": W3, "b3": b3}


def reference(nodes, neighbours, table, W1, b1, W2, b2, W3, b3):
    # neighbours' free embeddings: user_embeddings.weight[list(neighbours_adj)]
    neighs = jnp.take(table, neighbours, axis=0)            # [B, DEG, D]
    # parent user repr: user_embeddings.weight[nodes[i]], repeated over neighbours
    user = jnp.take(table, nodes, axis=0)                   # [B, D]
    user_rep = jnp.broadcast_to(user[:, None, :], neighs.shape)  # [B, DEG, D]
    # attention mechanism: cat -> w_a1 -> relu -> w_a2 -> relu -> w_a3 -> softmax over neighbours
    # (F.dropout with training=False is identity; module evaluated in eval mode)
    uu = jnp.concatenate([neighs, user_rep], axis=-1)       # [B, DEG, 2D]
    h = jax.nn.relu(uu @ W1.T + b1)                         # [B, DEG, D]
    h = jax.nn.relu(h @ W2.T + b2)                          # [B, DEG, D]
    s = h @ W3.T + b3                                       # [B, DEG, 1]
    att = jax.nn.softmax(s, axis=1)                         # softmax over dim=0 per node == neighbour axis
    # torch.mm(neighs.t(), att).t() == weighted sum of neighbour features
    out = jnp.sum(neighs * att, axis=1)                     # [B, D]
    return out

if __name__ == "__main__":
    import jax
    _d = setup_inputs()
    print(jax.jit(kernel)(*tuple(_d.values())))

</pallas_src>

<mosaic_0001>
#map = affine_map<(d0, d1) -> (0, 0)>
module attributes {stable_mosaic.version = 14 : i64} {
  func.func @k(%arg0: i32, %arg1: i32, %arg2: memref<50000x256xf32, #tpu.memory_space<hbm>>, %arg3: memref<1x33792xi32, #tpu.memory_space<hbm>>, %arg4: memref<33792x256xf32, #tpu.memory_space<hbm>>) attributes {dimension_semantics = [#tpu.dimension_semantics<core_parallel>, #tpu.dimension_semantics<subcore_parallel>], iteration_bounds = array<i64: 2, 16>, scalar_prefetch = 0 : i64, scratch_operands = 0 : i64, tpu.core_type = #tpu.core_type<sc_vector_subcore>, window_params = [{transform_indices = #map}, {transform_indices = #map}, {transform_indices = #map}]} {
    %mul3A = arith.constant 1 : i32
    %mul3A_0 = arith.muli %arg1, %mul3A : i32
    %add3A = arith.constant 0 : i32
    %add3A_1 = arith.addi %add3A, %mul3A_0 : i32
    %mul3A_2 = arith.constant 16 : i32
    %mul3A_3 = arith.muli %arg0, %mul3A_2 : i32
    %add3A_4 = arith.addi %add3A_1, %mul3A_3 : i32
    %lt3A = arith.constant 8 : i32
    %lt3A_5 = arith.cmpi slt, %add3A_4, %lt3A : i32
    %jit3A = arith.constant 9 : i32
    %jit3A_6 = arith.constant 8 : i32
    %select_n3A = arith.select %lt3A_5, %jit3A, %jit3A_6 : i32
    %lt3A_7 = arith.constant 8 : i32
    %lt3A_8 = arith.cmpi slt, %add3A_4, %lt3A_7 : i32
    %mul3A_9 = arith.muli %add3A_4, %select_n3A : i32
    %mul3A_10 = arith.constant 8 : i32
    %mul3A_11 = arith.muli %add3A_4, %mul3A_10 : i32
    %add3A_12 = arith.constant 8 : i32
    %add3A_13 = arith.addi %mul3A_11, %add3A_12 : i32
    %select_n3A_14 = arith.select %lt3A_8, %mul3A_9, %add3A_13 : i32
    %mul3A_15 = arith.constant 1 : i32
    %mul3A_16 = arith.muli %mul3A_15, %select_n3A : i32
    "tpu.region"() ({
      %run_scoped3A = memref.alloca() : memref<2x1x128xi32, #tpu.memory_space<vmem>>
      %run_scoped3A_17 = tpu.sem_alloc : memref<2x!tpu.dma_semaphore, #tpu.memory_space<semaphore_mem>>
      %run_scoped3A_18 = memref.alloca() : memref<2x128x256xf32, #tpu.memory_space<vmem>>
      %run_scoped3A_19 = tpu.sem_alloc : memref<2x!tpu.dma_semaphore, #tpu.memory_space<semaphore_mem>>
      %gt3A = arith.constant 0 : i32
      %gt3A_20 = arith.cmpi sgt, %mul3A_16, %gt3A : i32
      %convert_element_type3A = arith.extui %gt3A_20 : i1 to i32
      %cond3A = arith.constant 0 : i32
      %cond3A_21 = arith.cmpi ne, %convert_element_type3A, %cond3A : i32
      scf.if %cond3A_21 {
        %mul3A_22 = arith.constant 1 : i32
        %mul3A_23 = arith.muli %mul3A_22, %select_n3A : i32
        %sub3A = arith.constant 1 : i32
        %sub3A_24 = arith.subi %mul3A_23, %sub3A : i32
        %eq3A = arith.constant 0 : i32
        %eq3A_25 = arith.cmpi eq, %sub3A_24, %eq3A : i32
        %add3A_26 = arith.constant 0 : i32
        %add3A_27 = arith.addi %add3A_26, %select_n3A_14 : i32
        %select_n3A_28 = arith.constant true
        %select_n3A_29 = arith.constant 0 : i32
        %select_n3A_30 = arith.constant -1 : i32
        %select_n3A_31 = arith.select %select_n3A_28, %select_n3A_30, %select_n3A_29 : i32
        %eq3A_32 = arith.constant -1 : i32
        %eq3A_33 = arith.cmpi eq, %select_n3A_31, %eq3A_32 : i32
        %sub3A_34 = arith.constant 1 : i32
        %sub3A_35 = arith.subi %select_n3A, %sub3A_34 : i32
        %select_n3A_36 = arith.select %eq3A_33, %sub3A_35, %select_n3A_31 : i32
        %add3A_37 = arith.addi %select_n3A_36, %select_n3A_14 : i32
        %select_n3A_38 = arith.constant true
        %select_n3A_39 = arith.constant 0 : i32
        %select_n3A_40 = arith.constant 1 : i32
        %select_n3A_41 = arith.select %select_n3A_38, %select_n3A_40, %select_n3A_39 : i32
        %eq3A_42 = arith.cmpi eq, %select_n3A_41, %select_n3A : i32
        %select_n3A_43 = arith.constant 0 : i32
        %select_n3A_44 = arith.select %eq3A_42, %select_n3A_43, %select_n3A_41 : i32
        %add3A_45 = arith.addi %select_n3A_44, %select_n3A_14 : i32
        %add3A_46 = arith.constant 1 : i32
        %add3A_47 = arith.addi %select_n3A_44, %add3A_46 : i32
        %select_n3A_48 = arith.constant true
        %select_n3A_49 = arith.select %select_n3A_48, %add3A_47, %select_n3A_44 : i32
        %eq3A_50 = arith.cmpi eq, %select_n3A_49, %select_n3A : i32
        %select_n3A_51 = arith.constant 0 : i32
        %select_n3A_52 = arith.select %eq3A_50, %select_n3A_51, %select_n3A_49 : i32
        %add3A_53 = arith.addi %select_n3A_52, %select_n3A_14 : i32
        "tpu.trace_start"() <{level = 10 : i32, message = "ep_initialize_0"}> : () -> ()
        %rem3A = arith.constant 0 : i32
        %rem3A_54 = arith.constant 2 : i32
        %rem3A_55 = arith.remui %rem3A, %rem3A_54 : i32
        %mul3A_56 = arith.constant 128 : i32
        %mul3A_57 = arith.muli %mul3A_56, %add3A_27 : i32
        %dma_start3A = arith.constant 0 : i32
        %dma_start3A_58 = arith.constant 0 : i32
        %dma_start3A_59 = tpu.memref_slice %run_scoped3A[%rem3A_55, %dma_start3A, %dma_start3A_58] : memref<2x1x128xi32, #tpu.memory_space<vmem>> -> memref<1x1x128xi32, #tpu.memory_space<vmem>>
        %dma_start3A_60 = tpu.memref_squeeze %dma_start3A_59 : memref<1x1x128xi32, #tpu.memory_space<vmem>> -> memref<1x128xi32, #tpu.memory_space<vmem>>
        %dma_start3A_61 = arith.constant 0 : i32
        %dma_start3A_62 = tpu.memref_slice %arg3[%dma_start3A_61, %mul3A_57] : memref<1x33792xi32, #tpu.memory_space<hbm>> -> memref<1x128xi32, #tpu.memory_space<hbm>>
        %dma_start3A_63 = tpu.memref_slice %run_scoped3A_17[%rem3A_55] : memref<2x!tpu.dma_semaphore, #tpu.memory_space<semaphore_mem>> -> memref<1x!tpu.dma_semaphore, #tpu.memory_space<semaphore_mem>>
        %dma_start3A_64 = tpu.memref_squeeze %dma_start3A_63 : memref<1x!tpu.dma_semaphore, #tpu.memory_space<semaphore_mem>> -> memref<!tpu.dma_semaphore, #tpu.memory_space<semaphore_mem>>
        %dma_start3A_65 = arith.constant 0 : i32
        %dma_start3A_66 = arith.constant 0 : i32
        %dma_start3A_67 = tpu.memref_slice %run_scoped3A[%rem3A_55, %dma_start3A_65, %dma_start3A_66] : memref<2x1x128xi32, #tpu.memory_space<vmem>> -> memref<1x1x128xi32, #tpu.memory_space<vmem>>
        %dma_start3A_68 = tpu.memref_squeeze %dma_start3A_67 : memref<1x1x128xi32, #tpu.memory_space<vmem>> -> memref<1x128xi32, #tpu.memory_space<vmem>>
        %dma_start3A_69 = arith.constant 0 : i32
        %dma_start3A_70 = tpu.memref_slice %arg3[%dma_start3A_69, %mul3A_57] : memref<1x33792xi32, #tpu.memory_space<hbm>> -> memref<1x128xi32, #tpu.memory_space<hbm>>
        tpu.enqueue_dma source(%dma_start3A_70 : memref<1x128xi32, #tpu.memory_space<hbm>>) target(%dma_start3A_68 : memref<1x128xi32, #tpu.memory_space<vmem>>) target_semaphore(%dma_start3A_64 : memref<!tpu.dma_semaphore, #tpu.memory_space<semaphore_mem>>)
        %add3A_71 = arith.constant 0 : i32
        %add3A_72 = arith.constant 1 : i32
        %add3A_73 = arith.addi %add3A_71, %add3A_72 : i32
        %select_n3A_74 = arith.constant true
        %select_n3A_75 = arith.constant 0 : i32
        %select_n3A_76 = arith.select %select_n3A_74, %add3A_73, %select_n3A_75 : i32
        %while3A = arith.constant 0 : i32
        %while3A_77 = arith.constant 0 : i32
        %while3A_78 = arith.constant 0 : i32
        %while3A_79 = arith.constant 0 : i32
        %while3A_80 = arith.constant 0 : i32
        "tpu.trace_stop"() : () -> ()
        %while3A_81 = arith.subi %mul3A_16, %while3A : i32
        %while3A_82 = arith.addi %while3A, %while3A_81 : i32
        %while3A_83 = arith.constant 1 : i32
        %while3A_84 = arith.divsi %while3A_81, %while3A_83 : i32
        %while3A_85 = arith.muli %while3A_84, %while3A_83 : i32
        %while3A_86 = arith.addi %while3A, %while3A_85 : i32
        %while3A_87 = arith.constant 1 : i32
        %while3A_88:5 = scf.for %while3A_142 = %while3A to %while3A_86 step %while3A_87 iter_args(%while3A_143 = %select_n3A_76, %while3A_144 = %while3A_77, %while3A_145 = %while3A_78, %while3A_146 = %while3A_79, %while3A_147 = %while3A_80) -> (i32, i32, i32, i32, i32)  : i32 {
          %mul3A_148 = arith.constant 1 : i32
          %mul3A_149 = arith.muli %mul3A_148, %select_n3A : i32
          %eq3A_150 = arith.constant 0 : i32
          %eq3A_151 = arith.cmpi eq, %while3A_142, %eq3A_150 : i32
          %sub3A_152 = arith.constant 1 : i32
          %sub3A_153 = arith.subi %mul3A_149, %sub3A_152 : i32
          %eq3A_154 = arith.cmpi eq, %while3A_142, %sub3A_153 : i32
          %add3A_155 = arith.addi %while3A_147, %select_n3A_14 : i32
          %sub3A_156 = arith.constant 1 : i32
          %sub3A_157 = arith.subi %while3A_147, %sub3A_156 : i32
          %select_n3A_158 = arith.constant true
          %select_n3A_159 = arith.select %select_n3A_158, %sub3A_157, %while3A_147 : i32
          %eq3A_160 = arith.constant -1 : i32
          %eq3A_161 = arith.cmpi eq, %select_n3A_159, %eq3A_160 : i32
          %sub3A_162 = arith.constant 1 : i32
          %sub3A_163 = arith.subi %select_n3A, %sub3A_162 : i32
          %select_n3A_164 = arith.select %eq3A_161, %sub3A_163, %select_n3A_159 : i32
          %add3A_165 = arith.addi %select_n3A_164, %select_n3A_14 : i32
          %add3A_166 = arith.constant 1 : i32
          %add3A_167 = arith.addi %while3A_147, %add3A_166 : i32
          %select_n3A_168 = arith.constant true
          %select_n3A_169 = arith.select %select_n3A_168, %add3A_167, %while3A_147 : i32
          %eq3A_170 = arith.cmpi eq, %select_n3A_169, %select_n3A : i32
          %select_n3A_171 = arith.constant 0 : i32
          %select_n3A_172 = arith.select %eq3A_170, %select_n3A_171, %select_n3A_169 : i32
          %add3A_173 = arith.addi %select_n3A_172, %select_n3A_14 : i32
          %add3A_174 = arith.constant 1 : i32
          %add3A_175 = arith.addi %select_n3A_172, %add3A_174 : i32
          %select_n3A_176 = arith.constant true
          %select_n3A_177 = arith.select %select_n3A_176, %add3A_175, %select_n3A_172 : i32
          %eq3A_178 = arith.cmpi eq, %select_n3A_177, %select_n3A : i32
          %select_n3A_179 = arith.constant 0 : i32
          %select_n3A_180 = arith.select %eq3A_178, %select_n3A_179, %select_n3A_177 : i32
          %add3A_181 = arith.addi %select_n3A_180, %select_n3A_14 : i32
          %ne3A = arith.cmpi ne, %add3A_155, %add3A_173 : i32
          %or3A = arith.constant false
          %or3A_182 = arith.ori %or3A, %ne3A : i1
          %sub3A_183 = arith.constant 2 : i32
          %sub3A_184 = arith.subi %mul3A_149, %sub3A_183 : i32
          %add3A_185 = arith.constant 1 : i32
          %add3A_186 = arith.addi %sub3A_184, %add3A_185 : i32
          %ge3A = arith.cmpi sge, %while3A_142, %add3A_186 : i32
          %not3A = arith.constant true
          %not3A_187 = arith.xori %ge3A, %not3A : i1
          %and3A = arith.andi %or3A_182, %not3A_187 : i1
          %convert_element_type3A_188 = arith.extui %and3A : i1 to i32
          %cond3A_189 = arith.constant 0 : i32
          %cond3A_190 = arith.cmpi ne, %convert_element_type3A_188, %cond3A_189 : i32
          scf.if %cond3A_190 {
            "tpu.trace_start"() <{level = 10 : i32, message = "ep_copy_in"}> : () -> ()
            %rem3A_294 = arith.constant 2 : i32
            %rem3A_295 = arith.remui %while3A_143, %rem3A_294 : i32
            %mul3A_296 = arith.constant 128 : i32
            %mul3A_297 = arith.muli %mul3A_296, %add3A_173 : i32
            %dma_start3A_298 = arith.constant 0 : i32
            %dma_start3A_299 = arith.constant 0 : i32
            %dma_start3A_300 = tpu.memref_slice %run_scoped3A[%rem3A_295, %dma_start3A_298, %dma_start3A_299] : memref<2x1x128xi32, #tpu.memory_space<vmem>> -> memref<1x1x128xi32, #tpu.memory_space<vmem>>
            %dma_start3A_301 = tpu.memref_squeeze %dma_start3A_300 : memref<1x1x128xi32, #tpu.memory_space<vmem>> -> memref<1x128xi32, #tpu.memory_space<vmem>>
            %dma_start3A_302 = arith.constant 0 : i32
            %dma_start3A_303 = tpu.memref_slice %arg3[%dma_start3A_302, %mul3A_297] : memref<1x33792xi32, #tpu.memory_space<hbm>> -> memref<1x128xi32, #tpu.memory_space<hbm>>
            %dma_start3A_304 = tpu.memref_slice %run_scoped3A_17[%rem3A_295] : memref<2x!tpu.dma_semaphore, #tpu.memory_space<semaphore_mem>> -> memref<1x!tpu.dma_semaphore, #tpu.memory_space<semaphore_mem>>
            %dma_start3A_305 = tpu.memref_squeeze %dma_start3A_304 : memref<1x!tpu.dma_semaphore, #tpu.memory_space<semaphore_mem>> -> memref<!tpu.dma_semaphore, #tpu.memory_space<semaphore_mem>>
            %dma_start3A_306 = arith.constant 0 : i32
            %dma_start3A_307 = arith.constant 0 : i32
            %dma_start3A_308 = tpu.memref_slice %run_scoped3A[%rem3A_295, %dma_start3A_306, %dma_start3A_307] : memref<2x1x128xi32, #tpu.memory_space<vmem>> -> memref<1x1x128xi32, #tpu.memory_space<vmem>>
            %dma_start3A_309 = tpu.memref_squeeze %dma_start3A_308 : memref<1x1x128xi32, #tpu.memory_space<vmem>> -> memref<1x128xi32, #tpu.memory_space<vmem>>
            %dma_start3A_310 = arith.constant 0 : i32
            %dma_start3A_311 = tpu.memref_slice %arg3[%dma_start3A_310, %mul3A_297] : memref<1x33792xi32, #tpu.memory_space<hbm>> -> memref<1x128xi32, #tpu.memory_space<hbm>>
            tpu.enqueue_dma source(%dma_start3A_311 : memref<1x128xi32, #tpu.memory_space<hbm>>) target(%dma_start3A_309 : memref<1x128xi32, #tpu.memory_space<vmem>>) target_semaphore(%dma_start3A_305 : memref<!tpu.dma_semaphore, #tpu.memory_space<semaphore_mem>>)
            "tpu.trace_stop"() : () -> ()
          } else {
          }
          %and3A_191 = arith.constant true
          %and3A_192 = arith.andi %and3A, %and3A_191 : i1
          %add3A_193 = arith.constant 1 : i32
          %add3A_194 = arith.addi %while3A_143, %add3A_193 : i32
          %select_n3A_195 = arith.select %and3A_192, %add3A_194, %while3A_143 : i32
          %ne3A_196 = arith.cmpi ne, %add3A_155, %add3A_173 : i32
          %or3A_197 = arith.constant false
          %or3A_198 = arith.ori %or3A_197, %ne3A_196 : i1
          %or3A_199 = arith.constant false
          %or3A_200 = arith.ori %or3A_198, %or3A_199 : i1
          %sub3A_201 = arith.constant 2 : i32
          %sub3A_202 = arith.subi %mul3A_149, %sub3A_201 : i32
          %add3A_203 = arith.constant 1 : i32
          %add3A_204 = arith.addi %sub3A_202, %add3A_203 : i32
          %ge3A_205 = arith.cmpi sge, %while3A_142, %add3A_204 : i32
          %not3A_206 = arith.constant true
          %not3A_207 = arith.xori %ge3A_205, %not3A_206 : i1
          %and3A_208 = arith.andi %or3A_200, %not3A_207 : i1
          %ne3A_209 = arith.cmpi ne, %add3A_155, %add3A_165 : i32
          %or3A_210 = arith.constant false
          %or3A_211 = arith.ori %or3A_210, %ne3A_209 : i1
          %or3A_212 = arith.ori %or3A_211, %eq3A_151 : i1
          %convert_element_type3A_213 = arith.extui %or3A_212 : i1 to i32
          %cond3A_214 = arith.constant 0 : i32
          %cond3A_215 = arith.cmpi ne, %convert_element_type3A_213, %cond3A_214 : i32
          scf.if %cond3A_215 {
            "tpu.trace_start"() <{level = 10 : i32, message = "ep_wait_in"}> : () -> ()
            %mul3A_294 = arith.constant 128 : i32
            %mul3A_295 = arith.muli %mul3A_294, %add3A_155 : i32
            %rem3A_296 = arith.constant 2 : i32
            %rem3A_297 = arith.remui %while3A_144, %rem3A_296 : i32
            %dma_wait3A = arith.constant 0 : i32
            %dma_wait3A_298 = arith.constant 0 : i32
            %dma_wait3A_299 = tpu.memref_slice %run_scoped3A[%rem3A_297, %dma_wait3A, %dma_wait3A_298] : memref<2x1x128xi32, #tpu.memory_space<vmem>> -> memref<1x1x128xi32, #tpu.memory_space<vmem>>
            %dma_wait3A_300 = tpu.memref_squeeze %dma_wait3A_299 : memref<1x1x128xi32, #tpu.memory_space<vmem>> -> memref<1x128xi32, #tpu.memory_space<vmem>>
            %dma_wait3A_301 = arith.constant 0 : i32
            %dma_wait3A_302 = tpu.memref_slice %arg3[%dma_wait3A_301, %mul3A_295] : memref<1x33792xi32, #tpu.memory_space<hbm>> -> memref<1x128xi32, #tpu.memory_space<hbm>>
            %dma_wait3A_303 = tpu.memref_slice %run_scoped3A_17[%rem3A_297] : memref<2x!tpu.dma_semaphore, #tpu.memory_space<semaphore_mem>> -> memref<1x!tpu.dma_semaphore, #tpu.memory_space<semaphore_mem>>
            %dma_wait3A_304 = tpu.memref_squeeze %dma_wait3A_303 : memref<1x!tpu.dma_semaphore, #tpu.memory_space<semaphore_mem>> -> memref<!tpu.dma_semaphore, #tpu.memory_space<semaphore_mem>>
            %dma_wait3A_305 = arith.constant 0 : i32
            %dma_wait3A_306 = arith.constant 0 : i32
            %dma_wait3A_307 = tpu.memref_slice %run_scoped3A[%rem3A_297, %dma_wait3A_305, %dma_wait3A_306] : memref<2x1x128xi32, #tpu.memory_space<vmem>> -> memref<1x1x128xi32, #tpu.memory_space<vmem>>
            %dma_wait3A_308 = tpu.memref_squeeze %dma_wait3A_307 : memref<1x1x128xi32, #tpu.memory_space<vmem>> -> memref<1x128xi32, #tpu.memory_space<vmem>>
            %dma_wait3A_309 = arith.constant 0 : i32
            %dma_wait3A_310 = tpu.memref_slice %arg3[%dma_wait3A_309, %mul3A_295] : memref<1x33792xi32, #tpu.memory_space<hbm>> -> memref<1x128xi32, #tpu.memory_space<hbm>>
            tpu.wait_dma2 semaphore(%dma_wait3A_304 : memref<!tpu.dma_semaphore, #tpu.memory_space<semaphore_mem>>) src(%dma_wait3A_310 : memref<1x128xi32, #tpu.memory_space<hbm>>) dst(%dma_wait3A_308 : memref<1x128xi32, #tpu.memory_space<vmem>>)
            "tpu.trace_stop"() : () -> ()
          } else {
          }
          %ne3A_216 = arith.cmpi ne, %add3A_155, %add3A_165 : i32
          %or3A_217 = arith.constant false
          %or3A_218 = arith.ori %or3A_217, %ne3A_216 : i1
          %or3A_219 = arith.constant false
          %or3A_220 = arith.ori %or3A_218, %or3A_219 : i1
          %or3A_221 = arith.ori %or3A_220, %eq3A_151 : i1
          %convert_element_type3A_222 = arith.extui %or3A_221 : i1 to i32
          %cond3A_223 = arith.constant 0 : i32
          %cond3A_224 = arith.cmpi ne, %convert_element_type3A_222, %cond3A_223 : i32
          scf.if %cond3A_224 {
          } else {
          }
          %rem3A_225 = arith.constant 2 : i32
          %rem3A_226 = arith.remui %while3A_144, %rem3A_225 : i32
          %rem3A_227 = arith.constant 2 : i32
          %rem3A_228 = arith.remui %while3A_145, %rem3A_227 : i32
          %run_scoped3A_229 = arith.constant 0 : i32
          "tpu.trace_start"() <{level = 10 : i32, message = "ep_run_kernel"}> : () -> ()
          "tpu.region"() ({
            %run_scoped3A_294 = tpu.sem_alloc : memref<!tpu.dma_semaphore, #tpu.memory_space<semaphore_mem>>
            %dma_start3A_295 = arith.constant 0 : i32
            %dma_start3A_296 = arith.constant 0 : i32
            %dma_start3A_297 = tpu.memref_slice %run_scoped3A_18[%rem3A_228, %dma_start3A_295, %dma_start3A_296] : memref<2x128x256xf32, #tpu.memory_space<vmem>> -> memref<1x128x256xf32, #tpu.memory_space<vmem>>
            %dma_start3A_298 = tpu.memref_squeeze %dma_start3A_297 : memref<1x128x256xf32, #tpu.memory_space<vmem>> -> memref<128x256xf32, #tpu.memory_space<vmem>>
            %dma_start3A_299 = arith.constant 0 : i32
            %dma_start3A_300 = arith.constant 0 : i32
            %dma_start3A_301 = tpu.memref_slice %run_scoped3A[%rem3A_226, %dma_start3A_299, %dma_start3A_300] : memref<2x1x128xi32, #tpu.memory_space<vmem>> -> memref<1x1x128xi32, #tpu.memory_space<vmem>>
            %dma_start3A_302 = tpu.memref_squeeze %dma_start3A_301 : memref<1x1x128xi32, #tpu.memory_space<vmem>> -> memref<1x128xi32, #tpu.memory_space<vmem>>
            %dma_start3A_303 = arith.constant 0 : i32
            %dma_start3A_304 = tpu.memref_slice %dma_start3A_302[%run_scoped3A_229, %dma_start3A_303] : memref<1x128xi32, #tpu.memory_space<vmem>> -> memref<1x128xi32, #tpu.memory_space<vmem>>
            %dma_start3A_305 = tpu.memref_squeeze %dma_start3A_304 : memref<1x128xi32, #tpu.memory_space<vmem>> -> memref<128xi32, #tpu.memory_space<vmem>>
            %dma_start3A_306 = arith.constant 0 : i32
            %dma_start3A_307 = arith.constant 0 : i32
            %dma_start3A_308 = tpu.memref_slice %arg2[%dma_start3A_306, %dma_start3A_307] : memref<50000x256xf32, #tpu.memory_space<hbm>> -> memref<50000x256xf32, #tpu.memory_space<hbm>>
            tpu.enqueue_indirect_dma source(%dma_start3A_308 : memref<50000x256xf32, #tpu.memory_space<hbm>>) target(%dma_start3A_298 : memref<128x256xf32, #tpu.memory_space<vmem>>) offsets(%dma_start3A_305 : memref<128xi32, #tpu.memory_space<vmem>>) semaphore(%run_scoped3A_294 : memref<!tpu.dma_semaphore, #tpu.memory_space<semaphore_mem>>)
            %dma_wait3A = arith.constant 0 : i32
            %dma_wait3A_309 = arith.constant 0 : i32
            %dma_wait3A_310 = tpu.memref_slice %run_scoped3A_18[%rem3A_228, %dma_wait3A, %dma_wait3A_309] : memref<2x128x256xf32, #tpu.memory_space<vmem>> -> memref<1x128x256xf32, #tpu.memory_space<vmem>>
            %dma_wait3A_311 = tpu.memref_squeeze %dma_wait3A_310 : memref<1x128x256xf32, #tpu.memory_space<vmem>> -> memref<128x256xf32, #tpu.memory_space<vmem>>
            %dma_wait3A_312 = arith.constant 0 : i32
            %dma_wait3A_313 = arith.constant 0 : i32
            %dma_wait3A_314 = tpu.memref_slice %run_scoped3A[%rem3A_226, %dma_wait3A_312, %dma_wait3A_313] : memref<2x1x128xi32, #tpu.memory_space<vmem>> -> memref<1x1x128xi32, #tpu.memory_space<vmem>>
            %dma_wait3A_315 = tpu.memref_squeeze %dma_wait3A_314 : memref<1x1x128xi32, #tpu.memory_space<vmem>> -> memref<1x128xi32, #tpu.memory_space<vmem>>
            %dma_wait3A_316 = arith.constant 0 : i32
            %dma_wait3A_317 = tpu.memref_slice %dma_wait3A_315[%run_scoped3A_229, %dma_wait3A_316] : memref<1x128xi32, #tpu.memory_space<vmem>> -> memref<1x128xi32, #tpu.memory_space<vmem>>
            %dma_wait3A_318 = tpu.memref_squeeze %dma_wait3A_317 : memref<1x128xi32, #tpu.memory_space<vmem>> -> memref<128xi32, #tpu.memory_space<vmem>>
            %dma_wait3A_319 = arith.constant 0 : i32
            %dma_wait3A_320 = arith.constant 0 : i32
            %dma_wait3A_321 = tpu.memref_slice %arg2[%dma_wait3A_319, %dma_wait3A_320] : memref<50000x256xf32, #tpu.memory_space<hbm>> -> memref<50000x256xf32, #tpu.memory_space<hbm>>
            tpu.wait_indirect_dma semaphore(%run_scoped3A_294 : memref<!tpu.dma_semaphore, #tpu.memory_space<semaphore_mem>>) src(%dma_wait3A_321 : memref<50000x256xf32, #tpu.memory_space<hbm>>) dst(%dma_wait3A_311 : memref<128x256xf32, #tpu.memory_space<vmem>>)
            tpu.yield
          }) : () -> ()
          "tpu.trace_stop"() : () -> ()
          %ne3A_230 = arith.cmpi ne, %add3A_155, %add3A_173 : i32
          %or3A_231 = arith.constant false
          %or3A_232 = arith.ori %or3A_231, %ne3A_230 : i1
          %or3A_233 = arith.ori %or3A_232, %eq3A_154 : i1
          %convert_element_type3A_234 = arith.extui %or3A_233 : i1 to i32
          %cond3A_235 = arith.constant 0 : i32
          %cond3A_236 = arith.cmpi ne, %convert_element_type3A_234, %cond3A_235 : i32
          scf.if %cond3A_236 {
          } else {
          }
          %and3A_237 = arith.constant false
          %and3A_238 = arith.andi %or3A_233, %and3A_237 : i1
          %ne3A_239 = arith.cmpi ne, %add3A_155, %add3A_173 : i32
          %or3A_240 = arith.constant false
          %or3A_241 = arith.ori %or3A_240, %ne3A_239 : i1
          %or3A_242 = arith.constant false
          %or3A_243 = arith.ori %or3A_241, %or3A_242 : i1
          %or3A_244 = arith.ori %or3A_243, %eq3A_154 : i1
          %convert_element_type3A_245 = arith.extui %or3A_244 : i1 to i32
          %cond3A_246 = arith.constant 0 : i32
          %cond3A_247 = arith.cmpi ne, %convert_element_type3A_245, %cond3A_246 : i32
          scf.if %cond3A_247 {
            "tpu.trace_start"() <{level = 10 : i32, message = "ep_copy_out"}> : () -> ()
            %rem3A_294 = arith.constant 2 : i32
            %rem3A_295 = arith.remui %while3A_145, %rem3A_294 : i32
            %mul3A_296 = arith.constant 128 : i32
            %mul3A_297 = arith.muli %mul3A_296, %add3A_155 : i32
            %dma_start3A_298 = arith.constant 0 : i32
            %dma_start3A_299 = arith.constant 0 : i32
            %dma_start3A_300 = tpu.memref_slice %run_scoped3A_18[%rem3A_295, %dma_start3A_298, %dma_start3A_299] : memref<2x128x256xf32, #tpu.memory_space<vmem>> -> memref<1x128x256xf32, #tpu.memory_space<vmem>>
            %dma_start3A_301 = tpu.memref_squeeze %dma_start3A_300 : memref<1x128x256xf32, #tpu.memory_space<vmem>> -> memref<128x256xf32, #tpu.memory_space<vmem>>
            %dma_start3A_302 = arith.constant 0 : i32
            %dma_start3A_303 = tpu.memref_slice %arg4[%mul3A_297, %dma_start3A_302] : memref<33792x256xf32, #tpu.memory_space<hbm>> -> memref<128x256xf32, #tpu.memory_space<hbm>>
            %dma_start3A_304 = tpu.memref_slice %run_scoped3A_19[%rem3A_295] : memref<2x!tpu.dma_semaphore, #tpu.memory_space<semaphore_mem>> -> memref<1x!tpu.dma_semaphore, #tpu.memory_space<semaphore_mem>>
            %dma_start3A_305 = tpu.memref_squeeze %dma_start3A_304 : memref<1x!tpu.dma_semaphore, #tpu.memory_space<semaphore_mem>> -> memref<!tpu.dma_semaphore, #tpu.memory_space<semaphore_mem>>
            %dma_start3A_306 = arith.constant 0 : i32
            %dma_start3A_307 = tpu.memref_slice %arg4[%mul3A_297, %dma_start3A_306] : memref<33792x256xf32, #tpu.memory_space<hbm>> -> memref<128x256xf32, #tpu.memory_space<hbm>>
            %dma_start3A_308 = arith.constant 0 : i32
            %dma_start3A_309 = arith.constant 0 : i32
            %dma_start3A_310 = tpu.memref_slice %run_scoped3A_18[%rem3A_295, %dma_start3A_308, %dma_start3A_309] : memref<2x128x256xf32, #tpu.memory_space<vmem>> -> memref<1x128x256xf32, #tpu.memory_space<vmem>>
            %dma_start3A_311 = tpu.memref_squeeze %dma_start3A_310 : memref<1x128x256xf32, #tpu.memory_space<vmem>> -> memref<128x256xf32, #tpu.memory_space<vmem>>
            tpu.enqueue_dma source(%dma_start3A_311 : memref<128x256xf32, #tpu.memory_space<vmem>>) target(%dma_start3A_307 : memref<128x256xf32, #tpu.memory_space<hbm>>) target_semaphore(%dma_start3A_305 : memref<!tpu.dma_semaphore, #tpu.memory_space<semaphore_mem>>)
            "tpu.trace_stop"() : () -> ()
          } else {
          }
          %and3A_248 = arith.constant true
          %and3A_249 = arith.andi %or3A_244, %and3A_248 : i1
          %add3A_250 = arith.constant 1 : i32
          %add3A_251 = arith.addi %while3A_145, %add3A_250 : i32
          %select_n3A_252 = arith.select %and3A_249, %add3A_251, %while3A_145 : i32
          %ne3A_253 = arith.cmpi ne, %add3A_155, %add3A_165 : i32
          %or3A_254 = arith.constant false
          %or3A_255 = arith.ori %or3A_254, %ne3A_253 : i1
          %not3A_256 = arith.constant true
          %not3A_257 = arith.xori %eq3A_151, %not3A_256 : i1
          %and3A_258 = arith.andi %or3A_255, %not3A_257 : i1
          %convert_element_type3A_259 = arith.extui %and3A_258 : i1 to i32
          %cond3A_260 = arith.constant 0 : i32
          %cond3A_261 = arith.cmpi ne, %convert_element_type3A_259, %cond3A_260 : i32
          scf.if %cond3A_261 {
          } else {
          }
          %and3A_262 = arith.constant false
          %and3A_263 = arith.andi %and3A_258, %and3A_262 : i1
          %ne3A_264 = arith.cmpi ne, %add3A_155, %add3A_165 : i32
          %or3A_265 = arith.constant false
          %or3A_266 = arith.ori %or3A_265, %ne3A_264 : i1
          %or3A_267 = arith.constant false
          %or3A_268 = arith.ori %or3A_266, %or3A_267 : i1
          %not3A_269 = arith.constant true
          %not3A_270 = arith.xori %eq3A_151, %not3A_269 : i1
          %and3A_271 = arith.andi %or3A_268, %not3A_270 : i1
          %convert_element_type3A_272 = arith.extui %and3A_271 : i1 to i32
          %cond3A_273 = arith.constant 0 : i32
          %cond3A_274 = arith.cmpi ne, %convert_element_type3A_272, %cond3A_273 : i32
          scf.if %cond3A_274 {
            "tpu.trace_start"() <{level = 10 : i32, message = "ep_wait_out"}> : () -> ()
            %rem3A_294 = arith.constant 2 : i32
            %rem3A_295 = arith.remui %while3A_146, %rem3A_294 : i32
            %mul3A_296 = arith.constant 128 : i32
            %mul3A_297 = arith.muli %mul3A_296, %add3A_165 : i32
            %dma_wait3A = arith.constant 0 : i32
            %dma_wait3A_298 = arith.constant 0 : i32
            %dma_wait3A_299 = tpu.memref_slice %run_scoped3A_18[%rem3A_295, %dma_wait3A, %dma_wait3A_298] : memref<2x128x256xf32, #tpu.memory_space<vmem>> -> memref<1x128x256xf32, #tpu.memory_space<vmem>>
            %dma_wait3A_300 = tpu.memref_squeeze %dma_wait3A_299 : memref<1x128x256xf32, #tpu.memory_space<vmem>> -> memref<128x256xf32, #tpu.memory_space<vmem>>
            %dma_wait3A_301 = arith.constant 0 : i32
            %dma_wait3A_302 = tpu.memref_slice %arg4[%mul3A_297, %dma_wait3A_301] : memref<33792x256xf32, #tpu.memory_space<hbm>> -> memref<128x256xf32, #tpu.memory_space<hbm>>
            %dma_wait3A_303 = tpu.memref_slice %run_scoped3A_19[%rem3A_295] : memref<2x!tpu.dma_semaphore, #tpu.memory_space<semaphore_mem>> -> memref<1x!tpu.dma_semaphore, #tpu.memory_space<semaphore_mem>>
            %dma_wait3A_304 = tpu.memref_squeeze %dma_wait3A_303 : memref<1x!tpu.dma_semaphore, #tpu.memory_space<semaphore_mem>> -> memref<!tpu.dma_semaphore, #tpu.memory_space<semaphore_mem>>
            %dma_wait3A_305 = arith.constant 0 : i32
            %dma_wait3A_306 = tpu.memref_slice %arg4[%mul3A_297, %dma_wait3A_305] : memref<33792x256xf32, #tpu.memory_space<hbm>> -> memref<128x256xf32, #tpu.memory_space<hbm>>
            %dma_wait3A_307 = arith.constant 0 : i32
            %dma_wait3A_308 = arith.constant 0 : i32
            %dma_wait3A_309 = tpu.memref_slice %run_scoped3A_18[%rem3A_295, %dma_wait3A_307, %dma_wait3A_308] : memref<2x128x256xf32, #tpu.memory_space<vmem>> -> memref<1x128x256xf32, #tpu.memory_space<vmem>>
            %dma_wait3A_310 = tpu.memref_squeeze %dma_wait3A_309 : memref<1x128x256xf32, #tpu.memory_space<vmem>> -> memref<128x256xf32, #tpu.memory_space<vmem>>
            tpu.wait_dma2 semaphore(%dma_wait3A_304 : memref<!tpu.dma_semaphore, #tpu.memory_space<semaphore_mem>>) src(%dma_wait3A_310 : memref<128x256xf32, #tpu.memory_space<vmem>>) dst(%dma_wait3A_306 : memref<128x256xf32, #tpu.memory_space<hbm>>)
            "tpu.trace_stop"() : () -> ()
          } else {
          }
          %and3A_275 = arith.constant true
          %and3A_276 = arith.andi %and3A_271, %and3A_275 : i1
          %add3A_277 = arith.constant 1 : i32
          %add3A_278 = arith.addi %while3A_146, %add3A_277 : i32
          %select_n3A_279 = arith.select %and3A_276, %add3A_278, %while3A_146 : i32
          %ne3A_280 = arith.cmpi ne, %add3A_155, %add3A_173 : i32
          %or3A_281 = arith.constant false
          %or3A_282 = arith.ori %or3A_281, %ne3A_280 : i1
          %or3A_283 = arith.ori %or3A_282, %eq3A_154 : i1
          %add3A_284 = arith.constant 1 : i32
          %add3A_285 = arith.addi %while3A_144, %add3A_284 : i32
          %select_n3A_286 = arith.select %or3A_283, %add3A_285, %while3A_144 : i32
          %add3A_287 = arith.constant 1 : i32
          %add3A_288 = arith.addi %while3A_147, %add3A_287 : i32
          %select_n3A_289 = arith.constant true
          %select_n3A_290 = arith.select %select_n3A_289, %add3A_288, %while3A_147 : i32
          %eq3A_291 = arith.cmpi eq, %select_n3A_290, %select_n3A : i32
          %select_n3A_292 = arith.constant 0 : i32
          %select_n3A_293 = arith.select %eq3A_291, %select_n3A_292, %select_n3A_290 : i32
          scf.yield %select_n3A_195, %select_n3A_286, %select_n3A_252, %select_n3A_279, %select_n3A_293 : i32, i32, i32, i32, i32
        }
        %while3A_89 = arith.constant 1 : i32
        %while3A_90:5 = scf.for %while3A_142 = %while3A_86 to %while3A_82 step %while3A_89 iter_args(%while3A_143 = %while3A_88#0, %while3A_144 = %while3A_88#1, %while3A_145 = %while3A_88#2, %while3A_146 = %while3A_88#3, %while3A_147 = %while3A_88#4) -> (i32, i32, i32, i32, i32)  : i32 {
          %mul3A_148 = arith.constant 1 : i32
          %mul3A_149 = arith.muli %mul3A_148, %select_n3A : i32
          %eq3A_150 = arith.constant 0 : i32
          %eq3A_151 = arith.cmpi eq, %while3A_142, %eq3A_150 : i32
          %sub3A_152 = arith.constant 1 : i32
          %sub3A_153 = arith.subi %mul3A_149, %sub3A_152 : i32
          %eq3A_154 = arith.cmpi eq, %while3A_142, %sub3A_153 : i32
          %add3A_155 = arith.addi %while3A_147, %select_n3A_14 : i32
          %sub3A_156 = arith.constant 1 : i32
          %sub3A_157 = arith.subi %while3A_147, %sub3A_156 : i32
          %select_n3A_158 = arith.constant true
          %select_n3A_159 = arith.select %select_n3A_158, %sub3A_157, %while3A_147 : i32
          %eq3A_160 = arith.constant -1 : i32
          %eq3A_161 = arith.cmpi eq, %select_n3A_159, %eq3A_160 : i32
          %sub3A_162 = arith.constant 1 : i32
          %sub3A_163 = arith.subi %select_n3A, %sub3A_162 : i32
          %select_n3A_164 = arith.select %eq3A_161, %sub3A_163, %select_n3A_159 : i32
          %add3A_165 = arith.addi %select_n3A_164, %select_n3A_14 : i32
          %add3A_166 = arith.constant 1 : i32
          %add3A_167 = arith.addi %while3A_147, %add3A_166 : i32
          %select_n3A_168 = arith.constant true
          %select_n3A_169 = arith.select %select_n3A_168, %add3A_167, %while3A_147 : i32
          %eq3A_170 = arith.cmpi eq, %select_n3A_169, %select_n3A : i32
          %select_n3A_171 = arith.constant 0 : i32
          %select_n3A_172 = arith.select %eq3A_170, %select_n3A_171, %select_n3A_169 : i32
          %add3A_173 = arith.addi %select_n3A_172, %select_n3A_14 : i32
          %add3A_174 = arith.constant 1 : i32
          %add3A_175 = arith.addi %select_n3A_172, %add3A_174 : i32
          %select_n3A_176 = arith.constant true
          %select_n3A_177 = arith.select %select_n3A_176, %add3A_175, %select_n3A_172 : i32
          %eq3A_178 = arith.cmpi eq, %select_n3A_177, %select_n3A : i32
          %select_n3A_179 = arith.constant 0 : i32
          %select_n3A_180 = arith.select %eq3A_178, %select_n3A_179, %select_n3A_177 : i32
          %add3A_181 = arith.addi %select_n3A_180, %select_n3A_14 : i32
          %ne3A = arith.cmpi ne, %add3A_155, %add3A_173 : i32
          %or3A = arith.constant false
          %or3A_182 = arith.ori %or3A, %ne3A : i1
          %sub3A_183 = arith.constant 2 : i32
          %sub3A_184 = arith.subi %mul3A_149, %sub3A_183 : i32
          %add3A_185 = arith.constant 1 : i32
          %add3A_186 = arith.addi %sub3A_184, %add3A_185 : i32
          %ge3A = arith.cmpi sge, %while3A_142, %add3A_186 : i32
          %not3A = arith.constant true
          %not3A_187 = arith.xori %ge3A, %not3A : i1
          %and3A = arith.andi %or3A_182, %not3A_187 : i1
          %convert_element_type3A_188 = arith.extui %and3A : i1 to i32
          %cond3A_189 = arith.constant 0 : i32
          %cond3A_190 = arith.cmpi ne, %convert_element_type3A_188, %cond3A_189 : i32
          scf.if %cond3A_190 {
            "tpu.trace_start"() <{level = 10 : i32, message = "ep_copy_in"}> : () -> ()
            %rem3A_294 = arith.constant 2 : i32
            %rem3A_295 = arith.remui %while3A_143, %rem3A_294 : i32
            %mul3A_296 = arith.constant 128 : i32
            %mul3A_297 = arith.muli %mul3A_296, %add3A_173 : i32
            %dma_start3A_298 = arith.constant 0 : i32
            %dma_start3A_299 = arith.constant 0 : i32
            %dma_start3A_300 = tpu.memref_slice %run_scoped3A[%rem3A_295, %dma_start3A_298, %dma_start3A_299] : memref<2x1x128xi32, #tpu.memory_space<vmem>> -> memref<1x1x128xi32, #tpu.memory_space<vmem>>
            %dma_start3A_301 = tpu.memref_squeeze %dma_start3A_300 : memref<1x1x128xi32, #tpu.memory_space<vmem>> -> memref<1x128xi32, #tpu.memory_space<vmem>>
            %dma_start3A_302 = arith.constant 0 : i32
            %dma_start3A_303 = tpu.memref_slice %arg3[%dma_start3A_302, %mul3A_297] : memref<1x33792xi32, #tpu.memory_space<hbm>> -> memref<1x128xi32, #tpu.memory_space<hbm>>
            %dma_start3A_304 = tpu.memref_slice %run_scoped3A_17[%rem3A_295] : memref<2x!tpu.dma_semaphore, #tpu.memory_space<semaphore_mem>> -> memref<1x!tpu.dma_semaphore, #tpu.memory_space<semaphore_mem>>
            %dma_start3A_305 = tpu.memref_squeeze %dma_start3A_304 : memref<1x!tpu.dma_semaphore, #tpu.memory_space<semaphore_mem>> -> memref<!tpu.dma_semaphore, #tpu.memory_space<semaphore_mem>>
            %dma_start3A_306 = arith.constant 0 : i32
            %dma_start3A_307 = arith.constant 0 : i32
            %dma_start3A_308 = tpu.memref_slice %run_scoped3A[%rem3A_295, %dma_start3A_306, %dma_start3A_307] : memref<2x1x128xi32, #tpu.memory_space<vmem>> -> memref<1x1x128xi32, #tpu.memory_space<vmem>>
            %dma_start3A_309 = tpu.memref_squeeze %dma_start3A_308 : memref<1x1x128xi32, #tpu.memory_space<vmem>> -> memref<1x128xi32, #tpu.memory_space<vmem>>
            %dma_start3A_310 = arith.constant 0 : i32
            %dma_start3A_311 = tpu.memref_slice %arg3[%dma_start3A_310, %mul3A_297] : memref<1x33792xi32, #tpu.memory_space<hbm>> -> memref<1x128xi32, #tpu.memory_space<hbm>>
            tpu.enqueue_dma source(%dma_start3A_311 : memref<1x128xi32, #tpu.memory_space<hbm>>) target(%dma_start3A_309 : memref<1x128xi32, #tpu.memory_space<vmem>>) target_semaphore(%dma_start3A_305 : memref<!tpu.dma_semaphore, #tpu.memory_space<semaphore_mem>>)
            "tpu.trace_stop"() : () -> ()
          } else {
          }
          %and3A_191 = arith.constant true
          %and3A_192 = arith.andi %and3A, %and3A_191 : i1
          %add3A_193 = arith.constant 1 : i32
          %add3A_194 = arith.addi %while3A_143, %add3A_193 : i32
          %select_n3A_195 = arith.select %and3A_192, %add3A_194, %while3A_143 : i32
          %ne3A_196 = arith.cmpi ne, %add3A_155, %add3A_173 : i32
          %or3A_197 = arith.constant false
          %or3A_198 = arith.ori %or3A_197, %ne3A_196 : i1
          %or3A_199 = arith.constant false
          %or3A_200 = arith.ori %or3A_198, %or3A_199 : i1
          %sub3A_201 = arith.constant 2 : i32
          %sub3A_202 = arith.subi %mul3A_149, %sub3A_201 : i32
          %add3A_203 = arith.constant 1 : i32
          %add3A_204 = arith.addi %sub3A_202, %add3A_203 : i32
          %ge3A_205 = arith.cmpi sge, %while3A_142, %add3A_204 : i32
          %not3A_206 = arith.constant true
          %not3A_207 = arith.xori %ge3A_205, %not3A_206 : i1
          %and3A_208 = arith.andi %or3A_200, %not3A_207 : i1
          %ne3A_209 = arith.cmpi ne, %add3A_155, %add3A_165 : i32
          %or3A_210 = arith.constant false
          %or3A_211 = arith.ori %or3A_210, %ne3A_209 : i1
          %or3A_212 = arith.ori %or3A_211, %eq3A_151 : i1
          %convert_element_type3A_213 = arith.extui %or3A_212 : i1 to i32
          %cond3A_214 = arith.constant 0 : i32
          %cond3A_215 = arith.cmpi ne, %convert_element_type3A_213, %cond3A_214 : i32
          scf.if %cond3A_215 {
            "tpu.trace_start"() <{level = 10 : i32, message = "ep_wait_in"}> : () -> ()
            %mul3A_294 = arith.constant 128 : i32
            %mul3A_295 = arith.muli %mul3A_294, %add3A_155 : i32
            %rem3A_296 = arith.constant 2 : i32
            %rem3A_297 = arith.remui %while3A_144, %rem3A_296 : i32
            %dma_wait3A = arith.constant 0 : i32
            %dma_wait3A_298 = arith.constant 0 : i32
            %dma_wait3A_299 = tpu.memref_slice %run_scoped3A[%rem3A_297, %dma_wait3A, %dma_wait3A_298] : memref<2x1x128xi32, #tpu.memory_space<vmem>> -> memref<1x1x128xi32, #tpu.memory_space<vmem>>
            %dma_wait3A_300 = tpu.memref_squeeze %dma_wait3A_299 : memref<1x1x128xi32, #tpu.memory_space<vmem>> -> memref<1x128xi32, #tpu.memory_space<vmem>>
            %dma_wait3A_301 = arith.constant 0 : i32
            %dma_wait3A_302 = tpu.memref_slice %arg3[%dma_wait3A_301, %mul3A_295] : memref<1x33792xi32, #tpu.memory_space<hbm>> -> memref<1x128xi32, #tpu.memory_space<hbm>>
            %dma_wait3A_303 = tpu.memref_slice %run_scoped3A_17[%rem3A_297] : memref<2x!tpu.dma_semaphore, #tpu.memory_space<semaphore_mem>> -> memref<1x!tpu.dma_semaphore, #tpu.memory_space<semaphore_mem>>
            %dma_wait3A_304 = tpu.memref_squeeze %dma_wait3A_303 : memref<1x!tpu.dma_semaphore, #tpu.memory_space<semaphore_mem>> -> memref<!tpu.dma_semaphore, #tpu.memory_space<semaphore_mem>>
            %dma_wait3A_305 = arith.constant 0 : i32
            %dma_wait3A_306 = arith.constant 0 : i32
            %dma_wait3A_307 = tpu.memref_slice %run_scoped3A[%rem3A_297, %dma_wait3A_305, %dma_wait3A_306] : memref<2x1x128xi32, #tpu.memory_space<vmem>> -> memref<1x1x128xi32, #tpu.memory_space<vmem>>
            %dma_wait3A_308 = tpu.memref_squeeze %dma_wait3A_307 : memref<1x1x128xi32, #tpu.memory_space<vmem>> -> memref<1x128xi32, #tpu.memory_space<vmem>>
            %dma_wait3A_309 = arith.constant 0 : i32
            %dma_wait3A_310 = tpu.memref_slice %arg3[%dma_wait3A_309, %mul3A_295] : memref<1x33792xi32, #tpu.memory_space<hbm>> -> memref<1x128xi32, #tpu.memory_space<hbm>>
            tpu.wait_dma2 semaphore(%dma_wait3A_304 : memref<!tpu.dma_semaphore, #tpu.memory_space<semaphore_mem>>) src(%dma_wait3A_310 : memref<1x128xi32, #tpu.memory_space<hbm>>) dst(%dma_wait3A_308 : memref<1x128xi32, #tpu.memory_space<vmem>>)
            "tpu.trace_stop"() : () -> ()
          } else {
          }
          %ne3A_216 = arith.cmpi ne, %add3A_155, %add3A_165 : i32
          %or3A_217 = arith.constant false
          %or3A_218 = arith.ori %or3A_217, %ne3A_216 : i1
          %or3A_219 = arith.constant false
          %or3A_220 = arith.ori %or3A_218, %or3A_219 : i1
          %or3A_221 = arith.ori %or3A_220, %eq3A_151 : i1
          %convert_element_type3A_222 = arith.extui %or3A_221 : i1 to i32
          %cond3A_223 = arith.constant 0 : i32
          %cond3A_224 = arith.cmpi ne, %convert_element_type3A_222, %cond3A_223 : i32
          scf.if %cond3A_224 {
          } else {
          }
          %rem3A_225 = arith.constant 2 : i32
          %rem3A_226 = arith.remui %while3A_144, %rem3A_225 : i32
          %rem3A_227 = arith.constant 2 : i32
          %rem3A_228 = arith.remui %while3A_145, %rem3A_227 : i32
          %run_scoped3A_229 = arith.constant 0 : i32
          "tpu.trace_start"() <{level = 10 : i32, message = "ep_run_kernel"}> : () -> ()
          "tpu.region"() ({
            %run_scoped3A_294 = tpu.sem_alloc : memref<!tpu.dma_semaphore, #tpu.memory_space<semaphore_mem>>
            %dma_start3A_295 = arith.constant 0 : i32
            %dma_start3A_296 = arith.constant 0 : i32
            %dma_start3A_297 = tpu.memref_slice %run_scoped3A_18[%rem3A_228, %dma_start3A_295, %dma_start3A_296] : memref<2x128x256xf32, #tpu.memory_space<vmem>> -> memref<1x128x256xf32, #tpu.memory_space<vmem>>
            %dma_start3A_298 = tpu.memref_squeeze %dma_start3A_297 : memref<1x128x256xf32, #tpu.memory_space<vmem>> -> memref<128x256xf32, #tpu.memory_space<vmem>>
            %dma_start3A_299 = arith.constant 0 : i32
            %dma_start3A_300 = arith.constant 0 : i32
            %dma_start3A_301 = tpu.memref_slice %run_scoped3A[%rem3A_226, %dma_start3A_299, %dma_start3A_300] : memref<2x1x128xi32, #tpu.memory_space<vmem>> -> memref<1x1x128xi32, #tpu.memory_space<vmem>>
            %dma_start3A_302 = tpu.memref_squeeze %dma_start3A_301 : memref<1x1x128xi32, #tpu.memory_space<vmem>> -> memref<1x128xi32, #tpu.memory_space<vmem>>
            %dma_start3A_303 = arith.constant 0 : i32
            %dma_start3A_304 = tpu.memref_slice %dma_start3A_302[%run_scoped3A_229, %dma_start3A_303] : memref<1x128xi32, #tpu.memory_space<vmem>> -> memref<1x128xi32, #tpu.memory_space<vmem>>
            %dma_start3A_305 = tpu.memref_squeeze %dma_start3A_304 : memref<1x128xi32, #tpu.memory_space<vmem>> -> memref<128xi32, #tpu.memory_space<vmem>>
            %dma_start3A_306 = arith.constant 0 : i32
            %dma_start3A_307 = arith.constant 0 : i32
            %dma_start3A_308 = tpu.memref_slice %arg2[%dma_start3A_306, %dma_start3A_307] : memref<50000x256xf32, #tpu.memory_space<hbm>> -> memref<50000x256xf32, #tpu.memory_space<hbm>>
            tpu.enqueue_indirect_dma source(%dma_start3A_308 : memref<50000x256xf32, #tpu.memory_space<hbm>>) target(%dma_start3A_298 : memref<128x256xf32, #tpu.memory_space<vmem>>) offsets(%dma_start3A_305 : memref<128xi32, #tpu.memory_space<vmem>>) semaphore(%run_scoped3A_294 : memref<!tpu.dma_semaphore, #tpu.memory_space<semaphore_mem>>)
            %dma_wait3A = arith.constant 0 : i32
            %dma_wait3A_309 = arith.constant 0 : i32
            %dma_wait3A_310 = tpu.memref_slice %run_scoped3A_18[%rem3A_228, %dma_wait3A, %dma_wait3A_309] : memref<2x128x256xf32, #tpu.memory_space<vmem>> -> memref<1x128x256xf32, #tpu.memory_space<vmem>>
            %dma_wait3A_311 = tpu.memref_squeeze %dma_wait3A_310 : memref<1x128x256xf32, #tpu.memory_space<vmem>> -> memref<128x256xf32, #tpu.memory_space<vmem>>
            %dma_wait3A_312 = arith.constant 0 : i32
            %dma_wait3A_313 = arith.constant 0 : i32
            %dma_wait3A_314 = tpu.memref_slice %run_scoped3A[%rem3A_226, %dma_wait3A_312, %dma_wait3A_313] : memref<2x1x128xi32, #tpu.memory_space<vmem>> -> memref<1x1x128xi32, #tpu.memory_space<vmem>>
            %dma_wait3A_315 = tpu.memref_squeeze %dma_wait3A_314 : memref<1x1x128xi32, #tpu.memory_space<vmem>> -> memref<1x128xi32, #tpu.memory_space<vmem>>
            %dma_wait3A_316 = arith.constant 0 : i32
            %dma_wait3A_317 = tpu.memref_slice %dma_wait3A_315[%run_scoped3A_229, %dma_wait3A_316] : memref<1x128xi32, #tpu.memory_space<vmem>> -> memref<1x128xi32, #tpu.memory_space<vmem>>
            %dma_wait3A_318 = tpu.memref_squeeze %dma_wait3A_317 : memref<1x128xi32, #tpu.memory_space<vmem>> -> memref<128xi32, #tpu.memory_space<vmem>>
            %dma_wait3A_319 = arith.constant 0 : i32
            %dma_wait3A_320 = arith.constant 0 : i32
            %dma_wait3A_321 = tpu.memref_slice %arg2[%dma_wait3A_319, %dma_wait3A_320] : memref<50000x256xf32, #tpu.memory_space<hbm>> -> memref<50000x256xf32, #tpu.memory_space<hbm>>
            tpu.wait_indirect_dma semaphore(%run_scoped3A_294 : memref<!tpu.dma_semaphore, #tpu.memory_space<semaphore_mem>>) src(%dma_wait3A_321 : memref<50000x256xf32, #tpu.memory_space<hbm>>) dst(%dma_wait3A_311 : memref<128x256xf32, #tpu.memory_space<vmem>>)
            tpu.yield
          }) : () -> ()
          "tpu.trace_stop"() : () -> ()
          %ne3A_230 = arith.cmpi ne, %add3A_155, %add3A_173 : i32
          %or3A_231 = arith.constant false
          %or3A_232 = arith.ori %or3A_231, %ne3A_230 : i1
          %or3A_233 = arith.ori %or3A_232, %eq3A_154 : i1
          %convert_element_type3A_234 = arith.extui %or3A_233 : i1 to i32
          %cond3A_235 = arith.constant 0 : i32
          %cond3A_236 = arith.cmpi ne, %convert_element_type3A_234, %cond3A_235 : i32
          scf.if %cond3A_236 {
          } else {
          }
          %and3A_237 = arith.constant false
          %and3A_238 = arith.andi %or3A_233, %and3A_237 : i1
          %ne3A_239 = arith.cmpi ne, %add3A_155, %add3A_173 : i32
          %or3A_240 = arith.constant false
          %or3A_241 = arith.ori %or3A_240, %ne3A_239 : i1
          %or3A_242 = arith.constant false
          %or3A_243 = arith.ori %or3A_241, %or3A_242 : i1
          %or3A_244 = arith.ori %or3A_243, %eq3A_154 : i1
          %convert_element_type3A_245 = arith.extui %or3A_244 : i1 to i32
          %cond3A_246 = arith.constant 0 : i32
          %cond3A_247 = arith.cmpi ne, %convert_element_type3A_245, %cond3A_246 : i32
          scf.if %cond3A_247 {
            "tpu.trace_start"() <{level = 10 : i32, message = "ep_copy_out"}> : () -> ()
            %rem3A_294 = arith.constant 2 : i32
            %rem3A_295 = arith.remui %while3A_145, %rem3A_294 : i32
            %mul3A_296 = arith.constant 128 : i32
            %mul3A_297 = arith.muli %mul3A_296, %add3A_155 : i32
            %dma_start3A_298 = arith.constant 0 : i32
            %dma_start3A_299 = arith.constant 0 : i32
            %dma_start3A_300 = tpu.memref_slice %run_scoped3A_18[%rem3A_295, %dma_start3A_298, %dma_start3A_299] : memref<2x128x256xf32, #tpu.memory_space<vmem>> -> memref<1x128x256xf32, #tpu.memory_space<vmem>>
            %dma_start3A_301 = tpu.memref_squeeze %dma_start3A_300 : memref<1x128x256xf32, #tpu.memory_space<vmem>> -> memref<128x256xf32, #tpu.memory_space<vmem>>
            %dma_start3A_302 = arith.constant 0 : i32
            %dma_start3A_303 = tpu.memref_slice %arg4[%mul3A_297, %dma_start3A_302] : memref<33792x256xf32, #tpu.memory_space<hbm>> -> memref<128x256xf32, #tpu.memory_space<hbm>>
            %dma_start3A_304 = tpu.memref_slice %run_scoped3A_19[%rem3A_295] : memref<2x!tpu.dma_semaphore, #tpu.memory_space<semaphore_mem>> -> memref<1x!tpu.dma_semaphore, #tpu.memory_space<semaphore_mem>>
            %dma_start3A_305 = tpu.memref_squeeze %dma_start3A_304 : memref<1x!tpu.dma_semaphore, #tpu.memory_space<semaphore_mem>> -> memref<!tpu.dma_semaphore, #tpu.memory_space<semaphore_mem>>
            %dma_start3A_306 = arith.constant 0 : i32
            %dma_start3A_307 = tpu.memref_slice %arg4[%mul3A_297, %dma_start3A_306] : memref<33792x256xf32, #tpu.memory_space<hbm>> -> memref<128x256xf32, #tpu.memory_space<hbm>>
            %dma_start3A_308 = arith.constant 0 : i32
            %dma_start3A_309 = arith.constant 0 : i32
            %dma_start3A_310 = tpu.memref_slice %run_scoped3A_18[%rem3A_295, %dma_start3A_308, %dma_start3A_309] : memref<2x128x256xf32, #tpu.memory_space<vmem>> -> memref<1x128x256xf32, #tpu.memory_space<vmem>>
            %dma_start3A_311 = tpu.memref_squeeze %dma_start3A_310 : memref<1x128x256xf32, #tpu.memory_space<vmem>> -> memref<128x256xf32, #tpu.memory_space<vmem>>
            tpu.enqueue_dma source(%dma_start3A_311 : memref<128x256xf32, #tpu.memory_space<vmem>>) target(%dma_start3A_307 : memref<128x256xf32, #tpu.memory_space<hbm>>) target_semaphore(%dma_start3A_305 : memref<!tpu.dma_semaphore, #tpu.memory_space<semaphore_mem>>)
            "tpu.trace_stop"() : () -> ()
          } else {
          }
          %and3A_248 = arith.constant true
          %and3A_249 = arith.andi %or3A_244, %and3A_248 : i1
          %add3A_250 = arith.constant 1 : i32
          %add3A_251 = arith.addi %while3A_145, %add3A_250 : i32
          %select_n3A_252 = arith.select %and3A_249, %add3A_251, %while3A_145 : i32
          %ne3A_253 = arith.cmpi ne, %add3A_155, %add3A_165 : i32
          %or3A_254 = arith.constant false
          %or3A_255 = arith.ori %or3A_254, %ne3A_253 : i1
          %not3A_256 = arith.constant true
          %not3A_257 = arith.xori %eq3A_151, %not3A_256 : i1
          %and3A_258 = arith.andi %or3A_255, %not3A_257 : i1
          %convert_element_type3A_259 = arith.extui %and3A_258 : i1 to i32
          %cond3A_260 = arith.constant 0 : i32
          %cond3A_261 = arith.cmpi ne, %convert_element_type3A_259, %cond3A_260 : i32
          scf.if %cond3A_261 {
          } else {
          }
          %and3A_262 = arith.constant false
          %and3A_263 = arith.andi %and3A_258, %and3A_262 : i1
          %ne3A_264 = arith.cmpi ne, %add3A_155, %add3A_165 : i32
          %or3A_265 = arith.constant false
          %or3A_266 = arith.ori %or3A_265, %ne3A_264 : i1
          %or3A_267 = arith.constant false
          %or3A_268 = arith.ori %or3A_266, %or3A_267 : i1
          %not3A_269 = arith.constant true
          %not3A_270 = arith.xori %eq3A_151, %not3A_269 : i1
          %and3A_271 = arith.andi %or3A_268, %not3A_270 : i1
          %convert_element_type3A_272 = arith.extui %and3A_271 : i1 to i32
          %cond3A_273 = arith.constant 0 : i32
          %cond3A_274 = arith.cmpi ne, %convert_element_type3A_272, %cond3A_273 : i32
          scf.if %cond3A_274 {
            "tpu.trace_start"() <{level = 10 : i32, message = "ep_wait_out"}> : () -> ()
            %rem3A_294 = arith.constant 2 : i32
            %rem3A_295 = arith.remui %while3A_146, %rem3A_294 : i32
            %mul3A_296 = arith.constant 128 : i32
            %mul3A_297 = arith.muli %mul3A_296, %add3A_165 : i32
            %dma_wait3A = arith.constant 0 : i32
            %dma_wait3A_298 = arith.constant 0 : i32
            %dma_wait3A_299 = tpu.memref_slice %run_scoped3A_18[%rem3A_295, %dma_wait3A, %dma_wait3A_298] : memref<2x128x256xf32, #tpu.memory_space<vmem>> -> memref<1x128x256xf32, #tpu.memory_space<vmem>>
            %dma_wait3A_300 = tpu.memref_squeeze %dma_wait3A_299 : memref<1x128x256xf32, #tpu.memory_space<vmem>> -> memref<128x256xf32, #tpu.memory_space<vmem>>
            %dma_wait3A_301 = arith.constant 0 : i32
            %dma_wait3A_302 = tpu.memref_slice %arg4[%mul3A_297, %dma_wait3A_301] : memref<33792x256xf32, #tpu.memory_space<hbm>> -> memref<128x256xf32, #tpu.memory_space<hbm>>
            %dma_wait3A_303 = tpu.memref_slice %run_scoped3A_19[%rem3A_295] : memref<2x!tpu.dma_semaphore, #tpu.memory_space<semaphore_mem>> -> memref<1x!tpu.dma_semaphore, #tpu.memory_space<semaphore_mem>>
            %dma_wait3A_304 = tpu.memref_squeeze %dma_wait3A_303 : memref<1x!tpu.dma_semaphore, #tpu.memory_space<semaphore_mem>> -> memref<!tpu.dma_semaphore, #tpu.memory_space<semaphore_mem>>
            %dma_wait3A_305 = arith.constant 0 : i32
            %dma_wait3A_306 = tpu.memref_slice %arg4[%mul3A_297, %dma_wait3A_305] : memref<33792x256xf32, #tpu.memory_space<hbm>> -> memref<128x256xf32, #tpu.memory_space<hbm>>
            %dma_wait3A_307 = arith.constant 0 : i32
            %dma_wait3A_308 = arith.constant 0 : i32
            %dma_wait3A_309 = tpu.memref_slice %run_scoped3A_18[%rem3A_295, %dma_wait3A_307, %dma_wait3A_308] : memref<2x128x256xf32, #tpu.memory_space<vmem>> -> memref<1x128x256xf32, #tpu.memory_space<vmem>>
            %dma_wait3A_310 = tpu.memref_squeeze %dma_wait3A_309 : memref<1x128x256xf32, #tpu.memory_space<vmem>> -> memref<128x256xf32, #tpu.memory_space<vmem>>
            tpu.wait_dma2 semaphore(%dma_wait3A_304 : memref<!tpu.dma_semaphore, #tpu.memory_space<semaphore_mem>>) src(%dma_wait3A_310 : memref<128x256xf32, #tpu.memory_space<vmem>>) dst(%dma_wait3A_306 : memref<128x256xf32, #tpu.memory_space<hbm>>)
            "tpu.trace_stop"() : () -> ()
          } else {
          }
          %and3A_275 = arith.constant true
          %and3A_276 = arith.andi %and3A_271, %and3A_275 : i1
          %add3A_277 = arith.constant 1 : i32
          %add3A_278 = arith.addi %while3A_146, %add3A_277 : i32
          %select_n3A_279 = arith.select %and3A_276, %add3A_278, %while3A_146 : i32
          %ne3A_280 = arith.cmpi ne, %add3A_155, %add3A_173 : i32
          %or3A_281 = arith.constant false
          %or3A_282 = arith.ori %or3A_281, %ne3A_280 : i1
          %or3A_283 = arith.ori %or3A_282, %eq3A_154 : i1
          %add3A_284 = arith.constant 1 : i32
          %add3A_285 = arith.addi %while3A_144, %add3A_284 : i32
          %select_n3A_286 = arith.select %or3A_283, %add3A_285, %while3A_144 : i32
          %add3A_287 = arith.constant 1 : i32
          %add3A_288 = arith.addi %while3A_147, %add3A_287 : i32
          %select_n3A_289 = arith.constant true
          %select_n3A_290 = arith.select %select_n3A_289, %add3A_288, %while3A_147 : i32
          %eq3A_291 = arith.cmpi eq, %select_n3A_290, %select_n3A : i32
          %select_n3A_292 = arith.constant 0 : i32
          %select_n3A_293 = arith.select %eq3A_291, %select_n3A_292, %select_n3A_290 : i32
          scf.yield %select_n3A_195, %select_n3A_286, %select_n3A_252, %select_n3A_279, %select_n3A_293 : i32, i32, i32, i32, i32
        }
        %sub3A_91 = arith.constant 1 : i32
        %sub3A_92 = arith.subi %while3A_90#4, %sub3A_91 : i32
        %select_n3A_93 = arith.constant true
        %select_n3A_94 = arith.select %select_n3A_93, %sub3A_92, %while3A_90#4 : i32
        %eq3A_95 = arith.constant -1 : i32
        %eq3A_96 = arith.cmpi eq, %select_n3A_94, %eq3A_95 : i32
        %sub3A_97 = arith.constant 1 : i32
        %sub3A_98 = arith.subi %select_n3A, %sub3A_97 : i32
        %select_n3A_99 = arith.select %eq3A_96, %sub3A_98, %select_n3A_94 : i32
        %sub3A_100 = arith.constant 1 : i32
        %sub3A_101 = arith.subi %mul3A_16, %sub3A_100 : i32
        %mul3A_102 = arith.constant 1 : i32
        %mul3A_103 = arith.muli %mul3A_102, %select_n3A : i32
        %eq3A_104 = arith.constant 0 : i32
        %eq3A_105 = arith.cmpi eq, %sub3A_101, %eq3A_104 : i32
        %sub3A_106 = arith.constant 1 : i32
        %sub3A_107 = arith.subi %mul3A_103, %sub3A_106 : i32
        %eq3A_108 = arith.cmpi eq, %sub3A_101, %sub3A_107 : i32
        %add3A_109 = arith.addi %select_n3A_99, %select_n3A_14 : i32
        %sub3A_110 = arith.constant 1 : i32
        %sub3A_111 = arith.subi %select_n3A_99, %sub3A_110 : i32
        %select_n3A_112 = arith.constant true
        %select_n3A_113 = arith.select %select_n3A_112, %sub3A_111, %select_n3A_99 : i32
        %eq3A_114 = arith.constant -1 : i32
        %eq3A_115 = arith.cmpi eq, %select_n3A_113, %eq3A_114 : i32
        %sub3A_116 = arith.constant 1 : i32
        %sub3A_117 = arith.subi %select_n3A, %sub3A_116 : i32
        %select_n3A_118 = arith.select %eq3A_115, %sub3A_117, %select_n3A_113 : i32
        %add3A_119 = arith.addi %select_n3A_118, %select_n3A_14 : i32
        %add3A_120 = arith.constant 1 : i32
        %add3A_121 = arith.addi %select_n3A_99, %add3A_120 : i32
        %select_n3A_122 = arith.constant true
        %select_n3A_123 = arith.select %select_n3A_122, %add3A_121, %select_n3A_99 : i32
        %eq3A_124 = arith.cmpi eq, %select_n3A_123, %select_n3A : i32
        %select_n3A_125 = arith.constant 0 : i32
        %select_n3A_126 = arith.select %eq3A_124, %select_n3A_125, %select_n3A_123 : i32
        %add3A_127 = arith.addi %select_n3A_126, %select_n3A_14 : i32
        %add3A_128 = arith.constant 1 : i32
        %add3A_129 = arith.addi %select_n3A_126, %add3A_128 : i32
        %select_n3A_130 = arith.constant true
        %select_n3A_131 = arith.select %select_n3A_130, %add3A_129, %select_n3A_126 : i32
        %eq3A_132 = arith.cmpi eq, %select_n3A_131, %select_n3A : i32
        %select_n3A_133 = arith.constant 0 : i32
        %select_n3A_134 = arith.select %eq3A_132, %select_n3A_133, %select_n3A_131 : i32
        %add3A_135 = arith.addi %select_n3A_134, %select_n3A_14 : i32
        %convert_element_type3A_136 = arith.extui %eq3A_108 : i1 to i32
        %cond3A_137 = arith.constant 0 : i32
        %cond3A_138 = arith.cmpi ne, %convert_element_type3A_136, %cond3A_137 : i32
        scf.if %cond3A_138 {
        } else {
        }
        %convert_element_type3A_139 = arith.extui %eq3A_108 : i1 to i32
        %cond3A_140 = arith.constant 0 : i32
        %cond3A_141 = arith.cmpi ne, %convert_element_type3A_139, %cond3A_140 : i32
        scf.if %cond3A_141 {
          "tpu.trace_start"() <{level = 10 : i32, message = "ep_finalize"}> : () -> ()
          %rem3A_142 = arith.constant 2 : i32
          %rem3A_143 = arith.remui %while3A_90#3, %rem3A_142 : i32
          %mul3A_144 = arith.constant 128 : i32
          %mul3A_145 = arith.muli %mul3A_144, %add3A_109 : i32
          %dma_wait3A = arith.constant 0 : i32
          %dma_wait3A_146 = arith.constant 0 : i32
          %dma_wait3A_147 = tpu.memref_slice %run_scoped3A_18[%rem3A_143, %dma_wait3A, %dma_wait3A_146] : memref<2x128x256xf32, #tpu.memory_space<vmem>> -> memref<1x128x256xf32, #tpu.memory_space<vmem>>
          %dma_wait3A_148 = tpu.memref_squeeze %dma_wait3A_147 : memref<1x128x256xf32, #tpu.memory_space<vmem>> -> memref<128x256xf32, #tpu.memory_space<vmem>>
          %dma_wait3A_149 = arith.constant 0 : i32
          %dma_wait3A_150 = tpu.memref_slice %arg4[%mul3A_145, %dma_wait3A_149] : memref<33792x256xf32, #tpu.memory_space<hbm>> -> memref<128x256xf32, #tpu.memory_space<hbm>>
          %dma_wait3A_151 = tpu.memref_slice %run_scoped3A_19[%rem3A_143] : memref<2x!tpu.dma_semaphore, #tpu.memory_space<semaphore_mem>> -> memref<1x!tpu.dma_semaphore, #tpu.memory_space<semaphore_mem>>
          %dma_wait3A_152 = tpu.memref_squeeze %dma_wait3A_151 : memref<1x!tpu.dma_semaphore, #tpu.memory_space<semaphore_mem>> -> memref<!tpu.dma_semaphore, #tpu.memory_space<semaphore_mem>>
          %dma_wait3A_153 = arith.constant 0 : i32
          %dma_wait3A_154 = tpu.memref_slice %arg4[%mul3A_145, %dma_wait3A_153] : memref<33792x256xf32, #tpu.memory_space<hbm>> -> memref<128x256xf32, #tpu.memory_space<hbm>>
          %dma_wait3A_155 = arith.constant 0 : i32
          %dma_wait3A_156 = arith.constant 0 : i32
          %dma_wait3A_157 = tpu.memref_slice %run_scoped3A_18[%rem3A_143, %dma_wait3A_155, %dma_wait3A_156] : memref<2x128x256xf32, #tpu.memory_space<vmem>> -> memref<1x128x256xf32, #tpu.memory_space<vmem>>
          %dma_wait3A_158 = tpu.memref_squeeze %dma_wait3A_157 : memref<1x128x256xf32, #tpu.memory_space<vmem>> -> memref<128x256xf32, #tpu.memory_space<vmem>>
          tpu.wait_dma2 semaphore(%dma_wait3A_152 : memref<!tpu.dma_semaphore, #tpu.memory_space<semaphore_mem>>) src(%dma_wait3A_158 : memref<128x256xf32, #tpu.memory_space<vmem>>) dst(%dma_wait3A_154 : memref<128x256xf32, #tpu.memory_space<hbm>>)
          "tpu.trace_stop"() : () -> ()
        } else {
        }
      } else {
      }
      tpu.yield
    }) : () -> ()
    return
  }
}

#map = affine_map<(d0, d1) -> (0, 0)>
module attributes {stable_mosaic.version = 14 : i64} {
  func.func @k(%arg0: i32, %arg1: i32, %arg2: memref<50000x256xf32, #tpu.memory_space<hbm>>, %arg3: memref<1x33792xi32, #tpu.memory_space<hbm>>, %arg4: memref<33792x256xf32, #tpu.memory_space<hbm>>) attributes {dimension_semantics = [#tpu.dimension_semantics<core_parallel>, #tpu.dimension_semantics<subcore_parallel>], iteration_bounds = array<i64: 2, 16>, scalar_prefetch = 0 : i64, scratch_operands = 0 : i64, tpu.core_type = #tpu.core_type<sc_vector_subcore>, window_params = [{transform_indices = #map}, {transform_indices = #map}, {transform_indices = #map}]} {
    %mul3A = arith.constant 1 : i32
    %mul3A_0 = arith.muli %arg1, %mul3A : i32
    %add3A = arith.constant 0 : i32
    %add3A_1 = arith.addi %add3A, %mul3A_0 : i32
    %mul3A_2 = arith.constant 16 : i32
    %mul3A_3 = arith.muli %arg0, %mul3A_2 : i32
    %add3A_4 = arith.addi %add3A_1, %mul3A_3 : i32
    %lt3A = arith.constant 8 : i32
    %lt3A_5 = arith.cmpi slt, %add3A_4, %lt3A : i32
    %jit3A = arith.constant 9 : i32
    %jit3A_6 = arith.constant 8 : i32
    %select_n3A = arith.select %lt3A_5, %jit3A, %jit3A_6 : i32
    %lt3A_7 = arith.constant 8 : i32
    %lt3A_8 = arith.cmpi slt, %add3A_4, %lt3A_7 : i32
    %mul3A_9 = arith.muli %add3A_4, %select_n3A : i32
    %mul3A_10 = arith.constant 8 : i32
    %mul3A_11 = arith.muli %add3A_4, %mul3A_10 : i32
    %add3A_12 = arith.constant 8 : i32
    %add3A_13 = arith.addi %mul3A_11, %add3A_12 : i32
    %select_n3A_14 = arith.select %lt3A_8, %mul3A_9, %add3A_13 : i32
    %mul3A_15 = arith.constant 1 : i32
    %mul3A_16 = arith.muli %mul3A_15, %select_n3A : i32
    "tpu.region"() ({
      %run_scoped3A = memref.alloca() : memref<2x1x128xi32, #tpu.memory_space<vmem>>
      %run_scoped3A_17 = tpu.sem_alloc : memref<2x!tpu.dma_semaphore, #tpu.memory_space<semaphore_mem>>
      %run_scoped3A_18 = memref.alloca() : memref<2x128x256xf32, #tpu.memory_space<vmem>>
      %run_scoped3A_19 = tpu.sem_alloc : memref<2x!tpu.dma_semaphore, #tpu.memory_space<semaphore_mem>>
      %gt3A = arith.constant 0 : i32
      %gt3A_20 = arith.cmpi sgt, %mul3A_16, %gt3A : i32
      %convert_element_type3A = arith.extui %gt3A_20 : i1 to i32
      %cond3A = arith.constant 0 : i32
      %cond3A_21 = arith.cmpi ne, %convert_element_type3A, %cond3A : i32
      scf.if %cond3A_21 {
        %mul3A_22 = arith.constant 1 : i32
        %mul3A_23 = arith.muli %mul3A_22, %select_n3A : i32
        %sub3A = arith.constant 1 : i32
        %sub3A_24 = arith.subi %mul3A_23, %sub3A : i32
        %eq3A = arith.constant 0 : i32
        %eq3A_25 = arith.cmpi eq, %sub3A_24, %eq3A : i32
        %add3A_26 = arith.constant 0 : i32
        %add3A_27 = arith.addi %add3A_26, %select_n3A_14 : i32
        %select_n3A_28 = arith.constant true
        %select_n3A_29 = arith.constant 0 : i32
        %select_n3A_30 = arith.constant -1 : i32
        %select_n3A_31 = arith.select %select_n3A_28, %select_n3A_30, %select_n3A_29 : i32
        %eq3A_32 = arith.constant -1 : i32
        %eq3A_33 = arith.cmpi eq, %select_n3A_31, %eq3A_32 : i32
        %sub3A_34 = arith.constant 1 : i32
        %sub3A_35 = arith.subi %select_n3A, %sub3A_34 : i32
        %select_n3A_36 = arith.select %eq3A_33, %sub3A_35, %select_n3A_31 : i32
        %add3A_37 = arith.addi %select_n3A_36, %select_n3A_14 : i32
        %select_n3A_38 = arith.constant true
        %select_n3A_39 = arith.constant 0 : i32
        %select_n3A_40 = arith.constant 1 : i32
        %select_n3A_41 = arith.select %select_n3A_38, %select_n3A_40, %select_n3A_39 : i32
        %eq3A_42 = arith.cmpi eq, %select_n3A_41, %select_n3A : i32
        %select_n3A_43 = arith.constant 0 : i32
        %select_n3A_44 = arith.select %eq3A_42, %select_n3A_43, %select_n3A_41 : i32
        %add3A_45 = arith.addi %select_n3A_44, %select_n3A_14 : i32
        %add3A_46 = arith.constant 1 : i32
        %add3A_47 = arith.addi %select_n3A_44, %add3A_46 : i32
        %select_n3A_48 = arith.constant true
        %select_n3A_49 = arith.select %select_n3A_48, %add3A_47, %select_n3A_44 : i32
        %eq3A_50 = arith.cmpi eq, %select_n3A_49, %select_n3A : i32
        %select_n3A_51 = arith.constant 0 : i32
        %select_n3A_52 = arith.select %eq3A_50, %select_n3A_51, %select_n3A_49 : i32
        %add3A_53 = arith.addi %select_n3A_52, %select_n3A_14 : i32
        "tpu.trace_start"() <{level = 10 : i32, message = "ep_initialize_0"}> : () -> ()
        %rem3A = arith.constant 0 : i32
        %rem3A_54 = arith.constant 2 : i32
        %rem3A_55 = arith.remui %rem3A, %rem3A_54 : i32
        %mul3A_56 = arith.constant 128 : i32
        %mul3A_57 = arith.muli %mul3A_56, %add3A_27 : i32
        %dma_start3A = arith.constant 0 : i32
        %dma_start3A_58 = arith.constant 0 : i32
        %dma_start3A_59 = tpu.memref_slice %run_scoped3A[%rem3A_55, %dma_start3A, %dma_start3A_58] : memref<2x1x128xi32, #tpu.memory_space<vmem>> -> memref<1x1x128xi32, #tpu.memory_space<vmem>>
        %dma_start3A_60 = tpu.memref_squeeze %dma_start3A_59 : memref<1x1x128xi32, #tpu.memory_space<vmem>> -> memref<1x128xi32, #tpu.memory_space<vmem>>
        %dma_start3A_61 = arith.constant 0 : i32
        %dma_start3A_62 = tpu.memref_slice %arg3[%dma_start3A_61, %mul3A_57] : memref<1x33792xi32, #tpu.memory_space<hbm>> -> memref<1x128xi32, #tpu.memory_space<hbm>>
        %dma_start3A_63 = tpu.memref_slice %run_scoped3A_17[%rem3A_55] : memref<2x!tpu.dma_semaphore, #tpu.memory_space<semaphore_mem>> -> memref<1x!tpu.dma_semaphore, #tpu.memory_space<semaphore_mem>>
        %dma_start3A_64 = tpu.memref_squeeze %dma_start3A_63 : memref<1x!tpu.dma_semaphore, #tpu.memory_space<semaphore_mem>> -> memref<!tpu.dma_semaphore, #tpu.memory_space<semaphore_mem>>
        %dma_start3A_65 = arith.constant 0 : i32
        %dma_start3A_66 = arith.constant 0 : i32
        %dma_start3A_67 = tpu.memref_slice %run_scoped3A[%rem3A_55, %dma_start3A_65, %dma_start3A_66] : memref<2x1x128xi32, #tpu.memory_space<vmem>> -> memref<1x1x128xi32, #tpu.memory_space<vmem>>
        %dma_start3A_68 = tpu.memref_squeeze %dma_start3A_67 : memref<1x1x128xi32, #tpu.memory_space<vmem>> -> memref<1x128xi32, #tpu.memory_space<vmem>>
        %dma_start3A_69 = arith.constant 0 : i32
        %dma_start3A_70 = tpu.memref_slice %arg3[%dma_start3A_69, %mul3A_57] : memref<1x33792xi32, #tpu.memory_space<hbm>> -> memref<1x128xi32, #tpu.memory_space<hbm>>
        tpu.enqueue_dma source(%dma_start3A_70 : memref<1x128xi32, #tpu.memory_space<hbm>>) target(%dma_start3A_68 : memref<1x128xi32, #tpu.memory_space<vmem>>) target_semaphore(%dma_start3A_64 : memref<!tpu.dma_semaphore, #tpu.memory_space<semaphore_mem>>)
        %add3A_71 = arith.constant 0 : i32
        %add3A_72 = arith.constant 1 : i32
        %add3A_73 = arith.addi %add3A_71, %add3A_72 : i32
        %select_n3A_74 = arith.constant true
        %select_n3A_75 = arith.constant 0 : i32
        %select_n3A_76 = arith.select %select_n3A_74, %add3A_73, %select_n3A_75 : i32
        %while3A = arith.constant 0 : i32
        %while3A_77 = arith.constant 0 : i32
        %while3A_78 = arith.constant 0 : i32
        %while3A_79 = arith.constant 0 : i32
        %while3A_80 = arith.constant 0 : i32
        "tpu.trace_stop"() : () -> ()
        %while3A_81 = arith.subi %mul3A_16, %while3A : i32
        %while3A_82 = arith.addi %while3A, %while3A_81 : i32
        %while3A_83 = arith.constant 1 : i32
        %while3A_84 = arith.divsi %while3A_81, %while3A_83 : i32
        %while3A_85 = arith.muli %while3A_84, %while3A_83 : i32
        %while3A_86 = arith.addi %while3A, %while3A_85 : i32
        %while3A_87 = arith.constant 1 : i32
        %while3A_88:5 = scf.for %while3A_142 = %while3A to %while3A_86 step %while3A_87 iter_args(%while3A_143 = %select_n3A_76, %while3A_144 = %while3A_77, %while3A_145 = %while3A_78, %while3A_146 = %while3A_79, %while3A_147 = %while3A_80) -> (i32, i32, i32, i32, i32)  : i32 {
          %mul3A_148 = arith.constant 1 : i32
          %mul3A_149 = arith.muli %mul3A_148, %select_n3A : i32
          %eq3A_150 = arith.constant 0 : i32
          %eq3A_151 = arith.cmpi eq, %while3A_142, %eq3A_150 : i32
          %sub3A_152 = arith.constant 1 : i32
          %sub3A_153 = arith.subi %mul3A_149, %sub3A_152 : i32
          %eq3A_154 = arith.cmpi eq, %while3A_142, %sub3A_153 : i32
          %add3A_155 = arith.addi %while3A_147, %select_n3A_14 : i32
          %sub3A_156 = arith.constant 1 : i32
          %sub3A_157 = arith.subi %while3A_147, %sub3A_156 : i32
          %select_n3A_158 = arith.constant true
          %select_n3A_159 = arith.select %select_n3A_158, %sub3A_157, %while3A_147 : i32
          %eq3A_160 = arith.constant -1 : i32
          %eq3A_161 = arith.cmpi eq, %select_n3A_159, %eq3A_160 : i32
          %sub3A_162 = arith.constant 1 : i32
          %sub3A_163 = arith.subi %select_n3A, %sub3A_162 : i32
          %select_n3A_164 = arith.select %eq3A_161, %sub3A_163, %select_n3A_159 : i32
          %add3A_165 = arith.addi %select_n3A_164, %select_n3A_14 : i32
          %add3A_166 = arith.constant 1 : i32
          %add3A_167 = arith.addi %while3A_147, %add3A_166 : i32
          %select_n3A_168 = arith.constant true
          %select_n3A_169 = arith.select %select_n3A_168, %add3A_167, %while3A_147 : i32
          %eq3A_170 = arith.cmpi eq, %select_n3A_169, %select_n3A : i32
          %select_n3A_171 = arith.constant 0 : i32
          %select_n3A_172 = arith.select %eq3A_170, %select_n3A_171, %select_n3A_169 : i32
          %add3A_173 = arith.addi %select_n3A_172, %select_n3A_14 : i32
          %add3A_174 = arith.constant 1 : i32
          %add3A_175 = arith.addi %select_n3A_172, %add3A_174 : i32
          %select_n3A_176 = arith.constant true
          %select_n3A_177 = arith.select %select_n3A_176, %add3A_175, %select_n3A_172 : i32
          %eq3A_178 = arith.cmpi eq, %select_n3A_177, %select_n3A : i32
          %select_n3A_179 = arith.constant 0 : i32
          %select_n3A_180 = arith.select %eq3A_178, %select_n3A_179, %select_n3A_177 : i32
          %add3A_181 = arith.addi %select_n3A_180, %select_n3A_14 : i32
          %ne3A = arith.cmpi ne, %add3A_155, %add3A_173 : i32
          %or3A = arith.constant false
          %or3A_182 = arith.ori %or3A, %ne3A : i1
          %sub3A_183 = arith.constant 2 : i32
          %sub3A_184 = arith.subi %mul3A_149, %sub3A_183 : i32
          %add3A_185 = arith.constant 1 : i32
          %add3A_186 = arith.addi %sub3A_184, %add3A_185 : i32
          %ge3A = arith.cmpi sge, %while3A_142, %add3A_186 : i32
          %not3A = arith.constant true
          %not3A_187 = arith.xori %ge3A, %not3A : i1
          %and3A = arith.andi %or3A_182, %not3A_187 : i1
          %convert_element_type3A_188 = arith.extui %and3A : i1 to i32
          %cond3A_189 = arith.constant 0 : i32
          %cond3A_190 = arith.cmpi ne, %convert_element_type3A_188, %cond3A_189 : i32
          scf.if %cond3A_190 {
            "tpu.trace_start"() <{level = 10 : i32, message = "ep_copy_in"}> : () -> ()
            %rem3A_294 = arith.constant 2 : i32
            %rem3A_295 = arith.remui %while3A_143, %rem3A_294 : i32
            %mul3A_296 = arith.constant 128 : i32
            %mul3A_297 = arith.muli %mul3A_296, %add3A_173 : i32
            %dma_start3A_298 = arith.constant 0 : i32
            %dma_start3A_299 = arith.constant 0 : i32
            %dma_start3A_300 = tpu.memref_slice %run_scoped3A[%rem3A_295, %dma_start3A_298, %dma_start3A_299] : memref<2x1x128xi32, #tpu.memory_space<vmem>> -> memref<1x1x128xi32, #tpu.memory_space<vmem>>
            %dma_start3A_301 = tpu.memref_squeeze %dma_start3A_300 : memref<1x1x128xi32, #tpu.memory_space<vmem>> -> memref<1x128xi32, #tpu.memory_space<vmem>>
            %dma_start3A_302 = arith.constant 0 : i32
            %dma_start3A_303 = tpu.memref_slice %arg3[%dma_start3A_302, %mul3A_297] : memref<1x33792xi32, #tpu.memory_space<hbm>> -> memref<1x128xi32, #tpu.memory_space<hbm>>
            %dma_start3A_304 = tpu.memref_slice %run_scoped3A_17[%rem3A_295] : memref<2x!tpu.dma_semaphore, #tpu.memory_space<semaphore_mem>> -> memref<1x!tpu.dma_semaphore, #tpu.memory_space<semaphore_mem>>
            %dma_start3A_305 = tpu.memref_squeeze %dma_start3A_304 : memref<1x!tpu.dma_semaphore, #tpu.memory_space<semaphore_mem>> -> memref<!tpu.dma_semaphore, #tpu.memory_space<semaphore_mem>>
            %dma_start3A_306 = arith.constant 0 : i32
            %dma_start3A_307 = arith.constant 0 : i32
            %dma_start3A_308 = tpu.memref_slice %run_scoped3A[%rem3A_295, %dma_start3A_306, %dma_start3A_307] : memref<2x1x128xi32, #tpu.memory_space<vmem>> -> memref<1x1x128xi32, #tpu.memory_space<vmem>>
            %dma_start3A_309 = tpu.memref_squeeze %dma_start3A_308 : memref<1x1x128xi32, #tpu.memory_space<vmem>> -> memref<1x128xi32, #tpu.memory_space<vmem>>
            %dma_start3A_310 = arith.constant 0 : i32
            %dma_start3A_311 = tpu.memref_slice %arg3[%dma_start3A_310, %mul3A_297] : memref<1x33792xi32, #tpu.memory_space<hbm>> -> memref<1x128xi32, #tpu.memory_space<hbm>>
            tpu.enqueue_dma source(%dma_start3A_311 : memref<1x128xi32, #tpu.memory_space<hbm>>) target(%dma_start3A_309 : memref<1x128xi32, #tpu.memory_space<vmem>>) target_semaphore(%dma_start3A_305 : memref<!tpu.dma_semaphore, #tpu.memory_space<semaphore_mem>>)
            "tpu.trace_stop"() : () -> ()
          } else {
          }
          %and3A_191 = arith.constant true
          %and3A_192 = arith.andi %and3A, %and3A_191 : i1
          %add3A_193 = arith.constant 1 : i32
          %add3A_194 = arith.addi %while3A_143, %add3A_193 : i32
          %select_n3A_195 = arith.select %and3A_192, %add3A_194, %while3A_143 : i32
          %ne3A_196 = arith.cmpi ne, %add3A_155, %add3A_173 : i32
          %or3A_197 = arith.constant false
          %or3A_198 = arith.ori %or3A_197, %ne3A_196 : i1
          %or3A_199 = arith.constant false
          %or3A_200 = arith.ori %or3A_198, %or3A_199 : i1
          %sub3A_201 = arith.constant 2 : i32
          %sub3A_202 = arith.subi %mul3A_149, %sub3A_201 : i32
          %add3A_203 = arith.constant 1 : i32
          %add3A_204 = arith.addi %sub3A_202, %add3A_203 : i32
          %ge3A_205 = arith.cmpi sge, %while3A_142, %add3A_204 : i32
          %not3A_206 = arith.constant true
          %not3A_207 = arith.xori %ge3A_205, %not3A_206 : i1
          %and3A_208 = arith.andi %or3A_200, %not3A_207 : i1
          %ne3A_209 = arith.cmpi ne, %add3A_155, %add3A_165 : i32
          %or3A_210 = arith.constant false
          %or3A_211 = arith.ori %or3A_210, %ne3A_209 : i1
          %or3A_212 = arith.ori %or3A_211, %eq3A_151 : i1
          %convert_element_type3A_213 = arith.extui %or3A_212 : i1 to i32
          %cond3A_214 = arith.constant 0 : i32
          %cond3A_215 = arith.cmpi ne, %convert_element_type3A_213, %cond3A_214 : i32
          scf.if %cond3A_215 {
            "tpu.trace_start"() <{level = 10 : i32, message = "ep_wait_in"}> : () -> ()
            %mul3A_294 = arith.constant 128 : i32
            %mul3A_295 = arith.muli %mul3A_294, %add3A_155 : i32
            %rem3A_296 = arith.constant 2 : i32
            %rem3A_297 = arith.remui %while3A_144, %rem3A_296 : i32
            %dma_wait3A = arith.constant 0 : i32
            %dma_wait3A_298 = arith.constant 0 : i32
            %dma_wait3A_299 = tpu.memref_slice %run_scoped3A[%rem3A_297, %dma_wait3A, %dma_wait3A_298] : memref<2x1x128xi32, #tpu.memory_space<vmem>> -> memref<1x1x128xi32, #tpu.memory_space<vmem>>
            %dma_wait3A_300 = tpu.memref_squeeze %dma_wait3A_299 : memref<1x1x128xi32, #tpu.memory_space<vmem>> -> memref<1x128xi32, #tpu.memory_space<vmem>>
            %dma_wait3A_301 = arith.constant 0 : i32
            %dma_wait3A_302 = tpu.memref_slice %arg3[%dma_wait3A_301, %mul3A_295] : memref<1x33792xi32, #tpu.memory_space<hbm>> -> memref<1x128xi32, #tpu.memory_space<hbm>>
            %dma_wait3A_303 = tpu.memref_slice %run_scoped3A_17[%rem3A_297] : memref<2x!tpu.dma_semaphore, #tpu.memory_space<semaphore_mem>> -> memref<1x!tpu.dma_semaphore, #tpu.memory_space<semaphore_mem>>
            %dma_wait3A_304 = tpu.memref_squeeze %dma_wait3A_303 : memref<1x!tpu.dma_semaphore, #tpu.memory_space<semaphore_mem>> -> memref<!tpu.dma_semaphore, #tpu.memory_space<semaphore_mem>>
            %dma_wait3A_305 = arith.constant 0 : i32
            %dma_wait3A_306 = arith.constant 0 : i32
            %dma_wait3A_307 = tpu.memref_slice %run_scoped3A[%rem3A_297, %dma_wait3A_305, %dma_wait3A_306] : memref<2x1x128xi32, #tpu.memory_space<vmem>> -> memref<1x1x128xi32, #tpu.memory_space<vmem>>
            %dma_wait3A_308 = tpu.memref_squeeze %dma_wait3A_307 : memref<1x1x128xi32, #tpu.memory_space<vmem>> -> memref<1x128xi32, #tpu.memory_space<vmem>>
            %dma_wait3A_309 = arith.constant 0 : i32
            %dma_wait3A_310 = tpu.memref_slice %arg3[%dma_wait3A_309, %mul3A_295] : memref<1x33792xi32, #tpu.memory_space<hbm>> -> memref<1x128xi32, #tpu.memory_space<hbm>>
            tpu.wait_dma2 semaphore(%dma_wait3A_304 : memref<!tpu.dma_semaphore, #tpu.memory_space<semaphore_mem>>) src(%dma_wait3A_310 : memref<1x128xi32, #tpu.memory_space<hbm>>) dst(%dma_wait3A_308 : memref<1x128xi32, #tpu.memory_space<vmem>>)
            "tpu.trace_stop"() : () -> ()
          } else {
          }
          %ne3A_216 = arith.cmpi ne, %add3A_155, %add3A_165 : i32
          %or3A_217 = arith.constant false
          %or3A_218 = arith.ori %or3A_217, %ne3A_216 : i1
          %or3A_219 = arith.constant false
          %or3A_220 = arith.ori %or3A_218, %or3A_219 : i1
          %or3A_221 = arith.ori %or3A_220, %eq3A_151 : i1
          %convert_element_type3A_222 = arith.extui %or3A_221 : i1 to i32
          %cond3A_223 = arith.constant 0 : i32
          %cond3A_224 = arith.cmpi ne, %convert_element_type3A_222, %cond3A_223 : i32
          scf.if %cond3A_224 {
          } else {
          }
          %rem3A_225 = arith.constant 2 : i32
          %rem3A_226 = arith.remui %while3A_144, %rem3A_225 : i32
          %rem3A_227 = arith.constant 2 : i32
          %rem3A_228 = arith.remui %while3A_145, %rem3A_227 : i32
          %run_scoped3A_229 = arith.constant 0 : i32
          "tpu.trace_start"() <{level = 10 : i32, message = "ep_run_kernel"}> : () -> ()
          "tpu.region"() ({
            %run_scoped3A_294 = tpu.sem_alloc : memref<!tpu.dma_semaphore, #tpu.memory_space<semaphore_mem>>
            %dma_start3A_295 = arith.constant 0 : i32
            %dma_start3A_296 = arith.constant 0 : i32
            %dma_start3A_297 = tpu.memref_slice %run_scoped3A_18[%rem3A_228, %dma_start3A_295, %dma_start3A_296] : memref<2x128x256xf32, #tpu.memory_space<vmem>> -> memref<1x128x256xf32, #tpu.memory_space<vmem>>
            %dma_start3A_298 = tpu.memref_squeeze %dma_start3A_297 : memref<1x128x256xf32, #tpu.memory_space<vmem>> -> memref<128x256xf32, #tpu.memory_space<vmem>>
            %dma_start3A_299 = arith.constant 0 : i32
            %dma_start3A_300 = arith.constant 0 : i32
            %dma_start3A_301 = tpu.memref_slice %run_scoped3A[%rem3A_226, %dma_start3A_299, %dma_start3A_300] : memref<2x1x128xi32, #tpu.memory_space<vmem>> -> memref<1x1x128xi32, #tpu.memory_space<vmem>>
            %dma_start3A_302 = tpu.memref_squeeze %dma_start3A_301 : memref<1x1x128xi32, #tpu.memory_space<vmem>> -> memref<1x128xi32, #tpu.memory_space<vmem>>
            %dma_start3A_303 = arith.constant 0 : i32
            %dma_start3A_304 = tpu.memref_slice %dma_start3A_302[%run_scoped3A_229, %dma_start3A_303] : memref<1x128xi32, #tpu.memory_space<vmem>> -> memref<1x128xi32, #tpu.memory_space<vmem>>
            %dma_start3A_305 = tpu.memref_squeeze %dma_start3A_304 : memref<1x128xi32, #tpu.memory_space<vmem>> -> memref<128xi32, #tpu.memory_space<vmem>>
            %dma_start3A_306 = arith.constant 0 : i32
            %dma_start3A_307 = arith.constant 0 : i32
            %dma_start3A_308 = tpu.memref_slice %arg2[%dma_start3A_306, %dma_start3A_307] : memref<50000x256xf32, #tpu.memory_space<hbm>> -> memref<50000x256xf32, #tpu.memory_space<hbm>>
            tpu.enqueue_indirect_dma source(%dma_start3A_308 : memref<50000x256xf32, #tpu.memory_space<hbm>>) target(%dma_start3A_298 : memref<128x256xf32, #tpu.memory_space<vmem>>) offsets(%dma_start3A_305 : memref<128xi32, #tpu.memory_space<vmem>>) semaphore(%run_scoped3A_294 : memref<!tpu.dma_semaphore, #tpu.memory_space<semaphore_mem>>)
            %dma_wait3A = arith.constant 0 : i32
            %dma_wait3A_309 = arith.constant 0 : i32
            %dma_wait3A_310 = tpu.memref_slice %run_scoped3A_18[%rem3A_228, %dma_wait3A, %dma_wait3A_309] : memref<2x128x256xf32, #tpu.memory_space<vmem>> -> memref<1x128x256xf32, #tpu.memory_space<vmem>>
            %dma_wait3A_311 = tpu.memref_squeeze %dma_wait3A_310 : memref<1x128x256xf32, #tpu.memory_space<vmem>> -> memref<128x256xf32, #tpu.memory_space<vmem>>
            %dma_wait3A_312 = arith.constant 0 : i32
            %dma_wait3A_313 = arith.constant 0 : i32
            %dma_wait3A_314 = tpu.memref_slice %run_scoped3A[%rem3A_226, %dma_wait3A_312, %dma_wait3A_313] : memref<2x1x128xi32, #tpu.memory_space<vmem>> -> memref<1x1x128xi32, #tpu.memory_space<vmem>>
            %dma_wait3A_315 = tpu.memref_squeeze %dma_wait3A_314 : memref<1x1x128xi32, #tpu.memory_space<vmem>> -> memref<1x128xi32, #tpu.memory_space<vmem>>
            %dma_wait3A_316 = arith.constant 0 : i32
            %dma_wait3A_317 = tpu.memref_slice %dma_wait3A_315[%run_scoped3A_229, %dma_wait3A_316] : memref<1x128xi32, #tpu.memory_space<vmem>> -> memref<1x128xi32, #tpu.memory_space<vmem>>
            %dma_wait3A_318 = tpu.memref_squeeze %dma_wait3A_317 : memref<1x128xi32, #tpu.memory_space<vmem>> -> memref<128xi32, #tpu.memory_space<vmem>>
            %dma_wait3A_319 = arith.constant 0 : i32
            %dma_wait3A_320 = arith.constant 0 : i32
            %dma_wait3A_321 = tpu.memref_slice %arg2[%dma_wait3A_319, %dma_wait3A_320] : memref<50000x256xf32, #tpu.memory_space<hbm>> -> memref<50000x256xf32, #tpu.memory_space<hbm>>
            tpu.wait_indirect_dma semaphore(%run_scoped3A_294 : memref<!tpu.dma_semaphore, #tpu.memory_space<semaphore_mem>>) src(%dma_wait3A_321 : memref<50000x256xf32, #tpu.memory_space<hbm>>) dst(%dma_wait3A_311 : memref<128x256xf32, #tpu.memory_space<vmem>>)
            tpu.yield
          }) : () -> ()
          "tpu.trace_stop"() : () -> ()
          %ne3A_230 = arith.cmpi ne, %add3A_155, %add3A_173 : i32
          %or3A_231 = arith.constant false
          %or3A_232 = arith.ori %or3A_231, %ne3A_230 : i1
          %or3A_233 = arith.ori %or3A_232, %eq3A_154 : i1
          %convert_element_type3A_234 = arith.extui %or3A_233 : i1 to i32
          %cond3A_235 = arith.constant 0 : i32
          %cond3A_236 = arith.cmpi ne, %convert_element_type3A_234, %cond3A_235 : i32
          scf.if %cond3A_236 {
          } else {
          }
          %and3A_237 = arith.constant false
          %and3A_238 = arith.andi %or3A_233, %and3A_237 : i1
          %ne3A_239 = arith.cmpi ne, %add3A_155, %add3A_173 : i32
          %or3A_240 = arith.constant false
          %or3A_241 = arith.ori %or3A_240, %ne3A_239 : i1
          %or3A_242 = arith.constant false
          %or3A_243 = arith.ori %or3A_241, %or3A_242 : i1
          %or3A_244 = arith.ori %or3A_243, %eq3A_154 : i1
          %convert_element_type3A_245 = arith.extui %or3A_244 : i1 to i32
          %cond3A_246 = arith.constant 0 : i32
          %cond3A_247 = arith.cmpi ne, %convert_element_type3A_245, %cond3A_246 : i32
          scf.if %cond3A_247 {
            "tpu.trace_start"() <{level = 10 : i32, message = "ep_copy_out"}> : () -> ()
            %rem3A_294 = arith.constant 2 : i32
            %rem3A_295 = arith.remui %while3A_145, %rem3A_294 : i32
            %mul3A_296 = arith.constant 128 : i32
            %mul3A_297 = arith.muli %mul3A_296, %add3A_155 : i32
            %dma_start3A_298 = arith.constant 0 : i32
            %dma_start3A_299 = arith.constant 0 : i32
            %dma_start3A_300 = tpu.memref_slice %run_scoped3A_18[%rem3A_295, %dma_start3A_298, %dma_start3A_299] : memref<2x128x256xf32, #tpu.memory_space<vmem>> -> memref<1x128x256xf32, #tpu.memory_space<vmem>>
            %dma_start3A_301 = tpu.memref_squeeze %dma_start3A_300 : memref<1x128x256xf32, #tpu.memory_space<vmem>> -> memref<128x256xf32, #tpu.memory_space<vmem>>
            %dma_start3A_302 = arith.constant 0 : i32
            %dma_start3A_303 = tpu.memref_slice %arg4[%mul3A_297, %dma_start3A_302] : memref<33792x256xf32, #tpu.memory_space<hbm>> -> memref<128x256xf32, #tpu.memory_space<hbm>>
            %dma_start3A_304 = tpu.memref_slice %run_scoped3A_19[%rem3A_295] : memref<2x!tpu.dma_semaphore, #tpu.memory_space<semaphore_mem>> -> memref<1x!tpu.dma_semaphore, #tpu.memory_space<semaphore_mem>>
            %dma_start3A_305 = tpu.memref_squeeze %dma_start3A_304 : memref<1x!tpu.dma_semaphore, #tpu.memory_space<semaphore_mem>> -> memref<!tpu.dma_semaphore, #tpu.memory_space<semaphore_mem>>
            %dma_start3A_306 = arith.constant 0 : i32
            %dma_start3A_307 = tpu.memref_slice %arg4[%mul3A_297, %dma_start3A_306] : memref<33792x256xf32, #tpu.memory_space<hbm>> -> memref<128x256xf32, #tpu.memory_space<hbm>>
            %dma_start3A_308 = arith.constant 0 : i32
            %dma_start3A_309 = arith.constant 0 : i32
            %dma_start3A_310 = tpu.memref_slice %run_scoped3A_18[%rem3A_295, %dma_start3A_308, %dma_start3A_309] : memref<2x128x256xf32, #tpu.memory_space<vmem>> -> memref<1x128x256xf32, #tpu.memory_space<vmem>>
            %dma_start3A_311 = tpu.memref_squeeze %dma_start3A_310 : memref<1x128x256xf32, #tpu.memory_space<vmem>> -> memref<128x256xf32, #tpu.memory_space<vmem>>
            tpu.enqueue_dma source(%dma_start3A_311 : memref<128x256xf32, #tpu.memory_space<vmem>>) target(%dma_start3A_307 : memref<128x256xf32, #tpu.memory_space<hbm>>) target_semaphore(%dma_start3A_305 : memref<!tpu.dma_semaphore, #tpu.memory_space<semaphore_mem>>)
            "tpu.trace_stop"() : () -> ()
          } else {
          }
          %and3A_248 = arith.constant true
          %and3A_249 = arith.andi %or3A_244, %and3A_248 : i1
          %add3A_250 = arith.constant 1 : i32
          %add3A_251 = arith.addi %while3A_145, %add3A_250 : i32
          %select_n3A_252 = arith.select %and3A_249, %add3A_251, %while3A_145 : i32
          %ne3A_253 = arith.cmpi ne, %add3A_155, %add3A_165 : i32
          %or3A_254 = arith.constant false
          %or3A_255 = arith.ori %or3A_254, %ne3A_253 : i1
          %not3A_256 = arith.constant true
          %not3A_257 = arith.xori %eq3A_151, %not3A_256 : i1
          %and3A_258 = arith.andi %or3A_255, %not3A_257 : i1
          %convert_element_type3A_259 = arith.extui %and3A_258 : i1 to i32
          %cond3A_260 = arith.constant 0 : i32
          %cond3A_261 = arith.cmpi ne, %convert_element_type3A_259, %cond3A_260 : i32
          scf.if %cond3A_261 {
          } else {
          }
          %and3A_262 = arith.constant false
          %and3A_263 = arith.andi %and3A_258, %and3A_262 : i1
          %ne3A_264 = arith.cmpi ne, %add3A_155, %add3A_165 : i32
          %or3A_265 = arith.constant false
          %or3A_266 = arith.ori %or3A_265, %ne3A_264 : i1
          %or3A_267 = arith.constant false
          %or3A_268 = arith.ori %or3A_266, %or3A_267 : i1
          %not3A_269 = arith.constant true
          %not3A_270 = arith.xori %eq3A_151, %not3A_269 : i1
          %and3A_271 = arith.andi %or3A_268, %not3A_270 : i1
          %convert_element_type3A_272 = arith.extui %and3A_271 : i1 to i32
          %cond3A_273 = arith.constant 0 : i32
          %cond3A_274 = arith.cmpi ne, %convert_element_type3A_272, %cond3A_273 : i32
          scf.if %cond3A_274 {
            "tpu.trace_start"() <{level = 10 : i32, message = "ep_wait_out"}> : () -> ()
            %rem3A_294 = arith.constant 2 : i32
            %rem3A_295 = arith.remui %while3A_146, %rem3A_294 : i32
            %mul3A_296 = arith.constant 128 : i32
            %mul3A_297 = arith.muli %mul3A_296, %add3A_165 : i32
            %dma_wait3A = arith.constant 0 : i32
            %dma_wait3A_298 = arith.constant 0 : i32
            %dma_wait3A_299 = tpu.memref_slice %run_scoped3A_18[%rem3A_295, %dma_wait3A, %dma_wait3A_298] : memref<2x128x256xf32, #tpu.memory_space<vmem>> -> memref<1x128x256xf32, #tpu.memory_space<vmem>>
            %dma_wait3A_300 = tpu.memref_squeeze %dma_wait3A_299 : memref<1x128x256xf32, #tpu.memory_space<vmem>> -> memref<128x256xf32, #tpu.memory_space<vmem>>
            %dma_wait3A_301 = arith.constant 0 : i32
            %dma_wait3A_302 = tpu.memref_slice %arg4[%mul3A_297, %dma_wait3A_301] : memref<33792x256xf32, #tpu.memory_space<hbm>> -> memref<128x256xf32, #tpu.memory_space<hbm>>
            %dma_wait3A_303 = tpu.memref_slice %run_scoped3A_19[%rem3A_295] : memref<2x!tpu.dma_semaphore, #tpu.memory_space<semaphore_mem>> -> memref<1x!tpu.dma_semaphore, #tpu.memory_space<semaphore_mem>>
            %dma_wait3A_304 = tpu.memref_squeeze %dma_wait3A_303 : memref<1x!tpu.dma_semaphore, #tpu.memory_space<semaphore_mem>> -> memref<!tpu.dma_semaphore, #tpu.memory_space<semaphore_mem>>
            %dma_wait3A_305 = arith.constant 0 : i32
            %dma_wait3A_306 = tpu.memref_slice %arg4[%mul3A_297, %dma_wait3A_305] : memref<33792x256xf32, #tpu.memory_space<hbm>> -> memref<128x256xf32, #tpu.memory_space<hbm>>
            %dma_wait3A_307 = arith.constant 0 : i32
            %dma_wait3A_308 = arith.constant 0 : i32
            %dma_wait3A_309 = tpu.memref_slice %run_scoped3A_18[%rem3A_295, %dma_wait3A_307, %dma_wait3A_308] : memref<2x128x256xf32, #tpu.memory_space<vmem>> -> memref<1x128x256xf32, #tpu.memory_space<vmem>>
            %dma_wait3A_310 = tpu.memref_squeeze %dma_wait3A_309 : memref<1x128x256xf32, #tpu.memory_space<vmem>> -> memref<128x256xf32, #tpu.memory_space<vmem>>
            tpu.wait_dma2 semaphore(%dma_wait3A_304 : memref<!tpu.dma_semaphore, #tpu.memory_space<semaphore_mem>>) src(%dma_wait3A_310 : memref<128x256xf32, #tpu.memory_space<vmem>>) dst(%dma_wait3A_306 : memref<128x256xf32, #tpu.memory_space<hbm>>)
            "tpu.trace_stop"() : () -> ()
          } else {
          }
          %and3A_275 = arith.constant true
          %and3A_276 = arith.andi %and3A_271, %and3A_275 : i1
          %add3A_277 = arith.constant 1 : i32
          %add3A_278 = arith.addi %while3A_146, %add3A_277 : i32
          %select_n3A_279 = arith.select %and3A_276, %add3A_278, %while3A_146 : i32
          %ne3A_280 = arith.cmpi ne, %add3A_155, %add3A_173 : i32
          %or3A_281 = arith.constant false
          %or3A_282 = arith.ori %or3A_281, %ne3A_280 : i1
          %or3A_283 = arith.ori %or3A_282, %eq3A_154 : i1
          %add3A_284 = arith.constant 1 : i32
          %add3A_285 = arith.addi %while3A_144, %add3A_284 : i32
          %select_n3A_286 = arith.select %or3A_283, %add3A_285, %while3A_144 : i32
          %add3A_287 = arith.constant 1 : i32
          %add3A_288 = arith.addi %while3A_147, %add3A_287 : i32
          %select_n3A_289 = arith.constant true
          %select_n3A_290 = arith.select %select_n3A_289, %add3A_288, %while3A_147 : i32
          %eq3A_291 = arith.cmpi eq, %select_n3A_290, %select_n3A : i32
          %select_n3A_292 = arith.constant 0 : i32
          %select_n3A_293 = arith.select %eq3A_291, %select_n3A_292, %select_n3A_290 : i32
          scf.yield %select_n3A_195, %select_n3A_286, %select_n3A_252, %select_n3A_279, %select_n3A_293 : i32, i32, i32, i32, i32
        }
        %while3A_89 = arith.constant 1 : i32
        %while3A_90:5 = scf.for %while3A_142 = %while3A_86 to %while3A_82 step %while3A_89 iter_args(%while3A_143 = %while3A_88#0, %while3A_144 = %while3A_88#1, %while3A_145 = %while3A_88#2, %while3A_146 = %while3A_88#3, %while3A_147 = %while3A_88#4) -> (i32, i32, i32, i32, i32)  : i32 {
          %mul3A_148 = arith.constant 1 : i32
          %mul3A_149 = arith.muli %mul3A_148, %select_n3A : i32
          %eq3A_150 = arith.constant 0 : i32
          %eq3A_151 = arith.cmpi eq, %while3A_142, %eq3A_150 : i32
          %sub3A_152 = arith.constant 1 : i32
          %sub3A_153 = arith.subi %mul3A_149, %sub3A_152 : i32
          %eq3A_154 = arith.cmpi eq, %while3A_142, %sub3A_153 : i32
          %add3A_155 = arith.addi %while3A_147, %select_n3A_14 : i32
          %sub3A_156 = arith.constant 1 : i32
          %sub3A_157 = arith.subi %while3A_147, %sub3A_156 : i32
          %select_n3A_158 = arith.constant true
          %select_n3A_159 = arith.select %select_n3A_158, %sub3A_157, %while3A_147 : i32
          %eq3A_160 = arith.constant -1 : i32
          %eq3A_161 = arith.cmpi eq, %select_n3A_159, %eq3A_160 : i32
          %sub3A_162 = arith.constant 1 : i32
          %sub3A_163 = arith.subi %select_n3A, %sub3A_162 : i32
          %select_n3A_164 = arith.select %eq3A_161, %sub3A_163, %select_n3A_159 : i32
          %add3A_165 = arith.addi %select_n3A_164, %select_n3A_14 : i32
          %add3A_166 = arith.constant 1 : i32
          %add3A_167 = arith.addi %while3A_147, %add3A_166 : i32
          %select_n3A_168 = arith.constant true
          %select_n3A_169 = arith.select %select_n3A_168, %add3A_167, %while3A_147 : i32
          %eq3A_170 = arith.cmpi eq, %select_n3A_169, %select_n3A : i32
          %select_n3A_171 = arith.constant 0 : i32
          %select_n3A_172 = arith.select %eq3A_170, %select_n3A_171, %select_n3A_169 : i32
          %add3A_173 = arith.addi %select_n3A_172, %select_n3A_14 : i32
          %add3A_174 = arith.constant 1 : i32
          %add3A_175 = arith.addi %select_n3A_172, %add3A_174 : i32
          %select_n3A_176 = arith.constant true
          %select_n3A_177 = arith.select %select_n3A_176, %add3A_175, %select_n3A_172 : i32
          %eq3A_178 = arith.cmpi eq, %select_n3A_177, %select_n3A : i32
          %select_n3A_179 = arith.constant 0 : i32
          %select_n3A_180 = arith.select %eq3A_178, %select_n3A_179, %select_n3A_177 : i32
          %add3A_181 = arith.addi %select_n3A_180, %select_n3A_14 : i32
          %ne3A = arith.cmpi ne, %add3A_155, %add3A_173 : i32
          %or3A = arith.constant false
          %or3A_182 = arith.ori %or3A, %ne3A : i1
          %sub3A_183 = arith.constant 2 : i32
          %sub3A_184 = arith.subi %mul3A_149, %sub3A_183 : i32
          %add3A_185 = arith.constant 1 : i32
          %add3A_186 = arith.addi %sub3A_184, %add3A_185 : i32
          %ge3A = arith.cmpi sge, %while3A_142, %add3A_186 : i32
          %not3A = arith.constant true
          %not3A_187 = arith.xori %ge3A, %not3A : i1
          %and3A = arith.andi %or3A_182, %not3A_187 : i1
          %convert_element_type3A_188 = arith.extui %and3A : i1 to i32
          %cond3A_189 = arith.constant 0 : i32
          %cond3A_190 = arith.cmpi ne, %convert_element_type3A_188, %cond3A_189 : i32
          scf.if %cond3A_190 {
            "tpu.trace_start"() <{level = 10 : i32, message = "ep_copy_in"}> : () -> ()
            %rem3A_294 = arith.constant 2 : i32
            %rem3A_295 = arith.remui %while3A_143, %rem3A_294 : i32
            %mul3A_296 = arith.constant 128 : i32
            %mul3A_297 = arith.muli %mul3A_296, %add3A_173 : i32
            %dma_start3A_298 = arith.constant 0 : i32
            %dma_start3A_299 = arith.constant 0 : i32
            %dma_start3A_300 = tpu.memref_slice %run_scoped3A[%rem3A_295, %dma_start3A_298, %dma_start3A_299] : memref<2x1x128xi32, #tpu.memory_space<vmem>> -> memref<1x1x128xi32, #tpu.memory_space<vmem>>
            %dma_start3A_301 = tpu.memref_squeeze %dma_start3A_300 : memref<1x1x128xi32, #tpu.memory_space<vmem>> -> memref<1x128xi32, #tpu.memory_space<vmem>>
            %dma_start3A_302 = arith.constant 0 : i32
            %dma_start3A_303 = tpu.memref_slice %arg3[%dma_start3A_302, %mul3A_297] : memref<1x33792xi32, #tpu.memory_space<hbm>> -> memref<1x128xi32, #tpu.memory_space<hbm>>
            %dma_start3A_304 = tpu.memref_slice %run_scoped3A_17[%rem3A_295] : memref<2x!tpu.dma_semaphore, #tpu.memory_space<semaphore_mem>> -> memref<1x!tpu.dma_semaphore, #tpu.memory_space<semaphore_mem>>
            %dma_start3A_305 = tpu.memref_squeeze %dma_start3A_304 : memref<1x!tpu.dma_semaphore, #tpu.memory_space<semaphore_mem>> -> memref<!tpu.dma_semaphore, #tpu.memory_space<semaphore_mem>>
            %dma_start3A_306 = arith.constant 0 : i32
            %dma_start3A_307 = arith.constant 0 : i32
            %dma_start3A_308 = tpu.memref_slice %run_scoped3A[%rem3A_295, %dma_start3A_306, %dma_start3A_307] : memref<2x1x128xi32, #tpu.memory_space<vmem>> -> memref<1x1x128xi32, #tpu.memory_space<vmem>>
            %dma_start3A_309 = tpu.memref_squeeze %dma_start3A_308 : memref<1x1x128xi32, #tpu.memory_space<vmem>> -> memref<1x128xi32, #tpu.memory_space<vmem>>
            %dma_start3A_310 = arith.constant 0 : i32
            %dma_start3A_311 = tpu.memref_slice %arg3[%dma_start3A_310, %mul3A_297] : memref<1x33792xi32, #tpu.memory_space<hbm>> -> memref<1x128xi32, #tpu.memory_space<hbm>>
            tpu.enqueue_dma source(%dma_start3A_311 : memref<1x128xi32, #tpu.memory_space<hbm>>) target(%dma_start3A_309 : memref<1x128xi32, #tpu.memory_space<vmem>>) target_semaphore(%dma_start3A_305 : memref<!tpu.dma_semaphore, #tpu.memory_space<semaphore_mem>>)
            "tpu.trace_stop"() : () -> ()
          } else {
          }
          %and3A_191 = arith.constant true
          %and3A_192 = arith.andi %and3A, %and3A_191 : i1
          %add3A_193 = arith.constant 1 : i32
          %add3A_194 = arith.addi %while3A_143, %add3A_193 : i32
          %select_n3A_195 = arith.select %and3A_192, %add3A_194, %while3A_143 : i32
          %ne3A_196 = arith.cmpi ne, %add3A_155, %add3A_173 : i32
          %or3A_197 = arith.constant false
          %or3A_198 = arith.ori %or3A_197, %ne3A_196 : i1
          %or3A_199 = arith.constant false
          %or3A_200 = arith.ori %or3A_198, %or3A_199 : i1
          %sub3A_201 = arith.constant 2 : i32
          %sub3A_202 = arith.subi %mul3A_149, %sub3A_201 : i32
          %add3A_203 = arith.constant 1 : i32
          %add3A_204 = arith.addi %sub3A_202, %add3A_203 : i32
          %ge3A_205 = arith.cmpi sge, %while3A_142, %add3A_204 : i32
          %not3A_206 = arith.constant true
          %not3A_207 = arith.xori %ge3A_205, %not3A_206 : i1
          %and3A_208 = arith.andi %or3A_200, %not3A_207 : i1
          %ne3A_209 = arith.cmpi ne, %add3A_155, %add3A_165 : i32
          %or3A_210 = arith.constant false
          %or3A_211 = arith.ori %or3A_210, %ne3A_209 : i1
          %or3A_212 = arith.ori %or3A_211, %eq3A_151 : i1
          %convert_element_type3A_213 = arith.extui %or3A_212 : i1 to i32
          %cond3A_214 = arith.constant 0 : i32
          %cond3A_215 = arith.cmpi ne, %convert_element_type3A_213, %cond3A_214 : i32
          scf.if %cond3A_215 {
            "tpu.trace_start"() <{level = 10 : i32, message = "ep_wait_in"}> : () -> ()
            %mul3A_294 = arith.constant 128 : i32
            %mul3A_295 = arith.muli %mul3A_294, %add3A_155 : i32
            %rem3A_296 = arith.constant 2 : i32
            %rem3A_297 = arith.remui %while3A_144, %rem3A_296 : i32
            %dma_wait3A = arith.constant 0 : i32
            %dma_wait3A_298 = arith.constant 0 : i32
            %dma_wait3A_299 = tpu.memref_slice %run_scoped3A[%rem3A_297, %dma_wait3A, %dma_wait3A_298] : memref<2x1x128xi32, #tpu.memory_space<vmem>> -> memref<1x1x128xi32, #tpu.memory_space<vmem>>
            %dma_wait3A_300 = tpu.memref_squeeze %dma_wait3A_299 : memref<1x1x128xi32, #tpu.memory_space<vmem>> -> memref<1x128xi32, #tpu.memory_space<vmem>>
            %dma_wait3A_301 = arith.constant 0 : i32
            %dma_wait3A_302 = tpu.memref_slice %arg3[%dma_wait3A_301, %mul3A_295] : memref<1x33792xi32, #tpu.memory_space<hbm>> -> memref<1x128xi32, #tpu.memory_space<hbm>>
            %dma_wait3A_303 = tpu.memref_slice %run_scoped3A_17[%rem3A_297] : memref<2x!tpu.dma_semaphore, #tpu.memory_space<semaphore_mem>> -> memref<1x!tpu.dma_semaphore, #tpu.memory_space<semaphore_mem>>
            %dma_wait3A_304 = tpu.memref_squeeze %dma_wait3A_303 : memref<1x!tpu.dma_semaphore, #tpu.memory_space<semaphore_mem>> -> memref<!tpu.dma_semaphore, #tpu.memory_space<semaphore_mem>>
            %dma_wait3A_305 = arith.constant 0 : i32
            %dma_wait3A_306 = arith.constant 0 : i32
            %dma_wait3A_307 = tpu.memref_slice %run_scoped3A[%rem3A_297, %dma_wait3A_305, %dma_wait3A_306] : memref<2x1x128xi32, #tpu.memory_space<vmem>> -> memref<1x1x128xi32, #tpu.memory_space<vmem>>
            %dma_wait3A_308 = tpu.memref_squeeze %dma_wait3A_307 : memref<1x1x128xi32, #tpu.memory_space<vmem>> -> memref<1x128xi32, #tpu.memory_space<vmem>>
            %dma_wait3A_309 = arith.constant 0 : i32
            %dma_wait3A_310 = tpu.memref_slice %arg3[%dma_wait3A_309, %mul3A_295] : memref<1x33792xi32, #tpu.memory_space<hbm>> -> memref<1x128xi32, #tpu.memory_space<hbm>>
            tpu.wait_dma2 semaphore(%dma_wait3A_304 : memref<!tpu.dma_semaphore, #tpu.memory_space<semaphore_mem>>) src(%dma_wait3A_310 : memref<1x128xi32, #tpu.memory_space<hbm>>) dst(%dma_wait3A_308 : memref<1x128xi32, #tpu.memory_space<vmem>>)
            "tpu.trace_stop"() : () -> ()
          } else {
          }
          %ne3A_216 = arith.cmpi ne, %add3A_155, %add3A_165 : i32
          %or3A_217 = arith.constant false
          %or3A_218 = arith.ori %or3A_217, %ne3A_216 : i1
          %or3A_219 = arith.constant false
          %or3A_220 = arith.ori %or3A_218, %or3A_219 : i1
          %or3A_221 = arith.ori %or3A_220, %eq3A_151 : i1
          %convert_element_type3A_222 = arith.extui %or3A_221 : i1 to i32
          %cond3A_223 = arith.constant 0 : i32
          %cond3A_224 = arith.cmpi ne, %convert_element_type3A_222, %cond3A_223 : i32
          scf.if %cond3A_224 {
          } else {
          }
          %rem3A_225 = arith.constant 2 : i32
          %rem3A_226 = arith.remui %while3A_144, %rem3A_225 : i32
          %rem3A_227 = arith.constant 2 : i32
          %rem3A_228 = arith.remui %while3A_145, %rem3A_227 : i32
          %run_scoped3A_229 = arith.constant 0 : i32
          "tpu.trace_start"() <{level = 10 : i32, message = "ep_run_kernel"}> : () -> ()
          "tpu.region"() ({
            %run_scoped3A_294 = tpu.sem_alloc : memref<!tpu.dma_semaphore, #tpu.memory_space<semaphore_mem>>
            %dma_start3A_295 = arith.constant 0 : i32
            %dma_start3A_296 = arith.constant 0 : i32
            %dma_start3A_297 = tpu.memref_slice %run_scoped3A_18[%rem3A_228, %dma_start3A_295, %dma_start3A_296] : memref<2x128x256xf32, #tpu.memory_space<vmem>> -> memref<1x128x256xf32, #tpu.memory_space<vmem>>
            %dma_start3A_298 = tpu.memref_squeeze %dma_start3A_297 : memref<1x128x256xf32, #tpu.memory_space<vmem>> -> memref<128x256xf32, #tpu.memory_space<vmem>>
            %dma_start3A_299 = arith.constant 0 : i32
            %dma_start3A_300 = arith.constant 0 : i32
            %dma_start3A_301 = tpu.memref_slice %run_scoped3A[%rem3A_226, %dma_start3A_299, %dma_start3A_300] : memref<2x1x128xi32, #tpu.memory_space<vmem>> -> memref<1x1x128xi32, #tpu.memory_space<vmem>>
            %dma_start3A_302 = tpu.memref_squeeze %dma_start3A_301 : memref<1x1x128xi32, #tpu.memory_space<vmem>> -> memref<1x128xi32, #tpu.memory_space<vmem>>
            %dma_start3A_303 = arith.constant 0 : i32
            %dma_start3A_304 = tpu.memref_slice %dma_start3A_302[%run_scoped3A_229, %dma_start3A_303] : memref<1x128xi32, #tpu.memory_space<vmem>> -> memref<1x128xi32, #tpu.memory_space<vmem>>
            %dma_start3A_305 = tpu.memref_squeeze %dma_start3A_304 : memref<1x128xi32, #tpu.memory_space<vmem>> -> memref<128xi32, #tpu.memory_space<vmem>>
            %dma_start3A_306 = arith.constant 0 : i32
            %dma_start3A_307 = arith.constant 0 : i32
            %dma_start3A_308 = tpu.memref_slice %arg2[%dma_start3A_306, %dma_start3A_307] : memref<50000x256xf32, #tpu.memory_space<hbm>> -> memref<50000x256xf32, #tpu.memory_space<hbm>>
            tpu.enqueue_indirect_dma source(%dma_start3A_308 : memref<50000x256xf32, #tpu.memory_space<hbm>>) target(%dma_start3A_298 : memref<128x256xf32, #tpu.memory_space<vmem>>) offsets(%dma_start3A_305 : memref<128xi32, #tpu.memory_space<vmem>>) semaphore(%run_scoped3A_294 : memref<!tpu.dma_semaphore, #tpu.memory_space<semaphore_mem>>)
            %dma_wait3A = arith.constant 0 : i32
            %dma_wait3A_309 = arith.constant 0 : i32
            %dma_wait3A_310 = tpu.memref_slice %run_scoped3A_18[%rem3A_228, %dma_wait3A, %dma_wait3A_309] : memref<2x128x256xf32, #tpu.memory_space<vmem>> -> memref<1x128x256xf32, #tpu.memory_space<vmem>>
            %dma_wait3A_311 = tpu.memref_squeeze %dma_wait3A_310 : memref<1x128x256xf32, #tpu.memory_space<vmem>> -> memref<128x256xf32, #tpu.memory_space<vmem>>
            %dma_wait3A_312 = arith.constant 0 : i32
            %dma_wait3A_313 = arith.constant 0 : i32
            %dma_wait3A_314 = tpu.memref_slice %run_scoped3A[%rem3A_226, %dma_wait3A_312, %dma_wait3A_313] : memref<2x1x128xi32, #tpu.memory_space<vmem>> -> memref<1x1x128xi32, #tpu.memory_space<vmem>>
            %dma_wait3A_315 = tpu.memref_squeeze %dma_wait3A_314 : memref<1x1x128xi32, #tpu.memory_space<vmem>> -> memref<1x128xi32, #tpu.memory_space<vmem>>
            %dma_wait3A_316 = arith.constant 0 : i32
            %dma_wait3A_317 = tpu.memref_slice %dma_wait3A_315[%run_scoped3A_229, %dma_wait3A_316] : memref<1x128xi32, #tpu.memory_space<vmem>> -> memref<1x128xi32, #tpu.memory_space<vmem>>
            %dma_wait3A_318 = tpu.memref_squeeze %dma_wait3A_317 : memref<1x128xi32, #tpu.memory_space<vmem>> -> memref<128xi32, #tpu.memory_space<vmem>>
            %dma_wait3A_319 = arith.constant 0 : i32
            %dma_wait3A_320 = arith.constant 0 : i32
            %dma_wait3A_321 = tpu.memref_slice %arg2[%dma_wait3A_319, %dma_wait3A_320] : memref<50000x256xf32, #tpu.memory_space<hbm>> -> memref<50000x256xf32, #tpu.memory_space<hbm>>
            tpu.wait_indirect_dma semaphore(%run_scoped3A_294 : memref<!tpu.dma_semaphore, #tpu.memory_space<semaphore_mem>>) src(%dma_wait3A_321 : memref<50000x256xf32, #tpu.memory_space<hbm>>) dst(%dma_wait3A_311 : memref<128x256xf32, #tpu.memory_space<vmem>>)
            tpu.yield
          }) : () -> ()
          "tpu.trace_stop"() : () -> ()
          %ne3A_230 = arith.cmpi ne, %add3A_155, %add3A_173 : i32
          %or3A_231 = arith.constant false
          %or3A_232 = arith.ori %or3A_231, %ne3A_230 : i1
          %or3A_233 = arith.ori %or3A_232, %eq3A_154 : i1
          %convert_element_type3A_234 = arith.extui %or3A_233 : i1 to i32
          %cond3A_235 = arith.constant 0 : i32
          %cond3A_236 = arith.cmpi ne, %convert_element_type3A_234, %cond3A_235 : i32
          scf.if %cond3A_236 {
          } else {
          }
          %and3A_237 = arith.constant false
          %and3A_238 = arith.andi %or3A_233, %and3A_237 : i1
          %ne3A_239 = arith.cmpi ne, %add3A_155, %add3A_173 : i32
          %or3A_240 = arith.constant false
          %or3A_241 = arith.ori %or3A_240, %ne3A_239 : i1
          %or3A_242 = arith.constant false
          %or3A_243 = arith.ori %or3A_241, %or3A_242 : i1
          %or3A_244 = arith.ori %or3A_243, %eq3A_154 : i1
          %convert_element_type3A_245 = arith.extui %or3A_244 : i1 to i32
          %cond3A_246 = arith.constant 0 : i32
          %cond3A_247 = arith.cmpi ne, %convert_element_type3A_245, %cond3A_246 : i32
          scf.if %cond3A_247 {
            "tpu.trace_start"() <{level = 10 : i32, message = "ep_copy_out"}> : () -> ()
            %rem3A_294 = arith.constant 2 : i32
            %rem3A_295 = arith.remui %while3A_145, %rem3A_294 : i32
            %mul3A_296 = arith.constant 128 : i32
            %mul3A_297 = arith.muli %mul3A_296, %add3A_155 : i32
            %dma_start3A_298 = arith.constant 0 : i32
            %dma_start3A_299 = arith.constant 0 : i32
            %dma_start3A_300 = tpu.memref_slice %run_scoped3A_18[%rem3A_295, %dma_start3A_298, %dma_start3A_299] : memref<2x128x256xf32, #tpu.memory_space<vmem>> -> memref<1x128x256xf32, #tpu.memory_space<vmem>>
            %dma_start3A_301 = tpu.memref_squeeze %dma_start3A_300 : memref<1x128x256xf32, #tpu.memory_space<vmem>> -> memref<128x256xf32, #tpu.memory_space<vmem>>
            %dma_start3A_302 = arith.constant 0 : i32
            %dma_start3A_303 = tpu.memref_slice %arg4[%mul3A_297, %dma_start3A_302] : memref<33792x256xf32, #tpu.memory_space<hbm>> -> memref<128x256xf32, #tpu.memory_space<hbm>>
            %dma_start3A_304 = tpu.memref_slice %run_scoped3A_19[%rem3A_295] : memref<2x!tpu.dma_semaphore, #tpu.memory_space<semaphore_mem>> -> memref<1x!tpu.dma_semaphore, #tpu.memory_space<semaphore_mem>>
            %dma_start3A_305 = tpu.memref_squeeze %dma_start3A_304 : memref<1x!tpu.dma_semaphore, #tpu.memory_space<semaphore_mem>> -> memref<!tpu.dma_semaphore, #tpu.memory_space<semaphore_mem>>
            %dma_start3A_306 = arith.constant 0 : i32
            %dma_start3A_307 = tpu.memref_slice %arg4[%mul3A_297, %dma_start3A_306] : memref<33792x256xf32, #tpu.memory_space<hbm>> -> memref<128x256xf32, #tpu.memory_space<hbm>>
            %dma_start3A_308 = arith.constant 0 : i32
            %dma_start3A_309 = arith.constant 0 : i32
            %dma_start3A_310 = tpu.memref_slice %run_scoped3A_18[%rem3A_295, %dma_start3A_308, %dma_start3A_309] : memref<2x128x256xf32, #tpu.memory_space<vmem>> -> memref<1x128x256xf32, #tpu.memory_space<vmem>>
            %dma_start3A_311 = tpu.memref_squeeze %dma_start3A_310 : memref<1x128x256xf32, #tpu.memory_space<vmem>> -> memref<128x256xf32, #tpu.memory_space<vmem>>
            tpu.enqueue_dma source(%dma_start3A_311 : memref<128x256xf32, #tpu.memory_space<vmem>>) target(%dma_start3A_307 : memref<128x256xf32, #tpu.memory_space<hbm>>) target_semaphore(%dma_start3A_305 : memref<!tpu.dma_semaphore, #tpu.memory_space<semaphore_mem>>)
            "tpu.trace_stop"() : () -> ()
          } else {
          }
          %and3A_248 = arith.constant true
          %and3A_249 = arith.andi %or3A_244, %and3A_248 : i1
          %add3A_250 = arith.constant 1 : i32
          %add3A_251 = arith.addi %while3A_145, %add3A_250 : i32
          %select_n3A_252 = arith.select %and3A_249, %add3A_251, %while3A_145 : i32
          %ne3A_253 = arith.cmpi ne, %add3A_155, %add3A_165 : i32
          %or3A_254 = arith.constant false
          %or3A_255 = arith.ori %or3A_254, %ne3A_253 : i1
          %not3A_256 = arith.constant true
          %not3A_257 = arith.xori %eq3A_151, %not3A_256 : i1
          %and3A_258 = arith.andi %or3A_255, %not3A_257 : i1
          %convert_element_type3A_259 = arith.extui %and3A_258 : i1 to i32
          %cond3A_260 = arith.constant 0 : i32
          %cond3A_261 = arith.cmpi ne, %convert_element_type3A_259, %cond3A_260 : i32
          scf.if %cond3A_261 {
          } else {
          }
          %and3A_262 = arith.constant false
          %and3A_263 = arith.andi %and3A_258, %and3A_262 : i1
          %ne3A_264 = arith.cmpi ne, %add3A_155, %add3A_165 : i32
          %or3A_265 = arith.constant false
          %or3A_266 = arith.ori %or3A_265, %ne3A_264 : i1
          %or3A_267 = arith.constant false
          %or3A_268 = arith.ori %or3A_266, %or3A_267 : i1
          %not3A_269 = arith.constant true
          %not3A_270 = arith.xori %eq3A_151, %not3A_269 : i1
          %and3A_271 = arith.andi %or3A_268, %not3A_270 : i1
          %convert_element_type3A_272 = arith.extui %and3A_271 : i1 to i32
          %cond3A_273 = arith.constant 0 : i32
          %cond3A_274 = arith.cmpi ne, %convert_element_type3A_272, %cond3A_273 : i32
          scf.if %cond3A_274 {
            "tpu.trace_start"() <{level = 10 : i32, message = "ep_wait_out"}> : () -> ()
            %rem3A_294 = arith.constant 2 : i32
            %rem3A_295 = arith.remui %while3A_146, %rem3A_294 : i32
            %mul3A_296 = arith.constant 128 : i32
            %mul3A_297 = arith.muli %mul3A_296, %add3A_165 : i32
            %dma_wait3A = arith.constant 0 : i32
            %dma_wait3A_298 = arith.constant 0 : i32
            %dma_wait3A_299 = tpu.memref_slice %run_scoped3A_18[%rem3A_295, %dma_wait3A, %dma_wait3A_298] : memref<2x128x256xf32, #tpu.memory_space<vmem>> -> memref<1x128x256xf32, #tpu.memory_space<vmem>>
            %dma_wait3A_300 = tpu.memref_squeeze %dma_wait3A_299 : memref<1x128x256xf32, #tpu.memory_space<vmem>> -> memref<128x256xf32, #tpu.memory_space<vmem>>
            %dma_wait3A_301 = arith.constant 0 : i32
            %dma_wait3A_302 = tpu.memref_slice %arg4[%mul3A_297, %dma_wait3A_301] : memref<33792x256xf32, #tpu.memory_space<hbm>> -> memref<128x256xf32, #tpu.memory_space<hbm>>
            %dma_wait3A_303 = tpu.memref_slice %run_scoped3A_19[%rem3A_295] : memref<2x!tpu.dma_semaphore, #tpu.memory_space<semaphore_mem>> -> memref<1x!tpu.dma_semaphore, #tpu.memory_space<semaphore_mem>>
            %dma_wait3A_304 = tpu.memref_squeeze %dma_wait3A_303 : memref<1x!tpu.dma_semaphore, #tpu.memory_space<semaphore_mem>> -> memref<!tpu.dma_semaphore, #tpu.memory_space<semaphore_mem>>
            %dma_wait3A_305 = arith.constant 0 : i32
            %dma_wait3A_306 = tpu.memref_slice %arg4[%mul3A_297, %dma_wait3A_305] : memref<33792x256xf32, #tpu.memory_space<hbm>> -> memref<128x256xf32, #tpu.memory_space<hbm>>
            %dma_wait3A_307 = arith.constant 0 : i32
            %dma_wait3A_308 = arith.constant 0 : i32
            %dma_wait3A_309 = tpu.memref_slice %run_scoped3A_18[%rem3A_295, %dma_wait3A_307, %dma_wait3A_308] : memref<2x128x256xf32, #tpu.memory_space<vmem>> -> memref<1x128x256xf32, #tpu.memory_space<vmem>>
            %dma_wait3A_310 = tpu.memref_squeeze %dma_wait3A_309 : memref<1x128x256xf32, #tpu.memory_space<vmem>> -> memref<128x256xf32, #tpu.memory_space<vmem>>
            tpu.wait_dma2 semaphore(%dma_wait3A_304 : memref<!tpu.dma_semaphore, #tpu.memory_space<semaphore_mem>>) src(%dma_wait3A_310 : memref<128x256xf32, #tpu.memory_space<vmem>>) dst(%dma_wait3A_306 : memref<128x256xf32, #tpu.memory_space<hbm>>)
            "tpu.trace_stop"() : () -> ()
          } else {
          }
          %and3A_275 = arith.constant true
          %and3A_276 = arith.andi %and3A_271, %and3A_275 : i1
          %add3A_277 = arith.constant 1 : i32
          %add3A_278 = arith.addi %while3A_146, %add3A_277 : i32
          %select_n3A_279 = arith.select %and3A_276, %add3A_278, %while3A_146 : i32
          %ne3A_280 = arith.cmpi ne, %add3A_155, %add3A_173 : i32
          %or3A_281 = arith.constant false
          %or3A_282 = arith.ori %or3A_281, %ne3A_280 : i1
          %or3A_283 = arith.ori %or3A_282, %eq3A_154 : i1
          %add3A_284 = arith.constant 1 : i32
          %add3A_285 = arith.addi %while3A_144, %add3A_284 : i32
          %select_n3A_286 = arith.select %or3A_283, %add3A_285, %while3A_144 : i32
          %add3A_287 = arith.constant 1 : i32
          %add3A_288 = arith.addi %while3A_147, %add3A_287 : i32
          %select_n3A_289 = arith.constant true
          %select_n3A_290 = arith.select %select_n3A_289, %add3A_288, %while3A_147 : i32
          %eq3A_291 = arith.cmpi eq, %select_n3A_290, %select_n3A : i32
          %select_n3A_292 = arith.constant 0 : i32
          %select_n3A_293 = arith.select %eq3A_291, %select_n3A_292, %select_n3A_290 : i32
          scf.yield %select_n3A_195, %select_n3A_286, %select_n3A_252, %select_n3A_279, %select_n3A_293 : i32, i32, i32, i32, i32
        }
        %sub3A_91 = arith.constant 1 : i32
        %sub3A_92 = arith.subi %while3A_90#4, %sub3A_91 : i32
        %select_n3A_93 = arith.constant true
        %select_n3A_94 = arith.select %select_n3A_93, %sub3A_92, %while3A_90#4 : i32
        %eq3A_95 = arith.constant -1 : i32
        %eq3A_96 = arith.cmpi eq, %select_n3A_94, %eq3A_95 : i32
        %sub3A_97 = arith.constant 1 : i32
        %sub3A_98 = arith.subi %select_n3A, %sub3A_97 : i32
        %select_n3A_99 = arith.select %eq3A_96, %sub3A_98, %select_n3A_94 : i32
        %sub3A_100 = arith.constant 1 : i32
        %sub3A_101 = arith.subi %mul3A_16, %sub3A_100 : i32
        %mul3A_102 = arith.constant 1 : i32
        %mul3A_103 = arith.muli %mul3A_102, %select_n3A : i32
        %eq3A_104 = arith.constant 0 : i32
        %eq3A_105 = arith.cmpi eq, %sub3A_101, %eq3A_104 : i32
        %sub3A_106 = arith.constant 1 : i32
        %sub3A_107 = arith.subi %mul3A_103, %sub3A_106 : i32
        %eq3A_108 = arith.cmpi eq, %sub3A_101, %sub3A_107 : i32
        %add3A_109 = arith.addi %select_n3A_99, %select_n3A_14 : i32
        %sub3A_110 = arith.constant 1 : i32
        %sub3A_111 = arith.subi %select_n3A_99, %sub3A_110 : i32
        %select_n3A_112 = arith.constant true
        %select_n3A_113 = arith.select %select_n3A_112, %sub3A_111, %select_n3A_99 : i32
        %eq3A_114 = arith.constant -1 : i32
        %eq3A_115 = arith.cmpi eq, %select_n3A_113, %eq3A_114 : i32
        %sub3A_116 = arith.constant 1 : i32
        %sub3A_117 = arith.subi %select_n3A, %sub3A_116 : i32
        %select_n3A_118 = arith.select %eq3A_115, %sub3A_117, %select_n3A_113 : i32
        %add3A_119 = arith.addi %select_n3A_118, %select_n3A_14 : i32
        %add3A_120 = arith.constant 1 : i32
        %add3A_121 = arith.addi %select_n3A_99, %add3A_120 : i32
        %select_n3A_122 = arith.constant true
        %select_n3A_123 = arith.select %select_n3A_122, %add3A_121, %select_n3A_99 : i32
        %eq3A_124 = arith.cmpi eq, %select_n3A_123, %select_n3A : i32
        %select_n3A_125 = arith.constant 0 : i32
        %select_n3A_126 = arith.select %eq3A_124, %select_n3A_125, %select_n3A_123 : i32
        %add3A_127 = arith.addi %select_n3A_126, %select_n3A_14 : i32
        %add3A_128 = arith.constant 1 : i32
        %add3A_129 = arith.addi %select_n3A_126, %add3A_128 : i32
        %select_n3A_130 = arith.constant true
        %select_n3A_131 = arith.select %select_n3A_130, %add3A_129, %select_n3A_126 : i32
        %eq3A_132 = arith.cmpi eq, %select_n3A_131, %select_n3A : i32
        %select_n3A_133 = arith.constant 0 : i32
        %select_n3A_134 = arith.select %eq3A_132, %select_n3A_133, %select_n3A_131 : i32
        %add3A_135 = arith.addi %select_n3A_134, %select_n3A_14 : i32
        %convert_element_type3A_136 = arith.extui %eq3A_108 : i1 to i32
        %cond3A_137 = arith.constant 0 : i32
        %cond3A_138 = arith.cmpi ne, %convert_element_type3A_136, %cond3A_137 : i32
        scf.if %cond3A_138 {
        } else {
        }
        %convert_element_type3A_139 = arith.extui %eq3A_108 : i1 to i32
        %cond3A_140 = arith.constant 0 : i32
        %cond3A_141 = arith.cmpi ne, %convert_element_type3A_139, %cond3A_140 : i32
        scf.if %cond3A_141 {
          "tpu.trace_start"() <{level = 10 : i32, message = "ep_finalize"}> : () -> ()
          %rem3A_142 = arith.constant 2 : i32
          %rem3A_143 = arith.remui %while3A_90#3, %rem3A_142 : i32
          %mul3A_144 = arith.constant 128 : i32
          %mul3A_145 = arith.muli %mul3A_144, %add3A_109 : i32
          %dma_wait3A = arith.constant 0 : i32
          %dma_wait3A_146 = arith.constant 0 : i32
          %dma_wait3A_147 = tpu.memref_slice %run_scoped3A_18[%rem3A_143, %dma_wait3A, %dma_wait3A_146] : memref<2x128x256xf32, #tpu.memory_space<vmem>> -> memref<1x128x256xf32, #tpu.memory_space<vmem>>
          %dma_wait3A_148 = tpu.memref_squeeze %dma_wait3A_147 : memref<1x128x256xf32, #tpu.memory_space<vmem>> -> memref<128x256xf32, #tpu.memory_space<vmem>>
          %dma_wait3A_149 = arith.constant 0 : i32
          %dma_wait3A_150 = tpu.memref_slice %arg4[%mul3A_145, %dma_wait3A_149] : memref<33792x256xf32, #tpu.memory_space<hbm>> -> memref<128x256xf32, #tpu.memory_space<hbm>>
          %dma_wait3A_151 = tpu.memref_slice %run_scoped3A_19[%rem3A_143] : memref<2x!tpu.dma_semaphore, #tpu.memory_space<semaphore_mem>> -> memref<1x!tpu.dma_semaphore, #tpu.memory_space<semaphore_mem>>
          %dma_wait3A_152 = tpu.memref_squeeze %dma_wait3A_151 : memref<1x!tpu.dma_semaphore, #tpu.memory_space<semaphore_mem>> -> memref<!tpu.dma_semaphore, #tpu.memory_space<semaphore_mem>>
          %dma_wait3A_153 = arith.constant 0 : i32
          %dma_wait3A_154 = tpu.memref_slice %arg4[%mul3A_145, %dma_wait3A_153] : memref<33792x256xf32, #tpu.memory_space<hbm>> -> memref<128x256xf32, #tpu.memory_space<hbm>>
          %dma_wait3A_155 = arith.constant 0 : i32
          %dma_wait3A_156 = arith.constant 0 : i32
          %dma_wait3A_157 = tpu.memref_slice %run_scoped3A_18[%rem3A_143, %dma_wait3A_155, %dma_wait3A_156] : memref<2x128x256xf32, #tpu.memory_space<vmem>> -> memref<1x128x256xf32, #tpu.memory_space<vmem>>
          %dma_wait3A_158 = tpu.memref_squeeze %dma_wait3A_157 : memref<1x128x256xf32, #tpu.memory_space<vmem>> -> memref<128x256xf32, #tpu.memory_space<vmem>>
          tpu.wait_dma2 semaphore(%dma_wait3A_152 : memref<!tpu.dma_semaphore, #tpu.memory_space<semaphore_mem>>) src(%dma_wait3A_158 : memref<128x256xf32, #tpu.memory_space<vmem>>) dst(%dma_wait3A_154 : memref<128x256xf32, #tpu.memory_space<hbm>>)
          "tpu.trace_stop"() : () -> ()
        } else {
        }
      } else {
      }
      tpu.yield
    }) : () -> ()
    return
  }
}

#map = affine_map<(d0, d1) -> (0, 0)>
module attributes {stable_mosaic.version = 14 : i64} {
  func.func @k(%arg0: i32, %arg1: i32, %arg2: memref<50000x256xf32, #tpu.memory_space<hbm>>, %arg3: memref<1x33792xi32, #tpu.memory_space<hbm>>, %arg4: memref<33792x256xf32, #tpu.memory_space<hbm>>) attributes {dimension_semantics = [#tpu.dimension_semantics<core_parallel>, #tpu.dimension_semantics<subcore_parallel>], iteration_bounds = array<i64: 2, 16>, scalar_prefetch = 0 : i64, scratch_operands = 0 : i64, tpu.core_type = #tpu.core_type<sc_vector_subcore>, window_params = [{transform_indices = #map}, {transform_indices = #map}, {transform_indices = #map}]} {
    %mul3A = arith.constant 1 : i32
    %mul3A_0 = arith.muli %arg1, %mul3A : i32
    %add3A = arith.constant 0 : i32
    %add3A_1 = arith.addi %add3A, %mul3A_0 : i32
    %mul3A_2 = arith.constant 16 : i32
    %mul3A_3 = arith.muli %arg0, %mul3A_2 : i32
    %add3A_4 = arith.addi %add3A_1, %mul3A_3 : i32
    %lt3A = arith.constant 8 : i32
    %lt3A_5 = arith.cmpi slt, %add3A_4, %lt3A : i32
    %jit3A = arith.constant 9 : i32
    %jit3A_6 = arith.constant 8 : i32
    %select_n3A = arith.select %lt3A_5, %jit3A, %jit3A_6 : i32
    %lt3A_7 = arith.constant 8 : i32
    %lt3A_8 = arith.cmpi slt, %add3A_4, %lt3A_7 : i32
    %mul3A_9 = arith.muli %add3A_4, %select_n3A : i32
    %mul3A_10 = arith.constant 8 : i32
    %mul3A_11 = arith.muli %add3A_4, %mul3A_10 : i32
    %add3A_12 = arith.constant 8 : i32
    %add3A_13 = arith.addi %mul3A_11, %add3A_12 : i32
    %select_n3A_14 = arith.select %lt3A_8, %mul3A_9, %add3A_13 : i32
    %mul3A_15 = arith.constant 1 : i32
    %mul3A_16 = arith.muli %mul3A_15, %select_n3A : i32
    "tpu.region"() ({
      %run_scoped3A = memref.alloca() : memref<2x1x128xi32, #tpu.memory_space<vmem>>
      %run_scoped3A_17 = tpu.sem_alloc : memref<2x!tpu.dma_semaphore, #tpu.memory_space<semaphore_mem>>
      %run_scoped3A_18 = memref.alloca() : memref<2x128x256xf32, #tpu.memory_space<vmem>>
      %run_scoped3A_19 = tpu.sem_alloc : memref<2x!tpu.dma_semaphore, #tpu.memory_space<semaphore_mem>>
      %gt3A = arith.constant 0 : i32
      %gt3A_20 = arith.cmpi sgt, %mul3A_16, %gt3A : i32
      %convert_element_type3A = arith.extui %gt3A_20 : i1 to i32
      %cond3A = arith.constant 0 : i32
      %cond3A_21 = arith.cmpi ne, %convert_element_type3A, %cond3A : i32
      scf.if %cond3A_21 {
        %mul3A_22 = arith.constant 1 : i32
        %mul3A_23 = arith.muli %mul3A_22, %select_n3A : i32
        %sub3A = arith.constant 1 : i32
        %sub3A_24 = arith.subi %mul3A_23, %sub3A : i32
        %eq3A = arith.constant 0 : i32
        %eq3A_25 = arith.cmpi eq, %sub3A_24, %eq3A : i32
        %add3A_26 = arith.constant 0 : i32
        %add3A_27 = arith.addi %add3A_26, %select_n3A_14 : i32
        %select_n3A_28 = arith.constant true
        %select_n3A_29 = arith.constant 0 : i32
        %select_n3A_30 = arith.constant -1 : i32
        %select_n3A_31 = arith.select %select_n3A_28, %select_n3A_30, %select_n3A_29 : i32
        %eq3A_32 = arith.constant -1 : i32
        %eq3A_33 = arith.cmpi eq, %select_n3A_31, %eq3A_32 : i32
        %sub3A_34 = arith.constant 1 : i32
        %sub3A_35 = arith.subi %select_n3A, %sub3A_34 : i32
        %select_n3A_36 = arith.select %eq3A_33, %sub3A_35, %select_n3A_31 : i32
        %add3A_37 = arith.addi %select_n3A_36, %select_n3A_14 : i32
        %select_n3A_38 = arith.constant true
        %select_n3A_39 = arith.constant 0 : i32
        %select_n3A_40 = arith.constant 1 : i32
        %select_n3A_41 = arith.select %select_n3A_38, %select_n3A_40, %select_n3A_39 : i32
        %eq3A_42 = arith.cmpi eq, %select_n3A_41, %select_n3A : i32
        %select_n3A_43 = arith.constant 0 : i32
        %select_n3A_44 = arith.select %eq3A_42, %select_n3A_43, %select_n3A_41 : i32
        %add3A_45 = arith.addi %select_n3A_44, %select_n3A_14 : i32
        %add3A_46 = arith.constant 1 : i32
        %add3A_47 = arith.addi %select_n3A_44, %add3A_46 : i32
        %select_n3A_48 = arith.constant true
        %select_n3A_49 = arith.select %select_n3A_48, %add3A_47, %select_n3A_44 : i32
        %eq3A_50 = arith.cmpi eq, %select_n3A_49, %select_n3A : i32
        %select_n3A_51 = arith.constant 0 : i32
        %select_n3A_52 = arith.select %eq3A_50, %select_n3A_51, %select_n3A_49 : i32
        %add3A_53 = arith.addi %select_n3A_52, %select_n3A_14 : i32
        "tpu.trace_start"() <{level = 10 : i32, message = "ep_initialize_0"}> : () -> ()
        %rem3A = arith.constant 0 : i32
        %rem3A_54 = arith.constant 2 : i32
        %rem3A_55 = arith.remui %rem3A, %rem3A_54 : i32
        %mul3A_56 = arith.constant 128 : i32
        %mul3A_57 = arith.muli %mul3A_56, %add3A_27 : i32
        %dma_start3A = arith.constant 0 : i32
        %dma_start3A_58 = arith.constant 0 : i32
        %dma_start3A_59 = tpu.memref_slice %run_scoped3A[%rem3A_55, %dma_start3A, %dma_start3A_58] : memref<2x1x128xi32, #tpu.memory_space<vmem>> -> memref<1x1x128xi32, #tpu.memory_space<vmem>>
        %dma_start3A_60 = tpu.memref_squeeze %dma_start3A_59 : memref<1x1x128xi32, #tpu.memory_space<vmem>> -> memref<1x128xi32, #tpu.memory_space<vmem>>
        %dma_start3A_61 = arith.constant 0 : i32
        %dma_start3A_62 = tpu.memref_slice %arg3[%dma_start3A_61, %mul3A_57] : memref<1x33792xi32, #tpu.memory_space<hbm>> -> memref<1x128xi32, #tpu.memory_space<hbm>>
        %dma_start3A_63 = tpu.memref_slice %run_scoped3A_17[%rem3A_55] : memref<2x!tpu.dma_semaphore, #tpu.memory_space<semaphore_mem>> -> memref<1x!tpu.dma_semaphore, #tpu.memory_space<semaphore_mem>>
        %dma_start3A_64 = tpu.memref_squeeze %dma_start3A_63 : memref<1x!tpu.dma_semaphore, #tpu.memory_space<semaphore_mem>> -> memref<!tpu.dma_semaphore, #tpu.memory_space<semaphore_mem>>
        %dma_start3A_65 = arith.constant 0 : i32
        %dma_start3A_66 = arith.constant 0 : i32
        %dma_start3A_67 = tpu.memref_slice %run_scoped3A[%rem3A_55, %dma_start3A_65, %dma_start3A_66] : memref<2x1x128xi32, #tpu.memory_space<vmem>> -> memref<1x1x128xi32, #tpu.memory_space<vmem>>
        %dma_start3A_68 = tpu.memref_squeeze %dma_start3A_67 : memref<1x1x128xi32, #tpu.memory_space<vmem>> -> memref<1x128xi32, #tpu.memory_space<vmem>>
        %dma_start3A_69 = arith.constant 0 : i32
        %dma_start3A_70 = tpu.memref_slice %arg3[%dma_start3A_69, %mul3A_57] : memref<1x33792xi32, #tpu.memory_space<hbm>> -> memref<1x128xi32, #tpu.memory_space<hbm>>
        tpu.enqueue_dma source(%dma_start3A_70 : memref<1x128xi32, #tpu.memory_space<hbm>>) target(%dma_start3A_68 : memref<1x128xi32, #tpu.memory_space<vmem>>) target_semaphore(%dma_start3A_64 : memref<!tpu.dma_semaphore, #tpu.memory_space<semaphore_mem>>)
        %add3A_71 = arith.constant 0 : i32
        %add3A_72 = arith.constant 1 : i32
        %add3A_73 = arith.addi %add3A_71, %add3A_72 : i32
        %select_n3A_74 = arith.constant true
        %select_n3A_75 = arith.constant 0 : i32
        %select_n3A_76 = arith.select %select_n3A_74, %add3A_73, %select_n3A_75 : i32
        %while3A = arith.constant 0 : i32
        %while3A_77 = arith.constant 0 : i32
        %while3A_78 = arith.constant 0 : i32
        %while3A_79 = arith.constant 0 : i32
        %while3A_80 = arith.constant 0 : i32
        "tpu.trace_stop"() : () -> ()
        %while3A_81 = arith.subi %mul3A_16, %while3A : i32
        %while3A_82 = arith.addi %while3A, %while3A_81 : i32
        %while3A_83 = arith.constant 1 : i32
        %while3A_84 = arith.divsi %while3A_81, %while3A_83 : i32
        %while3A_85 = arith.muli %while3A_84, %while3A_83 : i32
        %while3A_86 = arith.addi %while3A, %while3A_85 : i32
        %while3A_87 = arith.constant 1 : i32
        %while3A_88:5 = scf.for %while3A_142 = %while3A to %while3A_86 step %while3A_87 iter_args(%while3A_143 = %select_n3A_76, %while3A_144 = %while3A_77, %while3A_145 = %while3A_78, %while3A_146 = %while3A_79, %while3A_147 = %while3A_80) -> (i32, i32, i32, i32, i32)  : i32 {
          %mul3A_148 = arith.constant 1 : i32
          %mul3A_149 = arith.muli %mul3A_148, %select_n3A : i32
          %eq3A_150 = arith.constant 0 : i32
          %eq3A_151 = arith.cmpi eq, %while3A_142, %eq3A_150 : i32
          %sub3A_152 = arith.constant 1 : i32
          %sub3A_153 = arith.subi %mul3A_149, %sub3A_152 : i32
          %eq3A_154 = arith.cmpi eq, %while3A_142, %sub3A_153 : i32
          %add3A_155 = arith.addi %while3A_147, %select_n3A_14 : i32
          %sub3A_156 = arith.constant 1 : i32
          %sub3A_157 = arith.subi %while3A_147, %sub3A_156 : i32
          %select_n3A_158 = arith.constant true
          %select_n3A_159 = arith.select %select_n3A_158, %sub3A_157, %while3A_147 : i32
          %eq3A_160 = arith.constant -1 : i32
          %eq3A_161 = arith.cmpi eq, %select_n3A_159, %eq3A_160 : i32
          %sub3A_162 = arith.constant 1 : i32
          %sub3A_163 = arith.subi %select_n3A, %sub3A_162 : i32
          %select_n3A_164 = arith.select %eq3A_161, %sub3A_163, %select_n3A_159 : i32
          %add3A_165 = arith.addi %select_n3A_164, %select_n3A_14 : i32
          %add3A_166 = arith.constant 1 : i32
          %add3A_167 = arith.addi %while3A_147, %add3A_166 : i32
          %select_n3A_168 = arith.constant true
          %select_n3A_169 = arith.select %select_n3A_168, %add3A_167, %while3A_147 : i32
          %eq3A_170 = arith.cmpi eq, %select_n3A_169, %select_n3A : i32
          %select_n3A_171 = arith.constant 0 : i32
          %select_n3A_172 = arith.select %eq3A_170, %select_n3A_171, %select_n3A_169 : i32
          %add3A_173 = arith.addi %select_n3A_172, %select_n3A_14 : i32
          %add3A_174 = arith.constant 1 : i32
          %add3A_175 = arith.addi %select_n3A_172, %add3A_174 : i32
          %select_n3A_176 = arith.constant true
          %select_n3A_177 = arith.select %select_n3A_176, %add3A_175, %select_n3A_172 : i32
          %eq3A_178 = arith.cmpi eq, %select_n3A_177, %select_n3A : i32
          %select_n3A_179 = arith.constant 0 : i32
          %select_n3A_180 = arith.select %eq3A_178, %select_n3A_179, %select_n3A_177 : i32
          %add3A_181 = arith.addi %select_n3A_180, %select_n3A_14 : i32
          %ne3A = arith.cmpi ne, %add3A_155, %add3A_173 : i32
          %or3A = arith.constant false
          %or3A_182 = arith.ori %or3A, %ne3A : i1
          %sub3A_183 = arith.constant 2 : i32
          %sub3A_184 = arith.subi %mul3A_149, %sub3A_183 : i32
          %add3A_185 = arith.constant 1 : i32
          %add3A_186 = arith.addi %sub3A_184, %add3A_185 : i32
          %ge3A = arith.cmpi sge, %while3A_142, %add3A_186 : i32
          %not3A = arith.constant true
          %not3A_187 = arith.xori %ge3A, %not3A : i1
          %and3A = arith.andi %or3A_182, %not3A_187 : i1
          %convert_element_type3A_188 = arith.extui %and3A : i1 to i32
          %cond3A_189 = arith.constant 0 : i32
          %cond3A_190 = arith.cmpi ne, %convert_element_type3A_188, %cond3A_189 : i32
          scf.if %cond3A_190 {
            "tpu.trace_start"() <{level = 10 : i32, message = "ep_copy_in"}> : () -> ()
            %rem3A_294 = arith.constant 2 : i32
            %rem3A_295 = arith.remui %while3A_143, %rem3A_294 : i32
            %mul3A_296 = arith.constant 128 : i32
            %mul3A_297 = arith.muli %mul3A_296, %add3A_173 : i32
            %dma_start3A_298 = arith.constant 0 : i32
            %dma_start3A_299 = arith.constant 0 : i32
            %dma_start3A_300 = tpu.memref_slice %run_scoped3A[%rem3A_295, %dma_start3A_298, %dma_start3A_299] : memref<2x1x128xi32, #tpu.memory_space<vmem>> -> memref<1x1x128xi32, #tpu.memory_space<vmem>>
            %dma_start3A_301 = tpu.memref_squeeze %dma_start3A_300 : memref<1x1x128xi32, #tpu.memory_space<vmem>> -> memref<1x128xi32, #tpu.memory_space<vmem>>
            %dma_start3A_302 = arith.constant 0 : i32
            %dma_start3A_303 = tpu.memref_slice %arg3[%dma_start3A_302, %mul3A_297] : memref<1x33792xi32, #tpu.memory_space<hbm>> -> memref<1x128xi32, #tpu.memory_space<hbm>>
            %dma_start3A_304 = tpu.memref_slice %run_scoped3A_17[%rem3A_295] : memref<2x!tpu.dma_semaphore, #tpu.memory_space<semaphore_mem>> -> memref<1x!tpu.dma_semaphore, #tpu.memory_space<semaphore_mem>>
            %dma_start3A_305 = tpu.memref_squeeze %dma_start3A_304 : memref<1x!tpu.dma_semaphore, #tpu.memory_space<semaphore_mem>> -> memref<!tpu.dma_semaphore, #tpu.memory_space<semaphore_mem>>
            %dma_start3A_306 = arith.constant 0 : i32
            %dma_start3A_307 = arith.constant 0 : i32
            %dma_start3A_308 = tpu.memref_slice %run_scoped3A[%rem3A_295, %dma_start3A_306, %dma_start3A_307] : memref<2x1x128xi32, #tpu.memory_space<vmem>> -> memref<1x1x128xi32, #tpu.memory_space<vmem>>
            %dma_start3A_309 = tpu.memref_squeeze %dma_start3A_308 : memref<1x1x128xi32, #tpu.memory_space<vmem>> -> memref<1x128xi32, #tpu.memory_space<vmem>>
            %dma_start3A_310 = arith.constant 0 : i32
            %dma_start3A_311 = tpu.memref_slice %arg3[%dma_start3A_310, %mul3A_297] : memref<1x33792xi32, #tpu.memory_space<hbm>> -> memref<1x128xi32, #tpu.memory_space<hbm>>
            tpu.enqueue_dma source(%dma_start3A_311 : memref<1x128xi32, #tpu.memory_space<hbm>>) target(%dma_start3A_309 : memref<1x128xi32, #tpu.memory_space<vmem>>) target_semaphore(%dma_start3A_305 : memref<!tpu.dma_semaphore, #tpu.memory_space<semaphore_mem>>)
            "tpu.trace_stop"() : () -> ()
          } else {
          }
          %and3A_191 = arith.constant true
          %and3A_192 = arith.andi %and3A, %and3A_191 : i1
          %add3A_193 = arith.constant 1 : i32
          %add3A_194 = arith.addi %while3A_143, %add3A_193 : i32
          %select_n3A_195 = arith.select %and3A_192, %add3A_194, %while3A_143 : i32
          %ne3A_196 = arith.cmpi ne, %add3A_155, %add3A_173 : i32
          %or3A_197 = arith.constant false
          %or3A_198 = arith.ori %or3A_197, %ne3A_196 : i1
          %or3A_199 = arith.constant false
          %or3A_200 = arith.ori %or3A_198, %or3A_199 : i1
          %sub3A_201 = arith.constant 2 : i32
          %sub3A_202 = arith.subi %mul3A_149, %sub3A_201 : i32
          %add3A_203 = arith.constant 1 : i32
          %add3A_204 = arith.addi %sub3A_202, %add3A_203 : i32
          %ge3A_205 = arith.cmpi sge, %while3A_142, %add3A_204 : i32
          %not3A_206 = arith.constant true
          %not3A_207 = arith.xori %ge3A_205, %not3A_206 : i1
          %and3A_208 = arith.andi %or3A_200, %not3A_207 : i1
          %ne3A_209 = arith.cmpi ne, %add3A_155, %add3A_165 : i32
          %or3A_210 = arith.constant false
          %or3A_211 = arith.ori %or3A_210, %ne3A_209 : i1
          %or3A_212 = arith.ori %or3A_211, %eq3A_151 : i1
          %convert_element_type3A_213 = arith.extui %or3A_212 : i1 to i32
          %cond3A_214 = arith.constant 0 : i32
          %cond3A_215 = arith.cmpi ne, %convert_element_type3A_213, %cond3A_214 : i32
          scf.if %cond3A_215 {
            "tpu.trace_start"() <{level = 10 : i32, message = "ep_wait_in"}> : () -> ()
            %mul3A_294 = arith.constant 128 : i32
            %mul3A_295 = arith.muli %mul3A_294, %add3A_155 : i32
            %rem3A_296 = arith.constant 2 : i32
            %rem3A_297 = arith.remui %while3A_144, %rem3A_296 : i32
            %dma_wait3A = arith.constant 0 : i32
            %dma_wait3A_298 = arith.constant 0 : i32
            %dma_wait3A_299 = tpu.memref_slice %run_scoped3A[%rem3A_297, %dma_wait3A, %dma_wait3A_298] : memref<2x1x128xi32, #tpu.memory_space<vmem>> -> memref<1x1x128xi32, #tpu.memory_space<vmem>>
            %dma_wait3A_300 = tpu.memref_squeeze %dma_wait3A_299 : memref<1x1x128xi32, #tpu.memory_space<vmem>> -> memref<1x128xi32, #tpu.memory_space<vmem>>
            %dma_wait3A_301 = arith.constant 0 : i32
            %dma_wait3A_302 = tpu.memref_slice %arg3[%dma_wait3A_301, %mul3A_295] : memref<1x33792xi32, #tpu.memory_space<hbm>> -> memref<1x128xi32, #tpu.memory_space<hbm>>
            %dma_wait3A_303 = tpu.memref_slice %run_scoped3A_17[%rem3A_297] : memref<2x!tpu.dma_semaphore, #tpu.memory_space<semaphore_mem>> -> memref<1x!tpu.dma_semaphore, #tpu.memory_space<semaphore_mem>>
            %dma_wait3A_304 = tpu.memref_squeeze %dma_wait3A_303 : memref<1x!tpu.dma_semaphore, #tpu.memory_space<semaphore_mem>> -> memref<!tpu.dma_semaphore, #tpu.memory_space<semaphore_mem>>
            %dma_wait3A_305 = arith.constant 0 : i32
            %dma_wait3A_306 = arith.constant 0 : i32
            %dma_wait3A_307 = tpu.memref_slice %run_scoped3A[%rem3A_297, %dma_wait3A_305, %dma_wait3A_306] : memref<2x1x128xi32, #tpu.memory_space<vmem>> -> memref<1x1x128xi32, #tpu.memory_space<vmem>>
            %dma_wait3A_308 = tpu.memref_squeeze %dma_wait3A_307 : memref<1x1x128xi32, #tpu.memory_space<vmem>> -> memref<1x128xi32, #tpu.memory_space<vmem>>
            %dma_wait3A_309 = arith.constant 0 : i32
            %dma_wait3A_310 = tpu.memref_slice %arg3[%dma_wait3A_309, %mul3A_295] : memref<1x33792xi32, #tpu.memory_space<hbm>> -> memref<1x128xi32, #tpu.memory_space<hbm>>
            tpu.wait_dma2 semaphore(%dma_wait3A_304 : memref<!tpu.dma_semaphore, #tpu.memory_space<semaphore_mem>>) src(%dma_wait3A_310 : memref<1x128xi32, #tpu.memory_space<hbm>>) dst(%dma_wait3A_308 : memref<1x128xi32, #tpu.memory_space<vmem>>)
            "tpu.trace_stop"() : () -> ()
          } else {
          }
          %ne3A_216 = arith.cmpi ne, %add3A_155, %add3A_165 : i32
          %or3A_217 = arith.constant false
          %or3A_218 = arith.ori %or3A_217, %ne3A_216 : i1
          %or3A_219 = arith.constant false
          %or3A_220 = arith.ori %or3A_218, %or3A_219 : i1
          %or3A_221 = arith.ori %or3A_220, %eq3A_151 : i1
          %convert_element_type3A_222 = arith.extui %or3A_221 : i1 to i32
          %cond3A_223 = arith.constant 0 : i32
          %cond3A_224 = arith.cmpi ne, %convert_element_type3A_222, %cond3A_223 : i32
          scf.if %cond3A_224 {
          } else {
          }
          %rem3A_225 = arith.constant 2 : i32
          %rem3A_226 = arith.remui %while3A_144, %rem3A_225 : i32
          %rem3A_227 = arith.constant 2 : i32
          %rem3A_228 = arith.remui %while3A_145, %rem3A_227 : i32
          %run_scoped3A_229 = arith.constant 0 : i32
          "tpu.trace_start"() <{level = 10 : i32, message = "ep_run_kernel"}> : () -> ()
          "tpu.region"() ({
            %run_scoped3A_294 = tpu.sem_alloc : memref<!tpu.dma_semaphore, #tpu.memory_space<semaphore_mem>>
            %dma_start3A_295 = arith.constant 0 : i32
            %dma_start3A_296 = arith.constant 0 : i32
            %dma_start3A_297 = tpu.memref_slice %run_scoped3A_18[%rem3A_228, %dma_start3A_295, %dma_start3A_296] : memref<2x128x256xf32, #tpu.memory_space<vmem>> -> memref<1x128x256xf32, #tpu.memory_space<vmem>>
            %dma_start3A_298 = tpu.memref_squeeze %dma_start3A_297 : memref<1x128x256xf32, #tpu.memory_space<vmem>> -> memref<128x256xf32, #tpu.memory_space<vmem>>
            %dma_start3A_299 = arith.constant 0 : i32
            %dma_start3A_300 = arith.constant 0 : i32
            %dma_start3A_301 = tpu.memref_slice %run_scoped3A[%rem3A_226, %dma_start3A_299, %dma_start3A_300] : memref<2x1x128xi32, #tpu.memory_space<vmem>> -> memref<1x1x128xi32, #tpu.memory_space<vmem>>
            %dma_start3A_302 = tpu.memref_squeeze %dma_start3A_301 : memref<1x1x128xi32, #tpu.memory_space<vmem>> -> memref<1x128xi32, #tpu.memory_space<vmem>>
            %dma_start3A_303 = arith.constant 0 : i32
            %dma_start3A_304 = tpu.memref_slice %dma_start3A_302[%run_scoped3A_229, %dma_start3A_303] : memref<1x128xi32, #tpu.memory_space<vmem>> -> memref<1x128xi32, #tpu.memory_space<vmem>>
            %dma_start3A_305 = tpu.memref_squeeze %dma_start3A_304 : memref<1x128xi32, #tpu.memory_space<vmem>> -> memref<128xi32, #tpu.memory_space<vmem>>
            %dma_start3A_306 = arith.constant 0 : i32
            %dma_start3A_307 = arith.constant 0 : i32
            %dma_start3A_308 = tpu.memref_slice %arg2[%dma_start3A_306, %dma_start3A_307] : memref<50000x256xf32, #tpu.memory_space<hbm>> -> memref<50000x256xf32, #tpu.memory_space<hbm>>
            tpu.enqueue_indirect_dma source(%dma_start3A_308 : memref<50000x256xf32, #tpu.memory_space<hbm>>) target(%dma_start3A_298 : memref<128x256xf32, #tpu.memory_space<vmem>>) offsets(%dma_start3A_305 : memref<128xi32, #tpu.memory_space<vmem>>) semaphore(%run_scoped3A_294 : memref<!tpu.dma_semaphore, #tpu.memory_space<semaphore_mem>>)
            %dma_wait3A = arith.constant 0 : i32
            %dma_wait3A_309 = arith.constant 0 : i32
            %dma_wait3A_310 = tpu.memref_slice %run_scoped3A_18[%rem3A_228, %dma_wait3A, %dma_wait3A_309] : memref<2x128x256xf32, #tpu.memory_space<vmem>> -> memref<1x128x256xf32, #tpu.memory_space<vmem>>
            %dma_wait3A_311 = tpu.memref_squeeze %dma_wait3A_310 : memref<1x128x256xf32, #tpu.memory_space<vmem>> -> memref<128x256xf32, #tpu.memory_space<vmem>>
            %dma_wait3A_312 = arith.constant 0 : i32
            %dma_wait3A_313 = arith.constant 0 : i32
            %dma_wait3A_314 = tpu.memref_slice %run_scoped3A[%rem3A_226, %dma_wait3A_312, %dma_wait3A_313] : memref<2x1x128xi32, #tpu.memory_space<vmem>> -> memref<1x1x128xi32, #tpu.memory_space<vmem>>
            %dma_wait3A_315 = tpu.memref_squeeze %dma_wait3A_314 : memref<1x1x128xi32, #tpu.memory_space<vmem>> -> memref<1x128xi32, #tpu.memory_space<vmem>>
            %dma_wait3A_316 = arith.constant 0 : i32
            %dma_wait3A_317 = tpu.memref_slice %dma_wait3A_315[%run_scoped3A_229, %dma_wait3A_316] : memref<1x128xi32, #tpu.memory_space<vmem>> -> memref<1x128xi32, #tpu.memory_space<vmem>>
            %dma_wait3A_318 = tpu.memref_squeeze %dma_wait3A_317 : memref<1x128xi32, #tpu.memory_space<vmem>> -> memref<128xi32, #tpu.memory_space<vmem>>
            %dma_wait3A_319 = arith.constant 0 : i32
            %dma_wait3A_320 = arith.constant 0 : i32
            %dma_wait3A_321 = tpu.memref_slice %arg2[%dma_wait3A_319, %dma_wait3A_320] : memref<50000x256xf32, #tpu.memory_space<hbm>> -> memref<50000x256xf32, #tpu.memory_space<hbm>>
            tpu.wait_indirect_dma semaphore(%run_scoped3A_294 : memref<!tpu.dma_semaphore, #tpu.memory_space<semaphore_mem>>) src(%dma_wait3A_321 : memref<50000x256xf32, #tpu.memory_space<hbm>>) dst(%dma_wait3A_311 : memref<128x256xf32, #tpu.memory_space<vmem>>)
            tpu.yield
          }) : () -> ()
          "tpu.trace_stop"() : () -> ()
          %ne3A_230 = arith.cmpi ne, %add3A_155, %add3A_173 : i32
          %or3A_231 = arith.constant false
          %or3A_232 = arith.ori %or3A_231, %ne3A_230 : i1
          %or3A_233 = arith.ori %or3A_232, %eq3A_154 : i1
          %convert_element_type3A_234 = arith.extui %or3A_233 : i1 to i32
          %cond3A_235 = arith.constant 0 : i32
          %cond3A_236 = arith.cmpi ne, %convert_element_type3A_234, %cond3A_235 : i32
          scf.if %cond3A_236 {
          } else {
          }
          %and3A_237 = arith.constant false
          %and3A_238 = arith.andi %or3A_233, %and3A_237 : i1
          %ne3A_239 = arith.cmpi ne, %add3A_155, %add3A_173 : i32
          %or3A_240 = arith.constant false
          %or3A_241 = arith.ori %or3A_240, %ne3A_239 : i1
          %or3A_242 = arith.constant false
          %or3A_243 = arith.ori %or3A_241, %or3A_242 : i1
          %or3A_244 = arith.ori %or3A_243, %eq3A_154 : i1
          %convert_element_type3A_245 = arith.extui %or3A_244 : i1 to i32
          %cond3A_246 = arith.constant 0 : i32
          %cond3A_247 = arith.cmpi ne, %convert_element_type3A_245, %cond3A_246 : i32
          scf.if %cond3A_247 {
            "tpu.trace_start"() <{level = 10 : i32, message = "ep_copy_out"}> : () -> ()
            %rem3A_294 = arith.constant 2 : i32
            %rem3A_295 = arith.remui %while3A_145, %rem3A_294 : i32
            %mul3A_296 = arith.constant 128 : i32
            %mul3A_297 = arith.muli %mul3A_296, %add3A_155 : i32
            %dma_start3A_298 = arith.constant 0 : i32
            %dma_start3A_299 = arith.constant 0 : i32
            %dma_start3A_300 = tpu.memref_slice %run_scoped3A_18[%rem3A_295, %dma_start3A_298, %dma_start3A_299] : memref<2x128x256xf32, #tpu.memory_space<vmem>> -> memref<1x128x256xf32, #tpu.memory_space<vmem>>
            %dma_start3A_301 = tpu.memref_squeeze %dma_start3A_300 : memref<1x128x256xf32, #tpu.memory_space<vmem>> -> memref<128x256xf32, #tpu.memory_space<vmem>>
            %dma_start3A_302 = arith.constant 0 : i32
            %dma_start3A_303 = tpu.memref_slice %arg4[%mul3A_297, %dma_start3A_302] : memref<33792x256xf32, #tpu.memory_space<hbm>> -> memref<128x256xf32, #tpu.memory_space<hbm>>
            %dma_start3A_304 = tpu.memref_slice %run_scoped3A_19[%rem3A_295] : memref<2x!tpu.dma_semaphore, #tpu.memory_space<semaphore_mem>> -> memref<1x!tpu.dma_semaphore, #tpu.memory_space<semaphore_mem>>
            %dma_start3A_305 = tpu.memref_squeeze %dma_start3A_304 : memref<1x!tpu.dma_semaphore, #tpu.memory_space<semaphore_mem>> -> memref<!tpu.dma_semaphore, #tpu.memory_space<semaphore_mem>>
            %dma_start3A_306 = arith.constant 0 : i32
            %dma_start3A_307 = tpu.memref_slice %arg4[%mul3A_297, %dma_start3A_306] : memref<33792x256xf32, #tpu.memory_space<hbm>> -> memref<128x256xf32, #tpu.memory_space<hbm>>
            %dma_start3A_308 = arith.constant 0 : i32
            %dma_start3A_309 = arith.constant 0 : i32
            %dma_start3A_310 = tpu.memref_slice %run_scoped3A_18[%rem3A_295, %dma_start3A_308, %dma_start3A_309] : memref<2x128x256xf32, #tpu.memory_space<vmem>> -> memref<1x128x256xf32, #tpu.memory_space<vmem>>
            %dma_start3A_311 = tpu.memref_squeeze %dma_start3A_310 : memref<1x128x256xf32, #tpu.memory_space<vmem>> -> memref<128x256xf32, #tpu.memory_space<vmem>>
            tpu.enqueue_dma source(%dma_start3A_311 : memref<128x256xf32, #tpu.memory_space<vmem>>) target(%dma_start3A_307 : memref<128x256xf32, #tpu.memory_space<hbm>>) target_semaphore(%dma_start3A_305 : memref<!tpu.dma_semaphore, #tpu.memory_space<semaphore_mem>>)
            "tpu.trace_stop"() : () -> ()
          } else {
          }
          %and3A_248 = arith.constant true
          %and3A_249 = arith.andi %or3A_244, %and3A_248 : i1
          %add3A_250 = arith.constant 1 : i32
          %add3A_251 = arith.addi %while3A_145, %add3A_250 : i32
          %select_n3A_252 = arith.select %and3A_249, %add3A_251, %while3A_145 : i32
          %ne3A_253 = arith.cmpi ne, %add3A_155, %add3A_165 : i32
          %or3A_254 = arith.constant false
          %or3A_255 = arith.ori %or3A_254, %ne3A_253 : i1
          %not3A_256 = arith.constant true
          %not3A_257 = arith.xori %eq3A_151, %not3A_256 : i1
          %and3A_258 = arith.andi %or3A_255, %not3A_257 : i1
          %convert_element_type3A_259 = arith.extui %and3A_258 : i1 to i32
          %cond3A_260 = arith.constant 0 : i32
          %cond3A_261 = arith.cmpi ne, %convert_element_type3A_259, %cond3A_260 : i32
          scf.if %cond3A_261 {
          } else {
          }
          %and3A_262 = arith.constant false
          %and3A_263 = arith.andi %and3A_258, %and3A_262 : i1
          %ne3A_264 = arith.cmpi ne, %add3A_155, %add3A_165 : i32
          %or3A_265 = arith.constant false
          %or3A_266 = arith.ori %or3A_265, %ne3A_264 : i1
          %or3A_267 = arith.constant false
          %or3A_268 = arith.ori %or3A_266, %or3A_267 : i1
          %not3A_269 = arith.constant true
          %not3A_270 = arith.xori %eq3A_151, %not3A_269 : i1
          %and3A_271 = arith.andi %or3A_268, %not3A_270 : i1
          %convert_element_type3A_272 = arith.extui %and3A_271 : i1 to i32
          %cond3A_273 = arith.constant 0 : i32
          %cond3A_274 = arith.cmpi ne, %convert_element_type3A_272, %cond3A_273 : i32
          scf.if %cond3A_274 {
            "tpu.trace_start"() <{level = 10 : i32, message = "ep_wait_out"}> : () -> ()
            %rem3A_294 = arith.constant 2 : i32
            %rem3A_295 = arith.remui %while3A_146, %rem3A_294 : i32
            %mul3A_296 = arith.constant 128 : i32
            %mul3A_297 = arith.muli %mul3A_296, %add3A_165 : i32
            %dma_wait3A = arith.constant 0 : i32
            %dma_wait3A_298 = arith.constant 0 : i32
            %dma_wait3A_299 = tpu.memref_slice %run_scoped3A_18[%rem3A_295, %dma_wait3A, %dma_wait3A_298] : memref<2x128x256xf32, #tpu.memory_space<vmem>> -> memref<1x128x256xf32, #tpu.memory_space<vmem>>
            %dma_wait3A_300 = tpu.memref_squeeze %dma_wait3A_299 : memref<1x128x256xf32, #tpu.memory_space<vmem>> -> memref<128x256xf32, #tpu.memory_space<vmem>>
            %dma_wait3A_301 = arith.constant 0 : i32
            %dma_wait3A_302 = tpu.memref_slice %arg4[%mul3A_297, %dma_wait3A_301] : memref<33792x256xf32, #tpu.memory_space<hbm>> -> memref<128x256xf32, #tpu.memory_space<hbm>>
            %dma_wait3A_303 = tpu.memref_slice %run_scoped3A_19[%rem3A_295] : memref<2x!tpu.dma_semaphore, #tpu.memory_space<semaphore_mem>> -> memref<1x!tpu.dma_semaphore, #tpu.memory_space<semaphore_mem>>
            %dma_wait3A_304 = tpu.memref_squeeze %dma_wait3A_303 : memref<1x!tpu.dma_semaphore, #tpu.memory_space<semaphore_mem>> -> memref<!tpu.dma_semaphore, #tpu.memory_space<semaphore_mem>>
            %dma_wait3A_305 = arith.constant 0 : i32
            %dma_wait3A_306 = tpu.memref_slice %arg4[%mul3A_297, %dma_wait3A_305] : memref<33792x256xf32, #tpu.memory_space<hbm>> -> memref<128x256xf32, #tpu.memory_space<hbm>>
            %dma_wait3A_307 = arith.constant 0 : i32
            %dma_wait3A_308 = arith.constant 0 : i32
            %dma_wait3A_309 = tpu.memref_slice %run_scoped3A_18[%rem3A_295, %dma_wait3A_307, %dma_wait3A_308] : memref<2x128x256xf32, #tpu.memory_space<vmem>> -> memref<1x128x256xf32, #tpu.memory_space<vmem>>
            %dma_wait3A_310 = tpu.memref_squeeze %dma_wait3A_309 : memref<1x128x256xf32, #tpu.memory_space<vmem>> -> memref<128x256xf32, #tpu.memory_space<vmem>>
            tpu.wait_dma2 semaphore(%dma_wait3A_304 : memref<!tpu.dma_semaphore, #tpu.memory_space<semaphore_mem>>) src(%dma_wait3A_310 : memref<128x256xf32, #tpu.memory_space<vmem>>) dst(%dma_wait3A_306 : memref<128x256xf32, #tpu.memory_space<hbm>>)
            "tpu.trace_stop"() : () -> ()
          } else {
          }
          %and3A_275 = arith.constant true
          %and3A_276 = arith.andi %and3A_271, %and3A_275 : i1
          %add3A_277 = arith.constant 1 : i32
          %add3A_278 = arith.addi %while3A_146, %add3A_277 : i32
          %select_n3A_279 = arith.select %and3A_276, %add3A_278, %while3A_146 : i32
          %ne3A_280 = arith.cmpi ne, %add3A_155, %add3A_173 : i32
          %or3A_281 = arith.constant false
          %or3A_282 = arith.ori %or3A_281, %ne3A_280 : i1
          %or3A_283 = arith.ori %or3A_282, %eq3A_154 : i1
          %add3A_284 = arith.constant 1 : i32
          %add3A_285 = arith.addi %while3A_144, %add3A_284 : i32
          %select_n3A_286 = arith.select %or3A_283, %add3A_285, %while3A_144 : i32
          %add3A_287 = arith.constant 1 : i32
          %add3A_288 = arith.addi %while3A_147, %add3A_287 : i32
          %select_n3A_289 = arith.constant true
          %select_n3A_290 = arith.select %select_n3A_289, %add3A_288, %while3A_147 : i32
          %eq3A_291 = arith.cmpi eq, %select_n3A_290, %select_n3A : i32
          %select_n3A_292 = arith.constant 0 : i32
          %select_n3A_293 = arith.select %eq3A_291, %select_n3A_292, %select_n3A_290 : i32
          scf.yield %select_n3A_195, %select_n3A_286, %select_n3A_252, %select_n3A_279, %select_n3A_293 : i32, i32, i32, i32, i32
        }
        %while3A_89 = arith.constant 1 : i32
        %while3A_90:5 = scf.for %while3A_142 = %while3A_86 to %while3A_82 step %while3A_89 iter_args(%while3A_143 = %while3A_88#0, %while3A_144 = %while3A_88#1, %while3A_145 = %while3A_88#2, %while3A_146 = %while3A_88#3, %while3A_147 = %while3A_88#4) -> (i32, i32, i32, i32, i32)  : i32 {
          %mul3A_148 = arith.constant 1 : i32
          %mul3A_149 = arith.muli %mul3A_148, %select_n3A : i32
          %eq3A_150 = arith.constant 0 : i32
          %eq3A_151 = arith.cmpi eq, %while3A_142, %eq3A_150 : i32
          %sub3A_152 = arith.constant 1 : i32
          %sub3A_153 = arith.subi %mul3A_149, %sub3A_152 : i32
          %eq3A_154 = arith.cmpi eq, %while3A_142, %sub3A_153 : i32
          %add3A_155 = arith.addi %while3A_147, %select_n3A_14 : i32
          %sub3A_156 = arith.constant 1 : i32
          %sub3A_157 = arith.subi %while3A_147, %sub3A_156 : i32
          %select_n3A_158 = arith.constant true
          %select_n3A_159 = arith.select %select_n3A_158, %sub3A_157, %while3A_147 : i32
          %eq3A_160 = arith.constant -1 : i32
          %eq3A_161 = arith.cmpi eq, %select_n3A_159, %eq3A_160 : i32
          %sub3A_162 = arith.constant 1 : i32
          %sub3A_163 = arith.subi %select_n3A, %sub3A_162 : i32
          %select_n3A_164 = arith.select %eq3A_161, %sub3A_163, %select_n3A_159 : i32
          %add3A_165 = arith.addi %select_n3A_164, %select_n3A_14 : i32
          %add3A_166 = arith.constant 1 : i32
          %add3A_167 = arith.addi %while3A_147, %add3A_166 : i32
          %select_n3A_168 = arith.constant true
          %select_n3A_169 = arith.select %select_n3A_168, %add3A_167, %while3A_147 : i32
          %eq3A_170 = arith.cmpi eq, %select_n3A_169, %select_n3A : i32
          %select_n3A_171 = arith.constant 0 : i32
          %select_n3A_172 = arith.select %eq3A_170, %select_n3A_171, %select_n3A_169 : i32
          %add3A_173 = arith.addi %select_n3A_172, %select_n3A_14 : i32
          %add3A_174 = arith.constant 1 : i32
          %add3A_175 = arith.addi %select_n3A_172, %add3A_174 : i32
          %select_n3A_176 = arith.constant true
          %select_n3A_177 = arith.select %select_n3A_176, %add3A_175, %select_n3A_172 : i32
          %eq3A_178 = arith.cmpi eq, %select_n3A_177, %select_n3A : i32
          %select_n3A_179 = arith.constant 0 : i32
          %select_n3A_180 = arith.select %eq3A_178, %select_n3A_179, %select_n3A_177 : i32
          %add3A_181 = arith.addi %select_n3A_180, %select_n3A_14 : i32
          %ne3A = arith.cmpi ne, %add3A_155, %add3A_173 : i32
          %or3A = arith.constant false
          %or3A_182 = arith.ori %or3A, %ne3A : i1
          %sub3A_183 = arith.constant 2 : i32
          %sub3A_184 = arith.subi %mul3A_149, %sub3A_183 : i32
          %add3A_185 = arith.constant 1 : i32
          %add3A_186 = arith.addi %sub3A_184, %add3A_185 : i32
          %ge3A = arith.cmpi sge, %while3A_142, %add3A_186 : i32
          %not3A = arith.constant true
          %not3A_187 = arith.xori %ge3A, %not3A : i1
          %and3A = arith.andi %or3A_182, %not3A_187 : i1
          %convert_element_type3A_188 = arith.extui %and3A : i1 to i32
          %cond3A_189 = arith.constant 0 : i32
          %cond3A_190 = arith.cmpi ne, %convert_element_type3A_188, %cond3A_189 : i32
          scf.if %cond3A_190 {
            "tpu.trace_start"() <{level = 10 : i32, message = "ep_copy_in"}> : () -> ()
            %rem3A_294 = arith.constant 2 : i32
            %rem3A_295 = arith.remui %while3A_143, %rem3A_294 : i32
            %mul3A_296 = arith.constant 128 : i32
            %mul3A_297 = arith.muli %mul3A_296, %add3A_173 : i32
            %dma_start3A_298 = arith.constant 0 : i32
            %dma_start3A_299 = arith.constant 0 : i32
            %dma_start3A_300 = tpu.memref_slice %run_scoped3A[%rem3A_295, %dma_start3A_298, %dma_start3A_299] : memref<2x1x128xi32, #tpu.memory_space<vmem>> -> memref<1x1x128xi32, #tpu.memory_space<vmem>>
            %dma_start3A_301 = tpu.memref_squeeze %dma_start3A_300 : memref<1x1x128xi32, #tpu.memory_space<vmem>> -> memref<1x128xi32, #tpu.memory_space<vmem>>
            %dma_start3A_302 = arith.constant 0 : i32
            %dma_start3A_303 = tpu.memref_slice %arg3[%dma_start3A_302, %mul3A_297] : memref<1x33792xi32, #tpu.memory_space<hbm>> -> memref<1x128xi32, #tpu.memory_space<hbm>>
            %dma_start3A_304 = tpu.memref_slice %run_scoped3A_17[%rem3A_295] : memref<2x!tpu.dma_semaphore, #tpu.memory_space<semaphore_mem>> -> memref<1x!tpu.dma_semaphore, #tpu.memory_space<semaphore_mem>>
            %dma_start3A_305 = tpu.memref_squeeze %dma_start3A_304 : memref<1x!tpu.dma_semaphore, #tpu.memory_space<semaphore_mem>> -> memref<!tpu.dma_semaphore, #tpu.memory_space<semaphore_mem>>
            %dma_start3A_306 = arith.constant 0 : i32
            %dma_start3A_307 = arith.constant 0 : i32
            %dma_start3A_308 = tpu.memref_slice %run_scoped3A[%rem3A_295, %dma_start3A_306, %dma_start3A_307] : memref<2x1x128xi32, #tpu.memory_space<vmem>> -> memref<1x1x128xi32, #tpu.memory_space<vmem>>
            %dma_start3A_309 = tpu.memref_squeeze %dma_start3A_308 : memref<1x1x128xi32, #tpu.memory_space<vmem>> -> memref<1x128xi32, #tpu.memory_space<vmem>>
            %dma_start3A_310 = arith.constant 0 : i32
            %dma_start3A_311 = tpu.memref_slice %arg3[%dma_start3A_310, %mul3A_297] : memref<1x33792xi32, #tpu.memory_space<hbm>> -> memref<1x128xi32, #tpu.memory_space<hbm>>
            tpu.enqueue_dma source(%dma_start3A_311 : memref<1x128xi32, #tpu.memory_space<hbm>>) target(%dma_start3A_309 : memref<1x128xi32, #tpu.memory_space<vmem>>) target_semaphore(%dma_start3A_305 : memref<!tpu.dma_semaphore, #tpu.memory_space<semaphore_mem>>)
            "tpu.trace_stop"() : () -> ()
          } else {
          }
          %and3A_191 = arith.constant true
          %and3A_192 = arith.andi %and3A, %and3A_191 : i1
          %add3A_193 = arith.constant 1 : i32
          %add3A_194 = arith.addi %while3A_143, %add3A_193 : i32
          %select_n3A_195 = arith.select %and3A_192, %add3A_194, %while3A_143 : i32
          %ne3A_196 = arith.cmpi ne, %add3A_155, %add3A_173 : i32
          %or3A_197 = arith.constant false
          %or3A_198 = arith.ori %or3A_197, %ne3A_196 : i1
          %or3A_199 = arith.constant false
          %or3A_200 = arith.ori %or3A_198, %or3A_199 : i1
          %sub3A_201 = arith.constant 2 : i32
          %sub3A_202 = arith.subi %mul3A_149, %sub3A_201 : i32
          %add3A_203 = arith.constant 1 : i32
          %add3A_204 = arith.addi %sub3A_202, %add3A_203 : i32
          %ge3A_205 = arith.cmpi sge, %while3A_142, %add3A_204 : i32
          %not3A_206 = arith.constant true
          %not3A_207 = arith.xori %ge3A_205, %not3A_206 : i1
          %and3A_208 = arith.andi %or3A_200, %not3A_207 : i1
          %ne3A_209 = arith.cmpi ne, %add3A_155, %add3A_165 : i32
          %or3A_210 = arith.constant false
          %or3A_211 = arith.ori %or3A_210, %ne3A_209 : i1
          %or3A_212 = arith.ori %or3A_211, %eq3A_151 : i1
          %convert_element_type3A_213 = arith.extui %or3A_212 : i1 to i32
          %cond3A_214 = arith.constant 0 : i32
          %cond3A_215 = arith.cmpi ne, %convert_element_type3A_213, %cond3A_214 : i32
          scf.if %cond3A_215 {
            "tpu.trace_start"() <{level = 10 : i32, message = "ep_wait_in"}> : () -> ()
            %mul3A_294 = arith.constant 128 : i32
            %mul3A_295 = arith.muli %mul3A_294, %add3A_155 : i32
            %rem3A_296 = arith.constant 2 : i32
            %rem3A_297 = arith.remui %while3A_144, %rem3A_296 : i32
            %dma_wait3A = arith.constant 0 : i32
            %dma_wait3A_298 = arith.constant 0 : i32
            %dma_wait3A_299 = tpu.memref_slice %run_scoped3A[%rem3A_297, %dma_wait3A, %dma_wait3A_298] : memref<2x1x128xi32, #tpu.memory_space<vmem>> -> memref<1x1x128xi32, #tpu.memory_space<vmem>>
            %dma_wait3A_300 = tpu.memref_squeeze %dma_wait3A_299 : memref<1x1x128xi32, #tpu.memory_space<vmem>> -> memref<1x128xi32, #tpu.memory_space<vmem>>
            %dma_wait3A_301 = arith.constant 0 : i32
            %dma_wait3A_302 = tpu.memref_slice %arg3[%dma_wait3A_301, %mul3A_295] : memref<1x33792xi32, #tpu.memory_space<hbm>> -> memref<1x128xi32, #tpu.memory_space<hbm>>
            %dma_wait3A_303 = tpu.memref_slice %run_scoped3A_17[%rem3A_297] : memref<2x!tpu.dma_semaphore, #tpu.memory_space<semaphore_mem>> -> memref<1x!tpu.dma_semaphore, #tpu.memory_space<semaphore_mem>>
            %dma_wait3A_304 = tpu.memref_squeeze %dma_wait3A_303 : memref<1x!tpu.dma_semaphore, #tpu.memory_space<semaphore_mem>> -> memref<!tpu.dma_semaphore, #tpu.memory_space<semaphore_mem>>
            %dma_wait3A_305 = arith.constant 0 : i32
            %dma_wait3A_306 = arith.constant 0 : i32
            %dma_wait3A_307 = tpu.memref_slice %run_scoped3A[%rem3A_297, %dma_wait3A_305, %dma_wait3A_306] : memref<2x1x128xi32, #tpu.memory_space<vmem>> -> memref<1x1x128xi32, #tpu.memory_space<vmem>>
            %dma_wait3A_308 = tpu.memref_squeeze %dma_wait3A_307 : memref<1x1x128xi32, #tpu.memory_space<vmem>> -> memref<1x128xi32, #tpu.memory_space<vmem>>
            %dma_wait3A_309 = arith.constant 0 : i32
            %dma_wait3A_310 = tpu.memref_slice %arg3[%dma_wait3A_309, %mul3A_295] : memref<1x33792xi32, #tpu.memory_space<hbm>> -> memref<1x128xi32, #tpu.memory_space<hbm>>
            tpu.wait_dma2 semaphore(%dma_wait3A_304 : memref<!tpu.dma_semaphore, #tpu.memory_space<semaphore_mem>>) src(%dma_wait3A_310 : memref<1x128xi32, #tpu.memory_space<hbm>>) dst(%dma_wait3A_308 : memref<1x128xi32, #tpu.memory_space<vmem>>)
            "tpu.trace_stop"() : () -> ()
          } else {
          }
          %ne3A_216 = arith.cmpi ne, %add3A_155, %add3A_165 : i32
          %or3A_217 = arith.constant false
          %or3A_218 = arith.ori %or3A_217, %ne3A_216 : i1
          %or3A_219 = arith.constant false
          %or3A_220 = arith.ori %or3A_218, %or3A_219 : i1
          %or3A_221 = arith.ori %or3A_220, %eq3A_151 : i1
          %convert_element_type3A_222 = arith.extui %or3A_221 : i1 to i32
          %cond3A_223 = arith.constant 0 : i32
          %cond3A_224 = arith.cmpi ne, %convert_element_type3A_222, %cond3A_223 : i32
          scf.if %cond3A_224 {
          } else {
          }
          %rem3A_225 = arith.constant 2 : i32
          %rem3A_226 = arith.remui %while3A_144, %rem3A_225 : i32
          %rem3A_227 = arith.constant 2 : i32
          %rem3A_228 = arith.remui %while3A_145, %rem3A_227 : i32
          %run_scoped3A_229 = arith.constant 0 : i32
          "tpu.trace_start"() <{level = 10 : i32, message = "ep_run_kernel"}> : () -> ()
          "tpu.region"() ({
            %run_scoped3A_294 = tpu.sem_alloc : memref<!tpu.dma_semaphore, #tpu.memory_space<semaphore_mem>>
            %dma_start3A_295 = arith.constant 0 : i32
            %dma_start3A_296 = arith.constant 0 : i32
            %dma_start3A_297 = tpu.memref_slice %run_scoped3A_18[%rem3A_228, %dma_start3A_295, %dma_start3A_296] : memref<2x128x256xf32, #tpu.memory_space<vmem>> -> memref<1x128x256xf32, #tpu.memory_space<vmem>>
            %dma_start3A_298 = tpu.memref_squeeze %dma_start3A_297 : memref<1x128x256xf32, #tpu.memory_space<vmem>> -> memref<128x256xf32, #tpu.memory_space<vmem>>
            %dma_start3A_299 = arith.constant 0 : i32
            %dma_start3A_300 = arith.constant 0 : i32
            %dma_start3A_301 = tpu.memref_slice %run_scoped3A[%rem3A_226, %dma_start3A_299, %dma_start3A_300] : memref<2x1x128xi32, #tpu.memory_space<vmem>> -> memref<1x1x128xi32, #tpu.memory_space<vmem>>
            %dma_start3A_302 = tpu.memref_squeeze %dma_start3A_301 : memref<1x1x128xi32, #tpu.memory_space<vmem>> -> memref<1x128xi32, #tpu.memory_space<vmem>>
            %dma_start3A_303 = arith.constant 0 : i32
            %dma_start3A_304 = tpu.memref_slice %dma_start3A_302[%run_scoped3A_229, %dma_start3A_303] : memref<1x128xi32, #tpu.memory_space<vmem>> -> memref<1x128xi32, #tpu.memory_space<vmem>>
            %dma_start3A_305 = tpu.memref_squeeze %dma_start3A_304 : memref<1x128xi32, #tpu.memory_space<vmem>> -> memref<128xi32, #tpu.memory_space<vmem>>
            %dma_start3A_306 = arith.constant 0 : i32
            %dma_start3A_307 = arith.constant 0 : i32
            %dma_start3A_308 = tpu.memref_slice %arg2[%dma_start3A_306, %dma_start3A_307] : memref<50000x256xf32, #tpu.memory_space<hbm>> -> memref<50000x256xf32, #tpu.memory_space<hbm>>
            tpu.enqueue_indirect_dma source(%dma_start3A_308 : memref<50000x256xf32, #tpu.memory_space<hbm>>) target(%dma_start3A_298 : memref<128x256xf32, #tpu.memory_space<vmem>>) offsets(%dma_start3A_305 : memref<128xi32, #tpu.memory_space<vmem>>) semaphore(%run_scoped3A_294 : memref<!tpu.dma_semaphore, #tpu.memory_space<semaphore_mem>>)
            %dma_wait3A = arith.constant 0 : i32
            %dma_wait3A_309 = arith.constant 0 : i32
            %dma_wait3A_310 = tpu.memref_slice %run_scoped3A_18[%rem3A_228, %dma_wait3A, %dma_wait3A_309] : memref<2x128x256xf32, #tpu.memory_space<vmem>> -> memref<1x128x256xf32, #tpu.memory_space<vmem>>
            %dma_wait3A_311 = tpu.memref_squeeze %dma_wait3A_310 : memref<1x128x256xf32, #tpu.memory_space<vmem>> -> memref<128x256xf32, #tpu.memory_space<vmem>>
            %dma_wait3A_312 = arith.constant 0 : i32
            %dma_wait3A_313 = arith.constant 0 : i32
            %dma_wait3A_314 = tpu.memref_slice %run_scoped3A[%rem3A_226, %dma_wait3A_312, %dma_wait3A_313] : memref<2x1x128xi32, #tpu.memory_space<vmem>> -> memref<1x1x128xi32, #tpu.memory_space<vmem>>
            %dma_wait3A_315 = tpu.memref_squeeze %dma_wait3A_314 : memref<1x1x128xi32, #tpu.memory_space<vmem>> -> memref<1x128xi32, #tpu.memory_space<vmem>>
            %dma_wait3A_316 = arith.constant 0 : i32
            %dma_wait3A_317 = tpu.memref_slice %dma_wait3A_315[%run_scoped3A_229, %dma_wait3A_316] : memref<1x128xi32, #tpu.memory_space<vmem>> -> memref<1x128xi32, #tpu.memory_space<vmem>>
            %dma_wait3A_318 = tpu.memref_squeeze %dma_wait3A_317 : memref<1x128xi32, #tpu.memory_space<vmem>> -> memref<128xi32, #tpu.memory_space<vmem>>
            %dma_wait3A_319 = arith.constant 0 : i32
            %dma_wait3A_320 = arith.constant 0 : i32
            %dma_wait3A_321 = tpu.memref_slice %arg2[%dma_wait3A_319, %dma_wait3A_320] : memref<50000x256xf32, #tpu.memory_space<hbm>> -> memref<50000x256xf32, #tpu.memory_space<hbm>>
            tpu.wait_indirect_dma semaphore(%run_scoped3A_294 : memref<!tpu.dma_semaphore, #tpu.memory_space<semaphore_mem>>) src(%dma_wait3A_321 : memref<50000x256xf32, #tpu.memory_space<hbm>>) dst(%dma_wait3A_311 : memref<128x256xf32, #tpu.memory_space<vmem>>)
            tpu.yield
          }) : () -> ()
          "tpu.trace_stop"() : () -> ()
          %ne3A_230 = arith.cmpi ne, %add3A_155, %add3A_173 : i32
          %or3A_231 = arith.constant false
          %or3A_232 = arith.ori %or3A_231, %ne3A_230 : i1
          %or3A_233 = arith.ori %or3A_232, %eq3A_154 : i1
          %convert_element_type3A_234 = arith.extui %or3A_233 : i1 to i32
          %cond3A_235 = arith.constant 0 : i32
          %cond3A_236 = arith.cmpi ne, %convert_element_type3A_234, %cond3A_235 : i32
          scf.if %cond3A_236 {
          } else {
          }
          %and3A_237 = arith.constant false
          %and3A_238 = arith.andi %or3A_233, %and3A_237 : i1
          %ne3A_239 = arith.cmpi ne, %add3A_155, %add3A_173 : i32
          %or3A_240 = arith.constant false
          %or3A_241 = arith.ori %or3A_240, %ne3A_239 : i1
          %or3A_242 = arith.constant false
          %or3A_243 = arith.ori %or3A_241, %or3A_242 : i1
          %or3A_244 = arith.ori %or3A_243, %eq3A_154 : i1
          %convert_element_type3A_245 = arith.extui %or3A_244 : i1 to i32
          %cond3A_246 = arith.constant 0 : i32
          %cond3A_247 = arith.cmpi ne, %convert_element_type3A_245, %cond3A_246 : i32
          scf.if %cond3A_247 {
            "tpu.trace_start"() <{level = 10 : i32, message = "ep_copy_out"}> : () -> ()
            %rem3A_294 = arith.constant 2 : i32
            %rem3A_295 = arith.remui %while3A_145, %rem3A_294 : i32
            %mul3A_296 = arith.constant 128 : i32
            %mul3A_297 = arith.muli %mul3A_296, %add3A_155 : i32
            %dma_start3A_298 = arith.constant 0 : i32
            %dma_start3A_299 = arith.constant 0 : i32
            %dma_start3A_300 = tpu.memref_slice %run_scoped3A_18[%rem3A_295, %dma_start3A_298, %dma_start3A_299] : memref<2x128x256xf32, #tpu.memory_space<vmem>> -> memref<1x128x256xf32, #tpu.memory_space<vmem>>
            %dma_start3A_301 = tpu.memref_squeeze %dma_start3A_300 : memref<1x128x256xf32, #tpu.memory_space<vmem>> -> memref<128x256xf32, #tpu.memory_space<vmem>>
            %dma_start3A_302 = arith.constant 0 : i32
            %dma_start3A_303 = tpu.memref_slice %arg4[%mul3A_297, %dma_start3A_302] : memref<33792x256xf32, #tpu.memory_space<hbm>> -> memref<128x256xf32, #tpu.memory_space<hbm>>
            %dma_start3A_304 = tpu.memref_slice %run_scoped3A_19[%rem3A_295] : memref<2x!tpu.dma_semaphore, #tpu.memory_space<semaphore_mem>> -> memref<1x!tpu.dma_semaphore, #tpu.memory_space<semaphore_mem>>
            %dma_start3A_305 = tpu.memref_squeeze %dma_start3A_304 : memref<1x!tpu.dma_semaphore, #tpu.memory_space<semaphore_mem>> -> memref<!tpu.dma_semaphore, #tpu.memory_space<semaphore_mem>>
            %dma_start3A_306 = arith.constant 0 : i32
            %dma_start3A_307 = tpu.memref_slice %arg4[%mul3A_297, %dma_start3A_306] : memref<33792x256xf32, #tpu.memory_space<hbm>> -> memref<128x256xf32, #tpu.memory_space<hbm>>
            %dma_start3A_308 = arith.constant 0 : i32
            %dma_start3A_309 = arith.constant 0 : i32
            %dma_start3A_310 = tpu.memref_slice %run_scoped3A_18[%rem3A_295, %dma_start3A_308, %dma_start3A_309] : memref<2x128x256xf32, #tpu.memory_space<vmem>> -> memref<1x128x256xf32, #tpu.memory_space<vmem>>
            %dma_start3A_311 = tpu.memref_squeeze %dma_start3A_310 : memref<1x128x256xf32, #tpu.memory_space<vmem>> -> memref<128x256xf32, #tpu.memory_space<vmem>>
            tpu.enqueue_dma source(%dma_start3A_311 : memref<128x256xf32, #tpu.memory_space<vmem>>) target(%dma_start3A_307 : memref<128x256xf32, #tpu.memory_space<hbm>>) target_semaphore(%dma_start3A_305 : memref<!tpu.dma_semaphore, #tpu.memory_space<semaphore_mem>>)
            "tpu.trace_stop"() : () -> ()
          } else {
          }
          %and3A_248 = arith.constant true
          %and3A_249 = arith.andi %or3A_244, %and3A_248 : i1
          %add3A_250 = arith.constant 1 : i32
          %add3A_251 = arith.addi %while3A_145, %add3A_250 : i32
          %select_n3A_252 = arith.select %and3A_249, %add3A_251, %while3A_145 : i32
          %ne3A_253 = arith.cmpi ne, %add3A_155, %add3A_165 : i32
          %or3A_254 = arith.constant false
          %or3A_255 = arith.ori %or3A_254, %ne3A_253 : i1
          %not3A_256 = arith.constant true
          %not3A_257 = arith.xori %eq3A_151, %not3A_256 : i1
          %and3A_258 = arith.andi %or3A_255, %not3A_257 : i1
          %convert_element_type3A_259 = arith.extui %and3A_258 : i1 to i32
          %cond3A_260 = arith.constant 0 : i32
          %cond3A_261 = arith.cmpi ne, %convert_element_type3A_259, %cond3A_260 : i32
          scf.if %cond3A_261 {
          } else {
          }
          %and3A_262 = arith.constant false
          %and3A_263 = arith.andi %and3A_258, %and3A_262 : i1
          %ne3A_264 = arith.cmpi ne, %add3A_155, %add3A_165 : i32
          %or3A_265 = arith.constant false
          %or3A_266 = arith.ori %or3A_265, %ne3A_264 : i1
          %or3A_267 = arith.constant false
          %or3A_268 = arith.ori %or3A_266, %or3A_267 : i1
          %not3A_269 = arith.constant true
          %not3A_270 = arith.xori %eq3A_151, %not3A_269 : i1
          %and3A_271 = arith.andi %or3A_268, %not3A_270 : i1
          %convert_element_type3A_272 = arith.extui %and3A_271 : i1 to i32
          %cond3A_273 = arith.constant 0 : i32
          %cond3A_274 = arith.cmpi ne, %convert_element_type3A_272, %cond3A_273 : i32
          scf.if %cond3A_274 {
            "tpu.trace_start"() <{level = 10 : i32, message = "ep_wait_out"}> : () -> ()
            %rem3A_294 = arith.constant 2 : i32
            %rem3A_295 = arith.remui %while3A_146, %rem3A_294 : i32
            %mul3A_296 = arith.constant 128 : i32
            %mul3A_297 = arith.muli %mul3A_296, %add3A_165 : i32
            %dma_wait3A = arith.constant 0 : i32
            %dma_wait3A_298 = arith.constant 0 : i32
            %dma_wait3A_299 = tpu.memref_slice %run_scoped3A_18[%rem3A_295, %dma_wait3A, %dma_wait3A_298] : memref<2x128x256xf32, #tpu.memory_space<vmem>> -> memref<1x128x256xf32, #tpu.memory_space<vmem>>
            %dma_wait3A_300 = tpu.memref_squeeze %dma_wait3A_299 : memref<1x128x256xf32, #tpu.memory_space<vmem>> -> memref<128x256xf32, #tpu.memory_space<vmem>>
            %dma_wait3A_301 = arith.constant 0 : i32
            %dma_wait3A_302 = tpu.memref_slice %arg4[%mul3A_297, %dma_wait3A_301] : memref<33792x256xf32, #tpu.memory_space<hbm>> -> memref<128x256xf32, #tpu.memory_space<hbm>>
            %dma_wait3A_303 = tpu.memref_slice %run_scoped3A_19[%rem3A_295] : memref<2x!tpu.dma_semaphore, #tpu.memory_space<semaphore_mem>> -> memref<1x!tpu.dma_semaphore, #tpu.memory_space<semaphore_mem>>
            %dma_wait3A_304 = tpu.memref_squeeze %dma_wait3A_303 : memref<1x!tpu.dma_semaphore, #tpu.memory_space<semaphore_mem>> -> memref<!tpu.dma_semaphore, #tpu.memory_space<semaphore_mem>>
            %dma_wait3A_305 = arith.constant 0 : i32
            %dma_wait3A_306 = tpu.memref_slice %arg4[%mul3A_297, %dma_wait3A_305] : memref<33792x256xf32, #tpu.memory_space<hbm>> -> memref<128x256xf32, #tpu.memory_space<hbm>>
            %dma_wait3A_307 = arith.constant 0 : i32
            %dma_wait3A_308 = arith.constant 0 : i32
            %dma_wait3A_309 = tpu.memref_slice %run_scoped3A_18[%rem3A_295, %dma_wait3A_307, %dma_wait3A_308] : memref<2x128x256xf32, #tpu.memory_space<vmem>> -> memref<1x128x256xf32, #tpu.memory_space<vmem>>
            %dma_wait3A_310 = tpu.memref_squeeze %dma_wait3A_309 : memref<1x128x256xf32, #tpu.memory_space<vmem>> -> memref<128x256xf32, #tpu.memory_space<vmem>>
            tpu.wait_dma2 semaphore(%dma_wait3A_304 : memref<!tpu.dma_semaphore, #tpu.memory_space<semaphore_mem>>) src(%dma_wait3A_310 : memref<128x256xf32, #tpu.memory_space<vmem>>) dst(%dma_wait3A_306 : memref<128x256xf32, #tpu.memory_space<hbm>>)
            "tpu.trace_stop"() : () -> ()
          } else {
          }
          %and3A_275 = arith.constant true
          %and3A_276 = arith.andi %and3A_271, %and3A_275 : i1
          %add3A_277 = arith.constant 1 : i32
          %add3A_278 = arith.addi %while3A_146, %add3A_277 : i32
          %select_n3A_279 = arith.select %and3A_276, %add3A_278, %while3A_146 : i32
          %ne3A_280 = arith.cmpi ne, %add3A_155, %add3A_173 : i32
          %or3A_281 = arith.constant false
          %or3A_282 = arith.ori %or3A_281, %ne3A_280 : i1
          %or3A_283 = arith.ori %or3A_282, %eq3A_154 : i1
          %add3A_284 = arith.constant 1 : i32
          %add3A_285 = arith.addi %while3A_144, %add3A_284 : i32
          %select_n3A_286 = arith.select %or3A_283, %add3A_285, %while3A_144 : i32
          %add3A_287 = arith.constant 1 : i32
          %add3A_288 = arith.addi %while3A_147, %add3A_287 : i32
          %select_n3A_289 = arith.constant true
          %select_n3A_290 = arith.select %select_n3A_289, %add3A_288, %while3A_147 : i32
          %eq3A_291 = arith.cmpi eq, %select_n3A_290, %select_n3A : i32
          %select_n3A_292 = arith.constant 0 : i32
          %select_n3A_293 = arith.select %eq3A_291, %select_n3A_292, %select_n3A_290 : i32
          scf.yield %select_n3A_195, %select_n3A_286, %select_n3A_252, %select_n3A_279, %select_n3A_293 : i32, i32, i32, i32, i32
        }
        %sub3A_91 = arith.constant 1 : i32
        %sub3A_92 = arith.subi %while3A_90#4, %sub3A_91 : i32
        %select_n3A_93 = arith.constant true
        %select_n3A_94 = arith.select %select_n3A_93, %sub3A_92, %while3A_90#4 : i32
        %eq3A_95 = arith.constant -1 : i32
        %eq3A_96 = arith.cmpi eq, %select_n3A_94, %eq3A_95 : i32
        %sub3A_97 = arith.constant 1 : i32
        %sub3A_98 = arith.subi %select_n3A, %sub3A_97 : i32
        %select_n3A_99 = arith.select %eq3A_96, %sub3A_98, %select_n3A_94 : i32
        %sub3A_100 = arith.constant 1 : i32
        %sub3A_101 = arith.subi %mul3A_16, %sub3A_100 : i32
        %mul3A_102 = arith.constant 1 : i32
        %mul3A_103 = arith.muli %mul3A_102, %select_n3A : i32
        %eq3A_104 = arith.constant 0 : i32
        %eq3A_105 = arith.cmpi eq, %sub3A_101, %eq3A_104 : i32
        %sub3A_106 = arith.constant 1 : i32
        %sub3A_107 = arith.subi %mul3A_103, %sub3A_106 : i32
        %eq3A_108 = arith.cmpi eq, %sub3A_101, %sub3A_107 : i32
        %add3A_109 = arith.addi %select_n3A_99, %select_n3A_14 : i32
        %sub3A_110 = arith.constant 1 : i32
        %sub3A_111 = arith.subi %select_n3A_99, %sub3A_110 : i32
        %select_n3A_112 = arith.constant true
        %select_n3A_113 = arith.select %select_n3A_112, %sub3A_111, %select_n3A_99 : i32
        %eq3A_114 = arith.constant -1 : i32
        %eq3A_115 = arith.cmpi eq, %select_n3A_113, %eq3A_114 : i32
        %sub3A_116 = arith.constant 1 : i32
        %sub3A_117 = arith.subi %select_n3A, %sub3A_116 : i32
        %select_n3A_118 = arith.select %eq3A_115, %sub3A_117, %select_n3A_113 : i32
        %add3A_119 = arith.addi %select_n3A_118, %select_n3A_14 : i32
        %add3A_120 = arith.constant 1 : i32
        %add3A_121 = arith.addi %select_n3A_99, %add3A_120 : i32
        %select_n3A_122 = arith.constant true
        %select_n3A_123 = arith.select %select_n3A_122, %add3A_121, %select_n3A_99 : i32
        %eq3A_124 = arith.cmpi eq, %select_n3A_123, %select_n3A : i32
        %select_n3A_125 = arith.constant 0 : i32
        %select_n3A_126 = arith.select %eq3A_124, %select_n3A_125, %select_n3A_123 : i32
        %add3A_127 = arith.addi %select_n3A_126, %select_n3A_14 : i32
        %add3A_128 = arith.constant 1 : i32
        %add3A_129 = arith.addi %select_n3A_126, %add3A_128 : i32
        %select_n3A_130 = arith.constant true
        %select_n3A_131 = arith.select %select_n3A_130, %add3A_129, %select_n3A_126 : i32
        %eq3A_132 = arith.cmpi eq, %select_n3A_131, %select_n3A : i32
        %select_n3A_133 = arith.constant 0 : i32
        %select_n3A_134 = arith.select %eq3A_132, %select_n3A_133, %select_n3A_131 : i32
        %add3A_135 = arith.addi %select_n3A_134, %select_n3A_14 : i32
        %convert_element_type3A_136 = arith.extui %eq3A_108 : i1 to i32
        %cond3A_137 = arith.constant 0 : i32
        %cond3A_138 = arith.cmpi ne, %convert_element_type3A_136, %cond3A_137 : i32
        scf.if %cond3A_138 {
        } else {
        }
        %convert_element_type3A_139 = arith.extui %eq3A_108 : i1 to i32
        %cond3A_140 = arith.constant 0 : i32
        %cond3A_141 = arith.cmpi ne, %convert_element_type3A_139, %cond3A_140 : i32
        scf.if %cond3A_141 {
          "tpu.trace_start"() <{level = 10 : i32, message = "ep_finalize"}> : () -> ()
          %rem3A_142 = arith.constant 2 : i32
          %rem3A_143 = arith.remui %while3A_90#3, %rem3A_142 : i32
          %mul3A_144 = arith.constant 128 : i32
          %mul3A_145 = arith.muli %mul3A_144, %add3A_109 : i32
          %dma_wait3A = arith.constant 0 : i32
          %dma_wait3A_146 = arith.constant 0 : i32
          %dma_wait3A_147 = tpu.memref_slice %run_scoped3A_18[%rem3A_143, %dma_wait3A, %dma_wait3A_146] : memref<2x128x256xf32, #tpu.memory_space<vmem>> -> memref<1x128x256xf32, #tpu.memory_space<vmem>>
          %dma_wait3A_148 = tpu.memref_squeeze %dma_wait3A_147 : memref<1x128x256xf32, #tpu.memory_space<vmem>> -> memref<128x256xf32, #tpu.memory_space<vmem>>
          %dma_wait3A_149 = arith.constant 0 : i32
          %dma_wait3A_150 = tpu.memref_slice %arg4[%mul3A_145, %dma_wait3A_149] : memref<33792x256xf32, #tpu.memory_space<hbm>> -> memref<128x256xf32, #tpu.memory_space<hbm>>
          %dma_wait3A_151 = tpu.memref_slice %run_scoped3A_19[%rem3A_143] : memref<2x!tpu.dma_semaphore, #tpu.memory_space<semaphore_mem>> -> memref<1x!tpu.dma_semaphore, #tpu.memory_space<semaphore_mem>>
          %dma_wait3A_152 = tpu.memref_squeeze %dma_wait3A_151 : memref<1x!tpu.dma_semaphore, #tpu.memory_space<semaphore_mem>> -> memref<!tpu.dma_semaphore, #tpu.memory_space<semaphore_mem>>
          %dma_wait3A_153 = arith.constant 0 : i32
          %dma_wait3A_154 = tpu.memref_slice %arg4[%mul3A_145, %dma_wait3A_153] : memref<33792x256xf32, #tpu.memory_space<hbm>> -> memref<128x256xf32, #tpu.memory_space<hbm>>
          %dma_wait3A_155 = arith.constant 0 : i32
          %dma_wait3A_156 = arith.constant 0 : i32
          %dma_wait3A_157 = tpu.memref_slice %run_scoped3A_18[%rem3A_143, %dma_wait3A_155, %dma_wait3A_156] : memref<2x128x256xf32, #tpu.memory_space<vmem>> -> memref<1x128x256xf32, #tpu.memory_space<vmem>>
          %dma_wait3A_158 = tpu.memref_squeeze %dma_wait3A_157 : memref<1x128x256xf32, #tpu.memory_space<vmem>> -> memref<128x256xf32, #tpu.memory_space<vmem>>
          tpu.wait_dma2 semaphore(%dma_wait3A_152 : memref<!tpu.dma_semaphore, #tpu.memory_space<semaphore_mem>>) src(%dma_wait3A_158 : memref<128x256xf32, #tpu.memory_space<vmem>>) dst(%dma_wait3A_154 : memref<128x256xf32, #tpu.memory_space<hbm>>)
          "tpu.trace_stop"() : () -> ()
        } else {
        }
      } else {
      }
      tpu.yield
    }) : () -> ()
    return
  }
}

#map = affine_map<(d0, d1) -> (0, 0)>
module attributes {stable_mosaic.version = 14 : i64} {
  func.func @k(%arg0: i32, %arg1: i32, %arg2: memref<50000x256xf32, #tpu.memory_space<hbm>>, %arg3: memref<1x33792xi32, #tpu.memory_space<hbm>>, %arg4: memref<33792x256xf32, #tpu.memory_space<hbm>>) attributes {dimension_semantics = [#tpu.dimension_semantics<core_parallel>, #tpu.dimension_semantics<subcore_parallel>], iteration_bounds = array<i64: 2, 16>, scalar_prefetch = 0 : i64, scratch_operands = 0 : i64, tpu.core_type = #tpu.core_type<sc_vector_subcore>, window_params = [{transform_indices = #map}, {transform_indices = #map}, {transform_indices = #map}]} {
    %mul3A = arith.constant 1 : i32
    %mul3A_0 = arith.muli %arg1, %mul3A : i32
    %add3A = arith.constant 0 : i32
    %add3A_1 = arith.addi %add3A, %mul3A_0 : i32
    %mul3A_2 = arith.constant 16 : i32
    %mul3A_3 = arith.muli %arg0, %mul3A_2 : i32
    %add3A_4 = arith.addi %add3A_1, %mul3A_3 : i32
    %lt3A = arith.constant 8 : i32
    %lt3A_5 = arith.cmpi slt, %add3A_4, %lt3A : i32
    %jit3A = arith.constant 9 : i32
    %jit3A_6 = arith.constant 8 : i32
    %select_n3A = arith.select %lt3A_5, %jit3A, %jit3A_6 : i32
    %lt3A_7 = arith.constant 8 : i32
    %lt3A_8 = arith.cmpi slt, %add3A_4, %lt3A_7 : i32
    %mul3A_9 = arith.muli %add3A_4, %select_n3A : i32
    %mul3A_10 = arith.constant 8 : i32
    %mul3A_11 = arith.muli %add3A_4, %mul3A_10 : i32
    %add3A_12 = arith.constant 8 : i32
    %add3A_13 = arith.addi %mul3A_11, %add3A_12 : i32
    %select_n3A_14 = arith.select %lt3A_8, %mul3A_9, %add3A_13 : i32
    %mul3A_15 = arith.constant 1 : i32
    %mul3A_16 = arith.muli %mul3A_15, %select_n3A : i32
    "tpu.region"() ({
      %run_scoped3A = memref.alloca() : memref<2x1x128xi32, #tpu.memory_space<vmem>>
      %run_scoped3A_17 = tpu.sem_alloc : memref<2x!tpu.dma_semaphore, #tpu.memory_space<semaphore_mem>>
      %run_scoped3A_18 = memref.alloca() : memref<2x128x256xf32, #tpu.memory_space<vmem>>
      %run_scoped3A_19 = tpu.sem_alloc : memref<2x!tpu.dma_semaphore, #tpu.memory_space<semaphore_mem>>
      %gt3A = arith.constant 0 : i32
      %gt3A_20 = arith.cmpi sgt, %mul3A_16, %gt3A : i32
      %convert_element_type3A = arith.extui %gt3A_20 : i1 to i32
      %cond3A = arith.constant 0 : i32
      %cond3A_21 = arith.cmpi ne, %convert_element_type3A, %cond3A : i32
      scf.if %cond3A_21 {
        %mul3A_22 = arith.constant 1 : i32
        %mul3A_23 = arith.muli %mul3A_22, %select_n3A : i32
        %sub3A = arith.constant 1 : i32
        %sub3A_24 = arith.subi %mul3A_23, %sub3A : i32
        %eq3A = arith.constant 0 : i32
        %eq3A_25 = arith.cmpi eq, %sub3A_24, %eq3A : i32
        %add3A_26 = arith.constant 0 : i32
        %add3A_27 = arith.addi %add3A_26, %select_n3A_14 : i32
        %select_n3A_28 = arith.constant true
        %select_n3A_29 = arith.constant 0 : i32
        %select_n3A_30 = arith.constant -1 : i32
        %select_n3A_31 = arith.select %select_n3A_28, %select_n3A_30, %select_n3A_29 : i32
        %eq3A_32 = arith.constant -1 : i32
        %eq3A_33 = arith.cmpi eq, %select_n3A_31, %eq3A_32 : i32
        %sub3A_34 = arith.constant 1 : i32
        %sub3A_35 = arith.subi %select_n3A, %sub3A_34 : i32
        %select_n3A_36 = arith.select %eq3A_33, %sub3A_35, %select_n3A_31 : i32
        %add3A_37 = arith.addi %select_n3A_36, %select_n3A_14 : i32
        %select_n3A_38 = arith.constant true
        %select_n3A_39 = arith.constant 0 : i32
        %select_n3A_40 = arith.constant 1 : i32
        %select_n3A_41 = arith.select %select_n3A_38, %select_n3A_40, %select_n3A_39 : i32
        %eq3A_42 = arith.cmpi eq, %select_n3A_41, %select_n3A : i32
        %select_n3A_43 = arith.constant 0 : i32
        %select_n3A_44 = arith.select %eq3A_42, %select_n3A_43, %select_n3A_41 : i32
        %add3A_45 = arith.addi %select_n3A_44, %select_n3A_14 : i32
        %add3A_46 = arith.constant 1 : i32
        %add3A_47 = arith.addi %select_n3A_44, %add3A_46 : i32
        %select_n3A_48 = arith.constant true
        %select_n3A_49 = arith.select %select_n3A_48, %add3A_47, %select_n3A_44 : i32
        %eq3A_50 = arith.cmpi eq, %select_n3A_49, %select_n3A : i32
        %select_n3A_51 = arith.constant 0 : i32
        %select_n3A_52 = arith.select %eq3A_50, %select_n3A_51, %select_n3A_49 : i32
        %add3A_53 = arith.addi %select_n3A_52, %select_n3A_14 : i32
        "tpu.trace_start"() <{level = 10 : i32, message = "ep_initialize_0"}> : () -> ()
        %rem3A = arith.constant 0 : i32
        %rem3A_54 = arith.constant 2 : i32
        %rem3A_55 = arith.remui %rem3A, %rem3A_54 : i32
        %mul3A_56 = arith.constant 128 : i32
        %mul3A_57 = arith.muli %mul3A_56, %add3A_27 : i32
        %dma_start3A = arith.constant 0 : i32
        %dma_start3A_58 = arith.constant 0 : i32
        %dma_start3A_59 = tpu.memref_slice %run_scoped3A[%rem3A_55, %dma_start3A, %dma_start3A_58] : memref<2x1x128xi32, #tpu.memory_space<vmem>> -> memref<1x1x128xi32, #tpu.memory_space<vmem>>
        %dma_start3A_60 = tpu.memref_squeeze %dma_start3A_59 : memref<1x1x128xi32, #tpu.memory_space<vmem>> -> memref<1x128xi32, #tpu.memory_space<vmem>>
        %dma_start3A_61 = arith.constant 0 : i32
        %dma_start3A_62 = tpu.memref_slice %arg3[%dma_start3A_61, %mul3A_57] : memref<1x33792xi32, #tpu.memory_space<hbm>> -> memref<1x128xi32, #tpu.memory_space<hbm>>
        %dma_start3A_63 = tpu.memref_slice %run_scoped3A_17[%rem3A_55] : memref<2x!tpu.dma_semaphore, #tpu.memory_space<semaphore_mem>> -> memref<1x!tpu.dma_semaphore, #tpu.memory_space<semaphore_mem>>
        %dma_start3A_64 = tpu.memref_squeeze %dma_start3A_63 : memref<1x!tpu.dma_semaphore, #tpu.memory_space<semaphore_mem>> -> memref<!tpu.dma_semaphore, #tpu.memory_space<semaphore_mem>>
        %dma_start3A_65 = arith.constant 0 : i32
        %dma_start3A_66 = arith.constant 0 : i32
        %dma_start3A_67 = tpu.memref_slice %run_scoped3A[%rem3A_55, %dma_start3A_65, %dma_start3A_66] : memref<2x1x128xi32, #tpu.memory_space<vmem>> -> memref<1x1x128xi32, #tpu.memory_space<vmem>>
        %dma_start3A_68 = tpu.memref_squeeze %dma_start3A_67 : memref<1x1x128xi32, #tpu.memory_space<vmem>> -> memref<1x128xi32, #tpu.memory_space<vmem>>
        %dma_start3A_69 = arith.constant 0 : i32
        %dma_start3A_70 = tpu.memref_slice %arg3[%dma_start3A_69, %mul3A_57] : memref<1x33792xi32, #tpu.memory_space<hbm>> -> memref<1x128xi32, #tpu.memory_space<hbm>>
        tpu.enqueue_dma source(%dma_start3A_70 : memref<1x128xi32, #tpu.memory_space<hbm>>) target(%dma_start3A_68 : memref<1x128xi32, #tpu.memory_space<vmem>>) target_semaphore(%dma_start3A_64 : memref<!tpu.dma_semaphore, #tpu.memory_space<semaphore_mem>>)
        %add3A_71 = arith.constant 0 : i32
        %add3A_72 = arith.constant 1 : i32
        %add3A_73 = arith.addi %add3A_71, %add3A_72 : i32
        %select_n3A_74 = arith.constant true
        %select_n3A_75 = arith.constant 0 : i32
        %select_n3A_76 = arith.select %select_n3A_74, %add3A_73, %select_n3A_75 : i32
        %while3A = arith.constant 0 : i32
        %while3A_77 = arith.constant 0 : i32
        %while3A_78 = arith.constant 0 : i32
        %while3A_79 = arith.constant 0 : i32
        %while3A_80 = arith.constant 0 : i32
        "tpu.trace_stop"() : () -> ()
        %while3A_81 = arith.subi %mul3A_16, %while3A : i32
        %while3A_82 = arith.addi %while3A, %while3A_81 : i32
        %while3A_83 = arith.constant 1 : i32
        %while3A_84 = arith.divsi %while3A_81, %while3A_83 : i32
        %while3A_85 = arith.muli %while3A_84, %while3A_83 : i32
        %while3A_86 = arith.addi %while3A, %while3A_85 : i32
        %while3A_87 = arith.constant 1 : i32
        %while3A_88:5 = scf.for %while3A_142 = %while3A to %while3A_86 step %while3A_87 iter_args(%while3A_143 = %select_n3A_76, %while3A_144 = %while3A_77, %while3A_145 = %while3A_78, %while3A_146 = %while3A_79, %while3A_147 = %while3A_80) -> (i32, i32, i32, i32, i32)  : i32 {
          %mul3A_148 = arith.constant 1 : i32
          %mul3A_149 = arith.muli %mul3A_148, %select_n3A : i32
          %eq3A_150 = arith.constant 0 : i32
          %eq3A_151 = arith.cmpi eq, %while3A_142, %eq3A_150 : i32
          %sub3A_152 = arith.constant 1 : i32
          %sub3A_153 = arith.subi %mul3A_149, %sub3A_152 : i32
          %eq3A_154 = arith.cmpi eq, %while3A_142, %sub3A_153 : i32
          %add3A_155 = arith.addi %while3A_147, %select_n3A_14 : i32
          %sub3A_156 = arith.constant 1 : i32
          %sub3A_157 = arith.subi %while3A_147, %sub3A_156 : i32
          %select_n3A_158 = arith.constant true
          %select_n3A_159 = arith.select %select_n3A_158, %sub3A_157, %while3A_147 : i32
          %eq3A_160 = arith.constant -1 : i32
          %eq3A_161 = arith.cmpi eq, %select_n3A_159, %eq3A_160 : i32
          %sub3A_162 = arith.constant 1 : i32
          %sub3A_163 = arith.subi %select_n3A, %sub3A_162 : i32
          %select_n3A_164 = arith.select %eq3A_161, %sub3A_163, %select_n3A_159 : i32
          %add3A_165 = arith.addi %select_n3A_164, %select_n3A_14 : i32
          %add3A_166 = arith.constant 1 : i32
          %add3A_167 = arith.addi %while3A_147, %add3A_166 : i32
          %select_n3A_168 = arith.constant true
          %select_n3A_169 = arith.select %select_n3A_168, %add3A_167, %while3A_147 : i32
          %eq3A_170 = arith.cmpi eq, %select_n3A_169, %select_n3A : i32
          %select_n3A_171 = arith.constant 0 : i32
          %select_n3A_172 = arith.select %eq3A_170, %select_n3A_171, %select_n3A_169 : i32
          %add3A_173 = arith.addi %select_n3A_172, %select_n3A_14 : i32
          %add3A_174 = arith.constant 1 : i32
          %add3A_175 = arith.addi %select_n3A_172, %add3A_174 : i32
          %select_n3A_176 = arith.constant true
          %select_n3A_177 = arith.select %select_n3A_176, %add3A_175, %select_n3A_172 : i32
          %eq3A_178 = arith.cmpi eq, %select_n3A_177, %select_n3A : i32
          %select_n3A_179 = arith.constant 0 : i32
          %select_n3A_180 = arith.select %eq3A_178, %select_n3A_179, %select_n3A_177 : i32
          %add3A_181 = arith.addi %select_n3A_180, %select_n3A_14 : i32
          %ne3A = arith.cmpi ne, %add3A_155, %add3A_173 : i32
          %or3A = arith.constant false
          %or3A_182 = arith.ori %or3A, %ne3A : i1
          %sub3A_183 = arith.constant 2 : i32
          %sub3A_184 = arith.subi %mul3A_149, %sub3A_183 : i32
          %add3A_185 = arith.constant 1 : i32
          %add3A_186 = arith.addi %sub3A_184, %add3A_185 : i32
          %ge3A = arith.cmpi sge, %while3A_142, %add3A_186 : i32
          %not3A = arith.constant true
          %not3A_187 = arith.xori %ge3A, %not3A : i1
          %and3A = arith.andi %or3A_182, %not3A_187 : i1
          %convert_element_type3A_188 = arith.extui %and3A : i1 to i32
          %cond3A_189 = arith.constant 0 : i32
          %cond3A_190 = arith.cmpi ne, %convert_element_type3A_188, %cond3A_189 : i32
          scf.if %cond3A_190 {
            "tpu.trace_start"() <{level = 10 : i32, message = "ep_copy_in"}> : () -> ()
            %rem3A_294 = arith.constant 2 : i32
            %rem3A_295 = arith.remui %while3A_143, %rem3A_294 : i32
            %mul3A_296 = arith.constant 128 : i32
            %mul3A_297 = arith.muli %mul3A_296, %add3A_173 : i32
            %dma_start3A_298 = arith.constant 0 : i32
            %dma_start3A_299 = arith.constant 0 : i32
            %dma_start3A_300 = tpu.memref_slice %run_scoped3A[%rem3A_295, %dma_start3A_298, %dma_start3A_299] : memref<2x1x128xi32, #tpu.memory_space<vmem>> -> memref<1x1x128xi32, #tpu.memory_space<vmem>>
            %dma_start3A_301 = tpu.memref_squeeze %dma_start3A_300 : memref<1x1x128xi32, #tpu.memory_space<vmem>> -> memref<1x128xi32, #tpu.memory_space<vmem>>
            %dma_start3A_302 = arith.constant 0 : i32
            %dma_start3A_303 = tpu.memref_slice %arg3[%dma_start3A_302, %mul3A_297] : memref<1x33792xi32, #tpu.memory_space<hbm>> -> memref<1x128xi32, #tpu.memory_space<hbm>>
            %dma_start3A_304 = tpu.memref_slice %run_scoped3A_17[%rem3A_295] : memref<2x!tpu.dma_semaphore, #tpu.memory_space<semaphore_mem>> -> memref<1x!tpu.dma_semaphore, #tpu.memory_space<semaphore_mem>>
            %dma_start3A_305 = tpu.memref_squeeze %dma_start3A_304 : memref<1x!tpu.dma_semaphore, #tpu.memory_space<semaphore_mem>> -> memref<!tpu.dma_semaphore, #tpu.memory_space<semaphore_mem>>
            %dma_start3A_306 = arith.constant 0 : i32
            %dma_start3A_307 = arith.constant 0 : i32
            %dma_start3A_308 = tpu.memref_slice %run_scoped3A[%rem3A_295, %dma_start3A_306, %dma_start3A_307] : memref<2x1x128xi32, #tpu.memory_space<vmem>> -> memref<1x1x128xi32, #tpu.memory_space<vmem>>
            %dma_start3A_309 = tpu.memref_squeeze %dma_start3A_308 : memref<1x1x128xi32, #tpu.memory_space<vmem>> -> memref<1x128xi32, #tpu.memory_space<vmem>>
            %dma_start3A_310 = arith.constant 0 : i32
            %dma_start3A_311 = tpu.memref_slice %arg3[%dma_start3A_310, %mul3A_297] : memref<1x33792xi32, #tpu.memory_space<hbm>> -> memref<1x128xi32, #tpu.memory_space<hbm>>
            tpu.enqueue_dma source(%dma_start3A_311 : memref<1x128xi32, #tpu.memory_space<hbm>>) target(%dma_start3A_309 : memref<1x128xi32, #tpu.memory_space<vmem>>) target_semaphore(%dma_start3A_305 : memref<!tpu.dma_semaphore, #tpu.memory_space<semaphore_mem>>)
            "tpu.trace_stop"() : () -> ()
          } else {
          }
          %and3A_191 = arith.constant true
          %and3A_192 = arith.andi %and3A, %and3A_191 : i1
          %add3A_193 = arith.constant 1 : i32
          %add3A_194 = arith.addi %while3A_143, %add3A_193 : i32
          %select_n3A_195 = arith.select %and3A_192, %add3A_194, %while3A_143 : i32
          %ne3A_196 = arith.cmpi ne, %add3A_155, %add3A_173 : i32
          %or3A_197 = arith.constant false
          %or3A_198 = arith.ori %or3A_197, %ne3A_196 : i1
          %or3A_199 = arith.constant false
          %or3A_200 = arith.ori %or3A_198, %or3A_199 : i1
          %sub3A_201 = arith.constant 2 : i32
          %sub3A_202 = arith.subi %mul3A_149, %sub3A_201 : i32
          %add3A_203 = arith.constant 1 : i32
          %add3A_204 = arith.addi %sub3A_202, %add3A_203 : i32
          %ge3A_205 = arith.cmpi sge, %while3A_142, %add3A_204 : i32
          %not3A_206 = arith.constant true
          %not3A_207 = arith.xori %ge3A_205, %not3A_206 : i1
          %and3A_208 = arith.andi %or3A_200, %not3A_207 : i1
          %ne3A_209 = arith.cmpi ne, %add3A_155, %add3A_165 : i32
          %or3A_210 = arith.constant false
          %or3A_211 = arith.ori %or3A_210, %ne3A_209 : i1
          %or3A_212 = arith.ori %or3A_211, %eq3A_151 : i1
          %convert_element_type3A_213 = arith.extui %or3A_212 : i1 to i32
          %cond3A_214 = arith.constant 0 : i32
          %cond3A_215 = arith.cmpi ne, %convert_element_type3A_213, %cond3A_214 : i32
          scf.if %cond3A_215 {
            "tpu.trace_start"() <{level = 10 : i32, message = "ep_wait_in"}> : () -> ()
            %mul3A_294 = arith.constant 128 : i32
            %mul3A_295 = arith.muli %mul3A_294, %add3A_155 : i32
            %rem3A_296 = arith.constant 2 : i32
            %rem3A_297 = arith.remui %while3A_144, %rem3A_296 : i32
            %dma_wait3A = arith.constant 0 : i32
            %dma_wait3A_298 = arith.constant 0 : i32
            %dma_wait3A_299 = tpu.memref_slice %run_scoped3A[%rem3A_297, %dma_wait3A, %dma_wait3A_298] : memref<2x1x128xi32, #tpu.memory_space<vmem>> -> memref<1x1x128xi32, #tpu.memory_space<vmem>>
            %dma_wait3A_300 = tpu.memref_squeeze %dma_wait3A_299 : memref<1x1x128xi32, #tpu.memory_space<vmem>> -> memref<1x128xi32, #tpu.memory_space<vmem>>
            %dma_wait3A_301 = arith.constant 0 : i32
            %dma_wait3A_302 = tpu.memref_slice %arg3[%dma_wait3A_301, %mul3A_295] : memref<1x33792xi32, #tpu.memory_space<hbm>> -> memref<1x128xi32, #tpu.memory_space<hbm>>
            %dma_wait3A_303 = tpu.memref_slice %run_scoped3A_17[%rem3A_297] : memref<2x!tpu.dma_semaphore, #tpu.memory_space<semaphore_mem>> -> memref<1x!tpu.dma_semaphore, #tpu.memory_space<semaphore_mem>>
            %dma_wait3A_304 = tpu.memref_squeeze %dma_wait3A_303 : memref<1x!tpu.dma_semaphore, #tpu.memory_space<semaphore_mem>> -> memref<!tpu.dma_semaphore, #tpu.memory_space<semaphore_mem>>
            %dma_wait3A_305 = arith.constant 0 : i32
            %dma_wait3A_306 = arith.constant 0 : i32
            %dma_wait3A_307 = tpu.memref_slice %run_scoped3A[%rem3A_297, %dma_wait3A_305, %dma_wait3A_306] : memref<2x1x128xi32, #tpu.memory_space<vmem>> -> memref<1x1x128xi32, #tpu.memory_space<vmem>>
            %dma_wait3A_308 = tpu.memref_squeeze %dma_wait3A_307 : memref<1x1x128xi32, #tpu.memory_space<vmem>> -> memref<1x128xi32, #tpu.memory_space<vmem>>
            %dma_wait3A_309 = arith.constant 0 : i32
            %dma_wait3A_310 = tpu.memref_slice %arg3[%dma_wait3A_309, %mul3A_295] : memref<1x33792xi32, #tpu.memory_space<hbm>> -> memref<1x128xi32, #tpu.memory_space<hbm>>
            tpu.wait_dma2 semaphore(%dma_wait3A_304 : memref<!tpu.dma_semaphore, #tpu.memory_space<semaphore_mem>>) src(%dma_wait3A_310 : memref<1x128xi32, #tpu.memory_space<hbm>>) dst(%dma_wait3A_308 : memref<1x128xi32, #tpu.memory_space<vmem>>)
            "tpu.trace_stop"() : () -> ()
          } else {
          }
          %ne3A_216 = arith.cmpi ne, %add3A_155, %add3A_165 : i32
          %or3A_217 = arith.constant false
          %or3A_218 = arith.ori %or3A_217, %ne3A_216 : i1
          %or3A_219 = arith.constant false
          %or3A_220 = arith.ori %or3A_218, %or3A_219 : i1
          %or3A_221 = arith.ori %or3A_220, %eq3A_151 : i1
          %convert_element_type3A_222 = arith.extui %or3A_221 : i1 to i32
          %cond3A_223 = arith.constant 0 : i32
          %cond3A_224 = arith.cmpi ne, %convert_element_type3A_222, %cond3A_223 : i32
          scf.if %cond3A_224 {
          } else {
          }
          %rem3A_225 = arith.constant 2 : i32
          %rem3A_226 = arith.remui %while3A_144, %rem3A_225 : i32
          %rem3A_227 = arith.constant 2 : i32
          %rem3A_228 = arith.remui %while3A_145, %rem3A_227 : i32
          %run_scoped3A_229 = arith.constant 0 : i32
          "tpu.trace_start"() <{level = 10 : i32, message = "ep_run_kernel"}> : () -> ()
          "tpu.region"() ({
            %run_scoped3A_294 = tpu.sem_alloc : memref<!tpu.dma_semaphore, #tpu.memory_space<semaphore_mem>>
            %dma_start3A_295 = arith.constant 0 : i32
            %dma_start3A_296 = arith.constant 0 : i32
            %dma_start3A_297 = tpu.memref_slice %run_scoped3A_18[%rem3A_228, %dma_start3A_295, %dma_start3A_296] : memref<2x128x256xf32, #tpu.memory_space<vmem>> -> memref<1x128x256xf32, #tpu.memory_space<vmem>>
            %dma_start3A_298 = tpu.memref_squeeze %dma_start3A_297 : memref<1x128x256xf32, #tpu.memory_space<vmem>> -> memref<128x256xf32, #tpu.memory_space<vmem>>
            %dma_start3A_299 = arith.constant 0 : i32
            %dma_start3A_300 = arith.constant 0 : i32
            %dma_start3A_301 = tpu.memref_slice %run_scoped3A[%rem3A_226, %dma_start3A_299, %dma_start3A_300] : memref<2x1x128xi32, #tpu.memory_space<vmem>> -> memref<1x1x128xi32, #tpu.memory_space<vmem>>
            %dma_start3A_302 = tpu.memref_squeeze %dma_start3A_301 : memref<1x1x128xi32, #tpu.memory_space<vmem>> -> memref<1x128xi32, #tpu.memory_space<vmem>>
            %dma_start3A_303 = arith.constant 0 : i32
            %dma_start3A_304 = tpu.memref_slice %dma_start3A_302[%run_scoped3A_229, %dma_start3A_303] : memref<1x128xi32, #tpu.memory_space<vmem>> -> memref<1x128xi32, #tpu.memory_space<vmem>>
            %dma_start3A_305 = tpu.memref_squeeze %dma_start3A_304 : memref<1x128xi32, #tpu.memory_space<vmem>> -> memref<128xi32, #tpu.memory_space<vmem>>
            %dma_start3A_306 = arith.constant 0 : i32
            %dma_start3A_307 = arith.constant 0 : i32
            %dma_start3A_308 = tpu.memref_slice %arg2[%dma_start3A_306, %dma_start3A_307] : memref<50000x256xf32, #tpu.memory_space<hbm>> -> memref<50000x256xf32, #tpu.memory_space<hbm>>
            tpu.enqueue_indirect_dma source(%dma_start3A_308 : memref<50000x256xf32, #tpu.memory_space<hbm>>) target(%dma_start3A_298 : memref<128x256xf32, #tpu.memory_space<vmem>>) offsets(%dma_start3A_305 : memref<128xi32, #tpu.memory_space<vmem>>) semaphore(%run_scoped3A_294 : memref<!tpu.dma_semaphore, #tpu.memory_space<semaphore_mem>>)
            %dma_wait3A = arith.constant 0 : i32
            %dma_wait3A_309 = arith.constant 0 : i32
            %dma_wait3A_310 = tpu.memref_slice %run_scoped3A_18[%rem3A_228, %dma_wait3A, %dma_wait3A_309] : memref<2x128x256xf32, #tpu.memory_space<vmem>> -> memref<1x128x256xf32, #tpu.memory_space<vmem>>
            %dma_wait3A_311 = tpu.memref_squeeze %dma_wait3A_310 : memref<1x128x256xf32, #tpu.memory_space<vmem>> -> memref<128x256xf32, #tpu.memory_space<vmem>>
            %dma_wait3A_312 = arith.constant 0 : i32
            %dma_wait3A_313 = arith.constant 0 : i32
            %dma_wait3A_314 = tpu.memref_slice %run_scoped3A[%rem3A_226, %dma_wait3A_312, %dma_wait3A_313] : memref<2x1x128xi32, #tpu.memory_space<vmem>> -> memref<1x1x128xi32, #tpu.memory_space<vmem>>
            %dma_wait3A_315 = tpu.memref_squeeze %dma_wait3A_314 : memref<1x1x128xi32, #tpu.memory_space<vmem>> -> memref<1x128xi32, #tpu.memory_space<vmem>>
            %dma_wait3A_316 = arith.constant 0 : i32
            %dma_wait3A_317 = tpu.memref_slice %dma_wait3A_315[%run_scoped3A_229, %dma_wait3A_316] : memref<1x128xi32, #tpu.memory_space<vmem>> -> memref<1x128xi32, #tpu.memory_space<vmem>>
            %dma_wait3A_318 = tpu.memref_squeeze %dma_wait3A_317 : memref<1x128xi32, #tpu.memory_space<vmem>> -> memref<128xi32, #tpu.memory_space<vmem>>
            %dma_wait3A_319 = arith.constant 0 : i32
            %dma_wait3A_320 = arith.constant 0 : i32
            %dma_wait3A_321 = tpu.memref_slice %arg2[%dma_wait3A_319, %dma_wait3A_320] : memref<50000x256xf32, #tpu.memory_space<hbm>> -> memref<50000x256xf32, #tpu.memory_space<hbm>>
            tpu.wait_indirect_dma semaphore(%run_scoped3A_294 : memref<!tpu.dma_semaphore, #tpu.memory_space<semaphore_mem>>) src(%dma_wait3A_321 : memref<50000x256xf32, #tpu.memory_space<hbm>>) dst(%dma_wait3A_311 : memref<128x256xf32, #tpu.memory_space<vmem>>)
            tpu.yield
          }) : () -> ()
          "tpu.trace_stop"() : () -> ()
          %ne3A_230 = arith.cmpi ne, %add3A_155, %add3A_173 : i32
          %or3A_231 = arith.constant false
          %or3A_232 = arith.ori %or3A_231, %ne3A_230 : i1
          %or3A_233 = arith.ori %or3A_232, %eq3A_154 : i1
          %convert_element_type3A_234 = arith.extui %or3A_233 : i1 to i32
          %cond3A_235 = arith.constant 0 : i32
          %cond3A_236 = arith.cmpi ne, %convert_element_type3A_234, %cond3A_235 : i32
          scf.if %cond3A_236 {
          } else {
          }
          %and3A_237 = arith.constant false
          %and3A_238 = arith.andi %or3A_233, %and3A_237 : i1
          %ne3A_239 = arith.cmpi ne, %add3A_155, %add3A_173 : i32
          %or3A_240 = arith.constant false
          %or3A_241 = arith.ori %or3A_240, %ne3A_239 : i1
          %or3A_242 = arith.constant false
          %or3A_243 = arith.ori %or3A_241, %or3A_242 : i1
          %or3A_244 = arith.ori %or3A_243, %eq3A_154 : i1
          %convert_element_type3A_245 = arith.extui %or3A_244 : i1 to i32
          %cond3A_246 = arith.constant 0 : i32
          %cond3A_247 = arith.cmpi ne, %convert_element_type3A_245, %cond3A_246 : i32
          scf.if %cond3A_247 {
            "tpu.trace_start"() <{level = 10 : i32, message = "ep_copy_out"}> : () -> ()
            %rem3A_294 = arith.constant 2 : i32
            %rem3A_295 = arith.remui %while3A_145, %rem3A_294 : i32
            %mul3A_296 = arith.constant 128 : i32
            %mul3A_297 = arith.muli %mul3A_296, %add3A_155 : i32
            %dma_start3A_298 = arith.constant 0 : i32
            %dma_start3A_299 = arith.constant 0 : i32
            %dma_start3A_300 = tpu.memref_slice %run_scoped3A_18[%rem3A_295, %dma_start3A_298, %dma_start3A_299] : memref<2x128x256xf32, #tpu.memory_space<vmem>> -> memref<1x128x256xf32, #tpu.memory_space<vmem>>
            %dma_start3A_301 = tpu.memref_squeeze %dma_start3A_300 : memref<1x128x256xf32, #tpu.memory_space<vmem>> -> memref<128x256xf32, #tpu.memory_space<vmem>>
            %dma_start3A_302 = arith.constant 0 : i32
            %dma_start3A_303 = tpu.memref_slice %arg4[%mul3A_297, %dma_start3A_302] : memref<33792x256xf32, #tpu.memory_space<hbm>> -> memref<128x256xf32, #tpu.memory_space<hbm>>
            %dma_start3A_304 = tpu.memref_slice %run_scoped3A_19[%rem3A_295] : memref<2x!tpu.dma_semaphore, #tpu.memory_space<semaphore_mem>> -> memref<1x!tpu.dma_semaphore, #tpu.memory_space<semaphore_mem>>
            %dma_start3A_305 = tpu.memref_squeeze %dma_start3A_304 : memref<1x!tpu.dma_semaphore, #tpu.memory_space<semaphore_mem>> -> memref<!tpu.dma_semaphore, #tpu.memory_space<semaphore_mem>>
            %dma_start3A_306 = arith.constant 0 : i32
            %dma_start3A_307 = tpu.memref_slice %arg4[%mul3A_297, %dma_start3A_306] : memref<33792x256xf32, #tpu.memory_space<hbm>> -> memref<128x256xf32, #tpu.memory_space<hbm>>
            %dma_start3A_308 = arith.constant 0 : i32
            %dma_start3A_309 = arith.constant 0 : i32
            %dma_start3A_310 = tpu.memref_slice %run_scoped3A_18[%rem3A_295, %dma_start3A_308, %dma_start3A_309] : memref<2x128x256xf32, #tpu.memory_space<vmem>> -> memref<1x128x256xf32, #tpu.memory_space<vmem>>
            %dma_start3A_311 = tpu.memref_squeeze %dma_start3A_310 : memref<1x128x256xf32, #tpu.memory_space<vmem>> -> memref<128x256xf32, #tpu.memory_space<vmem>>
            tpu.enqueue_dma source(%dma_start3A_311 : memref<128x256xf32, #tpu.memory_space<vmem>>) target(%dma_start3A_307 : memref<128x256xf32, #tpu.memory_space<hbm>>) target_semaphore(%dma_start3A_305 : memref<!tpu.dma_semaphore, #tpu.memory_space<semaphore_mem>>)
            "tpu.trace_stop"() : () -> ()
          } else {
          }
          %and3A_248 = arith.constant true
          %and3A_249 = arith.andi %or3A_244, %and3A_248 : i1
          %add3A_250 = arith.constant 1 : i32
          %add3A_251 = arith.addi %while3A_145, %add3A_250 : i32
          %select_n3A_252 = arith.select %and3A_249, %add3A_251, %while3A_145 : i32
          %ne3A_253 = arith.cmpi ne, %add3A_155, %add3A_165 : i32
          %or3A_254 = arith.constant false
          %or3A_255 = arith.ori %or3A_254, %ne3A_253 : i1
          %not3A_256 = arith.constant true
          %not3A_257 = arith.xori %eq3A_151, %not3A_256 : i1
          %and3A_258 = arith.andi %or3A_255, %not3A_257 : i1
          %convert_element_type3A_259 = arith.extui %and3A_258 : i1 to i32
          %cond3A_260 = arith.constant 0 : i32
          %cond3A_261 = arith.cmpi ne, %convert_element_type3A_259, %cond3A_260 : i32
          scf.if %cond3A_261 {
          } else {
          }
          %and3A_262 = arith.constant false
          %and3A_263 = arith.andi %and3A_258, %and3A_262 : i1
          %ne3A_264 = arith.cmpi ne, %add3A_155, %add3A_165 : i32
          %or3A_265 = arith.constant false
          %or3A_266 = arith.ori %or3A_265, %ne3A_264 : i1
          %or3A_267 = arith.constant false
          %or3A_268 = arith.ori %or3A_266, %or3A_267 : i1
          %not3A_269 = arith.constant true
          %not3A_270 = arith.xori %eq3A_151, %not3A_269 : i1
          %and3A_271 = arith.andi %or3A_268, %not3A_270 : i1
          %convert_element_type3A_272 = arith.extui %and3A_271 : i1 to i32
          %cond3A_273 = arith.constant 0 : i32
          %cond3A_274 = arith.cmpi ne, %convert_element_type3A_272, %cond3A_273 : i32
          scf.if %cond3A_274 {
            "tpu.trace_start"() <{level = 10 : i32, message = "ep_wait_out"}> : () -> ()
            %rem3A_294 = arith.constant 2 : i32
            %rem3A_295 = arith.remui %while3A_146, %rem3A_294 : i32
            %mul3A_296 = arith.constant 128 : i32
            %mul3A_297 = arith.muli %mul3A_296, %add3A_165 : i32
            %dma_wait3A = arith.constant 0 : i32
            %dma_wait3A_298 = arith.constant 0 : i32
            %dma_wait3A_299 = tpu.memref_slice %run_scoped3A_18[%rem3A_295, %dma_wait3A, %dma_wait3A_298] : memref<2x128x256xf32, #tpu.memory_space<vmem>> -> memref<1x128x256xf32, #tpu.memory_space<vmem>>
            %dma_wait3A_300 = tpu.memref_squeeze %dma_wait3A_299 : memref<1x128x256xf32, #tpu.memory_space<vmem>> -> memref<128x256xf32, #tpu.memory_space<vmem>>
            %dma_wait3A_301 = arith.constant 0 : i32
            %dma_wait3A_302 = tpu.memref_slice %arg4[%mul3A_297, %dma_wait3A_301] : memref<33792x256xf32, #tpu.memory_space<hbm>> -> memref<128x256xf32, #tpu.memory_space<hbm>>
            %dma_wait3A_303 = tpu.memref_slice %run_scoped3A_19[%rem3A_295] : memref<2x!tpu.dma_semaphore, #tpu.memory_space<semaphore_mem>> -> memref<1x!tpu.dma_semaphore, #tpu.memory_space<semaphore_mem>>
            %dma_wait3A_304 = tpu.memref_squeeze %dma_wait3A_303 : memref<1x!tpu.dma_semaphore, #tpu.memory_space<semaphore_mem>> -> memref<!tpu.dma_semaphore, #tpu.memory_space<semaphore_mem>>
            %dma_wait3A_305 = arith.constant 0 : i32
            %dma_wait3A_306 = tpu.memref_slice %arg4[%mul3A_297, %dma_wait3A_305] : memref<33792x256xf32, #tpu.memory_space<hbm>> -> memref<128x256xf32, #tpu.memory_space<hbm>>
            %dma_wait3A_307 = arith.constant 0 : i32
            %dma_wait3A_308 = arith.constant 0 : i32
            %dma_wait3A_309 = tpu.memref_slice %run_scoped3A_18[%rem3A_295, %dma_wait3A_307, %dma_wait3A_308] : memref<2x128x256xf32, #tpu.memory_space<vmem>> -> memref<1x128x256xf32, #tpu.memory_space<vmem>>
            %dma_wait3A_310 = tpu.memref_squeeze %dma_wait3A_309 : memref<1x128x256xf32, #tpu.memory_space<vmem>> -> memref<128x256xf32, #tpu.memory_space<vmem>>
            tpu.wait_dma2 semaphore(%dma_wait3A_304 : memref<!tpu.dma_semaphore, #tpu.memory_space<semaphore_mem>>) src(%dma_wait3A_310 : memref<128x256xf32, #tpu.memory_space<vmem>>) dst(%dma_wait3A_306 : memref<128x256xf32, #tpu.memory_space<hbm>>)
            "tpu.trace_stop"() : () -> ()
          } else {
          }
          %and3A_275 = arith.constant true
          %and3A_276 = arith.andi %and3A_271, %and3A_275 : i1
          %add3A_277 = arith.constant 1 : i32
          %add3A_278 = arith.addi %while3A_146, %add3A_277 : i32
          %select_n3A_279 = arith.select %and3A_276, %add3A_278, %while3A_146 : i32
          %ne3A_280 = arith.cmpi ne, %add3A_155, %add3A_173 : i32
          %or3A_281 = arith.constant false
          %or3A_282 = arith.ori %or3A_281, %ne3A_280 : i1
          %or3A_283 = arith.ori %or3A_282, %eq3A_154 : i1
          %add3A_284 = arith.constant 1 : i32
          %add3A_285 = arith.addi %while3A_144, %add3A_284 : i32
          %select_n3A_286 = arith.select %or3A_283, %add3A_285, %while3A_144 : i32
          %add3A_287 = arith.constant 1 : i32
          %add3A_288 = arith.addi %while3A_147, %add3A_287 : i32
          %select_n3A_289 = arith.constant true
          %select_n3A_290 = arith.select %select_n3A_289, %add3A_288, %while3A_147 : i32
          %eq3A_291 = arith.cmpi eq, %select_n3A_290, %select_n3A : i32
          %select_n3A_292 = arith.constant 0 : i32
          %select_n3A_293 = arith.select %eq3A_291, %select_n3A_292, %select_n3A_290 : i32
          scf.yield %select_n3A_195, %select_n3A_286, %select_n3A_252, %select_n3A_279, %select_n3A_293 : i32, i32, i32, i32, i32
        }
        %while3A_89 = arith.constant 1 : i32
        %while3A_90:5 = scf.for %while3A_142 = %while3A_86 to %while3A_82 step %while3A_89 iter_args(%while3A_143 = %while3A_88#0, %while3A_144 = %while3A_88#1, %while3A_145 = %while3A_88#2, %while3A_146 = %while3A_88#3, %while3A_147 = %while3A_88#4) -> (i32, i32, i32, i32, i32)  : i32 {
          %mul3A_148 = arith.constant 1 : i32
          %mul3A_149 = arith.muli %mul3A_148, %select_n3A : i32
          %eq3A_150 = arith.constant 0 : i32
          %eq3A_151 = arith.cmpi eq, %while3A_142, %eq3A_150 : i32
          %sub3A_152 = arith.constant 1 : i32
          %sub3A_153 = arith.subi %mul3A_149, %sub3A_152 : i32
          %eq3A_154 = arith.cmpi eq, %while3A_142, %sub3A_153 : i32
          %add3A_155 = arith.addi %while3A_147, %select_n3A_14 : i32
          %sub3A_156 = arith.constant 1 : i32
          %sub3A_157 = arith.subi %while3A_147, %sub3A_156 : i32
          %select_n3A_158 = arith.constant true
          %select_n3A_159 = arith.select %select_n3A_158, %sub3A_157, %while3A_147 : i32
          %eq3A_160 = arith.constant -1 : i32
          %eq3A_161 = arith.cmpi eq, %select_n3A_159, %eq3A_160 : i32
          %sub3A_162 = arith.constant 1 : i32
          %sub3A_163 = arith.subi %select_n3A, %sub3A_162 : i32
          %select_n3A_164 = arith.select %eq3A_161, %sub3A_163, %select_n3A_159 : i32
          %add3A_165 = arith.addi %select_n3A_164, %select_n3A_14 : i32
          %add3A_166 = arith.constant 1 : i32
          %add3A_167 = arith.addi %while3A_147, %add3A_166 : i32
          %select_n3A_168 = arith.constant true
          %select_n3A_169 = arith.select %select_n3A_168, %add3A_167, %while3A_147 : i32
          %eq3A_170 = arith.cmpi eq, %select_n3A_169, %select_n3A : i32
          %select_n3A_171 = arith.constant 0 : i32
          %select_n3A_172 = arith.select %eq3A_170, %select_n3A_171, %select_n3A_169 : i32
          %add3A_173 = arith.addi %select_n3A_172, %select_n3A_14 : i32
          %add3A_174 = arith.constant 1 : i32
          %add3A_175 = arith.addi %select_n3A_172, %add3A_174 : i32
          %select_n3A_176 = arith.constant true
          %select_n3A_177 = arith.select %select_n3A_176, %add3A_175, %select_n3A_172 : i32
          %eq3A_178 = arith.cmpi eq, %select_n3A_177, %select_n3A : i32
          %select_n3A_179 = arith.constant 0 : i32
          %select_n3A_180 = arith.select %eq3A_178, %select_n3A_179, %select_n3A_177 : i32
          %add3A_181 = arith.addi %select_n3A_180, %select_n3A_14 : i32
          %ne3A = arith.cmpi ne, %add3A_155, %add3A_173 : i32
          %or3A = arith.constant false
          %or3A_182 = arith.ori %or3A, %ne3A : i1
          %sub3A_183 = arith.constant 2 : i32
          %sub3A_184 = arith.subi %mul3A_149, %sub3A_183 : i32
          %add3A_185 = arith.constant 1 : i32
          %add3A_186 = arith.addi %sub3A_184, %add3A_185 : i32
          %ge3A = arith.cmpi sge, %while3A_142, %add3A_186 : i32
          %not3A = arith.constant true
          %not3A_187 = arith.xori %ge3A, %not3A : i1
          %and3A = arith.andi %or3A_182, %not3A_187 : i1
          %convert_element_type3A_188 = arith.extui %and3A : i1 to i32
          %cond3A_189 = arith.constant 0 : i32
          %cond3A_190 = arith.cmpi ne, %convert_element_type3A_188, %cond3A_189 : i32
          scf.if %cond3A_190 {
            "tpu.trace_start"() <{level = 10 : i32, message = "ep_copy_in"}> : () -> ()
            %rem3A_294 = arith.constant 2 : i32
            %rem3A_295 = arith.remui %while3A_143, %rem3A_294 : i32
            %mul3A_296 = arith.constant 128 : i32
            %mul3A_297 = arith.muli %mul3A_296, %add3A_173 : i32
            %dma_start3A_298 = arith.constant 0 : i32
            %dma_start3A_299 = arith.constant 0 : i32
            %dma_start3A_300 = tpu.memref_slice %run_scoped3A[%rem3A_295, %dma_start3A_298, %dma_start3A_299] : memref<2x1x128xi32, #tpu.memory_space<vmem>> -> memref<1x1x128xi32, #tpu.memory_space<vmem>>
            %dma_start3A_301 = tpu.memref_squeeze %dma_start3A_300 : memref<1x1x128xi32, #tpu.memory_space<vmem>> -> memref<1x128xi32, #tpu.memory_space<vmem>>
            %dma_start3A_302 = arith.constant 0 : i32
            %dma_start3A_303 = tpu.memref_slice %arg3[%dma_start3A_302, %mul3A_297] : memref<1x33792xi32, #tpu.memory_space<hbm>> -> memref<1x128xi32, #tpu.memory_space<hbm>>
            %dma_start3A_304 = tpu.memref_slice %run_scoped3A_17[%rem3A_295] : memref<2x!tpu.dma_semaphore, #tpu.memory_space<semaphore_mem>> -> memref<1x!tpu.dma_semaphore, #tpu.memory_space<semaphore_mem>>
            %dma_start3A_305 = tpu.memref_squeeze %dma_start3A_304 : memref<1x!tpu.dma_semaphore, #tpu.memory_space<semaphore_mem>> -> memref<!tpu.dma_semaphore, #tpu.memory_space<semaphore_mem>>
            %dma_start3A_306 = arith.constant 0 : i32
            %dma_start3A_307 = arith.constant 0 : i32
            %dma_start3A_308 = tpu.memref_slice %run_scoped3A[%rem3A_295, %dma_start3A_306, %dma_start3A_307] : memref<2x1x128xi32, #tpu.memory_space<vmem>> -> memref<1x1x128xi32, #tpu.memory_space<vmem>>
            %dma_start3A_309 = tpu.memref_squeeze %dma_start3A_308 : memref<1x1x128xi32, #tpu.memory_space<vmem>> -> memref<1x128xi32, #tpu.memory_space<vmem>>
            %dma_start3A_310 = arith.constant 0 : i32
            %dma_start3A_311 = tpu.memref_slice %arg3[%dma_start3A_310, %mul3A_297] : memref<1x33792xi32, #tpu.memory_space<hbm>> -> memref<1x128xi32, #tpu.memory_space<hbm>>
            tpu.enqueue_dma source(%dma_start3A_311 : memref<1x128xi32, #tpu.memory_space<hbm>>) target(%dma_start3A_309 : memref<1x128xi32, #tpu.memory_space<vmem>>) target_semaphore(%dma_start3A_305 : memref<!tpu.dma_semaphore, #tpu.memory_space<semaphore_mem>>)
            "tpu.trace_stop"() : () -> ()
          } else {
          }
          %and3A_191 = arith.constant true
          %and3A_192 = arith.andi %and3A, %and3A_191 : i1
          %add3A_193 = arith.constant 1 : i32
          %add3A_194 = arith.addi %while3A_143, %add3A_193 : i32
          %select_n3A_195 = arith.select %and3A_192, %add3A_194, %while3A_143 : i32
          %ne3A_196 = arith.cmpi ne, %add3A_155, %add3A_173 : i32
          %or3A_197 = arith.constant false
          %or3A_198 = arith.ori %or3A_197, %ne3A_196 : i1
          %or3A_199 = arith.constant false
          %or3A_200 = arith.ori %or3A_198, %or3A_199 : i1
          %sub3A_201 = arith.constant 2 : i32
          %sub3A_202 = arith.subi %mul3A_149, %sub3A_201 : i32
          %add3A_203 = arith.constant 1 : i32
          %add3A_204 = arith.addi %sub3A_202, %add3A_203 : i32
          %ge3A_205 = arith.cmpi sge, %while3A_142, %add3A_204 : i32
          %not3A_206 = arith.constant true
          %not3A_207 = arith.xori %ge3A_205, %not3A_206 : i1
          %and3A_208 = arith.andi %or3A_200, %not3A_207 : i1
          %ne3A_209 = arith.cmpi ne, %add3A_155, %add3A_165 : i32
          %or3A_210 = arith.constant false
          %or3A_211 = arith.ori %or3A_210, %ne3A_209 : i1
          %or3A_212 = arith.ori %or3A_211, %eq3A_151 : i1
          %convert_element_type3A_213 = arith.extui %or3A_212 : i1 to i32
          %cond3A_214 = arith.constant 0 : i32
          %cond3A_215 = arith.cmpi ne, %convert_element_type3A_213, %cond3A_214 : i32
          scf.if %cond3A_215 {
            "tpu.trace_start"() <{level = 10 : i32, message = "ep_wait_in"}> : () -> ()
            %mul3A_294 = arith.constant 128 : i32
            %mul3A_295 = arith.muli %mul3A_294, %add3A_155 : i32
            %rem3A_296 = arith.constant 2 : i32
            %rem3A_297 = arith.remui %while3A_144, %rem3A_296 : i32
            %dma_wait3A = arith.constant 0 : i32
            %dma_wait3A_298 = arith.constant 0 : i32
            %dma_wait3A_299 = tpu.memref_slice %run_scoped3A[%rem3A_297, %dma_wait3A, %dma_wait3A_298] : memref<2x1x128xi32, #tpu.memory_space<vmem>> -> memref<1x1x128xi32, #tpu.memory_space<vmem>>
            %dma_wait3A_300 = tpu.memref_squeeze %dma_wait3A_299 : memref<1x1x128xi32, #tpu.memory_space<vmem>> -> memref<1x128xi32, #tpu.memory_space<vmem>>
            %dma_wait3A_301 = arith.constant 0 : i32
            %dma_wait3A_302 = tpu.memref_slice %arg3[%dma_wait3A_301, %mul3A_295] : memref<1x33792xi32, #tpu.memory_space<hbm>> -> memref<1x128xi32, #tpu.memory_space<hbm>>
            %dma_wait3A_303 = tpu.memref_slice %run_scoped3A_17[%rem3A_297] : memref<2x!tpu.dma_semaphore, #tpu.memory_space<semaphore_mem>> -> memref<1x!tpu.dma_semaphore, #tpu.memory_space<semaphore_mem>>
            %dma_wait3A_304 = tpu.memref_squeeze %dma_wait3A_303 : memref<1x!tpu.dma_semaphore, #tpu.memory_space<semaphore_mem>> -> memref<!tpu.dma_semaphore, #tpu.memory_space<semaphore_mem>>
            %dma_wait3A_305 = arith.constant 0 : i32
            %dma_wait3A_306 = arith.constant 0 : i32
            %dma_wait3A_307 = tpu.memref_slice %run_scoped3A[%rem3A_297, %dma_wait3A_305, %dma_wait3A_306] : memref<2x1x128xi32, #tpu.memory_space<vmem>> -> memref<1x1x128xi32, #tpu.memory_space<vmem>>
            %dma_wait3A_308 = tpu.memref_squeeze %dma_wait3A_307 : memref<1x1x128xi32, #tpu.memory_space<vmem>> -> memref<1x128xi32, #tpu.memory_space<vmem>>
            %dma_wait3A_309 = arith.constant 0 : i32
            %dma_wait3A_310 = tpu.memref_slice %arg3[%dma_wait3A_309, %mul3A_295] : memref<1x33792xi32, #tpu.memory_space<hbm>> -> memref<1x128xi32, #tpu.memory_space<hbm>>
            tpu.wait_dma2 semaphore(%dma_wait3A_304 : memref<!tpu.dma_semaphore, #tpu.memory_space<semaphore_mem>>) src(%dma_wait3A_310 : memref<1x128xi32, #tpu.memory_space<hbm>>) dst(%dma_wait3A_308 : memref<1x128xi32, #tpu.memory_space<vmem>>)
            "tpu.trace_stop"() : () -> ()
          } else {
          }
          %ne3A_216 = arith.cmpi ne, %add3A_155, %add3A_165 : i32
          %or3A_217 = arith.constant false
          %or3A_218 = arith.ori %or3A_217, %ne3A_216 : i1
          %or3A_219 = arith.constant false
          %or3A_220 = arith.ori %or3A_218, %or3A_219 : i1
          %or3A_221 = arith.ori %or3A_220, %eq3A_151 : i1
          %convert_element_type3A_222 = arith.extui %or3A_221 : i1 to i32
          %cond3A_223 = arith.constant 0 : i32
          %cond3A_224 = arith.cmpi ne, %convert_element_type3A_222, %cond3A_223 : i32
          scf.if %cond3A_224 {
          } else {
          }
          %rem3A_225 = arith.constant 2 : i32
          %rem3A_226 = arith.remui %while3A_144, %rem3A_225 : i32
          %rem3A_227 = arith.constant 2 : i32
          %rem3A_228 = arith.remui %while3A_145, %rem3A_227 : i32
          %run_scoped3A_229 = arith.constant 0 : i32
          "tpu.trace_start"() <{level = 10 : i32, message = "ep_run_kernel"}> : () -> ()
          "tpu.region"() ({
            %run_scoped3A_294 = tpu.sem_alloc : memref<!tpu.dma_semaphore, #tpu.memory_space<semaphore_mem>>
            %dma_start3A_295 = arith.constant 0 : i32
            %dma_start3A_296 = arith.constant 0 : i32
            %dma_start3A_297 = tpu.memref_slice %run_scoped3A_18[%rem3A_228, %dma_start3A_295, %dma_start3A_296] : memref<2x128x256xf32, #tpu.memory_space<vmem>> -> memref<1x128x256xf32, #tpu.memory_space<vmem>>
            %dma_start3A_298 = tpu.memref_squeeze %dma_start3A_297 : memref<1x128x256xf32, #tpu.memory_space<vmem>> -> memref<128x256xf32, #tpu.memory_space<vmem>>
            %dma_start3A_299 = arith.constant 0 : i32
            %dma_start3A_300 = arith.constant 0 : i32
            %dma_start3A_301 = tpu.memref_slice %run_scoped3A[%rem3A_226, %dma_start3A_299, %dma_start3A_300] : memref<2x1x128xi32, #tpu.memory_space<vmem>> -> memref<1x1x128xi32, #tpu.memory_space<vmem>>
            %dma_start3A_302 = tpu.memref_squeeze %dma_start3A_301 : memref<1x1x128xi32, #tpu.memory_space<vmem>> -> memref<1x128xi32, #tpu.memory_space<vmem>>
            %dma_start3A_303 = arith.constant 0 : i32
            %dma_start3A_304 = tpu.memref_slice %dma_start3A_302[%run_scoped3A_229, %dma_start3A_303] : memref<1x128xi32, #tpu.memory_space<vmem>> -> memref<1x128xi32, #tpu.memory_space<vmem>>
            %dma_start3A_305 = tpu.memref_squeeze %dma_start3A_304 : memref<1x128xi32, #tpu.memory_space<vmem>> -> memref<128xi32, #tpu.memory_space<vmem>>
            %dma_start3A_306 = arith.constant 0 : i32
            %dma_start3A_307 = arith.constant 0 : i32
            %dma_start3A_308 = tpu.memref_slice %arg2[%dma_start3A_306, %dma_start3A_307] : memref<50000x256xf32, #tpu.memory_space<hbm>> -> memref<50000x256xf32, #tpu.memory_space<hbm>>
            tpu.enqueue_indirect_dma source(%dma_start3A_308 : memref<50000x256xf32, #tpu.memory_space<hbm>>) target(%dma_start3A_298 : memref<128x256xf32, #tpu.memory_space<vmem>>) offsets(%dma_start3A_305 : memref<128xi32, #tpu.memory_space<vmem>>) semaphore(%run_scoped3A_294 : memref<!tpu.dma_semaphore, #tpu.memory_space<semaphore_mem>>)
            %dma_wait3A = arith.constant 0 : i32
            %dma_wait3A_309 = arith.constant 0 : i32
            %dma_wait3A_310 = tpu.memref_slice %run_scoped3A_18[%rem3A_228, %dma_wait3A, %dma_wait3A_309] : memref<2x128x256xf32, #tpu.memory_space<vmem>> -> memref<1x128x256xf32, #tpu.memory_space<vmem>>
            %dma_wait3A_311 = tpu.memref_squeeze %dma_wait3A_310 : memref<1x128x256xf32, #tpu.memory_space<vmem>> -> memref<128x256xf32, #tpu.memory_space<vmem>>
            %dma_wait3A_312 = arith.constant 0 : i32
            %dma_wait3A_313 = arith.constant 0 : i32
            %dma_wait3A_314 = tpu.memref_slice %run_scoped3A[%rem3A_226, %dma_wait3A_312, %dma_wait3A_313] : memref<2x1x128xi32, #tpu.memory_space<vmem>> -> memref<1x1x128xi32, #tpu.memory_space<vmem>>
            %dma_wait3A_315 = tpu.memref_squeeze %dma_wait3A_314 : memref<1x1x128xi32, #tpu.memory_space<vmem>> -> memref<1x128xi32, #tpu.memory_space<vmem>>
            %dma_wait3A_316 = arith.constant 0 : i32
            %dma_wait3A_317 = tpu.memref_slice %dma_wait3A_315[%run_scoped3A_229, %dma_wait3A_316] : memref<1x128xi32, #tpu.memory_space<vmem>> -> memref<1x128xi32, #tpu.memory_space<vmem>>
            %dma_wait3A_318 = tpu.memref_squeeze %dma_wait3A_317 : memref<1x128xi32, #tpu.memory_space<vmem>> -> memref<128xi32, #tpu.memory_space<vmem>>
            %dma_wait3A_319 = arith.constant 0 : i32
            %dma_wait3A_320 = arith.constant 0 : i32
            %dma_wait3A_321 = tpu.memref_slice %arg2[%dma_wait3A_319, %dma_wait3A_320] : memref<50000x256xf32, #tpu.memory_space<hbm>> -> memref<50000x256xf32, #tpu.memory_space<hbm>>
            tpu.wait_indirect_dma semaphore(%run_scoped3A_294 : memref<!tpu.dma_semaphore, #tpu.memory_space<semaphore_mem>>) src(%dma_wait3A_321 : memref<50000x256xf32, #tpu.memory_space<hbm>>) dst(%dma_wait3A_311 : memref<128x256xf32, #tpu.memory_space<vmem>>)
            tpu.yield
          }) : () -> ()
          "tpu.trace_stop"() : () -> ()
          %ne3A_230 = arith.cmpi ne, %add3A_155, %add3A_173 : i32
          %or3A_231 = arith.constant false
          %or3A_232 = arith.ori %or3A_231, %ne3A_230 : i1
          %or3A_233 = arith.ori %or3A_232, %eq3A_154 : i1
          %convert_element_type3A_234 = arith.extui %or3A_233 : i1 to i32
          %cond3A_235 = arith.constant 0 : i32
          %cond3A_236 = arith.cmpi ne, %convert_element_type3A_234, %cond3A_235 : i32
          scf.if %cond3A_236 {
          } else {
          }
          %and3A_237 = arith.constant false
          %and3A_238 = arith.andi %or3A_233, %and3A_237 : i1
          %ne3A_239 = arith.cmpi ne, %add3A_155, %add3A_173 : i32
          %or3A_240 = arith.constant false
          %or3A_241 = arith.ori %or3A_240, %ne3A_239 : i1
          %or3A_242 = arith.constant false
          %or3A_243 = arith.ori %or3A_241, %or3A_242 : i1
          %or3A_244 = arith.ori %or3A_243, %eq3A_154 : i1
          %convert_element_type3A_245 = arith.extui %or3A_244 : i1 to i32
          %cond3A_246 = arith.constant 0 : i32
          %cond3A_247 = arith.cmpi ne, %convert_element_type3A_245, %cond3A_246 : i32
          scf.if %cond3A_247 {
            "tpu.trace_start"() <{level = 10 : i32, message = "ep_copy_out"}> : () -> ()
            %rem3A_294 = arith.constant 2 : i32
            %rem3A_295 = arith.remui %while3A_145, %rem3A_294 : i32
            %mul3A_296 = arith.constant 128 : i32
            %mul3A_297 = arith.muli %mul3A_296, %add3A_155 : i32
            %dma_start3A_298 = arith.constant 0 : i32
            %dma_start3A_299 = arith.constant 0 : i32
            %dma_start3A_300 = tpu.memref_slice %run_scoped3A_18[%rem3A_295, %dma_start3A_298, %dma_start3A_299] : memref<2x128x256xf32, #tpu.memory_space<vmem>> -> memref<1x128x256xf32, #tpu.memory_space<vmem>>
            %dma_start3A_301 = tpu.memref_squeeze %dma_start3A_300 : memref<1x128x256xf32, #tpu.memory_space<vmem>> -> memref<128x256xf32, #tpu.memory_space<vmem>>
            %dma_start3A_302 = arith.constant 0 : i32
            %dma_start3A_303 = tpu.memref_slice %arg4[%mul3A_297, %dma_start3A_302] : memref<33792x256xf32, #tpu.memory_space<hbm>> -> memref<128x256xf32, #tpu.memory_space<hbm>>
            %dma_start3A_304 = tpu.memref_slice %run_scoped3A_19[%rem3A_295] : memref<2x!tpu.dma_semaphore, #tpu.memory_space<semaphore_mem>> -> memref<1x!tpu.dma_semaphore, #tpu.memory_space<semaphore_mem>>
            %dma_start3A_305 = tpu.memref_squeeze %dma_start3A_304 : memref<1x!tpu.dma_semaphore, #tpu.memory_space<semaphore_mem>> -> memref<!tpu.dma_semaphore, #tpu.memory_space<semaphore_mem>>
            %dma_start3A_306 = arith.constant 0 : i32
            %dma_start3A_307 = tpu.memref_slice %arg4[%mul3A_297, %dma_start3A_306] : memref<33792x256xf32, #tpu.memory_space<hbm>> -> memref<128x256xf32, #tpu.memory_space<hbm>>
            %dma_start3A_308 = arith.constant 0 : i32
            %dma_start3A_309 = arith.constant 0 : i32
            %dma_start3A_310 = tpu.memref_slice %run_scoped3A_18[%rem3A_295, %dma_start3A_308, %dma_start3A_309] : memref<2x128x256xf32, #tpu.memory_space<vmem>> -> memref<1x128x256xf32, #tpu.memory_space<vmem>>
            %dma_start3A_311 = tpu.memref_squeeze %dma_start3A_310 : memref<1x128x256xf32, #tpu.memory_space<vmem>> -> memref<128x256xf32, #tpu.memory_space<vmem>>
            tpu.enqueue_dma source(%dma_start3A_311 : memref<128x256xf32, #tpu.memory_space<vmem>>) target(%dma_start3A_307 : memref<128x256xf32, #tpu.memory_space<hbm>>) target_semaphore(%dma_start3A_305 : memref<!tpu.dma_semaphore, #tpu.memory_space<semaphore_mem>>)
            "tpu.trace_stop"() : () -> ()
          } else {
          }
          %and3A_248 = arith.constant true
          %and3A_249 = arith.andi %or3A_244, %and3A_248 : i1
          %add3A_250 = arith.constant 1 : i32
          %add3A_251 = arith.addi %while3A_145, %add3A_250 : i32
          %select_n3A_252 = arith.select %and3A_249, %add3A_251, %while3A_145 : i32
          %ne3A_253 = arith.cmpi ne, %add3A_155, %add3A_165 : i32
          %or3A_254 = arith.constant false
          %or3A_255 = arith.ori %or3A_254, %ne3A_253 : i1
          %not3A_256 = arith.constant true
          %not3A_257 = arith.xori %eq3A_151, %not3A_256 : i1
          %and3A_258 = arith.andi %or3A_255, %not3A_257 : i1
          %convert_element_type3A_259 = arith.extui %and3A_258 : i1 to i32
          %cond3A_260 = arith.constant 0 : i32
          %cond3A_261 = arith.cmpi ne, %convert_element_type3A_259, %cond3A_260 : i32
          scf.if %cond3A_261 {
          } else {
          }
          %and3A_262 = arith.constant false
          %and3A_263 = arith.andi %and3A_258, %and3A_262 : i1
          %ne3A_264 = arith.cmpi ne, %add3A_155, %add3A_165 : i32
          %or3A_265 = arith.constant false
          %or3A_266 = arith.ori %or3A_265, %ne3A_264 : i1
          %or3A_267 = arith.constant false
          %or3A_268 = arith.ori %or3A_266, %or3A_267 : i1
          %not3A_269 = arith.constant true
          %not3A_270 = arith.xori %eq3A_151, %not3A_269 : i1
          %and3A_271 = arith.andi %or3A_268, %not3A_270 : i1
          %convert_element_type3A_272 = arith.extui %and3A_271 : i1 to i32
          %cond3A_273 = arith.constant 0 : i32
          %cond3A_274 = arith.cmpi ne, %convert_element_type3A_272, %cond3A_273 : i32
          scf.if %cond3A_274 {
            "tpu.trace_start"() <{level = 10 : i32, message = "ep_wait_out"}> : () -> ()
            %rem3A_294 = arith.constant 2 : i32
            %rem3A_295 = arith.remui %while3A_146, %rem3A_294 : i32
            %mul3A_296 = arith.constant 128 : i32
            %mul3A_297 = arith.muli %mul3A_296, %add3A_165 : i32
            %dma_wait3A = arith.constant 0 : i32
            %dma_wait3A_298 = arith.constant 0 : i32
            %dma_wait3A_299 = tpu.memref_slice %run_scoped3A_18[%rem3A_295, %dma_wait3A, %dma_wait3A_298] : memref<2x128x256xf32, #tpu.memory_space<vmem>> -> memref<1x128x256xf32, #tpu.memory_space<vmem>>
            %dma_wait3A_300 = tpu.memref_squeeze %dma_wait3A_299 : memref<1x128x256xf32, #tpu.memory_space<vmem>> -> memref<128x256xf32, #tpu.memory_space<vmem>>
            %dma_wait3A_301 = arith.constant 0 : i32
            %dma_wait3A_302 = tpu.memref_slice %arg4[%mul3A_297, %dma_wait3A_301] : memref<33792x256xf32, #tpu.memory_space<hbm>> -> memref<128x256xf32, #tpu.memory_space<hbm>>
            %dma_wait3A_303 = tpu.memref_slice %run_scoped3A_19[%rem3A_295] : memref<2x!tpu.dma_semaphore, #tpu.memory_space<semaphore_mem>> -> memref<1x!tpu.dma_semaphore, #tpu.memory_space<semaphore_mem>>
            %dma_wait3A_304 = tpu.memref_squeeze %dma_wait3A_303 : memref<1x!tpu.dma_semaphore, #tpu.memory_space<semaphore_mem>> -> memref<!tpu.dma_semaphore, #tpu.memory_space<semaphore_mem>>
            %dma_wait3A_305 = arith.constant 0 : i32
            %dma_wait3A_306 = tpu.memref_slice %arg4[%mul3A_297, %dma_wait3A_305] : memref<33792x256xf32, #tpu.memory_space<hbm>> -> memref<128x256xf32, #tpu.memory_space<hbm>>
            %dma_wait3A_307 = arith.constant 0 : i32
            %dma_wait3A_308 = arith.constant 0 : i32
            %dma_wait3A_309 = tpu.memref_slice %run_scoped3A_18[%rem3A_295, %dma_wait3A_307, %dma_wait3A_308] : memref<2x128x256xf32, #tpu.memory_space<vmem>> -> memref<1x128x256xf32, #tpu.memory_space<vmem>>
            %dma_wait3A_310 = tpu.memref_squeeze %dma_wait3A_309 : memref<1x128x256xf32, #tpu.memory_space<vmem>> -> memref<128x256xf32, #tpu.memory_space<vmem>>
            tpu.wait_dma2 semaphore(%dma_wait3A_304 : memref<!tpu.dma_semaphore, #tpu.memory_space<semaphore_mem>>) src(%dma_wait3A_310 : memref<128x256xf32, #tpu.memory_space<vmem>>) dst(%dma_wait3A_306 : memref<128x256xf32, #tpu.memory_space<hbm>>)
            "tpu.trace_stop"() : () -> ()
          } else {
          }
          %and3A_275 = arith.constant true
          %and3A_276 = arith.andi %and3A_271, %and3A_275 : i1
          %add3A_277 = arith.constant 1 : i32
          %add3A_278 = arith.addi %while3A_146, %add3A_277 : i32
          %select_n3A_279 = arith.select %and3A_276, %add3A_278, %while3A_146 : i32
          %ne3A_280 = arith.cmpi ne, %add3A_155, %add3A_173 : i32
          %or3A_281 = arith.constant false
          %or3A_282 = arith.ori %or3A_281, %ne3A_280 : i1
          %or3A_283 = arith.ori %or3A_282, %eq3A_154 : i1
          %add3A_284 = arith.constant 1 : i32
          %add3A_285 = arith.addi %while3A_144, %add3A_284 : i32
          %select_n3A_286 = arith.select %or3A_283, %add3A_285, %while3A_144 : i32
          %add3A_287 = arith.constant 1 : i32
          %add3A_288 = arith.addi %while3A_147, %add3A_287 : i32
          %select_n3A_289 = arith.constant true
          %select_n3A_290 = arith.select %select_n3A_289, %add3A_288, %while3A_147 : i32
          %eq3A_291 = arith.cmpi eq, %select_n3A_290, %select_n3A : i32
          %select_n3A_292 = arith.constant 0 : i32
          %select_n3A_293 = arith.select %eq3A_291, %select_n3A_292, %select_n3A_290 : i32
          scf.yield %select_n3A_195, %select_n3A_286, %select_n3A_252, %select_n3A_279, %select_n3A_293 : i32, i32, i32, i32, i32
        }
        %sub3A_91 = arith.constant 1 : i32
        %sub3A_92 = arith.subi %while3A_90#4, %sub3A_91 : i32
        %select_n3A_93 = arith.constant true
        %select_n3A_94 = arith.select %select_n3A_93, %sub3A_92, %while3A_90#4 : i32
        %eq3A_95 = arith.constant -1 : i32
        %eq3A_96 = arith.cmpi eq, %select_n3A_94, %eq3A_95 : i32
        %sub3A_97 = arith.constant 1 : i32
        %sub3A_98 = arith.subi %select_n3A, %sub3A_97 : i32
        %select_n3A_99 = arith.select %eq3A_96, %sub3A_98, %select_n3A_94 : i32
        %sub3A_100 = arith.constant 1 : i32
        %sub3A_101 = arith.subi %mul3A_16, %sub3A_100 : i32
        %mul3A_102 = arith.constant 1 : i32
        %mul3A_103 = arith.muli %mul3A_102, %select_n3A : i32
        %eq3A_104 = arith.constant 0 : i32
        %eq3A_105 = arith.cmpi eq, %sub3A_101, %eq3A_104 : i32
        %sub3A_106 = arith.constant 1 : i32
        %sub3A_107 = arith.subi %mul3A_103, %sub3A_106 : i32
        %eq3A_108 = arith.cmpi eq, %sub3A_101, %sub3A_107 : i32
        %add3A_109 = arith.addi %select_n3A_99, %select_n3A_14 : i32
        %sub3A_110 = arith.constant 1 : i32
        %sub3A_111 = arith.subi %select_n3A_99, %sub3A_110 : i32
        %select_n3A_112 = arith.constant true
        %select_n3A_113 = arith.select %select_n3A_112, %sub3A_111, %select_n3A_99 : i32
        %eq3A_114 = arith.constant -1 : i32
        %eq3A_115 = arith.cmpi eq, %select_n3A_113, %eq3A_114 : i32
        %sub3A_116 = arith.constant 1 : i32
        %sub3A_117 = arith.subi %select_n3A, %sub3A_116 : i32
        %select_n3A_118 = arith.select %eq3A_115, %sub3A_117, %select_n3A_113 : i32
        %add3A_119 = arith.addi %select_n3A_118, %select_n3A_14 : i32
        %add3A_120 = arith.constant 1 : i32
        %add3A_121 = arith.addi %select_n3A_99, %add3A_120 : i32
        %select_n3A_122 = arith.constant true
        %select_n3A_123 = arith.select %select_n3A_122, %add3A_121, %select_n3A_99 : i32
        %eq3A_124 = arith.cmpi eq, %select_n3A_123, %select_n3A : i32
        %select_n3A_125 = arith.constant 0 : i32
        %select_n3A_126 = arith.select %eq3A_124, %select_n3A_125, %select_n3A_123 : i32
        %add3A_127 = arith.addi %select_n3A_126, %select_n3A_14 : i32
        %add3A_128 = arith.constant 1 : i32
        %add3A_129 = arith.addi %select_n3A_126, %add3A_128 : i32
        %select_n3A_130 = arith.constant true
        %select_n3A_131 = arith.select %select_n3A_130, %add3A_129, %select_n3A_126 : i32
        %eq3A_132 = arith.cmpi eq, %select_n3A_131, %select_n3A : i32
        %select_n3A_133 = arith.constant 0 : i32
        %select_n3A_134 = arith.select %eq3A_132, %select_n3A_133, %select_n3A_131 : i32
        %add3A_135 = arith.addi %select_n3A_134, %select_n3A_14 : i32
        %convert_element_type3A_136 = arith.extui %eq3A_108 : i1 to i32
        %cond3A_137 = arith.constant 0 : i32
        %cond3A_138 = arith.cmpi ne, %convert_element_type3A_136, %cond3A_137 : i32
        scf.if %cond3A_138 {
        } else {
        }
        %convert_element_type3A_139 = arith.extui %eq3A_108 : i1 to i32
        %cond3A_140 = arith.constant 0 : i32
        %cond3A_141 = arith.cmpi ne, %convert_element_type3A_139, %cond3A_140 : i32
        scf.if %cond3A_141 {
          "tpu.trace_start"() <{level = 10 : i32, message = "ep_finalize"}> : () -> ()
          %rem3A_142 = arith.constant 2 : i32
          %rem3A_143 = arith.remui %while3A_90#3, %rem3A_142 : i32
          %mul3A_144 = arith.constant 128 : i32
          %mul3A_145 = arith.muli %mul3A_144, %add3A_109 : i32
          %dma_wait3A = arith.constant 0 : i32
          %dma_wait3A_146 = arith.constant 0 : i32
          %dma_wait3A_147 = tpu.memref_slice %run_scoped3A_18[%rem3A_143, %dma_wait3A, %dma_wait3A_146] : memref<2x128x256xf32, #tpu.memory_space<vmem>> -> memref<1x128x256xf32, #tpu.memory_space<vmem>>
          %dma_wait3A_148 = tpu.memref_squeeze %dma_wait3A_147 : memref<1x128x256xf32, #tpu.memory_space<vmem>> -> memref<128x256xf32, #tpu.memory_space<vmem>>
          %dma_wait3A_149 = arith.constant 0 : i32
          %dma_wait3A_150 = tpu.memref_slice %arg4[%mul3A_145, %dma_wait3A_149] : memref<33792x256xf32, #tpu.memory_space<hbm>> -> memref<128x256xf32, #tpu.memory_space<hbm>>
          %dma_wait3A_151 = tpu.memref_slice %run_scoped3A_19[%rem3A_143] : memref<2x!tpu.dma_semaphore, #tpu.memory_space<semaphore_mem>> -> memref<1x!tpu.dma_semaphore, #tpu.memory_space<semaphore_mem>>
          %dma_wait3A_152 = tpu.memref_squeeze %dma_wait3A_151 : memref<1x!tpu.dma_semaphore, #tpu.memory_space<semaphore_mem>> -> memref<!tpu.dma_semaphore, #tpu.memory_space<semaphore_mem>>
          %dma_wait3A_153 = arith.constant 0 : i32
          %dma_wait3A_154 = tpu.memref_slice %arg4[%mul3A_145, %dma_wait3A_153] : memref<33792x256xf32, #tpu.memory_space<hbm>> -> memref<128x256xf32, #tpu.memory_space<hbm>>
          %dma_wait3A_155 = arith.constant 0 : i32
          %dma_wait3A_156 = arith.constant 0 : i32
          %dma_wait3A_157 = tpu.memref_slice %run_scoped3A_18[%rem3A_143, %dma_wait3A_155, %dma_wait3A_156] : memref<2x128x256xf32, #tpu.memory_space<vmem>> -> memref<1x128x256xf32, #tpu.memory_space<vmem>>
          %dma_wait3A_158 = tpu.memref_squeeze %dma_wait3A_157 : memref<1x128x256xf32, #tpu.memory_space<vmem>> -> memref<128x256xf32, #tpu.memory_space<vmem>>
          tpu.wait_dma2 semaphore(%dma_wait3A_152 : memref<!tpu.dma_semaphore, #tpu.memory_space<semaphore_mem>>) src(%dma_wait3A_158 : memref<128x256xf32, #tpu.memory_space<vmem>>) dst(%dma_wait3A_154 : memref<128x256xf32, #tpu.memory_space<hbm>>)
          "tpu.trace_stop"() : () -> ()
        } else {
        }
      } else {
      }
      tpu.yield
    }) : () -> ()
    return
  }
}

module attributes {stable_mosaic.version = 14 : i64} {
  func.func @_mlp_body(%arg0: i32, %arg1: memref<32x256x256xf32, #tpu.memory_space<vmem>>, %arg2: memref<1x256x256xf32, #tpu.memory_space<vmem>>, %arg3: memref<256x512xbf16, #tpu.memory_space<vmem>>, %arg4: memref<256x256xbf16, #tpu.memory_space<vmem>>, %arg5: memref<1x256xf32, #tpu.memory_space<vmem>>, %arg6: memref<1x256xf32, #tpu.memory_space<vmem>>, %arg7: memref<1x256xf32, #tpu.memory_space<vmem>>, %arg8: memref<256x256xf32, #tpu.memory_space<vmem>>) attributes {dimension_semantics = [#tpu.dimension_semantics<arbitrary>], iteration_bounds = array<i64: 4>, scalar_prefetch = 0 : i64, scratch_operands = 0 : i64, tpu.core_type = #tpu.core_type<tc>, window_params = [{transform_indices = @transform_0, window_bounds = array<i64: 32, 256, 256>}, {transform_indices = @transform_1, window_bounds = array<i64: 1, 256, 256>}, {pipeline_mode = #tpu.pipeline_mode<synchronous>, transform_indices = @transform_2, window_bounds = array<i64: 256, 512>}, {pipeline_mode = #tpu.pipeline_mode<synchronous>, transform_indices = @transform_3, window_bounds = array<i64: 256, 256>}, {pipeline_mode = #tpu.pipeline_mode<synchronous>, transform_indices = @transform_4, window_bounds = array<i64: 1, 256>}, {pipeline_mode = #tpu.pipeline_mode<synchronous>, transform_indices = @transform_5, window_bounds = array<i64: 1, 256>}, {pipeline_mode = #tpu.pipeline_mode<synchronous>, transform_indices = @transform_6, window_bounds = array<i64: 1, 256>}, {transform_indices = @transform_7, window_bounds = array<i64: 256, 256>}]} {
    %get3A = arith.constant 0 : index
    %get3A_0 = arith.constant 0 : index
    %get3A_1 = arith.constant 0 : index
    %get3A_2 = vector.load %arg1[%get3A, %get3A_0, %get3A_1] : memref<32x256x256xf32, #tpu.memory_space<vmem>>, vector<32x256x256xf32>
    %reshape3A = vector.shape_cast %get3A_2 : vector<32x256x256xf32> to vector<8192x256xf32>
    %convert_element_type3A = arith.truncf %reshape3A : vector<8192x256xf32> to vector<8192x256xf8E4M3FN>
    %get3A_3 = arith.constant 0 : index
    %get3A_4 = arith.constant 0 : index
    %get3A_5 = arith.constant 0 : index
    %get3A_6 = vector.load %arg2[%get3A_3, %get3A_4, %get3A_5] : memref<1x256x256xf32, #tpu.memory_space<vmem>>, vector<1x256x256xf32>
    %reshape3A_7 = vector.shape_cast %get3A_6 : vector<1x256x256xf32> to vector<256x256xf32>
    %convert_element_type3A_8 = arith.truncf %reshape3A_7 : vector<256x256xf32> to vector<256x256xbf16>
    %get3A_9 = arith.constant 0 : index
    %get3A_10 = arith.constant 0 : index
    %get3A_11 = vector.load %arg3[%get3A_9, %get3A_10] : memref<256x512xbf16, #tpu.memory_space<vmem>>, vector<256x512xbf16>
    %slice3A = vector.extract_strided_slice %get3A_11 {offsets = [0, 0], sizes = [256, 256], strides = [1, 1]} : vector<256x512xbf16> to vector<256x256xbf16>
    %slice3A_12 = vector.extract_strided_slice %get3A_11 {offsets = [0, 256], sizes = [256, 256], strides = [1, 1]} : vector<256x512xbf16> to vector<256x256xbf16>
    %convert_element_type3A_13 = arith.truncf %slice3A : vector<256x256xbf16> to vector<256x256xf8E4M3FN>
    %dot_general3A = arith.constant dense<0.000000e+00> : vector<8192x256xf32>
    %dot_general3A_14 = tpu.matmul %convert_element_type3A, %convert_element_type3A_13, %dot_general3A {dimension_numbers = #tpu.dot_dimension_numbers<[1], [1], [0], [0], [0, 0, 1, 0], [], []>, transpose_lhs_hint = false} : vector<8192x256xf8E4M3FN>, vector<256x256xf8E4M3FN>, vector<8192x256xf32> -> vector<8192x256xf32>
    %dot_general3A_15 = arith.constant dense<0.000000e+00> : vector<256x256xf32>
    %dot_general3A_16 = tpu.matmul %convert_element_type3A_8, %slice3A_12, %dot_general3A_15 {dimension_numbers = #tpu.dot_dimension_numbers<[1], [1], [0], [0], [0, 0, 1, 0], [], []>, transpose_lhs_hint = false} : vector<256x256xbf16>, vector<256x256xbf16>, vector<256x256xf32> -> vector<256x256xf32>
    %get3A_17 = arith.constant 0 : index
    %get3A_18 = arith.constant 0 : index
    %get3A_19 = vector.load %arg5[%get3A_17, %get3A_18] : memref<1x256xf32, #tpu.memory_space<vmem>>, vector<1x256xf32>
    %add3A = vector.broadcast %get3A_19 : vector<1x256xf32> to vector<256x256xf32>
    %add3A_20 = arith.addf %dot_general3A_16, %add3A : vector<256x256xf32>
    %reshape3A_21 = vector.shape_cast %dot_general3A_14 : vector<8192x256xf32> to vector<32x256x256xf32>
    %broadcast_in_dim3A = vector.shape_cast %add3A_20 : vector<256x256xf32> to vector<1x256x256xf32>
    %add3A_22 = vector.broadcast %broadcast_in_dim3A : vector<1x256x256xf32> to vector<32x256x256xf32>
    %add3A_23 = arith.addf %reshape3A_21, %add3A_22 : vector<32x256x256xf32>
    %max3A = arith.constant 0.000000e+00 : f32
    %max3A_24 = vector.broadcast %max3A : f32 to vector<32x256x256xf32>
    %max3A_25 = arith.maximumf %add3A_23, %max3A_24 : vector<32x256x256xf32>
    %reshape3A_26 = vector.shape_cast %max3A_25 : vector<32x256x256xf32> to vector<8192x256xf32>
    %convert_element_type3A_27 = arith.truncf %reshape3A_26 : vector<8192x256xf32> to vector<8192x256xbf16>
    %get3A_28 = arith.constant 0 : index
    %get3A_29 = arith.constant 0 : index
    %get3A_30 = vector.load %arg4[%get3A_28, %get3A_29] : memref<256x256xbf16, #tpu.memory_space<vmem>>, vector<256x256xbf16>
    %dot_general3A_31 = arith.constant dense<0.000000e+00> : vector<8192x256xf32>
    %dot_general3A_32 = tpu.matmul %convert_element_type3A_27, %get3A_30, %dot_general3A_31 {dimension_numbers = #tpu.dot_dimension_numbers<[1], [1], [0], [0], [0, 0, 1, 0], [], []>, transpose_lhs_hint = false} : vector<8192x256xbf16>, vector<256x256xbf16>, vector<8192x256xf32> -> vector<8192x256xf32>
    %get3A_33 = arith.constant 0 : index
    %get3A_34 = arith.constant 0 : index
    %get3A_35 = vector.load %arg6[%get3A_33, %get3A_34] : memref<1x256xf32, #tpu.memory_space<vmem>>, vector<1x256xf32>
    %add3A_36 = vector.broadcast %get3A_35 : vector<1x256xf32> to vector<8192x256xf32>
    %add3A_37 = arith.addf %dot_general3A_32, %add3A_36 : vector<8192x256xf32>
    %max3A_38 = arith.constant 0.000000e+00 : f32
    %max3A_39 = vector.broadcast %max3A_38 : f32 to vector<8192x256xf32>
    %max3A_40 = arith.maximumf %add3A_37, %max3A_39 : vector<8192x256xf32>
    %reshape3A_41 = vector.shape_cast %max3A_40 : vector<8192x256xf32> to vector<32x256x256xf32>
    %get3A_42 = arith.constant 0 : index
    %get3A_43 = arith.constant 0 : index
    %get3A_44 = vector.load %arg7[%get3A_42, %get3A_43] : memref<1x256xf32, #tpu.memory_space<vmem>>, vector<1x256xf32>
    %broadcast_in_dim3A_45 = vector.shape_cast %get3A_44 : vector<1x256xf32> to vector<1x1x256xf32>
    %mul3A = vector.broadcast %broadcast_in_dim3A_45 : vector<1x1x256xf32> to vector<32x256x256xf32>
    %mul3A_46 = arith.mulf %reshape3A_41, %mul3A : vector<32x256x256xf32>
    %reduce_sum3A = arith.constant dense<0.000000e+00> : vector<32x256xf32>
    %reduce_sum3A_47 = vector.multi_reduction <add>, %mul3A_46, %reduce_sum3A [2] : vector<32x256x256xf32> to vector<32x256xf32>
    %exp3A = math.exp %reduce_sum3A_47 : vector<32x256xf32>
    %reduce_sum3A_48 = arith.constant dense<0.000000e+00> : vector<256xf32>
    %reduce_sum3A_49 = vector.multi_reduction <add>, %exp3A, %reduce_sum3A_48 [0] : vector<32x256xf32> to vector<256xf32>
    %broadcast_in_dim3A_50 = vector.shape_cast %reduce_sum3A_49 : vector<256xf32> to vector<1x256xf32>
    %div3A = vector.broadcast %broadcast_in_dim3A_50 : vector<1x256xf32> to vector<32x256xf32>
    %div3A_51 = arith.divf %exp3A, %div3A : vector<32x256xf32>
    %reshape3A_52 = vector.shape_cast %div3A_51 : vector<32x256xf32> to vector<32x256x1xf32>
    %mul3A_53 = vector.broadcast %reshape3A_52 : vector<32x256x1xf32> to vector<32x256x256xf32>
    %mul3A_54 = arith.mulf %get3A_2, %mul3A_53 : vector<32x256x256xf32>
    %reduce_sum3A_55 = arith.constant dense<0.000000e+00> : vector<256x256xf32>
    %reduce_sum3A_56 = vector.multi_reduction <add>, %mul3A_54, %reduce_sum3A_55 [0] : vector<32x256x256xf32> to vector<256x256xf32>
    %swap3A = arith.constant 0 : index
    %swap3A_57 = arith.constant 0 : index
    %swap3A_58 = vector.load %arg8[%swap3A, %swap3A_57] : memref<256x256xf32, #tpu.memory_space<vmem>>, vector<256x256xf32>
    tpu.vector_store %arg8[%swap3A, %swap3A_57], %reduce_sum3A_56 {strides = array<i32>} : memref<256x256xf32, #tpu.memory_space<vmem>>, vector<256x256xf32>,
    return
  }
  func.func @transform_0(%arg0: i32) -> (i32, i32, i32) {
    %c0_i32 = arith.constant 0 : i32
    %c0_i32_0 = arith.constant 0 : i32
    %c0_i32_1 = arith.constant 0 : i32
    return %c0_i32, %arg0, %c0_i32_0 : i32, i32, i32
  }
  func.func @transform_1(%arg0: i32) -> (i32, i32, i32) {
    %c32_i32 = arith.constant 32 : i32
    %c0_i32 = arith.constant 0 : i32
    %c0_i32_0 = arith.constant 0 : i32
    return %c32_i32, %arg0, %c0_i32 : i32, i32, i32
  }
  func.func @transform_2(%arg0: i32) -> (i32, i32) {
    %c0_i32 = arith.constant 0 : i32
    %c0_i32_0 = arith.constant 0 : i32
    %c0_i32_1 = arith.constant 0 : i32
    return %c0_i32, %c0_i32_0 : i32, i32
  }
  func.func @transform_3(%arg0: i32) -> (i32, i32) {
    %c0_i32 = arith.constant 0 : i32
    %c0_i32_0 = arith.constant 0 : i32
    %c0_i32_1 = arith.constant 0 : i32
    return %c0_i32, %c0_i32_0 : i32, i32
  }
  func.func @transform_4(%arg0: i32) -> (i32, i32) {
    %c0_i32 = arith.constant 0 : i32
    %c0_i32_0 = arith.constant 0 : i32
    %c0_i32_1 = arith.constant 0 : i32
    return %c0_i32, %c0_i32_0 : i32, i32
  }
  func.func @transform_5(%arg0: i32) -> (i32, i32) {
    %c0_i32 = arith.constant 0 : i32
    %c0_i32_0 = arith.constant 0 : i32
    %c0_i32_1 = arith.constant 0 : i32
    return %c0_i32, %c0_i32_0 : i32, i32
  }
  func.func @transform_6(%arg0: i32) -> (i32, i32) {
    %c0_i32 = arith.constant 0 : i32
    %c0_i32_0 = arith.constant 0 : i32
    %c0_i32_1 = arith.constant 0 : i32
    return %c0_i32, %c0_i32_0 : i32, i32
  }
  func.func @transform_7(%arg0: i32) -> (i32, i32) {
    %c0_i32 = arith.constant 0 : i32
    %c0_i32_0 = arith.constant 0 : i32
    return %arg0, %c0_i32 : i32, i32
  }
}

</mosaic_0001>

<sc_bundles>
// kernel: kernel.10.cloned.1.call-start
scs
__scs_entry_jumppad:
0x0: {  	(pc) =	sbr.rel $0x88, $3  }
0x1: {  	(tag) =	ssettag $0x0;
	lr =	simm.s32 $0x1  }
0x2: {  	[smem:$0x3F99] =	sst lr;
	_ =	strace $0xD0000000  }
0x3: {  	_ = 	snop  }
0x4: {  	_ = 	snop  }
0x5: {  	_ = 	snop  }
0x6: {  	_ = 	snop  }
0x7: {  	_ = 	snop  }
__scs_overlays_trampoline_lowered:
0x8: {  	[smem:$0x3FA8] =	sst s0  }
0x9: {  	[smem:$0x3FA9] =	sst s1  }
0xa: {  	[smem:$0x3FAA] =	sst s2  }
0xb: {  	[smem:$0x3FAB] =	sst s3  }
0xc: {  	[smem:$0x3FAC] =	sst s4  }
0xd: {  	[smem:$0x3FAD] =	sst s5  }
0xe: {  	[smem:$0x3FAE] =	sst s6  }
0xf: {  	[smem:$0x3FAF] =	sst s7  }
0x10: {  	[smem:$0x3FB0] =	sst s8  }
0x11: {  	[smem:$0x3FB1] =	sst s9;
	s0 =	simm.s32 @!p0 $0x0  }
0x12: {  	s1 =	sld [smem:$0x3F97];
	s0 =	simm.s32 @p0 $0x1  }
0x13: {  	[smem:$0x3FB2] =	sst s0;
	s0 =	simm.s32 @!p1 $0x0  }
0x14: {  	s2 =	sld [smem:$0x3F96];
	s0 =	simm.s32 @p1 $0x1  }
0x15: {  	[smem:$0x3FB3] =	sst s0;
	s0 =	simm.s32 @!p2 $0x0  }
0x16: {  	s3 =	sld [smem:$0x3FDB];
	s0 =	simm.s32 @p2 $0x1  }
0x17: {  	s4 =	simm.s32 $0x1BF5;
	[smem:$0x3FB5] =	sst s0  }
0x18: {  	s0 =	sld [smem:$0x3F98];
	_ =	swait.ge [sflag:s4], $0x0  }
0x19: {  	s7 =	sld [smem:$0x3F99]  }
0x1a: {  	s8 =	sadd.s32 $0xFFFFE003, lr  }
0x1b: {  	s9 =	sadd.s32 $0xFFFFFEF7, lr;
	s5 =	simm.s32 $0xFFFFFFFF;
	p2 =	slt.u32 s8, $0xFFFFF086  }
0x1c: {  	p1 =	slt.u32 s9, $0xF7A;
	s5 =	simm.s32 @!p2 $0x0  }
0x1d: {  	s5 =	simm.s32 @p1 $0x1;
	p0 =	seq.s32 s7, s2  }
0x1e: {  	s7 =	smul.u32 @!p0 $0xF7A, s2;
	p2 =	seq.s32 @!p0 s5, $0x0  }
0x1f: {  	s9 =	smul.u32 $0xF7A, s1;
	s8 =	simm.s32 @!p0 $0x1BF5;
	p2 =	por !p2, p0  }
0x20: {  	[sflag:s8] =	ssyncset.s32 @!p0 $0xFFFFF086;
	s6 =	sadd.s32 @!p0 s3, s7;
	s7 =	simm.s32 @!p0 $0x108  }
0x21: {  	s3 =	sadd.s32 s3, s9;
	s6 =	sadd.s32 @!p0 $0x88, s6;
	s7 =	simm.s32 @p2 $0x1082  }
0x22: {  	[simem:s7], [sflag:s8] =	dma.local @!p0 [hbm:s6], $0xF7A  }
0x23: {  	s9 =	sor.u32 $0xD0000000, s2;
	s6 =	simm.s32 $0x108;
	_ =	swait.ge @!p0 [sflag:s8], $0x0  }
0x24: {  	s3 =	sadd.s32 $0x88, s3;
	s6 =	simm.s32 @!p1 $0x1082;
	[sflag:s4] =	ssyncset.s32 $0xFFFFF086  }
0x25: {  	[simem:s6], [sflag:s4] =	dma.local [hbm:s3], $0xF7A  }
0x26: {  	[smem:$0x3F99] =	sst s1;
	(tag) =	ssettag s2;
	_ =	strace s9  }
0x27: {  	s1 =	sld [smem:$0x3FA9]  }
0x28: {  	s2 =	sld [smem:$0x3FAA]  }
0x29: {  	s4 =	sld [smem:$0x3FAC]  }
0x2a: {  	p0 =	seq.s32 s5, $0x0;
	s5 =	sld [smem:$0x3FAD]  }
0x2b: {  	s6 =	sld [smem:$0x3FAE]  }
0x2c: {  	s7 =	sld [smem:$0x3FAF]  }
0x2d: {  	s3 =	simm.s32 $0x108;
	s8 =	sld [smem:$0x3FB0]  }
0x2e: {  	s3 =	simm.s32 @!p0 $0x1082;
	s9 =	sld [smem:$0x3FB1]  }
0x2f: {  	lr =	sadd.s32 s0, s3;
	s0 =	sld [smem:$0x3FA8]  }
0x30: {  	s3 =	sld [smem:$0x3FAB]  }
0x31: {  	[smem:$0x3FB4] =	sst s10  }
0x32: {  	s10 =	sld [smem:$0x3FB2];
	_ =	sdelay $0x3  }
0x33: {  	p0 =	seq.s32 s10, $0x1;
	s10 =	sld [smem:$0x3FB4];
	_ =	sdelay $0x3  }
0x34: {  	[smem:$0x3FB4] =	sst s10  }
0x35: {  	s10 =	sld [smem:$0x3FB3];
	_ =	sdelay $0x3  }
0x36: {  	p1 =	seq.s32 s10, $0x1;
	s10 =	sld [smem:$0x3FB4];
	_ =	sdelay $0x3  }
0x37: {  	[smem:$0x3FB4] =	sst s10  }
0x38: {  	s10 =	sld [smem:$0x3FB5]  }
0x39: {  	_ = 	snop;
	(pc) =	sbr.ind lr, $3  }
0x3a: {  	_ = 	snop  }
0x3b: {  	_ = 	snop  }
0x3c: {  	p2 =	seq.s32 s10, $0x1;
	s10 =	sld [smem:$0x3FB4]  }
0x3d: {  	_ =	shalt  }
0x3e: {  	_ =	shalt  }
0x3f: {  	_ =	shalt  }
0x40: {  	_ =	shalt  }
0x41: {  	_ =	shalt  }
0x42: {  	_ =	shalt  }
0x43: {  	_ =	shalt  }
0x44: {  	_ =	shalt  }
0x45: {  	_ =	shalt  }
0x46: {  	_ =	shalt  }
0x47: {  	_ =	shalt  }
0x48: {  	_ =	shalt  }
0x49: {  	_ =	shalt  }
0x4a: {  	_ =	shalt  }
0x4b: {  	_ =	shalt  }
0x4c: {  	_ =	shalt  }
0x4d: {  	_ =	shalt  }
0x4e: {  	_ =	shalt  }
0x4f: {  	_ =	shalt  }
0x50: {  	_ =	shalt  }
0x51: {  	_ =	shalt  }
0x52: {  	_ =	shalt  }
0x53: {  	_ =	shalt  }
0x54: {  	_ =	shalt  }
0x55: {  	_ =	shalt  }
0x56: {  	_ =	shalt  }
0x57: {  	_ =	shalt  }
0x58: {  	_ =	shalt  }
0x59: {  	_ =	shalt  }
0x5a: {  	_ =	shalt  }
0x5b: {  	_ =	shalt  }
0x5c: {  	_ =	shalt  }
0x5d: {  	_ =	shalt  }
0x5e: {  	_ =	shalt  }
0x5f: {  	_ =	shalt  }
0x60: {  	_ =	shalt  }
0x61: {  	_ =	shalt  }
0x62: {  	_ =	shalt  }
0x63: {  	_ =	shalt  }
0x64: {  	_ =	shalt  }
0x65: {  	_ =	shalt  }
0x66: {  	_ =	shalt  }
0x67: {  	_ =	shalt  }
0x68: {  	_ =	shalt  }
0x69: {  	_ =	shalt  }
0x6a: {  	_ =	shalt  }
0x6b: {  	_ =	shalt  }
0x6c: {  	_ =	shalt  }
0x6d: {  	_ =	shalt  }
0x6e: {  	_ =	shalt  }
0x6f: {  	_ =	shalt  }
0x70: {  	_ =	shalt  }
0x71: {  	_ =	shalt  }
0x72: {  	_ =	shalt  }
0x73: {  	_ =	shalt  }
0x74: {  	_ =	shalt  }
0x75: {  	_ =	shalt  }
0x76: {  	_ =	shalt  }
0x77: {  	_ =	shalt  }
0x78: {  	_ =	shalt  }
0x79: {  	_ =	shalt  }
0x7a: {  	_ =	shalt  }
0x7b: {  	_ =	shalt  }
0x7c: {  	_ =	shalt  }
0x7d: {  	_ =	shalt  }
0x7e: {  	_ =	shalt  }
0x7f: {  	_ =	shalt  }
0x80: {  	_ =	shalt  }
0x81: {  	_ =	shalt  }
0x82: {  	_ =	shalt  }
0x83: {  	_ =	shalt  }
0x84: {  	_ =	shalt  }
0x85: {  	_ =	shalt  }
0x86: {  	_ =	shalt  }
0x87: {  	_ =	shalt  }
.Lfunc_end0:
.L_simem_size_0:
called_computation_lowered:
.L_overlay_start_0:
0x88: {  	s2 =	sld [smem:$0x3FD9]  }
0x89: {  	s3 =	sld [smem:$0x3FFE];
	_ =	sdelay $0x1  }
0x8a: {  	s1 =	srdreg.scid  }
0x8b: {  	s0 =	sand.u32 $0x1, s1  }
0x8c: {  	s17 =	sshll.u32 s0, $0xA;
	s2 =	sadd.s32 s3, s2  }
0x8d: {  	s2 =	sadd.s32 s2, s17  }
0x8e: {  	[smem:$0x3FC0] =	sst s2  }
0x8f: {  	_ = 	snop  }
0x90: {  	s18 =	sld [smem:$0x3FC7]  }
0x91: {  	s4 =	sld [smem:$0x3FD0];
	(tm) =	ssettm $0x1  }
0x92: {  	s19 =	sld [smem:$0x3FFB];
	_ =	sdelay $0x3  }
0x93: {  	_ =	strace s19  }
0x94: {  	s2 =	sld [smem:$0x3FFC];
	_ =	sdelay $0x3  }
0x95: {  	_ =	strace s2  }
0x96: {  	s2 =	sld [smem:$0x3FFD];
	_ =	sdelay $0x3  }
0x97: {  	_ =	strace s2  }
0x98: {  	_ =	strace $0x8FFFFFFF  }
0x99: {  	s20 =	sld [smem:$0x3FDB];
	_ =	sdelay $0x1  }
0x9a: {  	s5 =	simm.s32 $_scs_section_size  }
0x9b: {  	s6 =	simm.s32 $_size__tile_overlayer_lowered;
	s7 =	simm.s32 $_tile_overlayer_lowered  }
0x9c: {  	s8 =	simm.s32 $0x1BFF;
	s21 =	sshll.u32 s7, $0x1;
	s5 =	sadd.s32 s5, s20  }
0x9d: {  	s22 =	simm.s32 $0x0;
	s6 =	sshll.u32 s6, $0x1;
	s7 =	sadd.s32 s21, s5  }
0x9e: {  	[timem:s22], [sflag:s8] =	dma.local [hbm:s7], s6  }
0x9f: {  	_ =	swait.ge [sflag:s8], s6  }
0xa0: {  	s6 =	ssub.s32 $0x0, s6;
	[sflag:s8] =	ssyncset.done $0x0  }
0xa1: {  	[sflag:s8] =	ssyncadd.s32 s6;
	_ =	sdelay $0x1  }
0xa2: {  	s23 =	simm.s32 $0x1B8B  }
0xa3: {  	_ =	swait.ge [sflag:s23], $0x1  }
0xa4: {  	[sflag:s23] =	ssyncset.done $0x0  }
0xa5: {  	[sflag:s23] =	ssyncadd.s32 $0xFFFFFFFF  }
0xa6: {  	s6 =	sld [smem:$0x0]  }
0xa7: {  	s7 =	sand.u32 $0xFFFFFFFE, s1  }
0xa8: {  	p0 =	sne.s32 s1, s7  }
0xa9: {  	s7 =	sshll.u32 @p0 s7, $0xE  }
0xaa: {  	s7 =	sadd.s32 @p0 $0x11B8D, s7;
	s8 =	sshll.u32 @p0 s6, $0x11  }
0xab: {  	s7 =	sor.u32 @p0 s8, s7  }
0xac: {  	[sflag:s7] =	ssyncadd.remote.s32 @p0 $0x1;
	_ =	sdelay $0x1  }
0xad: {  	s7 =	simm.s32 @p0 $0x1B8D  }
0xae: {  	_ =	swait.eq @p0 [sflag:s7], $0x1  }
0xaf: {  	[sflag:s7] =	ssyncadd.s32 @p0 $0xFFFFFFFF  }
0xb0: {  	s8 =	sshll.u32 @!p0 s1, $0xE  }
0xb1: {  	s8 =	sor.u32 @!p0 $0x4000, s8;
	s7 =	simm.s32 @!p0 $0x1B8D  }
0xb2: {  	s6 =	sshll.u32 @!p0 s6, $0x11;
	s8 =	sadd.s32 @!p0 $0x11B8D, s8;
	_ =	swait.eq @!p0 [sflag:s7], $0x1  }
0xb3: {  	s6 =	sor.u32 @!p0 s6, s8;
	[sflag:s7] =	ssyncadd.s32 @!p0 $0xFFFFFFFF  }
0xb4: {  	s25 =	simm.s32 $0x1B8E;
	s24 =	sld [smem:$0x3FFE];
	[sflag:s6] =	ssyncadd.remote.s32 @!p0 $0x1  }
0xb5: {  	s26 =	simm.s32 $execute0_lowered;
	[smem:$0x3FD2] =	sst s25  }
0xb6: {  	s7 =	sshll.u32 s26, $0x1;
	_ =	strace $0x80000064;
	[dreg:$0x1] =	wrdreg $0xFFFFFFFF  }
0xb7: {  	s28 =	simm.s32 $_size_execute0_lowered;
	s5 =	sadd.s32 s5, s7;
	[dreg:$0x0] =	wrdreg $0x0  }
0xb8: {  	s7 =	sshll.u32 s28, $0x1;
	[dreg:$0x2] =	wrdreg s5  }
0xb9: {  	[dreg:$0x3] =	wrdreg s7  }
0xba: {  	[dreg:$0x4] =	wrdreg $0xC0  }
0xbb: {  	_ =	task [dreg:s22], $0x5FFFF  }
0xbc: {  	[dreg:$0x1] =	wrdreg $0xFFFFFFFF  }
0xbd: {  	[dreg:$0x0] =	wrdreg $0x60  }
0xbe: {  	[dreg:$0x2] =	wrdreg s18  }
0xbf: {  	[dreg:$0x3] =	wrdreg s4  }
0xc0: {  	[dreg:$0x4] =	wrdreg s24  }
0xc1: {  	[dreg:$0x5] =	wrdreg $0x9  }
0xc2: {  	_ =	task.clear_ibuf [dreg:s22], $0x6FFFF;
	_ =	strace $0x90000064  }
0xc3: {  	s29 =	simm.s32 $0x9;
	_ =	strace $0x8000006D  }
0xc4: {  	_ =	swait.ge [sflag:s29], $0x1  }
0xc5: {  	[sflag:s29] =	ssyncadd.s32 $0xFFFFFFFF  }
0xc6: {  	_ =	strace $0x9000006D  }
0xc7: {  	_ =	sfence  }
0xc8: {  	s30 =	sld [smem:$0x0];
	_ =	sdelay $0x2  }
0xc9: {  	s31 =	sshll.u32 s1, $0xD;
	s1 =	sshrl.u32 s1, $0x2  }
0xca: {  	s4 =	sand.u32 $0x4000, s31;
	s1 =	sadd.s32 s1, s30  }
0xcb: {  	s0 =	sor.u32 s4, s0;
	s1 =	sshll.u32 s1, $0x11  }
0xcc: {  	s0 =	sor.u32 s1, s0  }
0xcd: {  	s0 =	sadd.s32 $0x8F2B, s0  }
0xce: {  	[sflag:s0] =	ssyncadd.remote.s32 $0x1  }
0xcf: {  	_ =	sfence.sel $0xFFFF  }
0xd0: {  	[dreg:$0x0] =	wrdreg $0xFFFFFFFF;
	(pc) =	sbr.abs _section_cstart, $3  }
0xd1: {  	[dreg:$0x1] =	wrdreg $0xFFFFFFFF  }
0xd2: {  	_ =	task.clear_ibuf [dreg:s22], $0x2FFFF;
	_ =	strace $0x9FFFFFFF  }
0xd3: {  	(tm) =	ssettm $0x7FFFFFFF  }
tec
execute0_lowered:
.L_overlay_start_1:
0x0: {  	(tag) =	ssettag $0x1  }
0x1: {  	s1 =	rddreg [dreg:$0x0]  }
0x2: {  	s2 =	rddreg [dreg:$0x1]  }
0x3: {  	s5 =	rddreg [dreg:$0x2];
	s3 =	srdreg.scid  }
0x4: {  	s0 =	rddreg [dreg:$0x3];
	s4 =	simm.s32 $0x0;
	s6 =	sand.u32 $0x1, s3  }
0x5: {  	s11 =	simm.s32 $0x0;
	s3 =	stileid.u32;
	s7 =	sshll.u32 s6, $0x4  }
0x6: {  	[smem:$0x7FF] =	sst s4;
	s10 =	sadd.s32 $0x31D800, s5;
	s7 =	sor.u32 s3, s7  }
0x7: {  	_ =	strace $0x80000065;
	s8 =	smul.u32 $0x9, s7;
	s9 =	sshll.u32 s7, $0x3  }
0x8: {  	[dreg:$0x4] =	wrdreg s10;
	p0 =	slt.u32 s7, $0x8;
	s5 =	sadd.s32 $0x8, s9  }
0x9: {  	s30 =	ssub.s32 $0x2, s6;
	s6 =	simm.s32 $0x9;
	s5 =	smov.u32 @p0 s8  }
0xa: {  	v2 =	vlaneseq.u32;
	s10 =	simm.s32 $0x5;
	s31 =	sshrl.u32 s30, $0x1;
	s8 =	sshll.u32 s5, $0x4  }
0xb: {  	vm0 =	vmmov $0xffff;
	v1 =	vshrl.u32 v2, $0x3;
	s6 =	simm.s32 @!p0 $0x8;
	s9 =	ssub.s32 s30, s31;
	s8 =	sand.u32 $0x1FFFFFF0, s8  }
0xc: {  	v0 =	vand.u32 $0x7, v2;
	v2 =	vor.u32 $0x8, v2;
	v1 =	vmul.u32 $0x8, v1;
	s9 =	smax.u32 s9, $0x1;
	s7 =	sadd.s32 s2, s8;
	s8 =	sadd.s32 $0xFFFFFFFF, s6  }
.LBB2_1:
0xd: {  	_ =	strace $0x80000066;
	s13 =	simm.s32 $0x0  }
0xe: {  	s12 =	simm.s32 $0x0;
	s14 =	simm.s32 $0x0;
	s15 =	simm.s32 $0x0  }
0xf: {  	[tilespmem:s4], [sflag:$0x1] =	stream.linear.gather [hbm4b:s7+s4], $0x80, $0x200038;
	[tilespmem:$0x10100] =	vst v63  }
0x10: {  	s16 =	simm.s32 $0x1;
	s17 =	simm.s32 $0x0;
	_ =	strace $0x90000066  }
.LBB2_2:
0x11: {  	s18 =	smov.u32 s13;
	s13 =	sadd.s32 $0x1, s13  }
0x12: {  	p0 =	seq.s32 s13, s6  }
0x13: {  	s13 =	simm.s32 @p0 $0x0  }
0x14: {  	p6 =	slt.u32 s17, s8;
	p1 =	sne.s32 s18, s13  }
0x15: {  	p0 =	por !p6, !p1  }
0x16: {  	p0 =	por !p0, !p0  }
0x17: {  	s19 =	sadd.s32 @p0 s5, s13  }
0x18: {  	s20 =	sand.u32 @p0 $0x1, s16;
	s19 =	sshll.u32 @p0 s19, $0x4  }
0x19: {  	_ =	strace @p0 $0x80000067;
	s22 =	simm.s32 @p0 $0x0;
	s19 =	sand.u32 @p0 $0x1FFFFFF0, s19  }
0x1a: {  	s21 =	sshll.u32 @p0 s20, $0x7;
	s20 =	sadd.s32 @p0 $0x1, s20;
	s19 =	sadd.s32 @p0 s2, s19  }
0x1b: {  	[tilespmem:s21], [sflag:s20] =	stream.linear.gather @p0 [hbm4b:s19+s22], $0x80, $0x200038;
	[tilespmem:$0x10100] =	vst v63  }
0x1c: {  	s23 =	sand.u32 $0x1, s15;
	_ =	strace @p0 $0x90000067  }
0x1d: {  	s19 =	sadd.s32 $0x1, s23;
	_ =	strace $0x80000068  }
0x1e: {  	_ =	swait.ge [sflag:s19], $0x80  }
0x1f: {  	[sflag:s19] =	ssyncset.done $0x0  }
0x20: {  	[sflag:s19] =	ssyncadd.s32 $0xFFFFFF80  }
0x21: {  	s24 =	sshll.u32 s15, $0x7;
	_ =	strace $0x90000068  }
0x22: {  	s22 =	sand.u32 $0x80, s24;
	_ =	strace $0x80000069  }
0x23: {  	v3 =	vld [tilespmem:s22+$0x0];
	_ =	sdelay $0x4  }
0x24: {  	v4 =	vshll.u32 v3, $0x1  }
0x25: {  	v3 =	vand.u32 $0x7, v3;
	v4 =	vand.u32 $0xFFFFFFF0, v4  }
0x26: {  	v3 =	vor.u32 v3, v4  }
0x27: {  	v4 =	vperm.xlane v3, v0;
	_ =	sdelay $0x1  }
0x28: {  	v3 =	vperm.xlane v3, v2;
	v4 =	vadd.s32 v1, v4;
	_ =	sdelay $0x1  }
0x29: {  	s19 =	sand.u32 $0x1, s14;
	v3 =	vadd.s32 v1, v3  }
0x2a: {  	s21 =	sshll.u32 s19, $0xF  }
0x2b: {  	s20 =	sor.u32 $0x100, s21  }
0x2c: {  	[tilespmem:s20], [sflag:$0x5] =	stream.indirect_vreg.gather [hbm4b:s1+s4], $0x80, v4, vm0, $0x2000b8;
	[tilespmem:$0x10100] =	vst v63  }
0x2d: {  	s23 =	sor.u32 $0x900, s21  }
0x2e: {  	[tilespmem:s23], [sflag:$0x5] =	stream.indirect_vreg.gather [hbm4b:s1+s4], $0x80, v3, vm0, $0x2000b8;
	[tilespmem:$0x10100] =	vst v63  }
0x2f: {  	v3 =	vld [tilespmem:s22+$0x10];
	_ =	sdelay $0x4  }
0x30: {  	v57 =	vshll.u32 v3, $0x1  }
0x31: {  	v3 =	vand.u32 $0x7, v3;
	v4 =	vand.u32 $0xFFFFFFF0, v57  }
0x32: {  	v3 =	vor.u32 v3, v4  }
0x33: {  	v4 =	vperm.xlane v3, v0;
	_ =	sdelay $0x1  }
0x34: {  	v3 =	vperm.xlane v3, v2;
	v4 =	vadd.s32 v1, v4;
	_ =	sdelay $0x1  }
0x35: {  	v3 =	vadd.s32 v1, v3;
	_ =	sdelay $0x1  }
0x36: {  	s25 =	sor.u32 $0x1100, s21  }
0x37: {  	[tilespmem:s25], [sflag:$0x5] =	stream.indirect_vreg.gather [hbm4b:s1+s4], $0x80, v4, vm0, $0x2000b8;
	[tilespmem:$0x10100] =	vst v63  }
0x38: {  	s26 =	sor.u32 $0x1900, s21  }
0x39: {  	[tilespmem:s26], [sflag:$0x5] =	stream.indirect_vreg.gather [hbm4b:s1+s4], $0x80, v3, vm0, $0x2000b8;
	[tilespmem:$0x10100] =	vst v63  }
0x3a: {  	v3 =	vld [tilespmem:s22+$0x20];
	_ =	sdelay $0x4  }
0x3b: {  	v58 =	vshll.u32 v3, $0x1  }
0x3c: {  	v3 =	vand.u32 $0x7, v3;
	v4 =	vand.u32 $0xFFFFFFF0, v58  }
0x3d: {  	v3 =	vor.u32 v3, v4  }
0x3e: {  	v4 =	vperm.xlane v3, v0;
	_ =	sdelay $0x1  }
0x3f: {  	v3 =	vperm.xlane v3, v2;
	v4 =	vadd.s32 v1, v4;
	_ =	sdelay $0x1  }
0x40: {  	v3 =	vadd.s32 v1, v3;
	_ =	sdelay $0x1  }
0x41: {  	s28 =	sor.u32 $0x2100, s21  }
0x42: {  	[tilespmem:s28], [sflag:$0x5] =	stream.indirect_vreg.gather [hbm4b:s1+s4], $0x80, v4, vm0, $0x2000b8;
	[tilespmem:$0x10100] =	vst v63  }
0x43: {  	s29 =	sor.u32 $0x2900, s21  }
0x44: {  	[tilespmem:s29], [sflag:$0x5] =	stream.indirect_vreg.gather [hbm4b:s1+s4], $0x80, v3, vm0, $0x2000b8;
	[tilespmem:$0x10100] =	vst v63  }
0x45: {  	v3 =	vld [tilespmem:s22+$0x30];
	_ =	sdelay $0x4  }
0x46: {  	v59 =	vshll.u32 v3, $0x1  }
0x47: {  	v3 =	vand.u32 $0x7, v3;
	v4 =	vand.u32 $0xFFFFFFF0, v59  }
0x48: {  	v3 =	vor.u32 v3, v4  }
0x49: {  	v4 =	vperm.xlane v3, v0;
	_ =	sdelay $0x1  }
0x4a: {  	v3 =	vperm.xlane v3, v2;
	v4 =	vadd.s32 v1, v4;
	_ =	sdelay $0x1  }
0x4b: {  	v3 =	vadd.s32 v1, v3;
	_ =	sdelay $0x1  }
0x4c: {  	s30 =	sor.u32 $0x3100, s21  }
0x4d: {  	[tilespmem:s30], [sflag:$0x5] =	stream.indirect_vreg.gather [hbm4b:s1+s4], $0x80, v4, vm0, $0x2000b8;
	[tilespmem:$0x10100] =	vst v63  }
0x4e: {  	s31 =	sor.u32 $0x3900, s21  }
0x4f: {  	[tilespmem:s31], [sflag:$0x5] =	stream.indirect_vreg.gather [hbm4b:s1+s4], $0x80, v3, vm0, $0x2000b8;
	[tilespmem:$0x10100] =	vst v63  }
0x50: {  	v3 =	vld [tilespmem:s22+$0x40];
	_ =	sdelay $0x4  }
0x51: {  	v60 =	vshll.u32 v3, $0x1  }
0x52: {  	v3 =	vand.u32 $0x7, v3;
	v4 =	vand.u32 $0xFFFFFFF0, v60  }
0x53: {  	v3 =	vor.u32 v3, v4  }
0x54: {  	v4 =	vperm.xlane v3, v0;
	_ =	sdelay $0x1  }
0x55: {  	v3 =	vperm.xlane v3, v2;
	v4 =	vadd.s32 v1, v4;
	_ =	sdelay $0x1  }
0x56: {  	v3 =	vadd.s32 v1, v3;
	_ =	sdelay $0x1  }
0x57: {  	s24 =	sor.u32 $0x4100, s21  }
0x58: {  	[tilespmem:s24], [sflag:$0x5] =	stream.indirect_vreg.gather [hbm4b:s1+s4], $0x80, v4, vm0, $0x2000b8;
	[tilespmem:$0x10100] =	vst v63  }
0x59: {  	s25 =	sor.u32 $0x4900, s21  }
0x5a: {  	[tilespmem:s25], [sflag:$0x5] =	stream.indirect_vreg.gather [hbm4b:s1+s4], $0x80, v3, vm0, $0x2000b8;
	[tilespmem:$0x10100] =	vst v63  }
0x5b: {  	v3 =	vld [tilespmem:s22+$0x50];
	_ =	sdelay $0x4  }
0x5c: {  	v61 =	vshll.u32 v3, $0x1  }
0x5d: {  	v3 =	vand.u32 $0x7, v3;
	v4 =	vand.u32 $0xFFFFFFF0, v61  }
0x5e: {  	v3 =	vor.u32 v3, v4  }
0x5f: {  	v4 =	vperm.xlane v3, v0;
	_ =	sdelay $0x1  }
0x60: {  	v3 =	vperm.xlane v3, v2;
	v4 =	vadd.s32 v1, v4;
	_ =	sdelay $0x1  }
0x61: {  	v3 =	vadd.s32 v1, v3;
	_ =	sdelay $0x1  }
0x62: {  	s26 =	sor.u32 $0x5100, s21  }
0x63: {  	[tilespmem:s26], [sflag:$0x5] =	stream.indirect_vreg.gather [hbm4b:s1+s4], $0x80, v4, vm0, $0x2000b8;
	[tilespmem:$0x10100] =	vst v63  }
0x64: {  	s28 =	sor.u32 $0x5900, s21  }
0x65: {  	[tilespmem:s28], [sflag:$0x5] =	stream.indirect_vreg.gather [hbm4b:s1+s4], $0x80, v3, vm0, $0x2000b8;
	[tilespmem:$0x10100] =	vst v63  }
0x66: {  	v3 =	vld [tilespmem:s22+$0x60];
	_ =	sdelay $0x4  }
0x67: {  	v62 =	vshll.u32 v3, $0x1  }
0x68: {  	v3 =	vand.u32 $0x7, v3;
	v4 =	vand.u32 $0xFFFFFFF0, v62  }
0x69: {  	v3 =	vor.u32 v3, v4  }
0x6a: {  	v4 =	vperm.xlane v3, v0;
	_ =	sdelay $0x1  }
0x6b: {  	v3 =	vperm.xlane v3, v2;
	v4 =	vadd.s32 v1, v4;
	_ =	sdelay $0x1  }
0x6c: {  	v3 =	vadd.s32 v1, v3;
	_ =	sdelay $0x1  }
0x6d: {  	s29 =	sor.u32 $0x6100, s21  }
0x6e: {  	[tilespmem:s29], [sflag:$0x5] =	stream.indirect_vreg.gather [hbm4b:s1+s4], $0x80, v4, vm0, $0x2000b8;
	[tilespmem:$0x10100] =	vst v63  }
0x6f: {  	s30 =	sor.u32 $0x6900, s21  }
0x70: {  	[tilespmem:s30], [sflag:$0x5] =	stream.indirect_vreg.gather [hbm4b:s1+s4], $0x80, v3, vm0, $0x2000b8;
	[tilespmem:$0x10100] =	vst v63  }
0x71: {  	v3 =	vld [tilespmem:s22+$0x70];
	_ =	sdelay $0x4  }
0x72: {  	v63 =	vshll.u32 v3, $0x1  }
0x73: {  	v3 =	vand.u32 $0x7, v3;
	v4 =	vand.u32 $0xFFFFFFF0, v63  }
0x74: {  	v3 =	vor.u32 v3, v4  }
0x75: {  	v4 =	vperm.xlane v3, v0;
	_ =	sdelay $0x1  }
0x76: {  	v3 =	vperm.xlane v3, v2;
	v4 =	vadd.s32 v1, v4;
	_ =	sdelay $0x1  }
0x77: {  	v3 =	vadd.s32 v1, v3;
	_ =	sdelay $0x1  }
0x78: {  	s31 =	sor.u32 $0x7100, s21  }
0x79: {  	[tilespmem:s31], [sflag:$0x5] =	stream.indirect_vreg.gather [hbm4b:s1+s4], $0x80, v4, vm0, $0x2000b8;
	[tilespmem:$0x10100] =	vst v63  }
0x7a: {  	s21 =	sor.u32 $0x7900, s21  }
0x7b: {  	[tilespmem:s21], [sflag:$0x5] =	stream.indirect_vreg.gather [hbm4b:s1+s4], $0x80, v3, vm0, $0x2000b8;
	[tilespmem:$0x10100] =	vst v63  }
0x7c: {  	_ =	swait.ge [sflag:s10], $0x8000  }
0x7d: {  	p2 =	seq.s32 s8, s17;
	[sflag:s10] =	ssyncset.done $0x0  }
0x7e: {  	s18 =	sadd.s32 s5, s18;
	p1 =	por p2, p1;
	[sflag:s10] =	ssyncadd.s32 $0xFFFF8000  }
0x7f: {  	s18 =	sshll.u32 @p1 s18, $0xC;
	_ =	strace $0x90000069  }
0x80: {  	s18 =	sand.u32 @p1 $0x1FFFF000, s18;
	s22 =	simm.s32 $0x1;
	_ =	strace @p1 $0x8000006A  }
0x81: {  	s19 =	sadd.s32 @p1 $0x3, s19;
	s22 =	simm.s32 @!p0 $0x0;
	s21 =	rddreg [dreg:$0x4]  }
0x82: {  	p0 =	seq.s32 s17, $0x0;
	s18 =	sadd.s32 @p1 s21, s18;
	s21 =	simm.s32 @p1 $0x0  }
0x83: {  	[hbm4b:s18+s21] =	stream.linear.scatter @p1 [tilespmem:s20], [sflag:s19], $0x8000, $0x200038;
	[tilespmem:$0x10100] =	vst v63  }
0x84: {  	s18 =	simm.s32 $0x1;
	s20 =	simm.s32 $0x1;
	_ =	strace @p1 $0x9000006A  }
0x85: {  	s18 =	simm.s32 @!p1 $0x0;
	p1 =	sne.s32 s17, $0x0;
	s17 =	sadd.s32 $0x1, s17  }
0x86: {  	s19 =	sand.u32 @!p0 $0x1, s12;
	s20 =	simm.s32 @!p1 $0x0;
	p1 =	sne.s32 s6, s17  }
.Ltmp0:
0x87: {  	s19 =	sadd.s32 @!p0 $0x3, s19;
	_ =	strace @!p0 $0x8000006B;
	(pc) =	sbr.rel @p1 .LBB2_2-.Ltmp0, $4  }
0x88: {  	_ =	swait.ge @!p0 [sflag:s19], $0x8000  }
0x89: {  	[sflag:s19] =	ssyncset.done @!p0 $0x0  }
0x8a: {  	s16 =	sadd.s32 s22, s16;
	s14 =	sadd.s32 s18, s14;
	[sflag:s19] =	ssyncadd.s32 @!p0 $0xFFFF8000  }
0x8b: {  	s15 =	sadd.s32 s18, s15;
	s12 =	sadd.s32 s20, s12;
	_ =	strace @!p0 $0x9000006B  }
0x8c: {  	s11 =	sadd.s32 $0x1, s11  }
0x8d: {  	s12 =	sand.u32 $0x1, s12;
	p0 =	sne.s32 s11, s9  }
.Ltmp1:
0x8e: {  	_ =	strace $0x8000006C;
	s12 =	sadd.s32 $0x3, s12;
	(pc) =	sbr.rel @p0 .LBB2_1-.Ltmp1, $4  }
0x8f: {  	_ =	swait.ge [sflag:s12], $0x8000  }
0x90: {  	[sflag:s12] =	ssyncset.done $0x0  }
0x91: {  	[sflag:s12] =	ssyncadd.s32 $0xFFFF8000  }
0x92: {  	_ =	strace $0x9000006C  }
0x93: {  	_ =	sfence.sel $0x180000  }
0x94: {  	[bflag:$0x0] =	sbarrier.arrive $0xFFFF  }
0x95: {  	p0 =	sne.s32 s3, $0x0;
	_ =	strace $0x90000065  }
0x96: {  	s0 =	sadd.s32 @!p0 $0x100000, s0;
	[bflag:$0x2] =	sbarrier.arrive $0xFFFF  }
0x97: {  	[sflag:s0] =	ssyncadd.tile.s32 @!p0 $0x1;
	_ =	shalt  }
.Lfunc_end2:
_tile_overlayer_lowered:
.L_overlay_start_2:
0x98: {  	(tag) =	ssettag $0x2  }
0x99: {  	s0 =	rddreg [dreg:$0x0];
	s2 =	stileid.u32  }
0x9a: {  	s1 =	rddreg [dreg:$0x1];
	p0 =	sne.s32 s2, $0x0  }
0x9b: {  	s3 =	rddreg [dreg:$0x2];
	[bflag:$0x3] =	sbarrier.arrive $0xFFFF;
	s2 =	simm.s32 @!p0 $0x1C01  }
0x9c: {  	[timem:s3], [sflag:s2] =	dma.local @!p0 [hbm:s0], s1  }
0x9d: {  	s0 =	simm.s32 @!p0 $0x1  }
0x9e: {  	_ =	swait.ge @!p0 [sflag:s0], s1  }
0x9f: {  	s1 =	ssub.s32 @!p0 $0x0, s1;
	[sflag:s0] =	ssyncset.done @!p0 $0x0  }
0xa0: {  	[sflag:s0] =	ssyncadd.s32 @!p0 s1  }
0xa1: {  	[bflag:$0x3] =	sbarrier.arrive $0xFFFF  }
0xa2: {  	_ =	shalt  }

// kernel: kernel.13.cloned.1.call-start
scs
__scs_entry_jumppad:
0x0: {  	(pc) =	sbr.rel $0x88, $3  }
0x1: {  	(tag) =	ssettag $0x0;
	lr =	simm.s32 $0x1  }
0x2: {  	[smem:$0x3F99] =	sst lr;
	_ =	strace $0xD0000000  }
0x3: {  	_ = 	snop  }
0x4: {  	_ = 	snop  }
0x5: {  	_ = 	snop  }
0x6: {  	_ = 	snop  }
0x7: {  	_ = 	snop  }
__scs_overlays_trampoline_lowered:
0x8: {  	[smem:$0x3FA8] =	sst s0  }
0x9: {  	[smem:$0x3FA9] =	sst s1  }
0xa: {  	[smem:$0x3FAA] =	sst s2  }
0xb: {  	[smem:$0x3FAB] =	sst s3  }
0xc: {  	[smem:$0x3FAC] =	sst s4  }
0xd: {  	[smem:$0x3FAD] =	sst s5  }
0xe: {  	[smem:$0x3FAE] =	sst s6  }
0xf: {  	[smem:$0x3FAF] =	sst s7  }
0x10: {  	[smem:$0x3FB0] =	sst s8  }
0x11: {  	[smem:$0x3FB1] =	sst s9;
	s0 =	simm.s32 @!p0 $0x0  }
0x12: {  	s1 =	sld [smem:$0x3F97];
	s0 =	simm.s32 @p0 $0x1  }
0x13: {  	[smem:$0x3FB2] =	sst s0;
	s0 =	simm.s32 @!p1 $0x0  }
0x14: {  	s2 =	sld [smem:$0x3F96];
	s0 =	simm.s32 @p1 $0x1  }
0x15: {  	[smem:$0x3FB3] =	sst s0;
	s0 =	simm.s32 @!p2 $0x0  }
0x16: {  	s3 =	sld [smem:$0x3FDB];
	s0 =	simm.s32 @p2 $0x1  }
0x17: {  	s4 =	simm.s32 $0x1BF5;
	[smem:$0x3FB5] =	sst s0  }
0x18: {  	s0 =	sld [smem:$0x3F98];
	_ =	swait.ge [sflag:s4], $0x0  }
0x19: {  	s7 =	sld [smem:$0x3F99]  }
0x1a: {  	s8 =	sadd.s32 $0xFFFFE003, lr  }
0x1b: {  	s9 =	sadd.s32 $0xFFFFFEF7, lr;
	s5 =	simm.s32 $0xFFFFFFFF;
	p2 =	slt.u32 s8, $0xFFFFF086  }
0x1c: {  	p1 =	slt.u32 s9, $0xF7A;
	s5 =	simm.s32 @!p2 $0x0  }
0x1d: {  	s5 =	simm.s32 @p1 $0x1;
	p0 =	seq.s32 s7, s2  }
0x1e: {  	s7 =	smul.u32 @!p0 $0xF7A, s2;
	p2 =	seq.s32 @!p0 s5, $0x0  }
0x1f: {  	s9 =	smul.u32 $0xF7A, s1;
	s8 =	simm.s32 @!p0 $0x1BF5;
	p2 =	por !p2, p0  }
0x20: {  	[sflag:s8] =	ssyncset.s32 @!p0 $0xFFFFF086;
	s6 =	sadd.s32 @!p0 s3, s7;
	s7 =	simm.s32 @!p0 $0x108  }
0x21: {  	s3 =	sadd.s32 s3, s9;
	s6 =	sadd.s32 @!p0 $0x88, s6;
	s7 =	simm.s32 @p2 $0x1082  }
0x22: {  	[simem:s7], [sflag:s8] =	dma.local @!p0 [hbm:s6], $0xF7A  }
0x23: {  	s9 =	sor.u32 $0xD0000000, s2;
	s6 =	simm.s32 $0x108;
	_ =	swait.ge @!p0 [sflag:s8], $0x0  }
0x24: {  	s3 =	sadd.s32 $0x88, s3;
	s6 =	simm.s32 @!p1 $0x1082;
	[sflag:s4] =	ssyncset.s32 $0xFFFFF086  }
0x25: {  	[simem:s6], [sflag:s4] =	dma.local [hbm:s3], $0xF7A  }
0x26: {  	[smem:$0x3F99] =	sst s1;
	(tag) =	ssettag s2;
	_ =	strace s9  }
0x27: {  	s1 =	sld [smem:$0x3FA9]  }
0x28: {  	s2 =	sld [smem:$0x3FAA]  }
0x29: {  	s4 =	sld [smem:$0x3FAC]  }
0x2a: {  	p0 =	seq.s32 s5, $0x0;
	s5 =	sld [smem:$0x3FAD]  }
0x2b: {  	s6 =	sld [smem:$0x3FAE]  }
0x2c: {  	s7 =	sld [smem:$0x3FAF]  }
0x2d: {  	s3 =	simm.s32 $0x108;
	s8 =	sld [smem:$0x3FB0]  }
0x2e: {  	s3 =	simm.s32 @!p0 $0x1082;
	s9 =	sld [smem:$0x3FB1]  }
0x2f: {  	lr =	sadd.s32 s0, s3;
	s0 =	sld [smem:$0x3FA8]  }
0x30: {  	s3 =	sld [smem:$0x3FAB]  }
0x31: {  	[smem:$0x3FB4] =	sst s10  }
0x32: {  	s10 =	sld [smem:$0x3FB2];
	_ =	sdelay $0x3  }
0x33: {  	p0 =	seq.s32 s10, $0x1;
	s10 =	sld [smem:$0x3FB4];
	_ =	sdelay $0x3  }
0x34: {  	[smem:$0x3FB4] =	sst s10  }
0x35: {  	s10 =	sld [smem:$0x3FB3];
	_ =	sdelay $0x3  }
0x36: {  	p1 =	seq.s32 s10, $0x1;
	s10 =	sld [smem:$0x3FB4];
	_ =	sdelay $0x3  }
0x37: {  	[smem:$0x3FB4] =	sst s10  }
0x38: {  	s10 =	sld [smem:$0x3FB5]  }
0x39: {  	_ = 	snop;
	(pc) =	sbr.ind lr, $3  }
0x3a: {  	_ = 	snop  }
0x3b: {  	_ = 	snop  }
0x3c: {  	p2 =	seq.s32 s10, $0x1;
	s10 =	sld [smem:$0x3FB4]  }
0x3d: {  	_ =	shalt  }
0x3e: {  	_ =	shalt  }
0x3f: {  	_ =	shalt  }
0x40: {  	_ =	shalt  }
0x41: {  	_ =	shalt  }
0x42: {  	_ =	shalt  }
0x43: {  	_ =	shalt  }
0x44: {  	_ =	shalt  }
0x45: {  	_ =	shalt  }
0x46: {  	_ =	shalt  }
0x47: {  	_ =	shalt  }
0x48: {  	_ =	shalt  }
0x49: {  	_ =	shalt  }
0x4a: {  	_ =	shalt  }
0x4b: {  	_ =	shalt  }
0x4c: {  	_ =	shalt  }
0x4d: {  	_ =	shalt  }
0x4e: {  	_ =	shalt  }
0x4f: {  	_ =	shalt  }
0x50: {  	_ =	shalt  }
0x51: {  	_ =	shalt  }
0x52: {  	_ =	shalt  }
0x53: {  	_ =	shalt  }
0x54: {  	_ =	shalt  }
0x55: {  	_ =	shalt  }
0x56: {  	_ =	shalt  }
0x57: {  	_ =	shalt  }
0x58: {  	_ =	shalt  }
0x59: {  	_ =	shalt  }
0x5a: {  	_ =	shalt  }
0x5b: {  	_ =	shalt  }
0x5c: {  	_ =	shalt  }
0x5d: {  	_ =	shalt  }
0x5e: {  	_ =	shalt  }
0x5f: {  	_ =	shalt  }
0x60: {  	_ =	shalt  }
0x61: {  	_ =	shalt  }
0x62: {  	_ =	shalt  }
0x63: {  	_ =	shalt  }
0x64: {  	_ =	shalt  }
0x65: {  	_ =	shalt  }
0x66: {  	_ =	shalt  }
0x67: {  	_ =	shalt  }
0x68: {  	_ =	shalt  }
0x69: {  	_ =	shalt  }
0x6a: {  	_ =	shalt  }
0x6b: {  	_ =	shalt  }
0x6c: {  	_ =	shalt  }
0x6d: {  	_ =	shalt  }
0x6e: {  	_ =	shalt  }
0x6f: {  	_ =	shalt  }
0x70: {  	_ =	shalt  }
0x71: {  	_ =	shalt  }
0x72: {  	_ =	shalt  }
0x73: {  	_ =	shalt  }
0x74: {  	_ =	shalt  }
0x75: {  	_ =	shalt  }
0x76: {  	_ =	shalt  }
0x77: {  	_ =	shalt  }
0x78: {  	_ =	shalt  }
0x79: {  	_ =	shalt  }
0x7a: {  	_ =	shalt  }
0x7b: {  	_ =	shalt  }
0x7c: {  	_ =	shalt  }
0x7d: {  	_ =	shalt  }
0x7e: {  	_ =	shalt  }
0x7f: {  	_ =	shalt  }
0x80: {  	_ =	shalt  }
0x81: {  	_ =	shalt  }
0x82: {  	_ =	shalt  }
0x83: {  	_ =	shalt  }
0x84: {  	_ =	shalt  }
0x85: {  	_ =	shalt  }
0x86: {  	_ =	shalt  }
0x87: {  	_ =	shalt  }
.Lfunc_end0:
.L_simem_size_0:
called_computation.1_lowered:
.L_overlay_start_0:
0x88: {  	s2 =	sld [smem:$0x3FD9]  }
0x89: {  	s3 =	sld [smem:$0x3FFE];
	_ =	sdelay $0x1  }
0x8a: {  	s1 =	srdreg.scid  }
0x8b: {  	s0 =	sand.u32 $0x1, s1  }
0x8c: {  	s17 =	sshll.u32 s0, $0xA;
	s2 =	sadd.s32 s3, s2  }
0x8d: {  	s2 =	sadd.s32 s2, s17  }
0x8e: {  	[smem:$0x3FC0] =	sst s2  }
0x8f: {  	_ = 	snop  }
0x90: {  	s18 =	sld [smem:$0x3FC7];
	(tm) =	ssettm $0x1  }
0x91: {  	s19 =	sld [smem:$0x3FFB];
	_ =	sdelay $0x3  }
0x92: {  	_ =	strace s19  }
0x93: {  	s2 =	sld [smem:$0x3FFC];
	_ =	sdelay $0x3  }
0x94: {  	_ =	strace s2  }
0x95: {  	s2 =	sld [smem:$0x3FFD];
	_ =	sdelay $0x3  }
0x96: {  	_ =	strace s2  }
0x97: {  	_ =	strace $0x8FFFFFFF  }
0x98: {  	s20 =	sld [smem:$0x3FDB];
	_ =	sdelay $0x1  }
0x99: {  	s4 =	simm.s32 $_scs_section_size  }
0x9a: {  	s5 =	simm.s32 $_size__tile_overlayer_lowered;
	s6 =	simm.s32 $_tile_overlayer_lowered  }
0x9b: {  	s7 =	simm.s32 $0x1BFF;
	s21 =	sshll.u32 s6, $0x1;
	s4 =	sadd.s32 s4, s20  }
0x9c: {  	s22 =	simm.s32 $0x0;
	s5 =	sshll.u32 s5, $0x1;
	s6 =	sadd.s32 s21, s4  }
0x9d: {  	[timem:s22], [sflag:s7] =	dma.local [hbm:s6], s5  }
0x9e: {  	_ =	swait.ge [sflag:s7], s5  }
0x9f: {  	s5 =	ssub.s32 $0x0, s5;
	[sflag:s7] =	ssyncset.done $0x0  }
0xa0: {  	[sflag:s7] =	ssyncadd.s32 s5;
	_ =	sdelay $0x1  }
0xa1: {  	s23 =	simm.s32 $0x1B8B  }
0xa2: {  	_ =	swait.ge [sflag:s23], $0x1  }
0xa3: {  	[sflag:s23] =	ssyncset.done $0x0  }
0xa4: {  	[sflag:s23] =	ssyncadd.s32 $0xFFFFFFFF  }
0xa5: {  	s5 =	sld [smem:$0x0]  }
0xa6: {  	s6 =	sand.u32 $0xFFFFFFFE, s1  }
0xa7: {  	p0 =	sne.s32 s1, s6  }
0xa8: {  	s6 =	sshll.u32 @p0 s6, $0xE  }
0xa9: {  	s6 =	sadd.s32 @p0 $0x11B8D, s6;
	s7 =	sshll.u32 @p0 s5, $0x11  }
0xaa: {  	s6 =	sor.u32 @p0 s7, s6  }
0xab: {  	[sflag:s6] =	ssyncadd.remote.s32 @p0 $0x1;
	_ =	sdelay $0x1  }
0xac: {  	s6 =	simm.s32 @p0 $0x1B8D  }
0xad: {  	_ =	swait.eq @p0 [sflag:s6], $0x1  }
0xae: {  	[sflag:s6] =	ssyncadd.s32 @p0 $0xFFFFFFFF  }
0xaf: {  	s7 =	sshll.u32 @!p0 s1, $0xE  }
0xb0: {  	s7 =	sor.u32 @!p0 $0x4000, s7;
	s6 =	simm.s32 @!p0 $0x1B8D  }
0xb1: {  	s5 =	sshll.u32 @!p0 s5, $0x11;
	s7 =	sadd.s32 @!p0 $0x11B8D, s7;
	_ =	swait.eq @!p0 [sflag:s6], $0x1  }
0xb2: {  	s5 =	sor.u32 @!p0 s5, s7;
	[sflag:s6] =	ssyncadd.s32 @!p0 $0xFFFFFFFF  }
0xb3: {  	s25 =	simm.s32 $0x1B8E;
	s24 =	sld [smem:$0x3FFE];
	[sflag:s5] =	ssyncadd.remote.s32 @!p0 $0x1  }
0xb4: {  	s26 =	simm.s32 $execute0_lowered;
	[smem:$0x3FD2] =	sst s25  }
0xb5: {  	s6 =	sshll.u32 s26, $0x1;
	_ =	strace $0x8000005A;
	[dreg:$0x1] =	wrdreg $0xFFFFFFFF  }
0xb6: {  	s28 =	simm.s32 $_size_execute0_lowered;
	s4 =	sadd.s32 s4, s6;
	[dreg:$0x0] =	wrdreg $0x0  }
0xb7: {  	s6 =	sshll.u32 s28, $0x1;
	[dreg:$0x2] =	wrdreg s4  }
0xb8: {  	[dreg:$0x3] =	wrdreg s6  }
0xb9: {  	[dreg:$0x4] =	wrdreg $0xC0  }
0xba: {  	_ =	task [dreg:s22], $0x5FFFF  }
0xbb: {  	[dreg:$0x1] =	wrdreg $0xFFFFFFFF  }
0xbc: {  	[dreg:$0x0] =	wrdreg $0x60  }
0xbd: {  	[dreg:$0x2] =	wrdreg s18  }
0xbe: {  	[dreg:$0x3] =	wrdreg s24  }
0xbf: {  	[dreg:$0x4] =	wrdreg $0xA  }
0xc0: {  	_ =	task.clear_ibuf [dreg:s22], $0x5FFFF;
	_ =	strace $0x9000005A  }
0xc1: {  	s29 =	simm.s32 $0xA;
	_ =	strace $0x80000063  }
0xc2: {  	_ =	swait.ge [sflag:s29], $0x1  }
0xc3: {  	[sflag:s29] =	ssyncadd.s32 $0xFFFFFFFF  }
0xc4: {  	_ =	strace $0x90000063  }
0xc5: {  	_ =	sfence  }
0xc6: {  	s30 =	sld [smem:$0x0];
	_ =	sdelay $0x2  }
0xc7: {  	s31 =	sshll.u32 s1, $0xD;
	s1 =	sshrl.u32 s1, $0x2  }
0xc8: {  	s4 =	sand.u32 $0x4000, s31;
	s1 =	sadd.s32 s1, s30  }
0xc9: {  	s0 =	sor.u32 s4, s0;
	s1 =	sshll.u32 s1, $0x11  }
0xca: {  	s0 =	sor.u32 s1, s0  }
0xcb: {  	s0 =	sadd.s32 $0x8F2B, s0  }
0xcc: {  	[sflag:s0] =	ssyncadd.remote.s32 $0x1  }
0xcd: {  	_ =	sfence.sel $0xFFFF  }
0xce: {  	[dreg:$0x0] =	wrdreg $0xFFFFFFFF;
	(pc) =	sbr.abs _section_cstart, $3  }
0xcf: {  	[dreg:$0x1] =	wrdreg $0xFFFFFFFF  }
0xd0: {  	_ =	task.clear_ibuf [dreg:s22], $0x2FFFF;
	_ =	strace $0x9FFFFFFF  }
0xd1: {  	(tm) =	ssettm $0x7FFFFFFF  }
tec
execute0_lowered:
.L_overlay_start_1:
0x0: {  	(tag) =	ssettag $0x1  }
0x1: {  	s1 =	rddreg [dreg:$0x0]  }
0x2: {  	s5 =	rddreg [dreg:$0x1]  }
0x3: {  	s2 =	srdreg.scid;
	s0 =	rddreg [dreg:$0x2]  }
0x4: {  	s3 =	simm.s32 $0x0;
	s10 =	simm.s32 $0x5;
	s6 =	sand.u32 $0x1, s2  }
0x5: {  	s11 =	simm.s32 $0x0;
	s2 =	stileid.u32;
	s4 =	sshll.u32 s6, $0x4  }
0x6: {  	[smem:$0x7FF] =	sst s3;
	s9 =	sadd.s32 $0x215800, s5;
	s4 =	sor.u32 s2, s4  }
0x7: {  	s5 =	sadd.s32 $0x2000, s5;
	s7 =	smul.u32 $0x9, s4;
	s8 =	sshll.u32 s4, $0x3  }
0x8: {  	_ =	strace $0x8000005B;
	p0 =	slt.u32 s4, $0x8;
	s4 =	sadd.s32 $0x8, s8  }
0x9: {  	[dreg:$0x3] =	wrdreg s9;
	s29 =	ssub.s32 $0x2, s6;
	s4 =	smov.u32 @p0 s7  }
0xa: {  	v2 =	vlaneseq.u32;
	s6 =	simm.s32 $0x9;
	s31 =	sshrl.u32 s29, $0x1;
	s30 =	sshll.u32 s4, $0x4  }
0xb: {  	vm0 =	vmmov $0xffff;
	v1 =	vshrl.u32 v2, $0x3;
	s9 =	ssub.s32 s29, s31;
	s6 =	simm.s32 @!p0 $0x8;
	s8 =	sand.u32 $0x1FFFFFF0, s30  }
0xc: {  	v0 =	vand.u32 $0x7, v2;
	v2 =	vor.u32 $0x8, v2;
	v1 =	vmul.u32 $0x8, v1;
	s9 =	smax.u32 s9, $0x1;
	s7 =	sadd.s32 s5, s8;
	s8 =	sadd.s32 $0xFFFFFFFF, s6  }
.LBB2_1:
0xd: {  	_ =	strace $0x8000005C;
	s13 =	simm.s32 $0x0  }
0xe: {  	s12 =	simm.s32 $0x0;
	s14 =	simm.s32 $0x0;
	s15 =	simm.s32 $0x0  }
0xf: {  	[tilespmem:s3], [sflag:$0x1] =	stream.linear.gather [hbm4b:s7+s3], $0x80, $0x200038;
	[tilespmem:$0x10100] =	vst v63  }
0x10: {  	s16 =	simm.s32 $0x1;
	s17 =	simm.s32 $0x0;
	_ =	strace $0x9000005C  }
.LBB2_2:
0x11: {  	s18 =	smov.u32 s13;
	s13 =	sadd.s32 $0x1, s13  }
0x12: {  	p0 =	seq.s32 s13, s6  }
0x13: {  	s13 =	simm.s32 @p0 $0x0  }
0x14: {  	p6 =	slt.u32 s17, s8;
	p1 =	sne.s32 s18, s13  }
0x15: {  	p0 =	por !p6, !p1  }
0x16: {  	p0 =	por !p0, !p0  }
0x17: {  	s19 =	sadd.s32 @p0 s4, s13  }
0x18: {  	s20 =	sand.u32 @p0 $0x1, s16;
	s19 =	sshll.u32 @p0 s19, $0x4  }
0x19: {  	_ =	strace @p0 $0x8000005D;
	s22 =	simm.s32 @p0 $0x0;
	s19 =	sand.u32 @p0 $0x1FFFFFF0, s19  }
0x1a: {  	s21 =	sshll.u32 @p0 s20, $0x7;
	s20 =	sadd.s32 @p0 $0x1, s20;
	s19 =	sadd.s32 @p0 s5, s19  }
0x1b: {  	[tilespmem:s21], [sflag:s20] =	stream.linear.gather @p0 [hbm4b:s19+s22], $0x80, $0x200038;
	[tilespmem:$0x10100] =	vst v63  }
0x1c: {  	s23 =	sand.u32 $0x1, s15;
	_ =	strace @p0 $0x9000005D  }
0x1d: {  	s19 =	sadd.s32 $0x1, s23;
	_ =	strace $0x8000005E  }
0x1e: {  	_ =	swait.ge [sflag:s19], $0x80  }
0x1f: {  	[sflag:s19] =	ssyncset.done $0x0  }
0x20: {  	[sflag:s19] =	ssyncadd.s32 $0xFFFFFF80  }
0x21: {  	s24 =	sshll.u32 s15, $0x7;
	_ =	strace $0x9000005E  }
0x22: {  	s22 =	sand.u32 $0x80, s24;
	_ =	strace $0x8000005F  }
0x23: {  	v3 =	vld [tilespmem:s22+$0x0];
	_ =	sdelay $0x4  }
0x24: {  	v4 =	vshll.u32 v3, $0x1  }
0x25: {  	v3 =	vand.u32 $0x7, v3;
	v4 =	vand.u32 $0xFFFFFFF0, v4  }
0x26: {  	v3 =	vor.u32 v3, v4  }
0x27: {  	v4 =	vperm.xlane v3, v0;
	_ =	sdelay $0x1  }
0x28: {  	v3 =	vperm.xlane v3, v2;
	v4 =	vadd.s32 v1, v4;
	_ =	sdelay $0x1  }
0x29: {  	s19 =	sand.u32 $0x1, s14;
	v3 =	vadd.s32 v1, v3  }
0x2a: {  	s21 =	sshll.u32 s19, $0xF  }
0x2b: {  	s20 =	sor.u32 $0x100, s21  }
0x2c: {  	[tilespmem:s20], [sflag:$0x5] =	stream.indirect_vreg.gather [hbm4b:s1+s3], $0x80, v4, vm0, $0x2000b8;
	[tilespmem:$0x10100] =	vst v63  }
0x2d: {  	s23 =	sor.u32 $0x900, s21  }
0x2e: {  	[tilespmem:s23], [sflag:$0x5] =	stream.indirect_vreg.gather [hbm4b:s1+s3], $0x80, v3, vm0, $0x2000b8;
	[tilespmem:$0x10100] =	vst v63  }
0x2f: {  	v3 =	vld [tilespmem:s22+$0x10];
	_ =	sdelay $0x4  }
0x30: {  	v57 =	vshll.u32 v3, $0x1  }
0x31: {  	v3 =	vand.u32 $0x7, v3;
	v4 =	vand.u32 $0xFFFFFFF0, v57  }
0x32: {  	v3 =	vor.u32 v3, v4  }
0x33: {  	v4 =	vperm.xlane v3, v0;
	_ =	sdelay $0x1  }
0x34: {  	v3 =	vperm.xlane v3, v2;
	v4 =	vadd.s32 v1, v4;
	_ =	sdelay $0x1  }
0x35: {  	v3 =	vadd.s32 v1, v3;
	_ =	sdelay $0x1  }
0x36: {  	s25 =	sor.u32 $0x1100, s21  }
0x37: {  	[tilespmem:s25], [sflag:$0x5] =	stream.indirect_vreg.gather [hbm4b:s1+s3], $0x80, v4, vm0, $0x2000b8;
	[tilespmem:$0x10100] =	vst v63  }
0x38: {  	s26 =	sor.u32 $0x1900, s21  }
0x39: {  	[tilespmem:s26], [sflag:$0x5] =	stream.indirect_vreg.gather [hbm4b:s1+s3], $0x80, v3, vm0, $0x2000b8;
	[tilespmem:$0x10100] =	vst v63  }
0x3a: {  	v3 =	vld [tilespmem:s22+$0x20];
	_ =	sdelay $0x4  }
0x3b: {  	v58 =	vshll.u32 v3, $0x1  }
0x3c: {  	v3 =	vand.u32 $0x7, v3;
	v4 =	vand.u32 $0xFFFFFFF0, v58  }
0x3d: {  	v3 =	vor.u32 v3, v4  }
0x3e: {  	v4 =	vperm.xlane v3, v0;
	_ =	sdelay $0x1  }
0x3f: {  	v3 =	vperm.xlane v3, v2;
	v4 =	vadd.s32 v1, v4;
	_ =	sdelay $0x1  }
0x40: {  	v3 =	vadd.s32 v1, v3;
	_ =	sdelay $0x1  }
0x41: {  	s28 =	sor.u32 $0x2100, s21  }
0x42: {  	[tilespmem:s28], [sflag:$0x5] =	stream.indirect_vreg.gather [hbm4b:s1+s3], $0x80, v4, vm0, $0x2000b8;
	[tilespmem:$0x10100] =	vst v63  }
0x43: {  	s29 =	sor.u32 $0x2900, s21  }
0x44: {  	[tilespmem:s29], [sflag:$0x5] =	stream.indirect_vreg.gather [hbm4b:s1+s3], $0x80, v3, vm0, $0x2000b8;
	[tilespmem:$0x10100] =	vst v63  }
0x45: {  	v3 =	vld [tilespmem:s22+$0x30];
	_ =	sdelay $0x4  }
0x46: {  	v59 =	vshll.u32 v3, $0x1  }
0x47: {  	v3 =	vand.u32 $0x7, v3;
	v4 =	vand.u32 $0xFFFFFFF0, v59  }
0x48: {  	v3 =	vor.u32 v3, v4  }
0x49: {  	v4 =	vperm.xlane v3, v0;
	_ =	sdelay $0x1  }
0x4a: {  	v3 =	vperm.xlane v3, v2;
	v4 =	vadd.s32 v1, v4;
	_ =	sdelay $0x1  }
0x4b: {  	v3 =	vadd.s32 v1, v3;
	_ =	sdelay $0x1  }
0x4c: {  	s30 =	sor.u32 $0x3100, s21  }
0x4d: {  	[tilespmem:s30], [sflag:$0x5] =	stream.indirect_vreg.gather [hbm4b:s1+s3], $0x80, v4, vm0, $0x2000b8;
	[tilespmem:$0x10100] =	vst v63  }
0x4e: {  	s31 =	sor.u32 $0x3900, s21  }
0x4f: {  	[tilespmem:s31], [sflag:$0x5] =	stream.indirect_vreg.gather [hbm4b:s1+s3], $0x80, v3, vm0, $0x2000b8;
	[tilespmem:$0x10100] =	vst v63  }
0x50: {  	v3 =	vld [tilespmem:s22+$0x40];
	_ =	sdelay $0x4  }
0x51: {  	v60 =	vshll.u32 v3, $0x1  }
0x52: {  	v3 =	vand.u32 $0x7, v3;
	v4 =	vand.u32 $0xFFFFFFF0, v60  }
0x53: {  	v3 =	vor.u32 v3, v4  }
0x54: {  	v4 =	vperm.xlane v3, v0;
	_ =	sdelay $0x1  }
0x55: {  	v3 =	vperm.xlane v3, v2;
	v4 =	vadd.s32 v1, v4;
	_ =	sdelay $0x1  }
0x56: {  	v3 =	vadd.s32 v1, v3;
	_ =	sdelay $0x1  }
0x57: {  	s24 =	sor.u32 $0x4100, s21  }
0x58: {  	[tilespmem:s24], [sflag:$0x5] =	stream.indirect_vreg.gather [hbm4b:s1+s3], $0x80, v4, vm0, $0x2000b8;
	[tilespmem:$0x10100] =	vst v63  }
0x59: {  	s25 =	sor.u32 $0x4900, s21  }
0x5a: {  	[tilespmem:s25], [sflag:$0x5] =	stream.indirect_vreg.gather [hbm4b:s1+s3], $0x80, v3, vm0, $0x2000b8;
	[tilespmem:$0x10100] =	vst v63  }
0x5b: {  	v3 =	vld [tilespmem:s22+$0x50];
	_ =	sdelay $0x4  }
0x5c: {  	v61 =	vshll.u32 v3, $0x1  }
0x5d: {  	v3 =	vand.u32 $0x7, v3;
	v4 =	vand.u32 $0xFFFFFFF0, v61  }
0x5e: {  	v3 =	vor.u32 v3, v4  }
0x5f: {  	v4 =	vperm.xlane v3, v0;
	_ =	sdelay $0x1  }
0x60: {  	v3 =	vperm.xlane v3, v2;
	v4 =	vadd.s32 v1, v4;
	_ =	sdelay $0x1  }
0x61: {  	v3 =	vadd.s32 v1, v3;
	_ =	sdelay $0x1  }
0x62: {  	s26 =	sor.u32 $0x5100, s21  }
0x63: {  	[tilespmem:s26], [sflag:$0x5] =	stream.indirect_vreg.gather [hbm4b:s1+s3], $0x80, v4, vm0, $0x2000b8;
	[tilespmem:$0x10100] =	vst v63  }
0x64: {  	s28 =	sor.u32 $0x5900, s21  }
0x65: {  	[tilespmem:s28], [sflag:$0x5] =	stream.indirect_vreg.gather [hbm4b:s1+s3], $0x80, v3, vm0, $0x2000b8;
	[tilespmem:$0x10100] =	vst v63  }
0x66: {  	v3 =	vld [tilespmem:s22+$0x60];
	_ =	sdelay $0x4  }
0x67: {  	v62 =	vshll.u32 v3, $0x1  }
0x68: {  	v3 =	vand.u32 $0x7, v3;
	v4 =	vand.u32 $0xFFFFFFF0, v62  }
0x69: {  	v3 =	vor.u32 v3, v4  }
0x6a: {  	v4 =	vperm.xlane v3, v0;
	_ =	sdelay $0x1  }
0x6b: {  	v3 =	vperm.xlane v3, v2;
	v4 =	vadd.s32 v1, v4;
	_ =	sdelay $0x1  }
0x6c: {  	v3 =	vadd.s32 v1, v3;
	_ =	sdelay $0x1  }
0x6d: {  	s29 =	sor.u32 $0x6100, s21  }
0x6e: {  	[tilespmem:s29], [sflag:$0x5] =	stream.indirect_vreg.gather [hbm4b:s1+s3], $0x80, v4, vm0, $0x2000b8;
	[tilespmem:$0x10100] =	vst v63  }
0x6f: {  	s30 =	sor.u32 $0x6900, s21  }
0x70: {  	[tilespmem:s30], [sflag:$0x5] =	stream.indirect_vreg.gather [hbm4b:s1+s3], $0x80, v3, vm0, $0x2000b8;
	[tilespmem:$0x10100] =	vst v63  }
0x71: {  	v3 =	vld [tilespmem:s22+$0x70];
	_ =	sdelay $0x4  }
0x72: {  	v63 =	vshll.u32 v3, $0x1  }
0x73: {  	v3 =	vand.u32 $0x7, v3;
	v4 =	vand.u32 $0xFFFFFFF0, v63  }
0x74: {  	v3 =	vor.u32 v3, v4  }
0x75: {  	v4 =	vperm.xlane v3, v0;
	_ =	sdelay $0x1  }
0x76: {  	v3 =	vperm.xlane v3, v2;
	v4 =	vadd.s32 v1, v4;
	_ =	sdelay $0x1  }
0x77: {  	v3 =	vadd.s32 v1, v3;
	_ =	sdelay $0x1  }
0x78: {  	s31 =	sor.u32 $0x7100, s21  }
0x79: {  	[tilespmem:s31], [sflag:$0x5] =	stream.indirect_vreg.gather [hbm4b:s1+s3], $0x80, v4, vm0, $0x2000b8;
	[tilespmem:$0x10100] =	vst v63  }
0x7a: {  	s21 =	sor.u32 $0x7900, s21  }
0x7b: {  	[tilespmem:s21], [sflag:$0x5] =	stream.indirect_vreg.gather [hbm4b:s1+s3], $0x80, v3, vm0, $0x2000b8;
	[tilespmem:$0x10100] =	vst v63  }
0x7c: {  	_ =	swait.ge [sflag:s10], $0x8000  }
0x7d: {  	p2 =	seq.s32 s8, s17;
	[sflag:s10] =	ssyncset.done $0x0  }
0x7e: {  	s18 =	sadd.s32 s4, s18;
	p1 =	por p2, p1;
	[sflag:s10] =	ssyncadd.s32 $0xFFFF8000  }
0x7f: {  	s18 =	sshll.u32 @p1 s18, $0xC;
	_ =	strace $0x9000005F  }
0x80: {  	s18 =	sand.u32 @p1 $0x1FFFF000, s18;
	s22 =	simm.s32 $0x1;
	_ =	strace @p1 $0x80000060  }
0x81: {  	s19 =	sadd.s32 @p1 $0x3, s19;
	s22 =	simm.s32 @!p0 $0x0;
	s21 =	rddreg [dreg:$0x3]  }
0x82: {  	p0 =	seq.s32 s17, $0x0;
	s18 =	sadd.s32 @p1 s21, s18;
	s21 =	simm.s32 @p1 $0x0  }
0x83: {  	[hbm4b:s18+s21] =	stream.linear.scatter @p1 [tilespmem:s20], [sflag:s19], $0x8000, $0x200038;
	[tilespmem:$0x10100] =	vst v63  }
0x84: {  	s18 =	simm.s32 $0x1;
	s20 =	simm.s32 $0x1;
	_ =	strace @p1 $0x90000060  }
0x85: {  	s18 =	simm.s32 @!p1 $0x0;
	p1 =	sne.s32 s17, $0x0;
	s17 =	sadd.s32 $0x1, s17  }
0x86: {  	s19 =	sand.u32 @!p0 $0x1, s12;
	s20 =	simm.s32 @!p1 $0x0;
	p1 =	sne.s32 s6, s17  }
.Ltmp0:
0x87: {  	s19 =	sadd.s32 @!p0 $0x3, s19;
	_ =	strace @!p0 $0x80000061;
	(pc) =	sbr.rel @p1 .LBB2_2-.Ltmp0, $4  }
0x88: {  	_ =	swait.ge @!p0 [sflag:s19], $0x8000  }
0x89: {  	[sflag:s19] =	ssyncset.done @!p0 $0x0  }
0x8a: {  	s16 =	sadd.s32 s22, s16;
	s14 =	sadd.s32 s18, s14;
	[sflag:s19] =	ssyncadd.s32 @!p0 $0xFFFF8000  }
0x8b: {  	s15 =	sadd.s32 s18, s15;
	s12 =	sadd.s32 s20, s12;
	_ =	strace @!p0 $0x90000061  }
0x8c: {  	s11 =	sadd.s32 $0x1, s11  }
0x8d: {  	s12 =	sand.u32 $0x1, s12;
	p0 =	sne.s32 s11, s9  }
.Ltmp1:
0x8e: {  	_ =	strace $0x80000062;
	s12 =	sadd.s32 $0x3, s12;
	(pc) =	sbr.rel @p0 .LBB2_1-.Ltmp1, $4  }
0x8f: {  	_ =	swait.ge [sflag:s12], $0x8000  }
0x90: {  	[sflag:s12] =	ssyncset.done $0x0  }
0x91: {  	[sflag:s12] =	ssyncadd.s32 $0xFFFF8000  }
0x92: {  	_ =	strace $0x90000062  }
0x93: {  	_ =	sfence.sel $0x180000  }
0x94: {  	[bflag:$0x0] =	sbarrier.arrive $0xFFFF  }
0x95: {  	p0 =	sne.s32 s2, $0x0;
	_ =	strace $0x9000005B  }
0x96: {  	s0 =	sadd.s32 @!p0 $0x100000, s0;
	[bflag:$0x2] =	sbarrier.arrive $0xFFFF  }
0x97: {  	[sflag:s0] =	ssyncadd.tile.s32 @!p0 $0x1;
	_ =	shalt  }
.Lfunc_end2:
_tile_overlayer_lowered:
.L_overlay_start_2:
0x98: {  	(tag) =	ssettag $0x2  }
0x99: {  	s0 =	rddreg [dreg:$0x0];
	s2 =	stileid.u32  }
0x9a: {  	s1 =	rddreg [dreg:$0x1];
	p0 =	sne.s32 s2, $0x0  }
0x9b: {  	s3 =	rddreg [dreg:$0x2];
	[bflag:$0x3] =	sbarrier.arrive $0xFFFF;
	s2 =	simm.s32 @!p0 $0x1C01  }
0x9c: {  	[timem:s3], [sflag:s2] =	dma.local @!p0 [hbm:s0], s1  }
0x9d: {  	s0 =	simm.s32 @!p0 $0x1  }
0x9e: {  	_ =	swait.ge @!p0 [sflag:s0], s1  }
0x9f: {  	s1 =	ssub.s32 @!p0 $0x0, s1;
	[sflag:s0] =	ssyncset.done @!p0 $0x0  }
0xa0: {  	[sflag:s0] =	ssyncadd.s32 @!p0 s1  }
0xa1: {  	[bflag:$0x3] =	sbarrier.arrive $0xFFFF  }
0xa2: {  	_ =	shalt  }

// kernel: kernel.16.cloned.1.call-start
scs
__scs_entry_jumppad:
0x0: {  	(pc) =	sbr.rel $0x88, $3  }
0x1: {  	(tag) =	ssettag $0x0;
	lr =	simm.s32 $0x1  }
0x2: {  	[smem:$0x3F99] =	sst lr;
	_ =	strace $0xD0000000  }
0x3: {  	_ = 	snop  }
0x4: {  	_ = 	snop  }
0x5: {  	_ = 	snop  }
0x6: {  	_ = 	snop  }
0x7: {  	_ = 	snop  }
__scs_overlays_trampoline_lowered:
0x8: {  	[smem:$0x3FA8] =	sst s0  }
0x9: {  	[smem:$0x3FA9] =	sst s1  }
0xa: {  	[smem:$0x3FAA] =	sst s2  }
0xb: {  	[smem:$0x3FAB] =	sst s3  }
0xc: {  	[smem:$0x3FAC] =	sst s4  }
0xd: {  	[smem:$0x3FAD] =	sst s5  }
0xe: {  	[smem:$0x3FAE] =	sst s6  }
0xf: {  	[smem:$0x3FAF] =	sst s7  }
0x10: {  	[smem:$0x3FB0] =	sst s8  }
0x11: {  	[smem:$0x3FB1] =	sst s9;
	s0 =	simm.s32 @!p0 $0x0  }
0x12: {  	s1 =	sld [smem:$0x3F97];
	s0 =	simm.s32 @p0 $0x1  }
0x13: {  	[smem:$0x3FB2] =	sst s0;
	s0 =	simm.s32 @!p1 $0x0  }
0x14: {  	s2 =	sld [smem:$0x3F96];
	s0 =	simm.s32 @p1 $0x1  }
0x15: {  	[smem:$0x3FB3] =	sst s0;
	s0 =	simm.s32 @!p2 $0x0  }
0x16: {  	s3 =	sld [smem:$0x3FDB];
	s0 =	simm.s32 @p2 $0x1  }
0x17: {  	s4 =	simm.s32 $0x1BF5;
	[smem:$0x3FB5] =	sst s0  }
0x18: {  	s0 =	sld [smem:$0x3F98];
	_ =	swait.ge [sflag:s4], $0x0  }
0x19: {  	s7 =	sld [smem:$0x3F99]  }
0x1a: {  	s8 =	sadd.s32 $0xFFFFE003, lr  }
0x1b: {  	s9 =	sadd.s32 $0xFFFFFEF7, lr;
	s5 =	simm.s32 $0xFFFFFFFF;
	p2 =	slt.u32 s8, $0xFFFFF086  }
0x1c: {  	p1 =	slt.u32 s9, $0xF7A;
	s5 =	simm.s32 @!p2 $0x0  }
0x1d: {  	s5 =	simm.s32 @p1 $0x1;
	p0 =	seq.s32 s7, s2  }
0x1e: {  	s7 =	smul.u32 @!p0 $0xF7A, s2;
	p2 =	seq.s32 @!p0 s5, $0x0  }
0x1f: {  	s9 =	smul.u32 $0xF7A, s1;
	s8 =	simm.s32 @!p0 $0x1BF5;
	p2 =	por !p2, p0  }
0x20: {  	[sflag:s8] =	ssyncset.s32 @!p0 $0xFFFFF086;
	s6 =	sadd.s32 @!p0 s3, s7;
	s7 =	simm.s32 @!p0 $0x108  }
0x21: {  	s3 =	sadd.s32 s3, s9;
	s6 =	sadd.s32 @!p0 $0x88, s6;
	s7 =	simm.s32 @p2 $0x1082  }
0x22: {  	[simem:s7], [sflag:s8] =	dma.local @!p0 [hbm:s6], $0xF7A  }
0x23: {  	s9 =	sor.u32 $0xD0000000, s2;
	s6 =	simm.s32 $0x108;
	_ =	swait.ge @!p0 [sflag:s8], $0x0  }
0x24: {  	s3 =	sadd.s32 $0x88, s3;
	s6 =	simm.s32 @!p1 $0x1082;
	[sflag:s4] =	ssyncset.s32 $0xFFFFF086  }
0x25: {  	[simem:s6], [sflag:s4] =	dma.local [hbm:s3], $0xF7A  }
0x26: {  	[smem:$0x3F99] =	sst s1;
	(tag) =	ssettag s2;
	_ =	strace s9  }
0x27: {  	s1 =	sld [smem:$0x3FA9]  }
0x28: {  	s2 =	sld [smem:$0x3FAA]  }
0x29: {  	s4 =	sld [smem:$0x3FAC]  }
0x2a: {  	p0 =	seq.s32 s5, $0x0;
	s5 =	sld [smem:$0x3FAD]  }
0x2b: {  	s6 =	sld [smem:$0x3FAE]  }
0x2c: {  	s7 =	sld [smem:$0x3FAF]  }
0x2d: {  	s3 =	simm.s32 $0x108;
	s8 =	sld [smem:$0x3FB0]  }
0x2e: {  	s3 =	simm.s32 @!p0 $0x1082;
	s9 =	sld [smem:$0x3FB1]  }
0x2f: {  	lr =	sadd.s32 s0, s3;
	s0 =	sld [smem:$0x3FA8]  }
0x30: {  	s3 =	sld [smem:$0x3FAB]  }
0x31: {  	[smem:$0x3FB4] =	sst s10  }
0x32: {  	s10 =	sld [smem:$0x3FB2];
	_ =	sdelay $0x3  }
0x33: {  	p0 =	seq.s32 s10, $0x1;
	s10 =	sld [smem:$0x3FB4];
	_ =	sdelay $0x3  }
0x34: {  	[smem:$0x3FB4] =	sst s10  }
0x35: {  	s10 =	sld [smem:$0x3FB3];
	_ =	sdelay $0x3  }
0x36: {  	p1 =	seq.s32 s10, $0x1;
	s10 =	sld [smem:$0x3FB4];
	_ =	sdelay $0x3  }
0x37: {  	[smem:$0x3FB4] =	sst s10  }
0x38: {  	s10 =	sld [smem:$0x3FB5]  }
0x39: {  	_ = 	snop;
	(pc) =	sbr.ind lr, $3  }
0x3a: {  	_ = 	snop  }
0x3b: {  	_ = 	snop  }
0x3c: {  	p2 =	seq.s32 s10, $0x1;
	s10 =	sld [smem:$0x3FB4]  }
0x3d: {  	_ =	shalt  }
0x3e: {  	_ =	shalt  }
0x3f: {  	_ =	shalt  }
0x40: {  	_ =	shalt  }
0x41: {  	_ =	shalt  }
0x42: {  	_ =	shalt  }
0x43: {  	_ =	shalt  }
0x44: {  	_ =	shalt  }
0x45: {  	_ =	shalt  }
0x46: {  	_ =	shalt  }
0x47: {  	_ =	shalt  }
0x48: {  	_ =	shalt  }
0x49: {  	_ =	shalt  }
0x4a: {  	_ =	shalt  }
0x4b: {  	_ =	shalt  }
0x4c: {  	_ =	shalt  }
0x4d: {  	_ =	shalt  }
0x4e: {  	_ =	shalt  }
0x4f: {  	_ =	shalt  }
0x50: {  	_ =	shalt  }
0x51: {  	_ =	shalt  }
0x52: {  	_ =	shalt  }
0x53: {  	_ =	shalt  }
0x54: {  	_ =	shalt  }
0x55: {  	_ =	shalt  }
0x56: {  	_ =	shalt  }
0x57: {  	_ =	shalt  }
0x58: {  	_ =	shalt  }
0x59: {  	_ =	shalt  }
0x5a: {  	_ =	shalt  }
0x5b: {  	_ =	shalt  }
0x5c: {  	_ =	shalt  }
0x5d: {  	_ =	shalt  }
0x5e: {  	_ =	shalt  }
0x5f: {  	_ =	shalt  }
0x60: {  	_ =	shalt  }
0x61: {  	_ =	shalt  }
0x62: {  	_ =	shalt  }
0x63: {  	_ =	shalt  }
0x64: {  	_ =	shalt  }
0x65: {  	_ =	shalt  }
0x66: {  	_ =	shalt  }
0x67: {  	_ =	shalt  }
0x68: {  	_ =	shalt  }
0x69: {  	_ =	shalt  }
0x6a: {  	_ =	shalt  }
0x6b: {  	_ =	shalt  }
0x6c: {  	_ =	shalt  }
0x6d: {  	_ =	shalt  }
0x6e: {  	_ =	shalt  }
0x6f: {  	_ =	shalt  }
0x70: {  	_ =	shalt  }
0x71: {  	_ =	shalt  }
0x72: {  	_ =	shalt  }
0x73: {  	_ =	shalt  }
0x74: {  	_ =	shalt  }
0x75: {  	_ =	shalt  }
0x76: {  	_ =	shalt  }
0x77: {  	_ =	shalt  }
0x78: {  	_ =	shalt  }
0x79: {  	_ =	shalt  }
0x7a: {  	_ =	shalt  }
0x7b: {  	_ =	shalt  }
0x7c: {  	_ =	shalt  }
0x7d: {  	_ =	shalt  }
0x7e: {  	_ =	shalt  }
0x7f: {  	_ =	shalt  }
0x80: {  	_ =	shalt  }
0x81: {  	_ =	shalt  }
0x82: {  	_ =	shalt  }
0x83: {  	_ =	shalt  }
0x84: {  	_ =	shalt  }
0x85: {  	_ =	shalt  }
0x86: {  	_ =	shalt  }
0x87: {  	_ =	shalt  }
.Lfunc_end0:
.L_simem_size_0:
called_computation.2_lowered:
.L_overlay_start_0:
0x88: {  	s2 =	sld [smem:$0x3FD9]  }
0x89: {  	s3 =	sld [smem:$0x3FFE];
	_ =	sdelay $0x1  }
0x8a: {  	s1 =	srdreg.scid  }
0x8b: {  	s0 =	sand.u32 $0x1, s1  }
0x8c: {  	s17 =	sshll.u32 s0, $0xA;
	s2 =	sadd.s32 s3, s2  }
0x8d: {  	s2 =	sadd.s32 s2, s17  }
0x8e: {  	[smem:$0x3FC0] =	sst s2  }
0x8f: {  	_ = 	snop  }
0x90: {  	s2 =	sld [smem:$0x3FC7];
	(tm) =	ssettm $0x1  }
0x91: {  	s18 =	sld [smem:$0x3FFB];
	_ =	sdelay $0x3  }
0x92: {  	_ =	strace s18  }
0x93: {  	s3 =	sld [smem:$0x3FFC];
	_ =	sdelay $0x3  }
0x94: {  	_ =	strace s3  }
0x95: {  	s3 =	sld [smem:$0x3FFD];
	_ =	sdelay $0x3  }
0x96: {  	_ =	strace s3  }
0x97: {  	_ =	strace $0x8FFFFFFF  }
0x98: {  	s19 =	sld [smem:$0x3FDB];
	_ =	sdelay $0x1  }
0x99: {  	s4 =	simm.s32 $_scs_section_size  }
0x9a: {  	s5 =	simm.s32 $_size__tile_overlayer_lowered;
	s6 =	simm.s32 $_tile_overlayer_lowered  }
0x9b: {  	s22 =	simm.s32 $0x1BFF;
	s21 =	sshll.u32 s6, $0x1;
	s3 =	sadd.s32 s4, s19  }
0x9c: {  	s7 =	simm.s32 $0x0;
	s20 =	sshll.u32 s5, $0x1;
	s5 =	sadd.s32 s21, s3  }
0x9d: {  	[timem:s7], [sflag:s22] =	dma.local [hbm:s5], s20  }
0x9e: {  	_ =	swait.ge [sflag:s22], s20  }
0x9f: {  	s4 =	ssub.s32 $0x0, s20;
	[sflag:s22] =	ssyncset.done $0x0  }
0xa0: {  	[sflag:s22] =	ssyncadd.s32 s4;
	_ =	sdelay $0x1  }
0xa1: {  	s23 =	simm.s32 $0x1B8B  }
0xa2: {  	_ =	swait.ge [sflag:s23], $0x1  }
0xa3: {  	[sflag:s23] =	ssyncset.done $0x0  }
0xa4: {  	s25 =	simm.s32 $0x1B8E;
	s24 =	sld [smem:$0x3FFE];
	[sflag:s23] =	ssyncadd.s32 $0xFFFFFFFF  }
0xa5: {  	s26 =	simm.s32 $execute0_lowered;
	[smem:$0x3FD2] =	sst s25  }
0xa6: {  	s5 =	sshll.u32 s26, $0x1;
	_ =	strace $0x80000046;
	[dreg:$0x1] =	wrdreg $0xFFFFFFFF  }
0xa7: {  	s28 =	simm.s32 $_size_execute0_lowered;
	s3 =	sadd.s32 s3, s5;
	[dreg:$0x0] =	wrdreg $0x0  }
0xa8: {  	s5 =	sshll.u32 s28, $0x1;
	[dreg:$0x2] =	wrdreg s3  }
0xa9: {  	[dreg:$0x3] =	wrdreg s5  }
0xaa: {  	[dreg:$0x4] =	wrdreg $0xC0  }
0xab: {  	_ =	task [dreg:s7], $0x5FFFF  }
0xac: {  	[dreg:$0x1] =	wrdreg $0xFFFFFFFF  }
0xad: {  	[dreg:$0x0] =	wrdreg $0x60  }
0xae: {  	[dreg:$0x2] =	wrdreg s2  }
0xaf: {  	[dreg:$0x3] =	wrdreg s24  }
0xb0: {  	[dreg:$0x4] =	wrdreg $0xB  }
0xb1: {  	_ =	task.clear_ibuf [dreg:s7], $0x5FFFF;
	_ =	strace $0x90000046  }
0xb2: {  	s29 =	simm.s32 $0xB;
	_ =	strace $0x8000004F  }
0xb3: {  	_ =	swait.ge [sflag:s29], $0x1  }
0xb4: {  	[sflag:s29] =	ssyncadd.s32 $0xFFFFFFFF  }
0xb5: {  	_ =	strace $0x9000004F  }
0xb6: {  	_ =	sfence  }
0xb7: {  	s30 =	sld [smem:$0x0];
	_ =	sdelay $0x2  }
0xb8: {  	s31 =	sshll.u32 s1, $0xD;
	s1 =	sshrl.u32 s1, $0x2  }
0xb9: {  	s3 =	sand.u32 $0x4000, s31;
	s1 =	sadd.s32 s1, s30  }
0xba: {  	s0 =	sor.u32 s3, s0;
	s1 =	sshll.u32 s1, $0x11  }
0xbb: {  	s0 =	sor.u32 s1, s0  }
0xbc: {  	s0 =	sadd.s32 $0x8F2B, s0  }
0xbd: {  	[sflag:s0] =	ssyncadd.remote.s32 $0x1  }
0xbe: {  	_ =	sfence.sel $0xFFFF  }
0xbf: {  	[dreg:$0x0] =	wrdreg $0xFFFFFFFF;
	(pc) =	sbr.abs _section_cstart, $3  }
0xc0: {  	[dreg:$0x1] =	wrdreg $0xFFFFFFFF  }
0xc1: {  	_ =	task.clear_ibuf [dreg:s7], $0x2FFFF;
	_ =	strace $0x9FFFFFFF  }
0xc2: {  	(tm) =	ssettm $0x7FFFFFFF  }
0xc3: {  	_ =	shalt  }
tec
execute0_lowered:
.L_overlay_start_1:
0x0: {  	(tag) =	ssettag $0x1  }
0x1: {  	s1 =	rddreg [dreg:$0x0]  }
0x2: {  	s5 =	rddreg [dreg:$0x1]  }
0x3: {  	s2 =	srdreg.scid;
	s0 =	rddreg [dreg:$0x2]  }
0x4: {  	s3 =	simm.s32 $0x0;
	s10 =	simm.s32 $0x5;
	s6 =	sand.u32 $0x1, s2  }
0x5: {  	s11 =	simm.s32 $0x0;
	s2 =	stileid.u32;
	s4 =	sshll.u32 s6, $0x4  }
0x6: {  	[smem:$0x7FF] =	sst s3;
	s9 =	sadd.s32 $0x4600, s5;
	s4 =	sor.u32 s2, s4  }
0x7: {  	s5 =	sadd.s32 $0x3400, s5;
	s7 =	smul.u32 $0x9, s4;
	s8 =	sshll.u32 s4, $0x3  }
0x8: {  	_ =	strace $0x80000047;
	p0 =	slt.u32 s4, $0x8;
	s4 =	sadd.s32 $0x8, s8  }
0x9: {  	[dreg:$0x3] =	wrdreg s9;
	s29 =	ssub.s32 $0x2, s6;
	s4 =	smov.u32 @p0 s7  }
0xa: {  	v2 =	vlaneseq.u32;
	s6 =	simm.s32 $0x9;
	s31 =	sshrl.u32 s29, $0x1;
	s30 =	sshll.u32 s4, $0x4  }
0xb: {  	vm0 =	vmmov $0xffff;
	v1 =	vshrl.u32 v2, $0x3;
	s9 =	ssub.s32 s29, s31;
	s6 =	simm.s32 @!p0 $0x8;
	s8 =	sand.u32 $0x1FFFFFF0, s30  }
0xc: {  	v0 =	vand.u32 $0x7, v2;
	v2 =	vor.u32 $0x8, v2;
	v1 =	vmul.u32 $0x8, v1;
	s9 =	smax.u32 s9, $0x1;
	s7 =	sadd.s32 s5, s8;
	s8 =	sadd.s32 $0xFFFFFFFF, s6  }
.LBB2_1:
0xd: {  	_ =	strace $0x80000048;
	s13 =	simm.s32 $0x0  }
0xe: {  	s12 =	simm.s32 $0x0;
	s14 =	simm.s32 $0x0;
	s15 =	simm.s32 $0x0  }
0xf: {  	[tilespmem:s3], [sflag:$0x1] =	stream.linear.gather [hbm4b:s7+s3], $0x80, $0x200038;
	[tilespmem:$0x10100] =	vst v63  }
0x10: {  	s16 =	simm.s32 $0x1;
	s17 =	simm.s32 $0x0;
	_ =	strace $0x90000048  }
.LBB2_2:
0x11: {  	s18 =	smov.u32 s13;
	s13 =	sadd.s32 $0x1, s13  }
0x12: {  	p0 =	seq.s32 s13, s6  }
0x13: {  	s13 =	simm.s32 @p0 $0x0  }
0x14: {  	p6 =	slt.u32 s17, s8;
	p1 =	sne.s32 s18, s13  }
0x15: {  	p0 =	por !p6, !p1  }
0x16: {  	p0 =	por !p0, !p0  }
0x17: {  	s19 =	sadd.s32 @p0 s4, s13  }
0x18: {  	s20 =	sand.u32 @p0 $0x1, s16;
	s19 =	sshll.u32 @p0 s19, $0x4  }
0x19: {  	_ =	strace @p0 $0x80000049;
	s22 =	simm.s32 @p0 $0x0;
	s19 =	sand.u32 @p0 $0x1FFFFFF0, s19  }
0x1a: {  	s21 =	sshll.u32 @p0 s20, $0x7;
	s20 =	sadd.s32 @p0 $0x1, s20;
	s19 =	sadd.s32 @p0 s5, s19  }
0x1b: {  	[tilespmem:s21], [sflag:s20] =	stream.linear.gather @p0 [hbm4b:s19+s22], $0x80, $0x200038;
	[tilespmem:$0x10100] =	vst v63  }
0x1c: {  	s23 =	sand.u32 $0x1, s15;
	_ =	strace @p0 $0x90000049  }
0x1d: {  	s19 =	sadd.s32 $0x1, s23;
	_ =	strace $0x8000004A  }
0x1e: {  	_ =	swait.ge [sflag:s19], $0x80  }
0x1f: {  	[sflag:s19] =	ssyncset.done $0x0  }
0x20: {  	[sflag:s19] =	ssyncadd.s32 $0xFFFFFF80  }
0x21: {  	s24 =	sshll.u32 s15, $0x7;
	_ =	strace $0x9000004A  }
0x22: {  	s22 =	sand.u32 $0x80, s24;
	_ =	strace $0x8000004B  }
0x23: {  	v3 =	vld [tilespmem:s22+$0x0];
	_ =	sdelay $0x4  }
0x24: {  	v4 =	vshll.u32 v3, $0x1  }
0x25: {  	v3 =	vand.u32 $0x7, v3;
	v4 =	vand.u32 $0xFFFFFFF0, v4  }
0x26: {  	v3 =	vor.u32 v3, v4  }
0x27: {  	v4 =	vperm.xlane v3, v0;
	_ =	sdelay $0x1  }
0x28: {  	v3 =	vperm.xlane v3, v2;
	v4 =	vadd.s32 v1, v4;
	_ =	sdelay $0x1  }
0x29: {  	s19 =	sand.u32 $0x1, s14;
	v3 =	vadd.s32 v1, v3  }
0x2a: {  	s21 =	sshll.u32 s19, $0xF  }
0x2b: {  	s20 =	sor.u32 $0x100, s21  }
0x2c: {  	[tilespmem:s20], [sflag:$0x5] =	stream.indirect_vreg.gather [hbm4b:s1+s3], $0x80, v4, vm0, $0x2000b8;
	[tilespmem:$0x10100] =	vst v63  }
0x2d: {  	s23 =	sor.u32 $0x900, s21  }
0x2e: {  	[tilespmem:s23], [sflag:$0x5] =	stream.indirect_vreg.gather [hbm4b:s1+s3], $0x80, v3, vm0, $0x2000b8;
	[tilespmem:$0x10100] =	vst v63  }
0x2f: {  	v3 =	vld [tilespmem:s22+$0x10];
	_ =	sdelay $0x4  }
0x30: {  	v57 =	vshll.u32 v3, $0x1  }
0x31: {  	v3 =	vand.u32 $0x7, v3;
	v4 =	vand.u32 $0xFFFFFFF0, v57  }
0x32: {  	v3 =	vor.u32 v3, v4  }
0x33: {  	v4 =	vperm.xlane v3, v0;
	_ =	sdelay $0x1  }
0x34: {  	v3 =	vperm.xlane v3, v2;
	v4 =	vadd.s32 v1, v4;
	_ =	sdelay $0x1  }
0x35: {  	v3 =	vadd.s32 v1, v3;
	_ =	sdelay $0x1  }
0x36: {  	s25 =	sor.u32 $0x1100, s21  }
0x37: {  	[tilespmem:s25], [sflag:$0x5] =	stream.indirect_vreg.gather [hbm4b:s1+s3], $0x80, v4, vm0, $0x2000b8;
	[tilespmem:$0x10100] =	vst v63  }
0x38: {  	s26 =	sor.u32 $0x1900, s21  }
0x39: {  	[tilespmem:s26], [sflag:$0x5] =	stream.indirect_vreg.gather [hbm4b:s1+s3], $0x80, v3, vm0, $0x2000b8;
	[tilespmem:$0x10100] =	vst v63  }
0x3a: {  	v3 =	vld [tilespmem:s22+$0x20];
	_ =	sdelay $0x4  }
0x3b: {  	v58 =	vshll.u32 v3, $0x1  }
0x3c: {  	v3 =	vand.u32 $0x7, v3;
	v4 =	vand.u32 $0xFFFFFFF0, v58  }
0x3d: {  	v3 =	vor.u32 v3, v4  }
0x3e: {  	v4 =	vperm.xlane v3, v0;
	_ =	sdelay $0x1  }
0x3f: {  	v3 =	vperm.xlane v3, v2;
	v4 =	vadd.s32 v1, v4;
	_ =	sdelay $0x1  }
0x40: {  	v3 =	vadd.s32 v1, v3;
	_ =	sdelay $0x1  }
0x41: {  	s28 =	sor.u32 $0x2100, s21  }
0x42: {  	[tilespmem:s28], [sflag:$0x5] =	stream.indirect_vreg.gather [hbm4b:s1+s3], $0x80, v4, vm0, $0x2000b8;
	[tilespmem:$0x10100] =	vst v63  }
0x43: {  	s29 =	sor.u32 $0x2900, s21  }
0x44: {  	[tilespmem:s29], [sflag:$0x5] =	stream.indirect_vreg.gather [hbm4b:s1+s3], $0x80, v3, vm0, $0x2000b8;
	[tilespmem:$0x10100] =	vst v63  }
0x45: {  	v3 =	vld [tilespmem:s22+$0x30];
	_ =	sdelay $0x4  }
0x46: {  	v59 =	vshll.u32 v3, $0x1  }
0x47: {  	v3 =	vand.u32 $0x7, v3;
	v4 =	vand.u32 $0xFFFFFFF0, v59  }
0x48: {  	v3 =	vor.u32 v3, v4  }
0x49: {  	v4 =	vperm.xlane v3, v0;
	_ =	sdelay $0x1  }
0x4a: {  	v3 =	vperm.xlane v3, v2;
	v4 =	vadd.s32 v1, v4;
	_ =	sdelay $0x1  }
0x4b: {  	v3 =	vadd.s32 v1, v3;
	_ =	sdelay $0x1  }
0x4c: {  	s30 =	sor.u32 $0x3100, s21  }
0x4d: {  	[tilespmem:s30], [sflag:$0x5] =	stream.indirect_vreg.gather [hbm4b:s1+s3], $0x80, v4, vm0, $0x2000b8;
	[tilespmem:$0x10100] =	vst v63  }
0x4e: {  	s31 =	sor.u32 $0x3900, s21  }
0x4f: {  	[tilespmem:s31], [sflag:$0x5] =	stream.indirect_vreg.gather [hbm4b:s1+s3], $0x80, v3, vm0, $0x2000b8;
	[tilespmem:$0x10100] =	vst v63  }
0x50: {  	v3 =	vld [tilespmem:s22+$0x40];
	_ =	sdelay $0x4  }
0x51: {  	v60 =	vshll.u32 v3, $0x1  }
0x52: {  	v3 =	vand.u32 $0x7, v3;
	v4 =	vand.u32 $0xFFFFFFF0, v60  }
0x53: {  	v3 =	vor.u32 v3, v4  }
0x54: {  	v4 =	vperm.xlane v3, v0;
	_ =	sdelay $0x1  }
0x55: {  	v3 =	vperm.xlane v3, v2;
	v4 =	vadd.s32 v1, v4;
	_ =	sdelay $0x1  }
0x56: {  	v3 =	vadd.s32 v1, v3;
	_ =	sdelay $0x1  }
0x57: {  	s24 =	sor.u32 $0x4100, s21  }
0x58: {  	[tilespmem:s24], [sflag:$0x5] =	stream.indirect_vreg.gather [hbm4b:s1+s3], $0x80, v4, vm0, $0x2000b8;
	[tilespmem:$0x10100] =	vst v63  }
0x59: {  	s25 =	sor.u32 $0x4900, s21  }
0x5a: {  	[tilespmem:s25], [sflag:$0x5] =	stream.indirect_vreg.gather [hbm4b:s1+s3], $0x80, v3, vm0, $0x2000b8;
	[tilespmem:$0x10100] =	vst v63  }
0x5b: {  	v3 =	vld [tilespmem:s22+$0x50];
	_ =	sdelay $0x4  }
0x5c: {  	v61 =	vshll.u32 v3, $0x1  }
0x5d: {  	v3 =	vand.u32 $0x7, v3;
	v4 =	vand.u32 $0xFFFFFFF0, v61  }
0x5e: {  	v3 =	vor.u32 v3, v4  }
0x5f: {  	v4 =	vperm.xlane v3, v0;
	_ =	sdelay $0x1  }
0x60: {  	v3 =	vperm.xlane v3, v2;
	v4 =	vadd.s32 v1, v4;
	_ =	sdelay $0x1  }
0x61: {  	v3 =	vadd.s32 v1, v3;
	_ =	sdelay $0x1  }
0x62: {  	s26 =	sor.u32 $0x5100, s21  }
0x63: {  	[tilespmem:s26], [sflag:$0x5] =	stream.indirect_vreg.gather [hbm4b:s1+s3], $0x80, v4, vm0, $0x2000b8;
	[tilespmem:$0x10100] =	vst v63  }
0x64: {  	s28 =	sor.u32 $0x5900, s21  }
0x65: {  	[tilespmem:s28], [sflag:$0x5] =	stream.indirect_vreg.gather [hbm4b:s1+s3], $0x80, v3, vm0, $0x2000b8;
	[tilespmem:$0x10100] =	vst v63  }
0x66: {  	v3 =	vld [tilespmem:s22+$0x60];
	_ =	sdelay $0x4  }
0x67: {  	v62 =	vshll.u32 v3, $0x1  }
0x68: {  	v3 =	vand.u32 $0x7, v3;
	v4 =	vand.u32 $0xFFFFFFF0, v62  }
0x69: {  	v3 =	vor.u32 v3, v4  }
0x6a: {  	v4 =	vperm.xlane v3, v0;
	_ =	sdelay $0x1  }
0x6b: {  	v3 =	vperm.xlane v3, v2;
	v4 =	vadd.s32 v1, v4;
	_ =	sdelay $0x1  }
0x6c: {  	v3 =	vadd.s32 v1, v3;
	_ =	sdelay $0x1  }
0x6d: {  	s29 =	sor.u32 $0x6100, s21  }
0x6e: {  	[tilespmem:s29], [sflag:$0x5] =	stream.indirect_vreg.gather [hbm4b:s1+s3], $0x80, v4, vm0, $0x2000b8;
	[tilespmem:$0x10100] =	vst v63  }
0x6f: {  	s30 =	sor.u32 $0x6900, s21  }
0x70: {  	[tilespmem:s30], [sflag:$0x5] =	stream.indirect_vreg.gather [hbm4b:s1+s3], $0x80, v3, vm0, $0x2000b8;
	[tilespmem:$0x10100] =	vst v63  }
0x71: {  	v3 =	vld [tilespmem:s22+$0x70];
	_ =	sdelay $0x4  }
0x72: {  	v63 =	vshll.u32 v3, $0x1  }
0x73: {  	v3 =	vand.u32 $0x7, v3;
	v4 =	vand.u32 $0xFFFFFFF0, v63  }
0x74: {  	v3 =	vor.u32 v3, v4  }
0x75: {  	v4 =	vperm.xlane v3, v0;
	_ =	sdelay $0x1  }
0x76: {  	v3 =	vperm.xlane v3, v2;
	v4 =	vadd.s32 v1, v4;
	_ =	sdelay $0x1  }
0x77: {  	v3 =	vadd.s32 v1, v3;
	_ =	sdelay $0x1  }
0x78: {  	s31 =	sor.u32 $0x7100, s21  }
0x79: {  	[tilespmem:s31], [sflag:$0x5] =	stream.indirect_vreg.gather [hbm4b:s1+s3], $0x80, v4, vm0, $0x2000b8;
	[tilespmem:$0x10100] =	vst v63  }
0x7a: {  	s21 =	sor.u32 $0x7900, s21  }
0x7b: {  	[tilespmem:s21], [sflag:$0x5] =	stream.indirect_vreg.gather [hbm4b:s1+s3], $0x80, v3, vm0, $0x2000b8;
	[tilespmem:$0x10100] =	vst v63  }
0x7c: {  	_ =	swait.ge [sflag:s10], $0x8000  }
0x7d: {  	p2 =	seq.s32 s8, s17;
	[sflag:s10] =	ssyncset.done $0x0  }
0x7e: {  	s18 =	sadd.s32 s4, s18;
	p1 =	por p2, p1;
	[sflag:s10] =	ssyncadd.s32 $0xFFFF8000  }
0x7f: {  	s18 =	sshll.u32 @p1 s18, $0xC;
	_ =	strace $0x9000004B  }
0x80: {  	s18 =	sand.u32 @p1 $0x1FFFF000, s18;
	s22 =	simm.s32 $0x1;
	_ =	strace @p1 $0x8000004C  }
0x81: {  	s19 =	sadd.s32 @p1 $0x3, s19;
	s22 =	simm.s32 @!p0 $0x0;
	s21 =	rddreg [dreg:$0x3]  }
0x82: {  	p0 =	seq.s32 s17, $0x0;
	s18 =	sadd.s32 @p1 s21, s18;
	s21 =	simm.s32 @p1 $0x0  }
0x83: {  	[hbm4b:s18+s21] =	stream.linear.scatter @p1 [tilespmem:s20], [sflag:s19], $0x8000, $0x200038;
	[tilespmem:$0x10100] =	vst v63  }
0x84: {  	s18 =	simm.s32 $0x1;
	s20 =	simm.s32 $0x1;
	_ =	strace @p1 $0x9000004C  }
0x85: {  	s18 =	simm.s32 @!p1 $0x0;
	p1 =	sne.s32 s17, $0x0;
	s17 =	sadd.s32 $0x1, s17  }
0x86: {  	s19 =	sand.u32 @!p0 $0x1, s12;
	s20 =	simm.s32 @!p1 $0x0;
	p1 =	sne.s32 s6, s17  }
.Ltmp0:
0x87: {  	s19 =	sadd.s32 @!p0 $0x3, s19;
	_ =	strace @!p0 $0x8000004D;
	(pc) =	sbr.rel @p1 .LBB2_2-.Ltmp0, $4  }
0x88: {  	_ =	swait.ge @!p0 [sflag:s19], $0x8000  }
0x89: {  	[sflag:s19] =	ssyncset.done @!p0 $0x0  }
0x8a: {  	s16 =	sadd.s32 s22, s16;
	s14 =	sadd.s32 s18, s14;
	[sflag:s19] =	ssyncadd.s32 @!p0 $0xFFFF8000  }
0x8b: {  	s15 =	sadd.s32 s18, s15;
	s12 =	sadd.s32 s20, s12;
	_ =	strace @!p0 $0x9000004D  }
0x8c: {  	s11 =	sadd.s32 $0x1, s11  }
0x8d: {  	s12 =	sand.u32 $0x1, s12;
	p0 =	sne.s32 s11, s9  }
.Ltmp1:
0x8e: {  	_ =	strace $0x8000004E;
	s12 =	sadd.s32 $0x3, s12;
	(pc) =	sbr.rel @p0 .LBB2_1-.Ltmp1, $4  }
0x8f: {  	_ =	swait.ge [sflag:s12], $0x8000  }
0x90: {  	[sflag:s12] =	ssyncset.done $0x0  }
0x91: {  	[sflag:s12] =	ssyncadd.s32 $0xFFFF8000  }
0x92: {  	_ =	strace $0x9000004E  }
0x93: {  	_ =	sfence.sel $0x180000  }
0x94: {  	[bflag:$0x0] =	sbarrier.arrive $0xFFFF  }
0x95: {  	p0 =	sne.s32 s2, $0x0;
	_ =	strace $0x90000047  }
0x96: {  	s0 =	sadd.s32 @!p0 $0x100000, s0;
	[bflag:$0x2] =	sbarrier.arrive $0xFFFF  }
0x97: {  	[sflag:s0] =	ssyncadd.tile.s32 @!p0 $0x1;
	_ =	shalt  }
.Lfunc_end2:
_tile_overlayer_lowered:
.L_overlay_start_2:
0x98: {  	(tag) =	ssettag $0x2  }
0x99: {  	s0 =	rddreg [dreg:$0x0];
	s2 =	stileid.u32  }
0x9a: {  	s1 =	rddreg [dreg:$0x1];
	p0 =	sne.s32 s2, $0x0  }
0x9b: {  	s3 =	rddreg [dreg:$0x2];
	[bflag:$0x3] =	sbarrier.arrive $0xFFFF;
	s2 =	simm.s32 @!p0 $0x1C01  }
0x9c: {  	[timem:s3], [sflag:s2] =	dma.local @!p0 [hbm:s0], s1  }
0x9d: {  	s0 =	simm.s32 @!p0 $0x1  }
0x9e: {  	_ =	swait.ge @!p0 [sflag:s0], s1  }
0x9f: {  	s1 =	ssub.s32 @!p0 $0x0, s1;
	[sflag:s0] =	ssyncset.done @!p0 $0x0  }
0xa0: {  	[sflag:s0] =	ssyncadd.s32 @!p0 s1  }
0xa1: {  	[bflag:$0x3] =	sbarrier.arrive $0xFFFF  }
0xa2: {  	_ =	shalt  }

// kernel: kernel.19.cloned.1.call-start
scs
__scs_entry_jumppad:
0x0: {  	(pc) =	sbr.rel $0x88, $3  }
0x1: {  	(tag) =	ssettag $0x0;
	lr =	simm.s32 $0x1  }
0x2: {  	[smem:$0x3F99] =	sst lr;
	_ =	strace $0xD0000000  }
0x3: {  	_ = 	snop  }
0x4: {  	_ = 	snop  }
0x5: {  	_ = 	snop  }
0x6: {  	_ = 	snop  }
0x7: {  	_ = 	snop  }
__scs_overlays_trampoline_lowered:
0x8: {  	[smem:$0x3FA8] =	sst s0  }
0x9: {  	[smem:$0x3FA9] =	sst s1  }
0xa: {  	[smem:$0x3FAA] =	sst s2  }
0xb: {  	[smem:$0x3FAB] =	sst s3  }
0xc: {  	[smem:$0x3FAC] =	sst s4  }
0xd: {  	[smem:$0x3FAD] =	sst s5  }
0xe: {  	[smem:$0x3FAE] =	sst s6  }
0xf: {  	[smem:$0x3FAF] =	sst s7  }
0x10: {  	[smem:$0x3FB0] =	sst s8  }
0x11: {  	[smem:$0x3FB1] =	sst s9;
	s0 =	simm.s32 @!p0 $0x0  }
0x12: {  	s1 =	sld [smem:$0x3F97];
	s0 =	simm.s32 @p0 $0x1  }
0x13: {  	[smem:$0x3FB2] =	sst s0;
	s0 =	simm.s32 @!p1 $0x0  }
0x14: {  	s2 =	sld [smem:$0x3F96];
	s0 =	simm.s32 @p1 $0x1  }
0x15: {  	[smem:$0x3FB3] =	sst s0;
	s0 =	simm.s32 @!p2 $0x0  }
0x16: {  	s3 =	sld [smem:$0x3FDB];
	s0 =	simm.s32 @p2 $0x1  }
0x17: {  	s4 =	simm.s32 $0x1BF5;
	[smem:$0x3FB5] =	sst s0  }
0x18: {  	s0 =	sld [smem:$0x3F98];
	_ =	swait.ge [sflag:s4], $0x0  }
0x19: {  	s7 =	sld [smem:$0x3F99]  }
0x1a: {  	s8 =	sadd.s32 $0xFFFFE003, lr  }
0x1b: {  	s9 =	sadd.s32 $0xFFFFFEF7, lr;
	s5 =	simm.s32 $0xFFFFFFFF;
	p2 =	slt.u32 s8, $0xFFFFF086  }
0x1c: {  	p1 =	slt.u32 s9, $0xF7A;
	s5 =	simm.s32 @!p2 $0x0  }
0x1d: {  	s5 =	simm.s32 @p1 $0x1;
	p0 =	seq.s32 s7, s2  }
0x1e: {  	s7 =	smul.u32 @!p0 $0xF7A, s2;
	p2 =	seq.s32 @!p0 s5, $0x0  }
0x1f: {  	s9 =	smul.u32 $0xF7A, s1;
	s8 =	simm.s32 @!p0 $0x1BF5;
	p2 =	por !p2, p0  }
0x20: {  	[sflag:s8] =	ssyncset.s32 @!p0 $0xFFFFF086;
	s6 =	sadd.s32 @!p0 s3, s7;
	s7 =	simm.s32 @!p0 $0x108  }
0x21: {  	s3 =	sadd.s32 s3, s9;
	s6 =	sadd.s32 @!p0 $0x88, s6;
	s7 =	simm.s32 @p2 $0x1082  }
0x22: {  	[simem:s7], [sflag:s8] =	dma.local @!p0 [hbm:s6], $0xF7A  }
0x23: {  	s9 =	sor.u32 $0xD0000000, s2;
	s6 =	simm.s32 $0x108;
	_ =	swait.ge @!p0 [sflag:s8], $0x0  }
0x24: {  	s3 =	sadd.s32 $0x88, s3;
	s6 =	simm.s32 @!p1 $0x1082;
	[sflag:s4] =	ssyncset.s32 $0xFFFFF086  }
0x25: {  	[simem:s6], [sflag:s4] =	dma.local [hbm:s3], $0xF7A  }
0x26: {  	[smem:$0x3F99] =	sst s1;
	(tag) =	ssettag s2;
	_ =	strace s9  }
0x27: {  	s1 =	sld [smem:$0x3FA9]  }
0x28: {  	s2 =	sld [smem:$0x3FAA]  }
0x29: {  	s4 =	sld [smem:$0x3FAC]  }
0x2a: {  	p0 =	seq.s32 s5, $0x0;
	s5 =	sld [smem:$0x3FAD]  }
0x2b: {  	s6 =	sld [smem:$0x3FAE]  }
0x2c: {  	s7 =	sld [smem:$0x3FAF]  }
0x2d: {  	s3 =	simm.s32 $0x108;
	s8 =	sld [smem:$0x3FB0]  }
0x2e: {  	s3 =	simm.s32 @!p0 $0x1082;
	s9 =	sld [smem:$0x3FB1]  }
0x2f: {  	lr =	sadd.s32 s0, s3;
	s0 =	sld [smem:$0x3FA8]  }
0x30: {  	s3 =	sld [smem:$0x3FAB]  }
0x31: {  	[smem:$0x3FB4] =	sst s10  }
0x32: {  	s10 =	sld [smem:$0x3FB2];
	_ =	sdelay $0x3  }
0x33: {  	p0 =	seq.s32 s10, $0x1;
	s10 =	sld [smem:$0x3FB4];
	_ =	sdelay $0x3  }
0x34: {  	[smem:$0x3FB4] =	sst s10  }
0x35: {  	s10 =	sld [smem:$0x3FB3];
	_ =	sdelay $0x3  }
0x36: {  	p1 =	seq.s32 s10, $0x1;
	s10 =	sld [smem:$0x3FB4];
	_ =	sdelay $0x3  }
0x37: {  	[smem:$0x3FB4] =	sst s10  }
0x38: {  	s10 =	sld [smem:$0x3FB5]  }
0x39: {  	_ = 	snop;
	(pc) =	sbr.ind lr, $3  }
0x3a: {  	_ = 	snop  }
0x3b: {  	_ = 	snop  }
0x3c: {  	p2 =	seq.s32 s10, $0x1;
	s10 =	sld [smem:$0x3FB4]  }
0x3d: {  	_ =	shalt  }
0x3e: {  	_ =	shalt  }
0x3f: {  	_ =	shalt  }
0x40: {  	_ =	shalt  }
0x41: {  	_ =	shalt  }
0x42: {  	_ =	shalt  }
0x43: {  	_ =	shalt  }
0x44: {  	_ =	shalt  }
0x45: {  	_ =	shalt  }
0x46: {  	_ =	shalt  }
0x47: {  	_ =	shalt  }
0x48: {  	_ =	shalt  }
0x49: {  	_ =	shalt  }
0x4a: {  	_ =	shalt  }
0x4b: {  	_ =	shalt  }
0x4c: {  	_ =	shalt  }
0x4d: {  	_ =	shalt  }
0x4e: {  	_ =	shalt  }
0x4f: {  	_ =	shalt  }
0x50: {  	_ =	shalt  }
0x51: {  	_ =	shalt  }
0x52: {  	_ =	shalt  }
0x53: {  	_ =	shalt  }
0x54: {  	_ =	shalt  }
0x55: {  	_ =	shalt  }
0x56: {  	_ =	shalt  }
0x57: {  	_ =	shalt  }
0x58: {  	_ =	shalt  }
0x59: {  	_ =	shalt  }
0x5a: {  	_ =	shalt  }
0x5b: {  	_ =	shalt  }
0x5c: {  	_ =	shalt  }
0x5d: {  	_ =	shalt  }
0x5e: {  	_ =	shalt  }
0x5f: {  	_ =	shalt  }
0x60: {  	_ =	shalt  }
0x61: {  	_ =	shalt  }
0x62: {  	_ =	shalt  }
0x63: {  	_ =	shalt  }
0x64: {  	_ =	shalt  }
0x65: {  	_ =	shalt  }
0x66: {  	_ =	shalt  }
0x67: {  	_ =	shalt  }
0x68: {  	_ =	shalt  }
0x69: {  	_ =	shalt  }
0x6a: {  	_ =	shalt  }
0x6b: {  	_ =	shalt  }
0x6c: {  	_ =	shalt  }
0x6d: {  	_ =	shalt  }
0x6e: {  	_ =	shalt  }
0x6f: {  	_ =	shalt  }
0x70: {  	_ =	shalt  }
0x71: {  	_ =	shalt  }
0x72: {  	_ =	shalt  }
0x73: {  	_ =	shalt  }
0x74: {  	_ =	shalt  }
0x75: {  	_ =	shalt  }
0x76: {  	_ =	shalt  }
0x77: {  	_ =	shalt  }
0x78: {  	_ =	shalt  }
0x79: {  	_ =	shalt  }
0x7a: {  	_ =	shalt  }
0x7b: {  	_ =	shalt  }
0x7c: {  	_ =	shalt  }
0x7d: {  	_ =	shalt  }
0x7e: {  	_ =	shalt  }
0x7f: {  	_ =	shalt  }
0x80: {  	_ =	shalt  }
0x81: {  	_ =	shalt  }
0x82: {  	_ =	shalt  }
0x83: {  	_ =	shalt  }
0x84: {  	_ =	shalt  }
0x85: {  	_ =	shalt  }
0x86: {  	_ =	shalt  }
0x87: {  	_ =	shalt  }
.Lfunc_end0:
.L_simem_size_0:
called_computation.3_lowered:
.L_overlay_start_0:
0x88: {  	s2 =	sld [smem:$0x3FD9]  }
0x89: {  	s3 =	sld [smem:$0x3FFE];
	_ =	sdelay $0x1  }
0x8a: {  	s1 =	srdreg.scid  }
0x8b: {  	s0 =	sand.u32 $0x1, s1  }
0x8c: {  	s17 =	sshll.u32 s0, $0xA;
	s2 =	sadd.s32 s3, s2  }
0x8d: {  	s2 =	sadd.s32 s2, s17  }
0x8e: {  	[smem:$0x3FC0] =	sst s2  }
0x8f: {  	_ = 	snop  }
0x90: {  	s18 =	sld [smem:$0x3FC7];
	(tm) =	ssettm $0x1  }
0x91: {  	s19 =	sld [smem:$0x3FFB];
	_ =	sdelay $0x3  }
0x92: {  	_ =	strace s19  }
0x93: {  	s2 =	sld [smem:$0x3FFC];
	_ =	sdelay $0x3  }
0x94: {  	_ =	strace s2  }
0x95: {  	s2 =	sld [smem:$0x3FFD];
	_ =	sdelay $0x3  }
0x96: {  	_ =	strace s2  }
0x97: {  	_ =	strace $0x8FFFFFFF  }
0x98: {  	s20 =	sld [smem:$0x3FDB];
	_ =	sdelay $0x1  }
0x99: {  	s4 =	simm.s32 $_scs_section_size  }
0x9a: {  	s5 =	simm.s32 $_size__tile_overlayer_lowered;
	s6 =	simm.s32 $_tile_overlayer_lowered  }
0x9b: {  	s7 =	simm.s32 $0x1BFF;
	s21 =	sshll.u32 s6, $0x1;
	s4 =	sadd.s32 s4, s20  }
0x9c: {  	s22 =	simm.s32 $0x0;
	s5 =	sshll.u32 s5, $0x1;
	s6 =	sadd.s32 s21, s4  }
0x9d: {  	[timem:s22], [sflag:s7] =	dma.local [hbm:s6], s5  }
0x9e: {  	_ =	swait.ge [sflag:s7], s5  }
0x9f: {  	s5 =	ssub.s32 $0x0, s5;
	[sflag:s7] =	ssyncset.done $0x0  }
0xa0: {  	[sflag:s7] =	ssyncadd.s32 s5;
	_ =	sdelay $0x1  }
0xa1: {  	s23 =	simm.s32 $0x1B8B  }
0xa2: {  	_ =	swait.ge [sflag:s23], $0x1  }
0xa3: {  	[sflag:s23] =	ssyncset.done $0x0  }
0xa4: {  	[sflag:s23] =	ssyncadd.s32 $0xFFFFFFFF  }
0xa5: {  	s5 =	sld [smem:$0x0]  }
0xa6: {  	s6 =	sand.u32 $0xFFFFFFFE, s1  }
0xa7: {  	p0 =	sne.s32 s1, s6  }
0xa8: {  	s6 =	sshll.u32 @p0 s6, $0xE  }
0xa9: {  	s6 =	sadd.s32 @p0 $0x11B8D, s6;
	s7 =	sshll.u32 @p0 s5, $0x11  }
0xaa: {  	s6 =	sor.u32 @p0 s7, s6  }
0xab: {  	[sflag:s6] =	ssyncadd.remote.s32 @p0 $0x1;
	_ =	sdelay $0x1  }
0xac: {  	s6 =	simm.s32 @p0 $0x1B8D  }
0xad: {  	_ =	swait.eq @p0 [sflag:s6], $0x1  }
0xae: {  	[sflag:s6] =	ssyncadd.s32 @p0 $0xFFFFFFFF  }
0xaf: {  	s7 =	sshll.u32 @!p0 s1, $0xE  }
0xb0: {  	s7 =	sor.u32 @!p0 $0x4000, s7;
	s6 =	simm.s32 @!p0 $0x1B8D  }
0xb1: {  	s5 =	sshll.u32 @!p0 s5, $0x11;
	s7 =	sadd.s32 @!p0 $0x11B8D, s7;
	_ =	swait.eq @!p0 [sflag:s6], $0x1  }
0xb2: {  	s5 =	sor.u32 @!p0 s5, s7;
	[sflag:s6] =	ssyncadd.s32 @!p0 $0xFFFFFFFF  }
0xb3: {  	s25 =	simm.s32 $0x1B8E;
	s24 =	sld [smem:$0x3FFE];
	[sflag:s5] =	ssyncadd.remote.s32 @!p0 $0x1  }
0xb4: {  	s26 =	simm.s32 $execute0_lowered;
	[smem:$0x3FD2] =	sst s25  }
0xb5: {  	s6 =	sshll.u32 s26, $0x1;
	_ =	strace $0x80000050;
	[dreg:$0x1] =	wrdreg $0xFFFFFFFF  }
0xb6: {  	s28 =	simm.s32 $_size_execute0_lowered;
	s4 =	sadd.s32 s4, s6;
	[dreg:$0x0] =	wrdreg $0x0  }
0xb7: {  	s6 =	sshll.u32 s28, $0x1;
	[dreg:$0x2] =	wrdreg s4  }
0xb8: {  	[dreg:$0x3] =	wrdreg s6  }
0xb9: {  	[dreg:$0x4] =	wrdreg $0xC0  }
0xba: {  	_ =	task [dreg:s22], $0x5FFFF  }
0xbb: {  	[dreg:$0x1] =	wrdreg $0xFFFFFFFF  }
0xbc: {  	[dreg:$0x0] =	wrdreg $0x60  }
0xbd: {  	[dreg:$0x2] =	wrdreg s18  }
0xbe: {  	[dreg:$0x3] =	wrdreg s24  }
0xbf: {  	[dreg:$0x4] =	wrdreg $0xC  }
0xc0: {  	_ =	task.clear_ibuf [dreg:s22], $0x5FFFF;
	_ =	strace $0x90000050  }
0xc1: {  	s29 =	simm.s32 $0xC;
	_ =	strace $0x80000059  }
0xc2: {  	_ =	swait.ge [sflag:s29], $0x1  }
0xc3: {  	[sflag:s29] =	ssyncadd.s32 $0xFFFFFFFF  }
0xc4: {  	_ =	strace $0x90000059  }
0xc5: {  	_ =	sfence  }
0xc6: {  	s30 =	sld [smem:$0x0];
	_ =	sdelay $0x2  }
0xc7: {  	s31 =	sshll.u32 s1, $0xD;
	s1 =	sshrl.u32 s1, $0x2  }
0xc8: {  	s4 =	sand.u32 $0x4000, s31;
	s1 =	sadd.s32 s1, s30  }
0xc9: {  	s0 =	sor.u32 s4, s0;
	s1 =	sshll.u32 s1, $0x11  }
0xca: {  	s0 =	sor.u32 s1, s0  }
0xcb: {  	s0 =	sadd.s32 $0x8F2B, s0  }
0xcc: {  	[sflag:s0] =	ssyncadd.remote.s32 $0x1  }
0xcd: {  	_ =	sfence.sel $0xFFFF  }
0xce: {  	[dreg:$0x0] =	wrdreg $0xFFFFFFFF;
	(pc) =	sbr.abs _section_cstart, $3  }
0xcf: {  	[dreg:$0x1] =	wrdreg $0xFFFFFFFF  }
0xd0: {  	_ =	task.clear_ibuf [dreg:s22], $0x2FFFF;
	_ =	strace $0x9FFFFFFF  }
0xd1: {  	(tm) =	ssettm $0x7FFFFFFF  }
tec
execute0_lowered:
.L_overlay_start_1:
0x0: {  	(tag) =	ssettag $0x1  }
0x1: {  	s1 =	rddreg [dreg:$0x0]  }
0x2: {  	s5 =	rddreg [dreg:$0x1]  }
0x3: {  	s2 =	srdreg.scid;
	s0 =	rddreg [dreg:$0x2]  }
0x4: {  	s3 =	simm.s32 $0x0;
	s10 =	simm.s32 $0x5;
	s6 =	sand.u32 $0x1, s2  }
0x5: {  	s11 =	simm.s32 $0x0;
	s2 =	stileid.u32;
	s4 =	sshll.u32 s6, $0x4  }
0x6: {  	[smem:$0x7FF] =	sst s3;
	s9 =	sadd.s32 $0x10D800, s5;
	s4 =	sor.u32 s2, s4  }
0x7: {  	s5 =	sadd.s32 $0x10C600, s5;
	s7 =	smul.u32 $0x9, s4;
	s8 =	sshll.u32 s4, $0x3  }
0x8: {  	_ =	strace $0x80000051;
	p0 =	slt.u32 s4, $0x8;
	s4 =	sadd.s32 $0x8, s8  }
0x9: {  	[dreg:$0x3] =	wrdreg s9;
	s29 =	ssub.s32 $0x2, s6;
	s4 =	smov.u32 @p0 s7  }
0xa: {  	v2 =	vlaneseq.u32;
	s6 =	simm.s32 $0x9;
	s31 =	sshrl.u32 s29, $0x1;
	s30 =	sshll.u32 s4, $0x4  }
0xb: {  	vm0 =	vmmov $0xffff;
	v1 =	vshrl.u32 v2, $0x3;
	s9 =	ssub.s32 s29, s31;
	s6 =	simm.s32 @!p0 $0x8;
	s8 =	sand.u32 $0x1FFFFFF0, s30  }
0xc: {  	v0 =	vand.u32 $0x7, v2;
	v2 =	vor.u32 $0x8, v2;
	v1 =	vmul.u32 $0x8, v1;
	s9 =	smax.u32 s9, $0x1;
	s7 =	sadd.s32 s5, s8;
	s8 =	sadd.s32 $0xFFFFFFFF, s6  }
.LBB2_1:
0xd: {  	_ =	strace $0x80000052;
	s13 =	simm.s32 $0x0  }
0xe: {  	s12 =	simm.s32 $0x0;
	s14 =	simm.s32 $0x0;
	s15 =	simm.s32 $0x0  }
0xf: {  	[tilespmem:s3], [sflag:$0x1] =	stream.linear.gather [hbm4b:s7+s3], $0x80, $0x200038;
	[tilespmem:$0x10100] =	vst v63  }
0x10: {  	s16 =	simm.s32 $0x1;
	s17 =	simm.s32 $0x0;
	_ =	strace $0x90000052  }
.LBB2_2:
0x11: {  	s18 =	smov.u32 s13;
	s13 =	sadd.s32 $0x1, s13  }
0x12: {  	p0 =	seq.s32 s13, s6  }
0x13: {  	s13 =	simm.s32 @p0 $0x0  }
0x14: {  	p6 =	slt.u32 s17, s8;
	p1 =	sne.s32 s18, s13  }
0x15: {  	p0 =	por !p6, !p1  }
0x16: {  	p0 =	por !p0, !p0  }
0x17: {  	s19 =	sadd.s32 @p0 s4, s13  }
0x18: {  	s20 =	sand.u32 @p0 $0x1, s16;
	s19 =	sshll.u32 @p0 s19, $0x4  }
0x19: {  	_ =	strace @p0 $0x80000053;
	s22 =	simm.s32 @p0 $0x0;
	s19 =	sand.u32 @p0 $0x1FFFFFF0, s19  }
0x1a: {  	s21 =	sshll.u32 @p0 s20, $0x7;
	s20 =	sadd.s32 @p0 $0x1, s20;
	s19 =	sadd.s32 @p0 s5, s19  }
0x1b: {  	[tilespmem:s21], [sflag:s20] =	stream.linear.gather @p0 [hbm4b:s19+s22], $0x80, $0x200038;
	[tilespmem:$0x10100] =	vst v63  }
0x1c: {  	s23 =	sand.u32 $0x1, s15;
	_ =	strace @p0 $0x90000053  }
0x1d: {  	s19 =	sadd.s32 $0x1, s23;
	_ =	strace $0x80000054  }
0x1e: {  	_ =	swait.ge [sflag:s19], $0x80  }
0x1f: {  	[sflag:s19] =	ssyncset.done $0x0  }
0x20: {  	[sflag:s19] =	ssyncadd.s32 $0xFFFFFF80  }
0x21: {  	s24 =	sshll.u32 s15, $0x7;
	_ =	strace $0x90000054  }
0x22: {  	s22 =	sand.u32 $0x80, s24;
	_ =	strace $0x80000055  }
0x23: {  	v3 =	vld [tilespmem:s22+$0x0];
	_ =	sdelay $0x4  }
0x24: {  	v4 =	vshll.u32 v3, $0x1  }
0x25: {  	v3 =	vand.u32 $0x7, v3;
	v4 =	vand.u32 $0xFFFFFFF0, v4  }
0x26: {  	v3 =	vor.u32 v3, v4  }
0x27: {  	v4 =	vperm.xlane v3, v0;
	_ =	sdelay $0x1  }
0x28: {  	v3 =	vperm.xlane v3, v2;
	v4 =	vadd.s32 v1, v4;
	_ =	sdelay $0x1  }
0x29: {  	s19 =	sand.u32 $0x1, s14;
	v3 =	vadd.s32 v1, v3  }
0x2a: {  	s21 =	sshll.u32 s19, $0xF  }
0x2b: {  	s20 =	sor.u32 $0x100, s21  }
0x2c: {  	[tilespmem:s20], [sflag:$0x5] =	stream.indirect_vreg.gather [hbm4b:s1+s3], $0x80, v4, vm0, $0x2000b8;
	[tilespmem:$0x10100] =	vst v63  }
0x2d: {  	s23 =	sor.u32 $0x900, s21  }
0x2e: {  	[tilespmem:s23], [sflag:$0x5] =	stream.indirect_vreg.gather [hbm4b:s1+s3], $0x80, v3, vm0, $0x2000b8;
	[tilespmem:$0x10100] =	vst v63  }
0x2f: {  	v3 =	vld [tilespmem:s22+$0x10];
	_ =	sdelay $0x4  }
0x30: {  	v57 =	vshll.u32 v3, $0x1  }
0x31: {  	v3 =	vand.u32 $0x7, v3;
	v4 =	vand.u32 $0xFFFFFFF0, v57  }
0x32: {  	v3 =	vor.u32 v3, v4  }
0x33: {  	v4 =	vperm.xlane v3, v0;
	_ =	sdelay $0x1  }
0x34: {  	v3 =	vperm.xlane v3, v2;
	v4 =	vadd.s32 v1, v4;
	_ =	sdelay $0x1  }
0x35: {  	v3 =	vadd.s32 v1, v3;
	_ =	sdelay $0x1  }
0x36: {  	s25 =	sor.u32 $0x1100, s21  }
0x37: {  	[tilespmem:s25], [sflag:$0x5] =	stream.indirect_vreg.gather [hbm4b:s1+s3], $0x80, v4, vm0, $0x2000b8;
	[tilespmem:$0x10100] =	vst v63  }
0x38: {  	s26 =	sor.u32 $0x1900, s21  }
0x39: {  	[tilespmem:s26], [sflag:$0x5] =	stream.indirect_vreg.gather [hbm4b:s1+s3], $0x80, v3, vm0, $0x2000b8;
	[tilespmem:$0x10100] =	vst v63  }
0x3a: {  	v3 =	vld [tilespmem:s22+$0x20];
	_ =	sdelay $0x4  }
0x3b: {  	v58 =	vshll.u32 v3, $0x1  }
0x3c: {  	v3 =	vand.u32 $0x7, v3;
	v4 =	vand.u32 $0xFFFFFFF0, v58  }
0x3d: {  	v3 =	vor.u32 v3, v4  }
0x3e: {  	v4 =	vperm.xlane v3, v0;
	_ =	sdelay $0x1  }
0x3f: {  	v3 =	vperm.xlane v3, v2;
	v4 =	vadd.s32 v1, v4;
	_ =	sdelay $0x1  }
0x40: {  	v3 =	vadd.s32 v1, v3;
	_ =	sdelay $0x1  }
0x41: {  	s28 =	sor.u32 $0x2100, s21  }
0x42: {  	[tilespmem:s28], [sflag:$0x5] =	stream.indirect_vreg.gather [hbm4b:s1+s3], $0x80, v4, vm0, $0x2000b8;
	[tilespmem:$0x10100] =	vst v63  }
0x43: {  	s29 =	sor.u32 $0x2900, s21  }
0x44: {  	[tilespmem:s29], [sflag:$0x5] =	stream.indirect_vreg.gather [hbm4b:s1+s3], $0x80, v3, vm0, $0x2000b8;
	[tilespmem:$0x10100] =	vst v63  }
0x45: {  	v3 =	vld [tilespmem:s22+$0x30];
	_ =	sdelay $0x4  }
0x46: {  	v59 =	vshll.u32 v3, $0x1  }
0x47: {  	v3 =	vand.u32 $0x7, v3;
	v4 =	vand.u32 $0xFFFFFFF0, v59  }
0x48: {  	v3 =	vor.u32 v3, v4  }
0x49: {  	v4 =	vperm.xlane v3, v0;
	_ =	sdelay $0x1  }
0x4a: {  	v3 =	vperm.xlane v3, v2;
	v4 =	vadd.s32 v1, v4;
	_ =	sdelay $0x1  }
0x4b: {  	v3 =	vadd.s32 v1, v3;
	_ =	sdelay $0x1  }
0x4c: {  	s30 =	sor.u32 $0x3100, s21  }
0x4d: {  	[tilespmem:s30], [sflag:$0x5] =	stream.indirect_vreg.gather [hbm4b:s1+s3], $0x80, v4, vm0, $0x2000b8;
	[tilespmem:$0x10100] =	vst v63  }
0x4e: {  	s31 =	sor.u32 $0x3900, s21  }
0x4f: {  	[tilespmem:s31], [sflag:$0x5] =	stream.indirect_vreg.gather [hbm4b:s1+s3], $0x80, v3, vm0, $0x2000b8;
	[tilespmem:$0x10100] =	vst v63  }
0x50: {  	v3 =	vld [tilespmem:s22+$0x40];
	_ =	sdelay $0x4  }
0x51: {  	v60 =	vshll.u32 v3, $0x1  }
0x52: {  	v3 =	vand.u32 $0x7, v3;
	v4 =	vand.u32 $0xFFFFFFF0, v60  }
0x53: {  	v3 =	vor.u32 v3, v4  }
0x54: {  	v4 =	vperm.xlane v3, v0;
	_ =	sdelay $0x1  }
0x55: {  	v3 =	vperm.xlane v3, v2;
	v4 =	vadd.s32 v1, v4;
	_ =	sdelay $0x1  }
0x56: {  	v3 =	vadd.s32 v1, v3;
	_ =	sdelay $0x1  }
0x57: {  	s24 =	sor.u32 $0x4100, s21  }
0x58: {  	[tilespmem:s24], [sflag:$0x5] =	stream.indirect_vreg.gather [hbm4b:s1+s3], $0x80, v4, vm0, $0x2000b8;
	[tilespmem:$0x10100] =	vst v63  }
0x59: {  	s25 =	sor.u32 $0x4900, s21  }
0x5a: {  	[tilespmem:s25], [sflag:$0x5] =	stream.indirect_vreg.gather [hbm4b:s1+s3], $0x80, v3, vm0, $0x2000b8;
	[tilespmem:$0x10100] =	vst v63  }
0x5b: {  	v3 =	vld [tilespmem:s22+$0x50];
	_ =	sdelay $0x4  }
0x5c: {  	v61 =	vshll.u32 v3, $0x1  }
0x5d: {  	v3 =	vand.u32 $0x7, v3;
	v4 =	vand.u32 $0xFFFFFFF0, v61  }
0x5e: {  	v3 =	vor.u32 v3, v4  }
0x5f: {  	v4 =	vperm.xlane v3, v0;
	_ =	sdelay $0x1  }
0x60: {  	v3 =	vperm.xlane v3, v2;
	v4 =	vadd.s32 v1, v4;
	_ =	sdelay $0x1  }
0x61: {  	v3 =	vadd.s32 v1, v3;
	_ =	sdelay $0x1  }
0x62: {  	s26 =	sor.u32 $0x5100, s21  }
0x63: {  	[tilespmem:s26], [sflag:$0x5] =	stream.indirect_vreg.gather [hbm4b:s1+s3], $0x80, v4, vm0, $0x2000b8;
	[tilespmem:$0x10100] =	vst v63  }
0x64: {  	s28 =	sor.u32 $0x5900, s21  }
0x65: {  	[tilespmem:s28], [sflag:$0x5] =	stream.indirect_vreg.gather [hbm4b:s1+s3], $0x80, v3, vm0, $0x2000b8;
	[tilespmem:$0x10100] =	vst v63  }
0x66: {  	v3 =	vld [tilespmem:s22+$0x60];
	_ =	sdelay $0x4  }
0x67: {  	v62 =	vshll.u32 v3, $0x1  }
0x68: {  	v3 =	vand.u32 $0x7, v3;
	v4 =	vand.u32 $0xFFFFFFF0, v62  }
0x69: {  	v3 =	vor.u32 v3, v4  }
0x6a: {  	v4 =	vperm.xlane v3, v0;
	_ =	sdelay $0x1  }
0x6b: {  	v3 =	vperm.xlane v3, v2;
	v4 =	vadd.s32 v1, v4;
	_ =	sdelay $0x1  }
0x6c: {  	v3 =	vadd.s32 v1, v3;
	_ =	sdelay $0x1  }
0x6d: {  	s29 =	sor.u32 $0x6100, s21  }
0x6e: {  	[tilespmem:s29], [sflag:$0x5] =	stream.indirect_vreg.gather [hbm4b:s1+s3], $0x80, v4, vm0, $0x2000b8;
	[tilespmem:$0x10100] =	vst v63  }
0x6f: {  	s30 =	sor.u32 $0x6900, s21  }
0x70: {  	[tilespmem:s30], [sflag:$0x5] =	stream.indirect_vreg.gather [hbm4b:s1+s3], $0x80, v3, vm0, $0x2000b8;
	[tilespmem:$0x10100] =	vst v63  }
0x71: {  	v3 =	vld [tilespmem:s22+$0x70];
	_ =	sdelay $0x4  }
0x72: {  	v63 =	vshll.u32 v3, $0x1  }
0x73: {  	v3 =	vand.u32 $0x7, v3;
	v4 =	vand.u32 $0xFFFFFFF0, v63  }
0x74: {  	v3 =	vor.u32 v3, v4  }
0x75: {  	v4 =	vperm.xlane v3, v0;
	_ =	sdelay $0x1  }
0x76: {  	v3 =	vperm.xlane v3, v2;
	v4 =	vadd.s32 v1, v4;
	_ =	sdelay $0x1  }
0x77: {  	v3 =	vadd.s32 v1, v3;
	_ =	sdelay $0x1  }
0x78: {  	s31 =	sor.u32 $0x7100, s21  }
0x79: {  	[tilespmem:s31], [sflag:$0x5] =	stream.indirect_vreg.gather [hbm4b:s1+s3], $0x80, v4, vm0, $0x2000b8;
	[tilespmem:$0x10100] =	vst v63  }
0x7a: {  	s21 =	sor.u32 $0x7900, s21  }
0x7b: {  	[tilespmem:s21], [sflag:$0x5] =	stream.indirect_vreg.gather [hbm4b:s1+s3], $0x80, v3, vm0, $0x2000b8;
	[tilespmem:$0x10100] =	vst v63  }
0x7c: {  	_ =	swait.ge [sflag:s10], $0x8000  }
0x7d: {  	p2 =	seq.s32 s8, s17;
	[sflag:s10] =	ssyncset.done $0x0  }
0x7e: {  	s18 =	sadd.s32 s4, s18;
	p1 =	por p2, p1;
	[sflag:s10] =	ssyncadd.s32 $0xFFFF8000  }
0x7f: {  	s18 =	sshll.u32 @p1 s18, $0xC;
	_ =	strace $0x90000055  }
0x80: {  	s18 =	sand.u32 @p1 $0x1FFFF000, s18;
	s22 =	simm.s32 $0x1;
	_ =	strace @p1 $0x80000056  }
0x81: {  	s19 =	sadd.s32 @p1 $0x3, s19;
	s22 =	simm.s32 @!p0 $0x0;
	s21 =	rddreg [dreg:$0x3]  }
0x82: {  	p0 =	seq.s32 s17, $0x0;
	s18 =	sadd.s32 @p1 s21, s18;
	s21 =	simm.s32 @p1 $0x0  }
0x83: {  	[hbm4b:s18+s21] =	stream.linear.scatter @p1 [tilespmem:s20], [sflag:s19], $0x8000, $0x200038;
	[tilespmem:$0x10100] =	vst v63  }
0x84: {  	s18 =	simm.s32 $0x1;
	s20 =	simm.s32 $0x1;
	_ =	strace @p1 $0x90000056  }
0x85: {  	s18 =	simm.s32 @!p1 $0x0;
	p1 =	sne.s32 s17, $0x0;
	s17 =	sadd.s32 $0x1, s17  }
0x86: {  	s19 =	sand.u32 @!p0 $0x1, s12;
	s20 =	simm.s32 @!p1 $0x0;
	p1 =	sne.s32 s6, s17  }
.Ltmp0:
0x87: {  	s19 =	sadd.s32 @!p0 $0x3, s19;
	_ =	strace @!p0 $0x80000057;
	(pc) =	sbr.rel @p1 .LBB2_2-.Ltmp0, $4  }
0x88: {  	_ =	swait.ge @!p0 [sflag:s19], $0x8000  }
0x89: {  	[sflag:s19] =	ssyncset.done @!p0 $0x0  }
0x8a: {  	s16 =	sadd.s32 s22, s16;
	s14 =	sadd.s32 s18, s14;
	[sflag:s19] =	ssyncadd.s32 @!p0 $0xFFFF8000  }
0x8b: {  	s15 =	sadd.s32 s18, s15;
	s12 =	sadd.s32 s20, s12;
	_ =	strace @!p0 $0x90000057  }
0x8c: {  	s11 =	sadd.s32 $0x1, s11  }
0x8d: {  	s12 =	sand.u32 $0x1, s12;
	p0 =	sne.s32 s11, s9  }
.Ltmp1:
0x8e: {  	_ =	strace $0x80000058;
	s12 =	sadd.s32 $0x3, s12;
	(pc) =	sbr.rel @p0 .LBB2_1-.Ltmp1, $4  }
0x8f: {  	_ =	swait.ge [sflag:s12], $0x8000  }
0x90: {  	[sflag:s12] =	ssyncset.done $0x0  }
0x91: {  	[sflag:s12] =	ssyncadd.s32 $0xFFFF8000  }
0x92: {  	_ =	strace $0x90000058  }
0x93: {  	_ =	sfence.sel $0x180000  }
0x94: {  	[bflag:$0x0] =	sbarrier.arrive $0xFFFF  }
0x95: {  	p0 =	sne.s32 s2, $0x0;
	_ =	strace $0x90000051  }
0x96: {  	s0 =	sadd.s32 @!p0 $0x100000, s0;
	[bflag:$0x2] =	sbarrier.arrive $0xFFFF  }
0x97: {  	[sflag:s0] =	ssyncadd.tile.s32 @!p0 $0x1;
	_ =	shalt  }
.Lfunc_end2:
_tile_overlayer_lowered:
.L_overlay_start_2:
0x98: {  	(tag) =	ssettag $0x2  }
0x99: {  	s0 =	rddreg [dreg:$0x0];
	s2 =	stileid.u32  }
0x9a: {  	s1 =	rddreg [dreg:$0x1];
	p0 =	sne.s32 s2, $0x0  }
0x9b: {  	s3 =	rddreg [dreg:$0x2];
	[bflag:$0x3] =	sbarrier.arrive $0xFFFF;
	s2 =	simm.s32 @!p0 $0x1C01  }
0x9c: {  	[timem:s3], [sflag:s2] =	dma.local @!p0 [hbm:s0], s1  }
0x9d: {  	s0 =	simm.s32 @!p0 $0x1  }
0x9e: {  	_ =	swait.ge @!p0 [sflag:s0], s1  }
0x9f: {  	s1 =	ssub.s32 @!p0 $0x0, s1;
	[sflag:s0] =	ssyncset.done @!p0 $0x0  }
0xa0: {  	[sflag:s0] =	ssyncadd.s32 @!p0 s1  }
0xa1: {  	[bflag:$0x3] =	sbarrier.arrive $0xFFFF  }
0xa2: {  	_ =	shalt  }

</sc_bundles>
